<compile_context>
chip_gen: v7x
topology: tpu7x:2x2x1
jax: 0.10.2.dev20260603
libtpu: 0.0.44.dev20260713+nightly
codegen_flags: <defaults>
</compile_context>

<pallas_src>
import functools

import jax
import jax.numpy as jnp
from jax import lax
from jax.experimental import pallas as pl
from jax.experimental.pallas import tpu as pltpu
from jax.experimental.pallas import tpu_sc as plsc

NNODES = 10000
NEDGES = 320000
DF = 128
F2 = DF // 2
CH = 40
NC = 2
NS = 16
NW = NC * NS
K = 125
DCH = NEDGES // (NW * K)
SCH = NEDGES // (NS * K)
NB = 5
AHEAD = 2
RBIG = 632
RLAST = NNODES - (NS - 1) * RBIG
WDEG = 16

_mesh = plsc.VectorSubcoreMesh(
    core_axis_name="c", subcore_axis_name="s", num_cores=NC, num_subcores=NS)
_sc_params = pltpu.CompilerParams(use_tc_tiling_on_sc=False)


def _split_copy(s, src_at, dst_at):
    base = s * RBIG

    @pl.when(s < NS - 1)
    def _():
        pltpu.sync_copy(src_at(base, RBIG), dst_at(base, RBIG))

    @pl.when(s == NS - 1)
    def _():
        pltpu.sync_copy(src_at(base, RLAST), dst_at(base, RLAST))


@functools.partial(
    pl.kernel,
    out_type=jax.ShapeDtypeStruct((NC, NNODES, WDEG), jnp.float32),
    mesh=_mesh,
    compiler_params=_sc_params,
    scratch_types=[
        pltpu.VMEM((DCH, K), jnp.int32),
        pltpu.VMEM((K, WDEG), jnp.float32),
        pltpu.VMEM_SHARED((NNODES, WDEG), jnp.float32),
    ],
)
def _deg_sc(edges_hbm, zeros16_hbm, ones16_hbm, out_hbm, dst_v, ones_v, deg_sp):
    c = lax.axis_index("c")
    s = lax.axis_index("s")
    _split_copy(s, lambda b, n: zeros16_hbm.at[pl.ds(b, n)],
                lambda b, n: deg_sp.at[pl.ds(b, n)])
    pltpu.sync_copy(ones16_hbm, ones_v)
    pltpu.sync_copy(edges_hbm.at[1, s, pl.ds(c * DCH, DCH)], dst_v)
    plsc.subcore_barrier()

    def body(j, _):
        pltpu.sync_copy(ones_v, deg_sp.at[dst_v.at[j]], add=True)
        return 0

    lax.fori_loop(0, DCH, body, 0)
    plsc.subcore_barrier()
    _split_copy(s, lambda b, n: deg_sp.at[pl.ds(b, n)],
                lambda b, n: out_hbm.at[c, pl.ds(b, n)])


@functools.partial(
    pl.kernel,
    out_type=[jax.ShapeDtypeStruct((NNODES, F2), jnp.float32),
              jax.ShapeDtypeStruct((NNODES, F2), jnp.float32)],
    mesh=_mesh,
    compiler_params=_sc_params,
    scratch_types=[
        pltpu.VMEM((SCH, K), jnp.int32),
        pltpu.VMEM((SCH, K), jnp.int32),
        pltpu.VMEM((NB, K, F2), jnp.float32),
        pltpu.VMEM_SHARED((NNODES, F2), jnp.float32),
        pltpu.SemaphoreType.DMA((NB,)),
        pltpu.SemaphoreType.DMA((NB,)),
    ],
)
def _spmm_sc(ya_hbm, yb_hbm, edges_hbm, outa_hbm, outb_hbm,
             src_v, dst_v, bufs, z_sp, gsem, ssem):
    c = lax.axis_index("c")
    s = lax.axis_index("s")

    pltpu.sync_copy(edges_hbm.at[0, s], src_v)
    pltpu.sync_copy(edges_hbm.at[1, s], dst_v)

    def run_half(y_hbm, out_hbm):
        _split_copy(s, lambda b, n: y_hbm.at[pl.ds(b, n)],
                    lambda b, n: z_sp.at[pl.ds(b, n)])
        plsc.subcore_barrier()

        for b in range(AHEAD):
            pltpu.async_copy(y_hbm.at[src_v.at[b]], bufs.at[b], gsem.at[b])

        def body(g, _):
            for b in range(NB):
                j = NB * g + b
                pltpu.make_async_copy(
                    y_hbm.at[src_v.at[0]], bufs.at[b], gsem.at[b]).wait()
                pltpu.async_copy(
                    bufs.at[b], z_sp.at[dst_v.at[j]], ssem.at[b], add=True)
                bn = (b + AHEAD) % NB
                jw = j + AHEAD - NB
                jn = j + AHEAD

                @pl.when(jn < SCH)
                def _(b=b, bn=bn, jw=jw, jn=jn):
                    @pl.when(jw >= 0)
                    def _():
                        pltpu.make_async_copy(
                            bufs.at[bn], z_sp.at[dst_v.at[0]],
                            ssem.at[bn]).wait()

                    pltpu.async_copy(
                        y_hbm.at[src_v.at[jn]], bufs.at[bn], gsem.at[bn])
            return 0

        lax.fori_loop(0, SCH // NB, body, 0)
        for b in range(NB):
            pltpu.make_async_copy(
                bufs.at[b], z_sp.at[dst_v.at[0]], ssem.at[b]).wait()
        plsc.subcore_barrier()
        _split_copy(s, lambda b, n: z_sp.at[pl.ds(b, n)],
                    lambda b, n: out_hbm.at[pl.ds(b, n)])

    @pl.when(c == 0)
    def _():
        run_half(ya_hbm, outa_hbm)

    @pl.when(c == 1)
    def _():
        run_half(yb_hbm, outb_hbm)


_GRID = 5
_RB = NNODES // _GRID


def _dinv_of(deg_ref):
    dtot = deg_ref[0, :, 0:1] + deg_ref[1, :, 0:1] + 1.0
    return lax.rsqrt(dtot)


def _mm(a, b):
    return jax.lax.dot_general(a, b, (((1,), (0,)), ((), ())),
                               preferred_element_type=jnp.float32,
                               precision=lax.Precision.HIGHEST)


def _b1_body(x_ref, w_ref, deg_ref, ya_ref, yb_ref):
    y = _mm(x_ref[...], w_ref[...]) * _dinv_of(deg_ref)
    ya_ref[...] = y[:, :F2]
    yb_ref[...] = y[:, F2:]


def _b2_body(za_ref, zb_ref, deg_ref, w_ref, b1_ref, ya_ref, yb_ref):
    dinv = _dinv_of(deg_ref)
    z = jnp.concatenate([za_ref[...], zb_ref[...]], axis=1)
    h = jnp.maximum(z * dinv + b1_ref[...], 0.0)
    y = _mm(h, w_ref[...]) * dinv
    ya_ref[...] = y[:, :F2]
    yb_ref[...] = y[:, F2:]


def _b3_body(za_ref, zb_ref, deg_ref, w_ref, b2_ref, bc_ref, o_ref):
    dinv = _dinv_of(deg_ref)
    z = jnp.concatenate([za_ref[...], zb_ref[...]], axis=1)
    h = z * dinv + b2_ref[...]
    logits = _mm(h, w_ref[...]) + bc_ref[...]
    m = jnp.max(logits, axis=1, keepdims=True)
    sh = logits - m
    out = sh - jnp.log(jnp.sum(jnp.exp(sh), axis=1, keepdims=True))
    o_ref[...] = out[:, :CH]


_row_spec = pl.BlockSpec((_RB, DF), lambda i: (i, 0))
_pk_spec = pl.BlockSpec((_RB, F2), lambda i: (i, 0))
_deg_spec = pl.BlockSpec((NC, _RB, WDEG), lambda i: (0, i, 0))
_w_spec = pl.BlockSpec((DF, DF), lambda i: (0, 0))
_b_spec = pl.BlockSpec((1, DF), lambda i: (0, 0))
_out_pk = [jax.ShapeDtypeStruct((NNODES, F2), jnp.float32)] * 2

_b1_call = pl.pallas_call(
    _b1_body, grid=(_GRID,),
    in_specs=[_row_spec, _w_spec, _deg_spec],
    out_specs=[_pk_spec, _pk_spec], out_shape=_out_pk)

_b2_call = pl.pallas_call(
    _b2_body, grid=(_GRID,),
    in_specs=[_pk_spec, _pk_spec, _deg_spec, _w_spec, _b_spec],
    out_specs=[_pk_spec, _pk_spec], out_shape=_out_pk)

_b3_call = pl.pallas_call(
    _b3_body, grid=(_GRID,),
    in_specs=[_pk_spec, _pk_spec, _deg_spec, _w_spec, _b_spec, _b_spec],
    out_specs=pl.BlockSpec((_RB, CH), lambda i: (i, 0)),
    out_shape=jax.ShapeDtypeStruct((NNODES, CH), jnp.float32))


def kernel(x, edge_index, W1, b1, W2, b2, Wc, bc):
    e4 = edge_index.astype(jnp.int32).reshape(2, NS, SCH, K)

    zeros16 = jnp.zeros((NNODES, WDEG), jnp.float32)
    ones16 = jnp.ones((K, WDEG), jnp.float32)
    b1r = b1.reshape(1, DF)
    b2r = b2.reshape(1, DF)
    wcp = jnp.zeros((DF, DF), jnp.float32).at[:, :CH].set(Wc)
    bcp = jnp.full((1, DF), -1e30, jnp.float32).at[0, :CH].set(bc)

    deg2 = _deg_sc(e4, zeros16, ones16)
    y1a, y1b = _b1_call(x, W1, deg2)
    z1a, z1b = _spmm_sc(y1a, y1b, e4)
    y2a, y2b = _b2_call(z1a, z1b, deg2, W2, b1r)
    z2a, z2b = _spmm_sc(y2a, y2b, e4)
    return _b3_call(z2a, z2b, deg2, wcp, b2r, bcp)

# --- scband reference (transcript-rebuilt; emitter-appended) ---
"""Pipeline reference for scband-model-66872640799459 (READ-ONLY COPY).

The authoritative reference and input builder live on the scoring server;
editing this copy changes nothing except your own understanding.
"""

import jax, jax.numpy as jnp
import numpy as np

N = 10000
E = 320000
D = 128
H = 128
C = 40

def setup_inputs(seed: int = 0):
    key = jax.random.key(seed)
    ks = jax.random.split(key, 8)
    x = jax.random.normal(ks[0], (N, D), dtype=jnp.float32)
    edge_index = jax.random.randint(ks[1], (2, E), 0, N, dtype=jnp.int32)
    W1 = jax.random.normal(ks[2], (D, H), dtype=jnp.float32) / np.sqrt(D)
    b1 = jnp.zeros((H,), dtype=jnp.float32)
    W2 = jax.random.normal(ks[3], (H, H), dtype=jnp.float32) / np.sqrt(H)
    b2 = jnp.zeros((H,), dtype=jnp.float32)
    Wc = jax.random.normal(ks[4], (H, C), dtype=jnp.float32) / np.sqrt(H)
    bc = jnp.zeros((C,), dtype=jnp.float32)
    return {"x": x, "edge_index": edge_index, "W1": W1, "b1": b1, "W2": W2, "b2": b2, "Wc": Wc, "bc": bc}

def _gcn_conv(h, src, dst, norm, W, b):
    # GCNConv: X' = D^{-1/2} (A + I) D^{-1/2} X W + b
    h = h @ W
    msg = h[src] * norm[:, None]
    out = jax.ops.segment_sum(msg, dst, num_segments=N)
    return out + b

def reference(x, edge_index, W1, b1, W2, b2, Wc, bc):
    loop = jnp.arange(N, dtype=edge_index.dtype)
    src = jnp.concatenate([edge_index[0], loop])
    dst = jnp.concatenate([edge_index[1], loop])
    deg = jax.ops.segment_sum(jnp.ones_like(src, dtype=jnp.float32), dst, num_segments=N)
    dinv = jnp.where(deg > 0, jax.lax.rsqrt(deg), 0.0)
    norm = dinv[src] * dinv[dst]
    # feat_bottleneck: GCN layers with ReLU between, no activation on last conv
    h = _gcn_conv(x, src, dst, norm, W1, b1)
    h = jax.nn.relu(h)
    h = _gcn_conv(h, src, dst, norm, W2, b2)
    # feat_classifier: final linear layer
    logits = h @ Wc + bc
    return jax.nn.log_softmax(logits, axis=1)

if __name__ == "__main__":
    import jax
    _d = setup_inputs()
    print(jax.jit(kernel)(*tuple(_d.values())))

</pallas_src>

<mosaic_0001>
#map = affine_map<(d0, d1) -> (0, 0)>
#map1 = affine_map<(d0, d1) -> (0, 0, 0, 0)>
module attributes {stable_mosaic.version = 14 : i64} {
  func.func @_spmm_sc(%arg0: i32, %arg1: i32, %arg2: memref<10000x64xf32, #tpu.memory_space<hbm>>, %arg3: memref<10000x64xf32, #tpu.memory_space<hbm>>, %arg4: memref<2x16x160x125xi32, #tpu.memory_space<hbm>>, %arg5: memref<10000x64xf32, #tpu.memory_space<hbm>>, %arg6: memref<10000x64xf32, #tpu.memory_space<hbm>>, %arg7: memref<160x125xi32, #tpu.memory_space<vmem>>, %arg8: memref<160x125xi32, #tpu.memory_space<vmem>>, %arg9: memref<5x125x64xf32, #tpu.memory_space<vmem>>, %arg10: memref<10000x64xf32, #tpu.memory_space<vmem_shared>>, %arg11: memref<5x!tpu.dma_semaphore, #tpu.memory_space<semaphore_mem>>, %arg12: memref<5x!tpu.dma_semaphore, #tpu.memory_space<semaphore_mem>>) attributes {dimension_semantics = [#tpu.dimension_semantics<core_parallel>, #tpu.dimension_semantics<subcore_parallel>], iteration_bounds = array<i64: 2, 16>, scalar_prefetch = 0 : i64, scratch_operands = 6 : i64, tpu.core_type = #tpu.core_type<sc_vector_subcore>, window_params = [{transform_indices = #map}, {transform_indices = #map}, {transform_indices = #map1}, {transform_indices = #map}, {transform_indices = #map}]} {
    %run_scoped3A = arith.constant 0 : i32
    "tpu.region"() ({
      %run_scoped3A_8 = tpu.sem_alloc : memref<!tpu.dma_semaphore, #tpu.memory_space<semaphore_mem>>
      %dma_start3A = arith.constant 0 : i32
      %dma_start3A_9 = arith.constant 0 : i32
      %dma_start3A_10 = tpu.memref_slice %arg4[%run_scoped3A, %arg1, %dma_start3A, %dma_start3A_9] : memref<2x16x160x125xi32, #tpu.memory_space<hbm>> -> memref<1x1x160x125xi32, #tpu.memory_space<hbm>>
      %dma_start3A_11 = tpu.memref_squeeze %dma_start3A_10 : memref<1x1x160x125xi32, #tpu.memory_space<hbm>> -> memref<160x125xi32, #tpu.memory_space<hbm>>
      %dma_start3A_12 = arith.constant 0 : i32
      %dma_start3A_13 = arith.constant 0 : i32
      %dma_start3A_14 = tpu.memref_slice %arg4[%run_scoped3A, %arg1, %dma_start3A_12, %dma_start3A_13] : memref<2x16x160x125xi32, #tpu.memory_space<hbm>> -> memref<1x1x160x125xi32, #tpu.memory_space<hbm>>
      %dma_start3A_15 = tpu.memref_squeeze %dma_start3A_14 : memref<1x1x160x125xi32, #tpu.memory_space<hbm>> -> memref<160x125xi32, #tpu.memory_space<hbm>>
      tpu.enqueue_dma source(%dma_start3A_15 : memref<160x125xi32, #tpu.memory_space<hbm>>) target(%arg7 : memref<160x125xi32, #tpu.memory_space<vmem>>) target_semaphore(%run_scoped3A_8 : memref<!tpu.dma_semaphore, #tpu.memory_space<semaphore_mem>>)
      %dma_wait3A = arith.constant 0 : i32
      %dma_wait3A_16 = arith.constant 0 : i32
      %dma_wait3A_17 = tpu.memref_slice %arg4[%run_scoped3A, %arg1, %dma_wait3A, %dma_wait3A_16] : memref<2x16x160x125xi32, #tpu.memory_space<hbm>> -> memref<1x1x160x125xi32, #tpu.memory_space<hbm>>
      %dma_wait3A_18 = tpu.memref_squeeze %dma_wait3A_17 : memref<1x1x160x125xi32, #tpu.memory_space<hbm>> -> memref<160x125xi32, #tpu.memory_space<hbm>>
      %dma_wait3A_19 = arith.constant 0 : i32
      %dma_wait3A_20 = arith.constant 0 : i32
      %dma_wait3A_21 = tpu.memref_slice %arg4[%run_scoped3A, %arg1, %dma_wait3A_19, %dma_wait3A_20] : memref<2x16x160x125xi32, #tpu.memory_space<hbm>> -> memref<1x1x160x125xi32, #tpu.memory_space<hbm>>
      %dma_wait3A_22 = tpu.memref_squeeze %dma_wait3A_21 : memref<1x1x160x125xi32, #tpu.memory_space<hbm>> -> memref<160x125xi32, #tpu.memory_space<hbm>>
      tpu.wait_dma2 semaphore(%run_scoped3A_8 : memref<!tpu.dma_semaphore, #tpu.memory_space<semaphore_mem>>) src(%dma_wait3A_22 : memref<160x125xi32, #tpu.memory_space<hbm>>) dst(%arg7 : memref<160x125xi32, #tpu.memory_space<vmem>>)
      tpu.yield
    }) : () -> ()
    %run_scoped3A_0 = arith.constant 1 : i32
    "tpu.region"() ({
      %run_scoped3A_8 = tpu.sem_alloc : memref<!tpu.dma_semaphore, #tpu.memory_space<semaphore_mem>>
      %dma_start3A = arith.constant 0 : i32
      %dma_start3A_9 = arith.constant 0 : i32
      %dma_start3A_10 = tpu.memref_slice %arg4[%run_scoped3A_0, %arg1, %dma_start3A, %dma_start3A_9] : memref<2x16x160x125xi32, #tpu.memory_space<hbm>> -> memref<1x1x160x125xi32, #tpu.memory_space<hbm>>
      %dma_start3A_11 = tpu.memref_squeeze %dma_start3A_10 : memref<1x1x160x125xi32, #tpu.memory_space<hbm>> -> memref<160x125xi32, #tpu.memory_space<hbm>>
      %dma_start3A_12 = arith.constant 0 : i32
      %dma_start3A_13 = arith.constant 0 : i32
      %dma_start3A_14 = tpu.memref_slice %arg4[%run_scoped3A_0, %arg1, %dma_start3A_12, %dma_start3A_13] : memref<2x16x160x125xi32, #tpu.memory_space<hbm>> -> memref<1x1x160x125xi32, #tpu.memory_space<hbm>>
      %dma_start3A_15 = tpu.memref_squeeze %dma_start3A_14 : memref<1x1x160x125xi32, #tpu.memory_space<hbm>> -> memref<160x125xi32, #tpu.memory_space<hbm>>
      tpu.enqueue_dma source(%dma_start3A_15 : memref<160x125xi32, #tpu.memory_space<hbm>>) target(%arg8 : memref<160x125xi32, #tpu.memory_space<vmem>>) target_semaphore(%run_scoped3A_8 : memref<!tpu.dma_semaphore, #tpu.memory_space<semaphore_mem>>)
      %dma_wait3A = arith.constant 0 : i32
      %dma_wait3A_16 = arith.constant 0 : i32
      %dma_wait3A_17 = tpu.memref_slice %arg4[%run_scoped3A_0, %arg1, %dma_wait3A, %dma_wait3A_16] : memref<2x16x160x125xi32, #tpu.memory_space<hbm>> -> memref<1x1x160x125xi32, #tpu.memory_space<hbm>>
      %dma_wait3A_18 = tpu.memref_squeeze %dma_wait3A_17 : memref<1x1x160x125xi32, #tpu.memory_space<hbm>> -> memref<160x125xi32, #tpu.memory_space<hbm>>
      %dma_wait3A_19 = arith.constant 0 : i32
      %dma_wait3A_20 = arith.constant 0 : i32
      %dma_wait3A_21 = tpu.memref_slice %arg4[%run_scoped3A_0, %arg1, %dma_wait3A_19, %dma_wait3A_20] : memref<2x16x160x125xi32, #tpu.memory_space<hbm>> -> memref<1x1x160x125xi32, #tpu.memory_space<hbm>>
      %dma_wait3A_22 = tpu.memref_squeeze %dma_wait3A_21 : memref<1x1x160x125xi32, #tpu.memory_space<hbm>> -> memref<160x125xi32, #tpu.memory_space<hbm>>
      tpu.wait_dma2 semaphore(%run_scoped3A_8 : memref<!tpu.dma_semaphore, #tpu.memory_space<semaphore_mem>>) src(%dma_wait3A_22 : memref<160x125xi32, #tpu.memory_space<hbm>>) dst(%arg8 : memref<160x125xi32, #tpu.memory_space<vmem>>)
      tpu.yield
    }) : () -> ()
    %eq3A = arith.constant 0 : i32
    %eq3A_1 = arith.cmpi eq, %arg0, %eq3A : i32
    %convert_element_type3A = arith.extui %eq3A_1 : i1 to i32
    %cond3A = arith.constant 0 : i32
    %cond3A_2 = arith.cmpi ne, %convert_element_type3A, %cond3A : i32
    scf.if %cond3A_2 {
      %mul3A = arith.constant 632 : i32
      %mul3A_8 = arith.muli %arg1, %mul3A : i32
      %lt3A = arith.constant 15 : i32
      %lt3A_9 = arith.cmpi slt, %arg1, %lt3A : i32
      %convert_element_type3A_10 = arith.extui %lt3A_9 : i1 to i32
      %cond3A_11 = arith.constant 0 : i32
      %cond3A_12 = arith.cmpi ne, %convert_element_type3A_10, %cond3A_11 : i32
      scf.if %cond3A_12 {
        "tpu.region"() ({
          %run_scoped3A_140 = tpu.sem_alloc : memref<!tpu.dma_semaphore, #tpu.memory_space<semaphore_mem>>
          %dma_start3A_141 = arith.constant 0 : i32
          %dma_start3A_142 = tpu.memref_slice %arg10[%mul3A_8, %dma_start3A_141] : memref<10000x64xf32, #tpu.memory_space<vmem_shared>> -> memref<632x64xf32, #tpu.memory_space<vmem_shared>>
          %dma_start3A_143 = arith.constant 0 : i32
          %dma_start3A_144 = tpu.memref_slice %arg2[%mul3A_8, %dma_start3A_143] : memref<10000x64xf32, #tpu.memory_space<hbm>> -> memref<632x64xf32, #tpu.memory_space<hbm>>
          tpu.enqueue_dma source(%dma_start3A_144 : memref<632x64xf32, #tpu.memory_space<hbm>>) target(%dma_start3A_142 : memref<632x64xf32, #tpu.memory_space<vmem_shared>>) target_semaphore(%run_scoped3A_140 : memref<!tpu.dma_semaphore, #tpu.memory_space<semaphore_mem>>)
          %dma_wait3A_145 = arith.constant 0 : i32
          %dma_wait3A_146 = tpu.memref_slice %arg10[%mul3A_8, %dma_wait3A_145] : memref<10000x64xf32, #tpu.memory_space<vmem_shared>> -> memref<632x64xf32, #tpu.memory_space<vmem_shared>>
          %dma_wait3A_147 = arith.constant 0 : i32
          %dma_wait3A_148 = tpu.memref_slice %arg2[%mul3A_8, %dma_wait3A_147] : memref<10000x64xf32, #tpu.memory_space<hbm>> -> memref<632x64xf32, #tpu.memory_space<hbm>>
          tpu.wait_dma2 semaphore(%run_scoped3A_140 : memref<!tpu.dma_semaphore, #tpu.memory_space<semaphore_mem>>) src(%dma_wait3A_148 : memref<632x64xf32, #tpu.memory_space<hbm>>) dst(%dma_wait3A_146 : memref<632x64xf32, #tpu.memory_space<vmem_shared>>)
          tpu.yield
        }) : () -> ()
      } else {
      }
      %eq3A_13 = arith.constant 15 : i32
      %eq3A_14 = arith.cmpi eq, %arg1, %eq3A_13 : i32
      %convert_element_type3A_15 = arith.extui %eq3A_14 : i1 to i32
      %cond3A_16 = arith.constant 0 : i32
      %cond3A_17 = arith.cmpi ne, %convert_element_type3A_15, %cond3A_16 : i32
      scf.if %cond3A_17 {
        "tpu.region"() ({
          %run_scoped3A_140 = tpu.sem_alloc : memref<!tpu.dma_semaphore, #tpu.memory_space<semaphore_mem>>
          %dma_start3A_141 = arith.constant 0 : i32
          %dma_start3A_142 = tpu.memref_slice %arg10[%mul3A_8, %dma_start3A_141] : memref<10000x64xf32, #tpu.memory_space<vmem_shared>> -> memref<520x64xf32, #tpu.memory_space<vmem_shared>>
          %dma_start3A_143 = arith.constant 0 : i32
          %dma_start3A_144 = tpu.memref_slice %arg2[%mul3A_8, %dma_start3A_143] : memref<10000x64xf32, #tpu.memory_space<hbm>> -> memref<520x64xf32, #tpu.memory_space<hbm>>
          tpu.enqueue_dma source(%dma_start3A_144 : memref<520x64xf32, #tpu.memory_space<hbm>>) target(%dma_start3A_142 : memref<520x64xf32, #tpu.memory_space<vmem_shared>>) target_semaphore(%run_scoped3A_140 : memref<!tpu.dma_semaphore, #tpu.memory_space<semaphore_mem>>)
          %dma_wait3A_145 = arith.constant 0 : i32
          %dma_wait3A_146 = tpu.memref_slice %arg10[%mul3A_8, %dma_wait3A_145] : memref<10000x64xf32, #tpu.memory_space<vmem_shared>> -> memref<520x64xf32, #tpu.memory_space<vmem_shared>>
          %dma_wait3A_147 = arith.constant 0 : i32
          %dma_wait3A_148 = tpu.memref_slice %arg2[%mul3A_8, %dma_wait3A_147] : memref<10000x64xf32, #tpu.memory_space<hbm>> -> memref<520x64xf32, #tpu.memory_space<hbm>>
          tpu.wait_dma2 semaphore(%run_scoped3A_140 : memref<!tpu.dma_semaphore, #tpu.memory_space<semaphore_mem>>) src(%dma_wait3A_148 : memref<520x64xf32, #tpu.memory_space<hbm>>) dst(%dma_wait3A_146 : memref<520x64xf32, #tpu.memory_space<vmem_shared>>)
          tpu.yield
        }) : () -> ()
      } else {
      }
      %barrier3A = arith.constant 0 : index
      tpu.barrier barrier_id(%barrier3A)
      %dma_start3A = arith.constant 0 : i32
      %dma_start3A_18 = arith.constant 0 : i32
      %dma_start3A_19 = arith.constant 0 : i32
      %dma_start3A_20 = arith.constant 0 : i32
      %dma_start3A_21 = arith.constant 0 : i32
      %dma_start3A_22 = tpu.memref_slice %arg9[%dma_start3A_18, %dma_start3A_20, %dma_start3A_21] : memref<5x125x64xf32, #tpu.memory_space<vmem>> -> memref<1x125x64xf32, #tpu.memory_space<vmem>>
      %dma_start3A_23 = tpu.memref_squeeze %dma_start3A_22 : memref<1x125x64xf32, #tpu.memory_space<vmem>> -> memref<125x64xf32, #tpu.memory_space<vmem>>
      %dma_start3A_24 = arith.constant 0 : i32
      %dma_start3A_25 = tpu.memref_slice %arg7[%dma_start3A, %dma_start3A_24] : memref<160x125xi32, #tpu.memory_space<vmem>> -> memref<1x125xi32, #tpu.memory_space<vmem>>
      %dma_start3A_26 = tpu.memref_squeeze %dma_start3A_25 : memref<1x125xi32, #tpu.memory_space<vmem>> -> memref<125xi32, #tpu.memory_space<vmem>>
      %dma_start3A_27 = arith.constant 0 : i32
      %dma_start3A_28 = arith.constant 0 : i32
      %dma_start3A_29 = tpu.memref_slice %arg2[%dma_start3A_27, %dma_start3A_28] : memref<10000x64xf32, #tpu.memory_space<hbm>> -> memref<10000x64xf32, #tpu.memory_space<hbm>>
      %dma_start3A_30 = tpu.memref_slice %arg11[%dma_start3A_19] : memref<5x!tpu.dma_semaphore, #tpu.memory_space<semaphore_mem>> -> memref<1x!tpu.dma_semaphore, #tpu.memory_space<semaphore_mem>>
      %dma_start3A_31 = tpu.memref_squeeze %dma_start3A_30 : memref<1x!tpu.dma_semaphore, #tpu.memory_space<semaphore_mem>> -> memref<!tpu.dma_semaphore, #tpu.memory_space<semaphore_mem>>
      tpu.enqueue_indirect_dma source(%dma_start3A_29 : memref<10000x64xf32, #tpu.memory_space<hbm>>) target(%dma_start3A_23 : memref<125x64xf32, #tpu.memory_space<vmem>>) offsets(%dma_start3A_26 : memref<125xi32, #tpu.memory_space<vmem>>) semaphore(%dma_start3A_31 : memref<!tpu.dma_semaphore, #tpu.memory_space<semaphore_mem>>)
      %dma_start3A_32 = arith.constant 1 : i32
      %dma_start3A_33 = arith.constant 1 : i32
      %dma_start3A_34 = arith.constant 1 : i32
      %dma_start3A_35 = arith.constant 0 : i32
      %dma_start3A_36 = arith.constant 0 : i32
      %dma_start3A_37 = tpu.memref_slice %arg9[%dma_start3A_33, %dma_start3A_35, %dma_start3A_36] : memref<5x125x64xf32, #tpu.memory_space<vmem>> -> memref<1x125x64xf32, #tpu.memory_space<vmem>>
      %dma_start3A_38 = tpu.memref_squeeze %dma_start3A_37 : memref<1x125x64xf32, #tpu.memory_space<vmem>> -> memref<125x64xf32, #tpu.memory_space<vmem>>
      %dma_start3A_39 = arith.constant 0 : i32
      %dma_start3A_40 = tpu.memref_slice %arg7[%dma_start3A_32, %dma_start3A_39] : memref<160x125xi32, #tpu.memory_space<vmem>> -> memref<1x125xi32, #tpu.memory_space<vmem>>
      %dma_start3A_41 = tpu.memref_squeeze %dma_start3A_40 : memref<1x125xi32, #tpu.memory_space<vmem>> -> memref<125xi32, #tpu.memory_space<vmem>>
      %dma_start3A_42 = arith.constant 0 : i32
      %dma_start3A_43 = arith.constant 0 : i32
      %dma_start3A_44 = tpu.memref_slice %arg2[%dma_start3A_42, %dma_start3A_43] : memref<10000x64xf32, #tpu.memory_space<hbm>> -> memref<10000x64xf32, #tpu.memory_space<hbm>>
      %dma_start3A_45 = tpu.memref_slice %arg11[%dma_start3A_34] : memref<5x!tpu.dma_semaphore, #tpu.memory_space<semaphore_mem>> -> memref<1x!tpu.dma_semaphore, #tpu.memory_space<semaphore_mem>>
      %dma_start3A_46 = tpu.memref_squeeze %dma_start3A_45 : memref<1x!tpu.dma_semaphore, #tpu.memory_space<semaphore_mem>> -> memref<!tpu.dma_semaphore, #tpu.memory_space<semaphore_mem>>
      tpu.enqueue_indirect_dma source(%dma_start3A_44 : memref<10000x64xf32, #tpu.memory_space<hbm>>) target(%dma_start3A_38 : memref<125x64xf32, #tpu.memory_space<vmem>>) offsets(%dma_start3A_41 : memref<125xi32, #tpu.memory_space<vmem>>) semaphore(%dma_start3A_46 : memref<!tpu.dma_semaphore, #tpu.memory_space<semaphore_mem>>)
      %scan3A = arith.constant 0 : i32
      %scan3A_47 = arith.constant 0 : i32
      %scan3A_48 = arith.constant 32 : i32
      %scan3A_49 = arith.addi %scan3A_47, %scan3A_48 : i32
      %scan3A_50 = arith.constant 1 : i32
      %scan3A_51 = scf.for %scan3A_140 = %scan3A_47 to %scan3A_49 step %scan3A_50 iter_args(%scan3A_141 = %scan3A) -> (i32)  : i32 {
        %mul3A_142 = arith.constant 5 : i32
        %mul3A_143 = arith.muli %mul3A_142, %scan3A_140 : i32
        %add3A = arith.constant 0 : i32
        %add3A_144 = arith.addi %mul3A_143, %add3A : i32
        %dma_wait3A_145 = arith.constant 0 : i32
        %dma_wait3A_146 = arith.constant 0 : i32
        %dma_wait3A_147 = arith.constant 0 : i32
        %dma_wait3A_148 = arith.constant 0 : i32
        %dma_wait3A_149 = arith.constant 0 : i32
        %dma_wait3A_150 = tpu.memref_slice %arg9[%dma_wait3A_146, %dma_wait3A_148, %dma_wait3A_149] : memref<5x125x64xf32, #tpu.memory_space<vmem>> -> memref<1x125x64xf32, #tpu.memory_space<vmem>>
        %dma_wait3A_151 = tpu.memref_squeeze %dma_wait3A_150 : memref<1x125x64xf32, #tpu.memory_space<vmem>> -> memref<125x64xf32, #tpu.memory_space<vmem>>
        %dma_wait3A_152 = arith.constant 0 : i32
        %dma_wait3A_153 = tpu.memref_slice %arg7[%dma_wait3A_145, %dma_wait3A_152] : memref<160x125xi32, #tpu.memory_space<vmem>> -> memref<1x125xi32, #tpu.memory_space<vmem>>
        %dma_wait3A_154 = tpu.memref_squeeze %dma_wait3A_153 : memref<1x125xi32, #tpu.memory_space<vmem>> -> memref<125xi32, #tpu.memory_space<vmem>>
        %dma_wait3A_155 = arith.constant 0 : i32
        %dma_wait3A_156 = arith.constant 0 : i32
        %dma_wait3A_157 = tpu.memref_slice %arg2[%dma_wait3A_155, %dma_wait3A_156] : memref<10000x64xf32, #tpu.memory_space<hbm>> -> memref<10000x64xf32, #tpu.memory_space<hbm>>
        %dma_wait3A_158 = tpu.memref_slice %arg11[%dma_wait3A_147] : memref<5x!tpu.dma_semaphore, #tpu.memory_space<semaphore_mem>> -> memref<1x!tpu.dma_semaphore, #tpu.memory_space<semaphore_mem>>
        %dma_wait3A_159 = tpu.memref_squeeze %dma_wait3A_158 : memref<1x!tpu.dma_semaphore, #tpu.memory_space<semaphore_mem>> -> memref<!tpu.dma_semaphore, #tpu.memory_space<semaphore_mem>>
        tpu.wait_indirect_dma semaphore(%dma_wait3A_159 : memref<!tpu.dma_semaphore, #tpu.memory_space<semaphore_mem>>) src(%dma_wait3A_157 : memref<10000x64xf32, #tpu.memory_space<hbm>>) dst(%dma_wait3A_151 : memref<125x64xf32, #tpu.memory_space<vmem>>)
        %dma_start3A_160 = arith.constant 0 : i32
        %dma_start3A_161 = arith.constant 0 : i32
        %dma_start3A_162 = arith.constant 0 : i32
        %dma_start3A_163 = arith.constant 0 : i32
        %dma_start3A_164 = tpu.memref_slice %arg9[%dma_start3A_160, %dma_start3A_162, %dma_start3A_163] : memref<5x125x64xf32, #tpu.memory_space<vmem>> -> memref<1x125x64xf32, #tpu.memory_space<vmem>>
        %dma_start3A_165 = tpu.memref_squeeze %dma_start3A_164 : memref<1x125x64xf32, #tpu.memory_space<vmem>> -> memref<125x64xf32, #tpu.memory_space<vmem>>
        %dma_start3A_166 = arith.constant 0 : i32
        %dma_start3A_167 = tpu.memref_slice %arg8[%add3A_144, %dma_start3A_166] : memref<160x125xi32, #tpu.memory_space<vmem>> -> memref<1x125xi32, #tpu.memory_space<vmem>>
        %dma_start3A_168 = tpu.memref_squeeze %dma_start3A_167 : memref<1x125xi32, #tpu.memory_space<vmem>> -> memref<125xi32, #tpu.memory_space<vmem>>
        %dma_start3A_169 = arith.constant 0 : i32
        %dma_start3A_170 = arith.constant 0 : i32
        %dma_start3A_171 = tpu.memref_slice %arg10[%dma_start3A_169, %dma_start3A_170] : memref<10000x64xf32, #tpu.memory_space<vmem_shared>> -> memref<10000x64xf32, #tpu.memory_space<vmem_shared>>
        %dma_start3A_172 = tpu.memref_slice %arg12[%dma_start3A_161] : memref<5x!tpu.dma_semaphore, #tpu.memory_space<semaphore_mem>> -> memref<1x!tpu.dma_semaphore, #tpu.memory_space<semaphore_mem>>
        %dma_start3A_173 = tpu.memref_squeeze %dma_start3A_172 : memref<1x!tpu.dma_semaphore, #tpu.memory_space<semaphore_mem>> -> memref<!tpu.dma_semaphore, #tpu.memory_space<semaphore_mem>>
        tpu.enqueue_indirect_dma source(%dma_start3A_165 : memref<125x64xf32, #tpu.memory_space<vmem>>) target(%dma_start3A_171 : memref<10000x64xf32, #tpu.memory_space<vmem_shared>>) offsets(%dma_start3A_168 : memref<125xi32, #tpu.memory_space<vmem>>) semaphore(%dma_start3A_173 : memref<!tpu.dma_semaphore, #tpu.memory_space<semaphore_mem>>) {add = true}
        %add3A_174 = arith.constant 2 : i32
        %add3A_175 = arith.addi %add3A_144, %add3A_174 : i32
        %sub3A = arith.constant 5 : i32
        %sub3A_176 = arith.subi %add3A_175, %sub3A : i32
        %add3A_177 = arith.constant 2 : i32
        %add3A_178 = arith.addi %add3A_144, %add3A_177 : i32
        %lt3A_179 = arith.constant 160 : i32
        %lt3A_180 = arith.cmpi slt, %add3A_178, %lt3A_179 : i32
        %convert_element_type3A_181 = arith.extui %lt3A_180 : i1 to i32
        %cond3A_182 = arith.constant 0 : i32
        %cond3A_183 = arith.cmpi ne, %convert_element_type3A_181, %cond3A_182 : i32
        scf.if %cond3A_183 {
          %ge3A = arith.constant 0 : i32
          %ge3A_361 = arith.cmpi sge, %sub3A_176, %ge3A : i32
          %convert_element_type3A_362 = arith.extui %ge3A_361 : i1 to i32
          %cond3A_363 = arith.constant 0 : i32
          %cond3A_364 = arith.cmpi ne, %convert_element_type3A_362, %cond3A_363 : i32
          scf.if %cond3A_364 {
            %dma_wait3A_379 = arith.constant 2 : i32
            %dma_wait3A_380 = arith.constant 0 : i32
            %dma_wait3A_381 = arith.constant 2 : i32
            %dma_wait3A_382 = arith.constant 0 : i32
            %dma_wait3A_383 = arith.constant 0 : i32
            %dma_wait3A_384 = tpu.memref_slice %arg9[%dma_wait3A_379, %dma_wait3A_382, %dma_wait3A_383] : memref<5x125x64xf32, #tpu.memory_space<vmem>> -> memref<1x125x64xf32, #tpu.memory_space<vmem>>
            %dma_wait3A_385 = tpu.memref_squeeze %dma_wait3A_384 : memref<1x125x64xf32, #tpu.memory_space<vmem>> -> memref<125x64xf32, #tpu.memory_space<vmem>>
            %dma_wait3A_386 = arith.constant 0 : i32
            %dma_wait3A_387 = tpu.memref_slice %arg8[%dma_wait3A_380, %dma_wait3A_386] : memref<160x125xi32, #tpu.memory_space<vmem>> -> memref<1x125xi32, #tpu.memory_space<vmem>>
            %dma_wait3A_388 = tpu.memref_squeeze %dma_wait3A_387 : memref<1x125xi32, #tpu.memory_space<vmem>> -> memref<125xi32, #tpu.memory_space<vmem>>
            %dma_wait3A_389 = arith.constant 0 : i32
            %dma_wait3A_390 = arith.constant 0 : i32
            %dma_wait3A_391 = tpu.memref_slice %arg10[%dma_wait3A_389, %dma_wait3A_390] : memref<10000x64xf32, #tpu.memory_space<vmem_shared>> -> memref<10000x64xf32, #tpu.memory_space<vmem_shared>>
            %dma_wait3A_392 = tpu.memref_slice %arg12[%dma_wait3A_381] : memref<5x!tpu.dma_semaphore, #tpu.memory_space<semaphore_mem>> -> memref<1x!tpu.dma_semaphore, #tpu.memory_space<semaphore_mem>>
            %dma_wait3A_393 = tpu.memref_squeeze %dma_wait3A_392 : memref<1x!tpu.dma_semaphore, #tpu.memory_space<semaphore_mem>> -> memref<!tpu.dma_semaphore, #tpu.memory_space<semaphore_mem>>
            tpu.wait_indirect_dma semaphore(%dma_wait3A_393 : memref<!tpu.dma_semaphore, #tpu.memory_space<semaphore_mem>>) src(%dma_wait3A_385 : memref<125x64xf32, #tpu.memory_space<vmem>>) dst(%dma_wait3A_391 : memref<10000x64xf32, #tpu.memory_space<vmem_shared>>)
          } else {
          }
          %dma_start3A_365 = arith.constant 2 : i32
          %dma_start3A_366 = arith.constant 2 : i32
          %dma_start3A_367 = arith.constant 0 : i32
          %dma_start3A_368 = arith.constant 0 : i32
          %dma_start3A_369 = tpu.memref_slice %arg9[%dma_start3A_365, %dma_start3A_367, %dma_start3A_368] : memref<5x125x64xf32, #tpu.memory_space<vmem>> -> memref<1x125x64xf32, #tpu.memory_space<vmem>>
          %dma_start3A_370 = tpu.memref_squeeze %dma_start3A_369 : memref<1x125x64xf32, #tpu.memory_space<vmem>> -> memref<125x64xf32, #tpu.memory_space<vmem>>
          %dma_start3A_371 = arith.constant 0 : i32
          %dma_start3A_372 = tpu.memref_slice %arg7[%add3A_178, %dma_start3A_371] : memref<160x125xi32, #tpu.memory_space<vmem>> -> memref<1x125xi32, #tpu.memory_space<vmem>>
          %dma_start3A_373 = tpu.memref_squeeze %dma_start3A_372 : memref<1x125xi32, #tpu.memory_space<vmem>> -> memref<125xi32, #tpu.memory_space<vmem>>
          %dma_start3A_374 = arith.constant 0 : i32
          %dma_start3A_375 = arith.constant 0 : i32
          %dma_start3A_376 = tpu.memref_slice %arg2[%dma_start3A_374, %dma_start3A_375] : memref<10000x64xf32, #tpu.memory_space<hbm>> -> memref<10000x64xf32, #tpu.memory_space<hbm>>
          %dma_start3A_377 = tpu.memref_slice %arg11[%dma_start3A_366] : memref<5x!tpu.dma_semaphore, #tpu.memory_space<semaphore_mem>> -> memref<1x!tpu.dma_semaphore, #tpu.memory_space<semaphore_mem>>
          %dma_start3A_378 = tpu.memref_squeeze %dma_start3A_377 : memref<1x!tpu.dma_semaphore, #tpu.memory_space<semaphore_mem>> -> memref<!tpu.dma_semaphore, #tpu.memory_space<semaphore_mem>>
          tpu.enqueue_indirect_dma source(%dma_start3A_376 : memref<10000x64xf32, #tpu.memory_space<hbm>>) target(%dma_start3A_370 : memref<125x64xf32, #tpu.memory_space<vmem>>) offsets(%dma_start3A_373 : memref<125xi32, #tpu.memory_space<vmem>>) semaphore(%dma_start3A_378 : memref<!tpu.dma_semaphore, #tpu.memory_space<semaphore_mem>>)
        } else {
        }
        %mul3A_184 = arith.constant 5 : i32
        %mul3A_185 = arith.muli %mul3A_184, %scan3A_140 : i32
        %add3A_186 = arith.constant 1 : i32
        %add3A_187 = arith.addi %mul3A_185, %add3A_186 : i32
        %dma_wait3A_188 = arith.constant 0 : i32
        %dma_wait3A_189 = arith.constant 1 : i32
        %dma_wait3A_190 = arith.constant 1 : i32
        %dma_wait3A_191 = arith.constant 0 : i32
        %dma_wait3A_192 = arith.constant 0 : i32
        %dma_wait3A_193 = tpu.memref_slice %arg9[%dma_wait3A_189, %dma_wait3A_191, %dma_wait3A_192] : memref<5x125x64xf32, #tpu.memory_space<vmem>> -> memref<1x125x64xf32, #tpu.memory_space<vmem>>
        %dma_wait3A_194 = tpu.memref_squeeze %dma_wait3A_193 : memref<1x125x64xf32, #tpu.memory_space<vmem>> -> memref<125x64xf32, #tpu.memory_space<vmem>>
        %dma_wait3A_195 = arith.constant 0 : i32
        %dma_wait3A_196 = tpu.memref_slice %arg7[%dma_wait3A_188, %dma_wait3A_195] : memref<160x125xi32, #tpu.memory_space<vmem>> -> memref<1x125xi32, #tpu.memory_space<vmem>>
        %dma_wait3A_197 = tpu.memref_squeeze %dma_wait3A_196 : memref<1x125xi32, #tpu.memory_space<vmem>> -> memref<125xi32, #tpu.memory_space<vmem>>
        %dma_wait3A_198 = arith.constant 0 : i32
        %dma_wait3A_199 = arith.constant 0 : i32
        %dma_wait3A_200 = tpu.memref_slice %arg2[%dma_wait3A_198, %dma_wait3A_199] : memref<10000x64xf32, #tpu.memory_space<hbm>> -> memref<10000x64xf32, #tpu.memory_space<hbm>>
        %dma_wait3A_201 = tpu.memref_slice %arg11[%dma_wait3A_190] : memref<5x!tpu.dma_semaphore, #tpu.memory_space<semaphore_mem>> -> memref<1x!tpu.dma_semaphore, #tpu.memory_space<semaphore_mem>>
        %dma_wait3A_202 = tpu.memref_squeeze %dma_wait3A_201 : memref<1x!tpu.dma_semaphore, #tpu.memory_space<semaphore_mem>> -> memref<!tpu.dma_semaphore, #tpu.memory_space<semaphore_mem>>
        tpu.wait_indirect_dma semaphore(%dma_wait3A_202 : memref<!tpu.dma_semaphore, #tpu.memory_space<semaphore_mem>>) src(%dma_wait3A_200 : memref<10000x64xf32, #tpu.memory_space<hbm>>) dst(%dma_wait3A_194 : memref<125x64xf32, #tpu.memory_space<vmem>>)
        %dma_start3A_203 = arith.constant 1 : i32
        %dma_start3A_204 = arith.constant 1 : i32
        %dma_start3A_205 = arith.constant 0 : i32
        %dma_start3A_206 = arith.constant 0 : i32
        %dma_start3A_207 = tpu.memref_slice %arg9[%dma_start3A_203, %dma_start3A_205, %dma_start3A_206] : memref<5x125x64xf32, #tpu.memory_space<vmem>> -> memref<1x125x64xf32, #tpu.memory_space<vmem>>
        %dma_start3A_208 = tpu.memref_squeeze %dma_start3A_207 : memref<1x125x64xf32, #tpu.memory_space<vmem>> -> memref<125x64xf32, #tpu.memory_space<vmem>>
        %dma_start3A_209 = arith.constant 0 : i32
        %dma_start3A_210 = tpu.memref_slice %arg8[%add3A_187, %dma_start3A_209] : memref<160x125xi32, #tpu.memory_space<vmem>> -> memref<1x125xi32, #tpu.memory_space<vmem>>
        %dma_start3A_211 = tpu.memref_squeeze %dma_start3A_210 : memref<1x125xi32, #tpu.memory_space<vmem>> -> memref<125xi32, #tpu.memory_space<vmem>>
        %dma_start3A_212 = arith.constant 0 : i32
        %dma_start3A_213 = arith.constant 0 : i32
        %dma_start3A_214 = tpu.memref_slice %arg10[%dma_start3A_212, %dma_start3A_213] : memref<10000x64xf32, #tpu.memory_space<vmem_shared>> -> memref<10000x64xf32, #tpu.memory_space<vmem_shared>>
        %dma_start3A_215 = tpu.memref_slice %arg12[%dma_start3A_204] : memref<5x!tpu.dma_semaphore, #tpu.memory_space<semaphore_mem>> -> memref<1x!tpu.dma_semaphore, #tpu.memory_space<semaphore_mem>>
        %dma_start3A_216 = tpu.memref_squeeze %dma_start3A_215 : memref<1x!tpu.dma_semaphore, #tpu.memory_space<semaphore_mem>> -> memref<!tpu.dma_semaphore, #tpu.memory_space<semaphore_mem>>
        tpu.enqueue_indirect_dma source(%dma_start3A_208 : memref<125x64xf32, #tpu.memory_space<vmem>>) target(%dma_start3A_214 : memref<10000x64xf32, #tpu.memory_space<vmem_shared>>) offsets(%dma_start3A_211 : memref<125xi32, #tpu.memory_space<vmem>>) semaphore(%dma_start3A_216 : memref<!tpu.dma_semaphore, #tpu.memory_space<semaphore_mem>>) {add = true}
        %add3A_217 = arith.constant 2 : i32
        %add3A_218 = arith.addi %add3A_187, %add3A_217 : i32
        %sub3A_219 = arith.constant 5 : i32
        %sub3A_220 = arith.subi %add3A_218, %sub3A_219 : i32
        %add3A_221 = arith.constant 2 : i32
        %add3A_222 = arith.addi %add3A_187, %add3A_221 : i32
        %lt3A_223 = arith.constant 160 : i32
        %lt3A_224 = arith.cmpi slt, %add3A_222, %lt3A_223 : i32
        %convert_element_type3A_225 = arith.extui %lt3A_224 : i1 to i32
        %cond3A_226 = arith.constant 0 : i32
        %cond3A_227 = arith.cmpi ne, %convert_element_type3A_225, %cond3A_226 : i32
        scf.if %cond3A_227 {
          %ge3A = arith.constant 0 : i32
          %ge3A_361 = arith.cmpi sge, %sub3A_220, %ge3A : i32
          %convert_element_type3A_362 = arith.extui %ge3A_361 : i1 to i32
          %cond3A_363 = arith.constant 0 : i32
          %cond3A_364 = arith.cmpi ne, %convert_element_type3A_362, %cond3A_363 : i32
          scf.if %cond3A_364 {
            %dma_wait3A_379 = arith.constant 3 : i32
            %dma_wait3A_380 = arith.constant 0 : i32
            %dma_wait3A_381 = arith.constant 3 : i32
            %dma_wait3A_382 = arith.constant 0 : i32
            %dma_wait3A_383 = arith.constant 0 : i32
            %dma_wait3A_384 = tpu.memref_slice %arg9[%dma_wait3A_379, %dma_wait3A_382, %dma_wait3A_383] : memref<5x125x64xf32, #tpu.memory_space<vmem>> -> memref<1x125x64xf32, #tpu.memory_space<vmem>>
            %dma_wait3A_385 = tpu.memref_squeeze %dma_wait3A_384 : memref<1x125x64xf32, #tpu.memory_space<vmem>> -> memref<125x64xf32, #tpu.memory_space<vmem>>
            %dma_wait3A_386 = arith.constant 0 : i32
            %dma_wait3A_387 = tpu.memref_slice %arg8[%dma_wait3A_380, %dma_wait3A_386] : memref<160x125xi32, #tpu.memory_space<vmem>> -> memref<1x125xi32, #tpu.memory_space<vmem>>
            %dma_wait3A_388 = tpu.memref_squeeze %dma_wait3A_387 : memref<1x125xi32, #tpu.memory_space<vmem>> -> memref<125xi32, #tpu.memory_space<vmem>>
            %dma_wait3A_389 = arith.constant 0 : i32
            %dma_wait3A_390 = arith.constant 0 : i32
            %dma_wait3A_391 = tpu.memref_slice %arg10[%dma_wait3A_389, %dma_wait3A_390] : memref<10000x64xf32, #tpu.memory_space<vmem_shared>> -> memref<10000x64xf32, #tpu.memory_space<vmem_shared>>
            %dma_wait3A_392 = tpu.memref_slice %arg12[%dma_wait3A_381] : memref<5x!tpu.dma_semaphore, #tpu.memory_space<semaphore_mem>> -> memref<1x!tpu.dma_semaphore, #tpu.memory_space<semaphore_mem>>
            %dma_wait3A_393 = tpu.memref_squeeze %dma_wait3A_392 : memref<1x!tpu.dma_semaphore, #tpu.memory_space<semaphore_mem>> -> memref<!tpu.dma_semaphore, #tpu.memory_space<semaphore_mem>>
            tpu.wait_indirect_dma semaphore(%dma_wait3A_393 : memref<!tpu.dma_semaphore, #tpu.memory_space<semaphore_mem>>) src(%dma_wait3A_385 : memref<125x64xf32, #tpu.memory_space<vmem>>) dst(%dma_wait3A_391 : memref<10000x64xf32, #tpu.memory_space<vmem_shared>>)
          } else {
          }
          %dma_start3A_365 = arith.constant 3 : i32
          %dma_start3A_366 = arith.constant 3 : i32
          %dma_start3A_367 = arith.constant 0 : i32
          %dma_start3A_368 = arith.constant 0 : i32
          %dma_start3A_369 = tpu.memref_slice %arg9[%dma_start3A_365, %dma_start3A_367, %dma_start3A_368] : memref<5x125x64xf32, #tpu.memory_space<vmem>> -> memref<1x125x64xf32, #tpu.memory_space<vmem>>
          %dma_start3A_370 = tpu.memref_squeeze %dma_start3A_369 : memref<1x125x64xf32, #tpu.memory_space<vmem>> -> memref<125x64xf32, #tpu.memory_space<vmem>>
          %dma_start3A_371 = arith.constant 0 : i32
          %dma_start3A_372 = tpu.memref_slice %arg7[%add3A_222, %dma_start3A_371] : memref<160x125xi32, #tpu.memory_space<vmem>> -> memref<1x125xi32, #tpu.memory_space<vmem>>
          %dma_start3A_373 = tpu.memref_squeeze %dma_start3A_372 : memref<1x125xi32, #tpu.memory_space<vmem>> -> memref<125xi32, #tpu.memory_space<vmem>>
          %dma_start3A_374 = arith.constant 0 : i32
          %dma_start3A_375 = arith.constant 0 : i32
          %dma_start3A_376 = tpu.memref_slice %arg2[%dma_start3A_374, %dma_start3A_375] : memref<10000x64xf32, #tpu.memory_space<hbm>> -> memref<10000x64xf32, #tpu.memory_space<hbm>>
          %dma_start3A_377 = tpu.memref_slice %arg11[%dma_start3A_366] : memref<5x!tpu.dma_semaphore, #tpu.memory_space<semaphore_mem>> -> memref<1x!tpu.dma_semaphore, #tpu.memory_space<semaphore_mem>>
          %dma_start3A_378 = tpu.memref_squeeze %dma_start3A_377 : memref<1x!tpu.dma_semaphore, #tpu.memory_space<semaphore_mem>> -> memref<!tpu.dma_semaphore, #tpu.memory_space<semaphore_mem>>
          tpu.enqueue_indirect_dma source(%dma_start3A_376 : memref<10000x64xf32, #tpu.memory_space<hbm>>) target(%dma_start3A_370 : memref<125x64xf32, #tpu.memory_space<vmem>>) offsets(%dma_start3A_373 : memref<125xi32, #tpu.memory_space<vmem>>) semaphore(%dma_start3A_378 : memref<!tpu.dma_semaphore, #tpu.memory_space<semaphore_mem>>)
        } else {
        }
        %mul3A_228 = arith.constant 5 : i32
        %mul3A_229 = arith.muli %mul3A_228, %scan3A_140 : i32
        %add3A_230 = arith.constant 2 : i32
        %add3A_231 = arith.addi %mul3A_229, %add3A_230 : i32
        %dma_wait3A_232 = arith.constant 0 : i32
        %dma_wait3A_233 = arith.constant 2 : i32
        %dma_wait3A_234 = arith.constant 2 : i32
        %dma_wait3A_235 = arith.constant 0 : i32
        %dma_wait3A_236 = arith.constant 0 : i32
        %dma_wait3A_237 = tpu.memref_slice %arg9[%dma_wait3A_233, %dma_wait3A_235, %dma_wait3A_236] : memref<5x125x64xf32, #tpu.memory_space<vmem>> -> memref<1x125x64xf32, #tpu.memory_space<vmem>>
        %dma_wait3A_238 = tpu.memref_squeeze %dma_wait3A_237 : memref<1x125x64xf32, #tpu.memory_space<vmem>> -> memref<125x64xf32, #tpu.memory_space<vmem>>
        %dma_wait3A_239 = arith.constant 0 : i32
        %dma_wait3A_240 = tpu.memref_slice %arg7[%dma_wait3A_232, %dma_wait3A_239] : memref<160x125xi32, #tpu.memory_space<vmem>> -> memref<1x125xi32, #tpu.memory_space<vmem>>
        %dma_wait3A_241 = tpu.memref_squeeze %dma_wait3A_240 : memref<1x125xi32, #tpu.memory_space<vmem>> -> memref<125xi32, #tpu.memory_space<vmem>>
        %dma_wait3A_242 = arith.constant 0 : i32
        %dma_wait3A_243 = arith.constant 0 : i32
        %dma_wait3A_244 = tpu.memref_slice %arg2[%dma_wait3A_242, %dma_wait3A_243] : memref<10000x64xf32, #tpu.memory_space<hbm>> -> memref<10000x64xf32, #tpu.memory_space<hbm>>
        %dma_wait3A_245 = tpu.memref_slice %arg11[%dma_wait3A_234] : memref<5x!tpu.dma_semaphore, #tpu.memory_space<semaphore_mem>> -> memref<1x!tpu.dma_semaphore, #tpu.memory_space<semaphore_mem>>
        %dma_wait3A_246 = tpu.memref_squeeze %dma_wait3A_245 : memref<1x!tpu.dma_semaphore, #tpu.memory_space<semaphore_mem>> -> memref<!tpu.dma_semaphore, #tpu.memory_space<semaphore_mem>>
        tpu.wait_indirect_dma semaphore(%dma_wait3A_246 : memref<!tpu.dma_semaphore, #tpu.memory_space<semaphore_mem>>) src(%dma_wait3A_244 : memref<10000x64xf32, #tpu.memory_space<hbm>>) dst(%dma_wait3A_238 : memref<125x64xf32, #tpu.memory_space<vmem>>)
        %dma_start3A_247 = arith.constant 2 : i32
        %dma_start3A_248 = arith.constant 2 : i32
        %dma_start3A_249 = arith.constant 0 : i32
        %dma_start3A_250 = arith.constant 0 : i32
        %dma_start3A_251 = tpu.memref_slice %arg9[%dma_start3A_247, %dma_start3A_249, %dma_start3A_250] : memref<5x125x64xf32, #tpu.memory_space<vmem>> -> memref<1x125x64xf32, #tpu.memory_space<vmem>>
        %dma_start3A_252 = tpu.memref_squeeze %dma_start3A_251 : memref<1x125x64xf32, #tpu.memory_space<vmem>> -> memref<125x64xf32, #tpu.memory_space<vmem>>
        %dma_start3A_253 = arith.constant 0 : i32
        %dma_start3A_254 = tpu.memref_slice %arg8[%add3A_231, %dma_start3A_253] : memref<160x125xi32, #tpu.memory_space<vmem>> -> memref<1x125xi32, #tpu.memory_space<vmem>>
        %dma_start3A_255 = tpu.memref_squeeze %dma_start3A_254 : memref<1x125xi32, #tpu.memory_space<vmem>> -> memref<125xi32, #tpu.memory_space<vmem>>
        %dma_start3A_256 = arith.constant 0 : i32
        %dma_start3A_257 = arith.constant 0 : i32
        %dma_start3A_258 = tpu.memref_slice %arg10[%dma_start3A_256, %dma_start3A_257] : memref<10000x64xf32, #tpu.memory_space<vmem_shared>> -> memref<10000x64xf32, #tpu.memory_space<vmem_shared>>
        %dma_start3A_259 = tpu.memref_slice %arg12[%dma_start3A_248] : memref<5x!tpu.dma_semaphore, #tpu.memory_space<semaphore_mem>> -> memref<1x!tpu.dma_semaphore, #tpu.memory_space<semaphore_mem>>
        %dma_start3A_260 = tpu.memref_squeeze %dma_start3A_259 : memref<1x!tpu.dma_semaphore, #tpu.memory_space<semaphore_mem>> -> memref<!tpu.dma_semaphore, #tpu.memory_space<semaphore_mem>>
        tpu.enqueue_indirect_dma source(%dma_start3A_252 : memref<125x64xf32, #tpu.memory_space<vmem>>) target(%dma_start3A_258 : memref<10000x64xf32, #tpu.memory_space<vmem_shared>>) offsets(%dma_start3A_255 : memref<125xi32, #tpu.memory_space<vmem>>) semaphore(%dma_start3A_260 : memref<!tpu.dma_semaphore, #tpu.memory_space<semaphore_mem>>) {add = true}
        %add3A_261 = arith.constant 2 : i32
        %add3A_262 = arith.addi %add3A_231, %add3A_261 : i32
        %sub3A_263 = arith.constant 5 : i32
        %sub3A_264 = arith.subi %add3A_262, %sub3A_263 : i32
        %add3A_265 = arith.constant 2 : i32
        %add3A_266 = arith.addi %add3A_231, %add3A_265 : i32
        %lt3A_267 = arith.constant 160 : i32
        %lt3A_268 = arith.cmpi slt, %add3A_266, %lt3A_267 : i32
        %convert_element_type3A_269 = arith.extui %lt3A_268 : i1 to i32
        %cond3A_270 = arith.constant 0 : i32
        %cond3A_271 = arith.cmpi ne, %convert_element_type3A_269, %cond3A_270 : i32
        scf.if %cond3A_271 {
          %ge3A = arith.constant 0 : i32
          %ge3A_361 = arith.cmpi sge, %sub3A_264, %ge3A : i32
          %convert_element_type3A_362 = arith.extui %ge3A_361 : i1 to i32
          %cond3A_363 = arith.constant 0 : i32
          %cond3A_364 = arith.cmpi ne, %convert_element_type3A_362, %cond3A_363 : i32
          scf.if %cond3A_364 {
            %dma_wait3A_379 = arith.constant 4 : i32
            %dma_wait3A_380 = arith.constant 0 : i32
            %dma_wait3A_381 = arith.constant 4 : i32
            %dma_wait3A_382 = arith.constant 0 : i32
            %dma_wait3A_383 = arith.constant 0 : i32
            %dma_wait3A_384 = tpu.memref_slice %arg9[%dma_wait3A_379, %dma_wait3A_382, %dma_wait3A_383] : memref<5x125x64xf32, #tpu.memory_space<vmem>> -> memref<1x125x64xf32, #tpu.memory_space<vmem>>
            %dma_wait3A_385 = tpu.memref_squeeze %dma_wait3A_384 : memref<1x125x64xf32, #tpu.memory_space<vmem>> -> memref<125x64xf32, #tpu.memory_space<vmem>>
            %dma_wait3A_386 = arith.constant 0 : i32
            %dma_wait3A_387 = tpu.memref_slice %arg8[%dma_wait3A_380, %dma_wait3A_386] : memref<160x125xi32, #tpu.memory_space<vmem>> -> memref<1x125xi32, #tpu.memory_space<vmem>>
            %dma_wait3A_388 = tpu.memref_squeeze %dma_wait3A_387 : memref<1x125xi32, #tpu.memory_space<vmem>> -> memref<125xi32, #tpu.memory_space<vmem>>
            %dma_wait3A_389 = arith.constant 0 : i32
            %dma_wait3A_390 = arith.constant 0 : i32
            %dma_wait3A_391 = tpu.memref_slice %arg10[%dma_wait3A_389, %dma_wait3A_390] : memref<10000x64xf32, #tpu.memory_space<vmem_shared>> -> memref<10000x64xf32, #tpu.memory_space<vmem_shared>>
            %dma_wait3A_392 = tpu.memref_slice %arg12[%dma_wait3A_381] : memref<5x!tpu.dma_semaphore, #tpu.memory_space<semaphore_mem>> -> memref<1x!tpu.dma_semaphore, #tpu.memory_space<semaphore_mem>>
            %dma_wait3A_393 = tpu.memref_squeeze %dma_wait3A_392 : memref<1x!tpu.dma_semaphore, #tpu.memory_space<semaphore_mem>> -> memref<!tpu.dma_semaphore, #tpu.memory_space<semaphore_mem>>
            tpu.wait_indirect_dma semaphore(%dma_wait3A_393 : memref<!tpu.dma_semaphore, #tpu.memory_space<semaphore_mem>>) src(%dma_wait3A_385 : memref<125x64xf32, #tpu.memory_space<vmem>>) dst(%dma_wait3A_391 : memref<10000x64xf32, #tpu.memory_space<vmem_shared>>)
          } else {
          }
          %dma_start3A_365 = arith.constant 4 : i32
          %dma_start3A_366 = arith.constant 4 : i32
          %dma_start3A_367 = arith.constant 0 : i32
          %dma_start3A_368 = arith.constant 0 : i32
          %dma_start3A_369 = tpu.memref_slice %arg9[%dma_start3A_365, %dma_start3A_367, %dma_start3A_368] : memref<5x125x64xf32, #tpu.memory_space<vmem>> -> memref<1x125x64xf32, #tpu.memory_space<vmem>>
          %dma_start3A_370 = tpu.memref_squeeze %dma_start3A_369 : memref<1x125x64xf32, #tpu.memory_space<vmem>> -> memref<125x64xf32, #tpu.memory_space<vmem>>
          %dma_start3A_371 = arith.constant 0 : i32
          %dma_start3A_372 = tpu.memref_slice %arg7[%add3A_266, %dma_start3A_371] : memref<160x125xi32, #tpu.memory_space<vmem>> -> memref<1x125xi32, #tpu.memory_space<vmem>>
          %dma_start3A_373 = tpu.memref_squeeze %dma_start3A_372 : memref<1x125xi32, #tpu.memory_space<vmem>> -> memref<125xi32, #tpu.memory_space<vmem>>
          %dma_start3A_374 = arith.constant 0 : i32
          %dma_start3A_375 = arith.constant 0 : i32
          %dma_start3A_376 = tpu.memref_slice %arg2[%dma_start3A_374, %dma_start3A_375] : memref<10000x64xf32, #tpu.memory_space<hbm>> -> memref<10000x64xf32, #tpu.memory_space<hbm>>
          %dma_start3A_377 = tpu.memref_slice %arg11[%dma_start3A_366] : memref<5x!tpu.dma_semaphore, #tpu.memory_space<semaphore_mem>> -> memref<1x!tpu.dma_semaphore, #tpu.memory_space<semaphore_mem>>
          %dma_start3A_378 = tpu.memref_squeeze %dma_start3A_377 : memref<1x!tpu.dma_semaphore, #tpu.memory_space<semaphore_mem>> -> memref<!tpu.dma_semaphore, #tpu.memory_space<semaphore_mem>>
          tpu.enqueue_indirect_dma source(%dma_start3A_376 : memref<10000x64xf32, #tpu.memory_space<hbm>>) target(%dma_start3A_370 : memref<125x64xf32, #tpu.memory_space<vmem>>) offsets(%dma_start3A_373 : memref<125xi32, #tpu.memory_space<vmem>>) semaphore(%dma_start3A_378 : memref<!tpu.dma_semaphore, #tpu.memory_space<semaphore_mem>>)
        } else {
        }
        %mul3A_272 = arith.constant 5 : i32
        %mul3A_273 = arith.muli %mul3A_272, %scan3A_140 : i32
        %add3A_274 = arith.constant 3 : i32
        %add3A_275 = arith.addi %mul3A_273, %add3A_274 : i32
        %dma_wait3A_276 = arith.constant 0 : i32
        %dma_wait3A_277 = arith.constant 3 : i32
        %dma_wait3A_278 = arith.constant 3 : i32
        %dma_wait3A_279 = arith.constant 0 : i32
        %dma_wait3A_280 = arith.constant 0 : i32
        %dma_wait3A_281 = tpu.memref_slice %arg9[%dma_wait3A_277, %dma_wait3A_279, %dma_wait3A_280] : memref<5x125x64xf32, #tpu.memory_space<vmem>> -> memref<1x125x64xf32, #tpu.memory_space<vmem>>
        %dma_wait3A_282 = tpu.memref_squeeze %dma_wait3A_281 : memref<1x125x64xf32, #tpu.memory_space<vmem>> -> memref<125x64xf32, #tpu.memory_space<vmem>>
        %dma_wait3A_283 = arith.constant 0 : i32
        %dma_wait3A_284 = tpu.memref_slice %arg7[%dma_wait3A_276, %dma_wait3A_283] : memref<160x125xi32, #tpu.memory_space<vmem>> -> memref<1x125xi32, #tpu.memory_space<vmem>>
        %dma_wait3A_285 = tpu.memref_squeeze %dma_wait3A_284 : memref<1x125xi32, #tpu.memory_space<vmem>> -> memref<125xi32, #tpu.memory_space<vmem>>
        %dma_wait3A_286 = arith.constant 0 : i32
        %dma_wait3A_287 = arith.constant 0 : i32
        %dma_wait3A_288 = tpu.memref_slice %arg2[%dma_wait3A_286, %dma_wait3A_287] : memref<10000x64xf32, #tpu.memory_space<hbm>> -> memref<10000x64xf32, #tpu.memory_space<hbm>>
        %dma_wait3A_289 = tpu.memref_slice %arg11[%dma_wait3A_278] : memref<5x!tpu.dma_semaphore, #tpu.memory_space<semaphore_mem>> -> memref<1x!tpu.dma_semaphore, #tpu.memory_space<semaphore_mem>>
        %dma_wait3A_290 = tpu.memref_squeeze %dma_wait3A_289 : memref<1x!tpu.dma_semaphore, #tpu.memory_space<semaphore_mem>> -> memref<!tpu.dma_semaphore, #tpu.memory_space<semaphore_mem>>
        tpu.wait_indirect_dma semaphore(%dma_wait3A_290 : memref<!tpu.dma_semaphore, #tpu.memory_space<semaphore_mem>>) src(%dma_wait3A_288 : memref<10000x64xf32, #tpu.memory_space<hbm>>) dst(%dma_wait3A_282 : memref<125x64xf32, #tpu.memory_space<vmem>>)
        %dma_start3A_291 = arith.constant 3 : i32
        %dma_start3A_292 = arith.constant 3 : i32
        %dma_start3A_293 = arith.constant 0 : i32
        %dma_start3A_294 = arith.constant 0 : i32
        %dma_start3A_295 = tpu.memref_slice %arg9[%dma_start3A_291, %dma_start3A_293, %dma_start3A_294] : memref<5x125x64xf32, #tpu.memory_space<vmem>> -> memref<1x125x64xf32, #tpu.memory_space<vmem>>
        %dma_start3A_296 = tpu.memref_squeeze %dma_start3A_295 : memref<1x125x64xf32, #tpu.memory_space<vmem>> -> memref<125x64xf32, #tpu.memory_space<vmem>>
        %dma_start3A_297 = arith.constant 0 : i32
        %dma_start3A_298 = tpu.memref_slice %arg8[%add3A_275, %dma_start3A_297] : memref<160x125xi32, #tpu.memory_space<vmem>> -> memref<1x125xi32, #tpu.memory_space<vmem>>
        %dma_start3A_299 = tpu.memref_squeeze %dma_start3A_298 : memref<1x125xi32, #tpu.memory_space<vmem>> -> memref<125xi32, #tpu.memory_space<vmem>>
        %dma_start3A_300 = arith.constant 0 : i32
        %dma_start3A_301 = arith.constant 0 : i32
        %dma_start3A_302 = tpu.memref_slice %arg10[%dma_start3A_300, %dma_start3A_301] : memref<10000x64xf32, #tpu.memory_space<vmem_shared>> -> memref<10000x64xf32, #tpu.memory_space<vmem_shared>>
        %dma_start3A_303 = tpu.memref_slice %arg12[%dma_start3A_292] : memref<5x!tpu.dma_semaphore, #tpu.memory_space<semaphore_mem>> -> memref<1x!tpu.dma_semaphore, #tpu.memory_space<semaphore_mem>>
        %dma_start3A_304 = tpu.memref_squeeze %dma_start3A_303 : memref<1x!tpu.dma_semaphore, #tpu.memory_space<semaphore_mem>> -> memref<!tpu.dma_semaphore, #tpu.memory_space<semaphore_mem>>
        tpu.enqueue_indirect_dma source(%dma_start3A_296 : memref<125x64xf32, #tpu.memory_space<vmem>>) target(%dma_start3A_302 : memref<10000x64xf32, #tpu.memory_space<vmem_shared>>) offsets(%dma_start3A_299 : memref<125xi32, #tpu.memory_space<vmem>>) semaphore(%dma_start3A_304 : memref<!tpu.dma_semaphore, #tpu.memory_space<semaphore_mem>>) {add = true}
        %add3A_305 = arith.constant 2 : i32
        %add3A_306 = arith.addi %add3A_275, %add3A_305 : i32
        %sub3A_307 = arith.constant 5 : i32
        %sub3A_308 = arith.subi %add3A_306, %sub3A_307 : i32
        %add3A_309 = arith.constant 2 : i32
        %add3A_310 = arith.addi %add3A_275, %add3A_309 : i32
        %lt3A_311 = arith.constant 160 : i32
        %lt3A_312 = arith.cmpi slt, %add3A_310, %lt3A_311 : i32
        %convert_element_type3A_313 = arith.extui %lt3A_312 : i1 to i32
        %cond3A_314 = arith.constant 0 : i32
        %cond3A_315 = arith.cmpi ne, %convert_element_type3A_313, %cond3A_314 : i32
        scf.if %cond3A_315 {
          %ge3A = arith.constant 0 : i32
          %ge3A_361 = arith.cmpi sge, %sub3A_308, %ge3A : i32
          %convert_element_type3A_362 = arith.extui %ge3A_361 : i1 to i32
          %cond3A_363 = arith.constant 0 : i32
          %cond3A_364 = arith.cmpi ne, %convert_element_type3A_362, %cond3A_363 : i32
          scf.if %cond3A_364 {
            %dma_wait3A_379 = arith.constant 0 : i32
            %dma_wait3A_380 = arith.constant 0 : i32
            %dma_wait3A_381 = arith.constant 0 : i32
            %dma_wait3A_382 = arith.constant 0 : i32
            %dma_wait3A_383 = arith.constant 0 : i32
            %dma_wait3A_384 = tpu.memref_slice %arg9[%dma_wait3A_379, %dma_wait3A_382, %dma_wait3A_383] : memref<5x125x64xf32, #tpu.memory_space<vmem>> -> memref<1x125x64xf32, #tpu.memory_space<vmem>>
            %dma_wait3A_385 = tpu.memref_squeeze %dma_wait3A_384 : memref<1x125x64xf32, #tpu.memory_space<vmem>> -> memref<125x64xf32, #tpu.memory_space<vmem>>
            %dma_wait3A_386 = arith.constant 0 : i32
            %dma_wait3A_387 = tpu.memref_slice %arg8[%dma_wait3A_380, %dma_wait3A_386] : memref<160x125xi32, #tpu.memory_space<vmem>> -> memref<1x125xi32, #tpu.memory_space<vmem>>
            %dma_wait3A_388 = tpu.memref_squeeze %dma_wait3A_387 : memref<1x125xi32, #tpu.memory_space<vmem>> -> memref<125xi32, #tpu.memory_space<vmem>>
            %dma_wait3A_389 = arith.constant 0 : i32
            %dma_wait3A_390 = arith.constant 0 : i32
            %dma_wait3A_391 = tpu.memref_slice %arg10[%dma_wait3A_389, %dma_wait3A_390] : memref<10000x64xf32, #tpu.memory_space<vmem_shared>> -> memref<10000x64xf32, #tpu.memory_space<vmem_shared>>
            %dma_wait3A_392 = tpu.memref_slice %arg12[%dma_wait3A_381] : memref<5x!tpu.dma_semaphore, #tpu.memory_space<semaphore_mem>> -> memref<1x!tpu.dma_semaphore, #tpu.memory_space<semaphore_mem>>
            %dma_wait3A_393 = tpu.memref_squeeze %dma_wait3A_392 : memref<1x!tpu.dma_semaphore, #tpu.memory_space<semaphore_mem>> -> memref<!tpu.dma_semaphore, #tpu.memory_space<semaphore_mem>>
            tpu.wait_indirect_dma semaphore(%dma_wait3A_393 : memref<!tpu.dma_semaphore, #tpu.memory_space<semaphore_mem>>) src(%dma_wait3A_385 : memref<125x64xf32, #tpu.memory_space<vmem>>) dst(%dma_wait3A_391 : memref<10000x64xf32, #tpu.memory_space<vmem_shared>>)
          } else {
          }
          %dma_start3A_365 = arith.constant 0 : i32
          %dma_start3A_366 = arith.constant 0 : i32
          %dma_start3A_367 = arith.constant 0 : i32
          %dma_start3A_368 = arith.constant 0 : i32
          %dma_start3A_369 = tpu.memref_slice %arg9[%dma_start3A_365, %dma_start3A_367, %dma_start3A_368] : memref<5x125x64xf32, #tpu.memory_space<vmem>> -> memref<1x125x64xf32, #tpu.memory_space<vmem>>
          %dma_start3A_370 = tpu.memref_squeeze %dma_start3A_369 : memref<1x125x64xf32, #tpu.memory_space<vmem>> -> memref<125x64xf32, #tpu.memory_space<vmem>>
          %dma_start3A_371 = arith.constant 0 : i32
          %dma_start3A_372 = tpu.memref_slice %arg7[%add3A_310, %dma_start3A_371] : memref<160x125xi32, #tpu.memory_space<vmem>> -> memref<1x125xi32, #tpu.memory_space<vmem>>
          %dma_start3A_373 = tpu.memref_squeeze %dma_start3A_372 : memref<1x125xi32, #tpu.memory_space<vmem>> -> memref<125xi32, #tpu.memory_space<vmem>>
          %dma_start3A_374 = arith.constant 0 : i32
          %dma_start3A_375 = arith.constant 0 : i32
          %dma_start3A_376 = tpu.memref_slice %arg2[%dma_start3A_374, %dma_start3A_375] : memref<10000x64xf32, #tpu.memory_space<hbm>> -> memref<10000x64xf32, #tpu.memory_space<hbm>>
          %dma_start3A_377 = tpu.memref_slice %arg11[%dma_start3A_366] : memref<5x!tpu.dma_semaphore, #tpu.memory_space<semaphore_mem>> -> memref<1x!tpu.dma_semaphore, #tpu.memory_space<semaphore_mem>>
          %dma_start3A_378 = tpu.memref_squeeze %dma_start3A_377 : memref<1x!tpu.dma_semaphore, #tpu.memory_space<semaphore_mem>> -> memref<!tpu.dma_semaphore, #tpu.memory_space<semaphore_mem>>
          tpu.enqueue_indirect_dma source(%dma_start3A_376 : memref<10000x64xf32, #tpu.memory_space<hbm>>) target(%dma_start3A_370 : memref<125x64xf32, #tpu.memory_space<vmem>>) offsets(%dma_start3A_373 : memref<125xi32, #tpu.memory_space<vmem>>) semaphore(%dma_start3A_378 : memref<!tpu.dma_semaphore, #tpu.memory_space<semaphore_mem>>)
        } else {
        }
        %mul3A_316 = arith.constant 5 : i32
        %mul3A_317 = arith.muli %mul3A_316, %scan3A_140 : i32
        %add3A_318 = arith.constant 4 : i32
        %add3A_319 = arith.addi %mul3A_317, %add3A_318 : i32
        %dma_wait3A_320 = arith.constant 0 : i32
        %dma_wait3A_321 = arith.constant 4 : i32
        %dma_wait3A_322 = arith.constant 4 : i32
        %dma_wait3A_323 = arith.constant 0 : i32
        %dma_wait3A_324 = arith.constant 0 : i32
        %dma_wait3A_325 = tpu.memref_slice %arg9[%dma_wait3A_321, %dma_wait3A_323, %dma_wait3A_324] : memref<5x125x64xf32, #tpu.memory_space<vmem>> -> memref<1x125x64xf32, #tpu.memory_space<vmem>>
        %dma_wait3A_326 = tpu.memref_squeeze %dma_wait3A_325 : memref<1x125x64xf32, #tpu.memory_space<vmem>> -> memref<125x64xf32, #tpu.memory_space<vmem>>
        %dma_wait3A_327 = arith.constant 0 : i32
        %dma_wait3A_328 = tpu.memref_slice %arg7[%dma_wait3A_320, %dma_wait3A_327] : memref<160x125xi32, #tpu.memory_space<vmem>> -> memref<1x125xi32, #tpu.memory_space<vmem>>
        %dma_wait3A_329 = tpu.memref_squeeze %dma_wait3A_328 : memref<1x125xi32, #tpu.memory_space<vmem>> -> memref<125xi32, #tpu.memory_space<vmem>>
        %dma_wait3A_330 = arith.constant 0 : i32
        %dma_wait3A_331 = arith.constant 0 : i32
        %dma_wait3A_332 = tpu.memref_slice %arg2[%dma_wait3A_330, %dma_wait3A_331] : memref<10000x64xf32, #tpu.memory_space<hbm>> -> memref<10000x64xf32, #tpu.memory_space<hbm>>
        %dma_wait3A_333 = tpu.memref_slice %arg11[%dma_wait3A_322] : memref<5x!tpu.dma_semaphore, #tpu.memory_space<semaphore_mem>> -> memref<1x!tpu.dma_semaphore, #tpu.memory_space<semaphore_mem>>
        %dma_wait3A_334 = tpu.memref_squeeze %dma_wait3A_333 : memref<1x!tpu.dma_semaphore, #tpu.memory_space<semaphore_mem>> -> memref<!tpu.dma_semaphore, #tpu.memory_space<semaphore_mem>>
        tpu.wait_indirect_dma semaphore(%dma_wait3A_334 : memref<!tpu.dma_semaphore, #tpu.memory_space<semaphore_mem>>) src(%dma_wait3A_332 : memref<10000x64xf32, #tpu.memory_space<hbm>>) dst(%dma_wait3A_326 : memref<125x64xf32, #tpu.memory_space<vmem>>)
        %dma_start3A_335 = arith.constant 4 : i32
        %dma_start3A_336 = arith.constant 4 : i32
        %dma_start3A_337 = arith.constant 0 : i32
        %dma_start3A_338 = arith.constant 0 : i32
        %dma_start3A_339 = tpu.memref_slice %arg9[%dma_start3A_335, %dma_start3A_337, %dma_start3A_338] : memref<5x125x64xf32, #tpu.memory_space<vmem>> -> memref<1x125x64xf32, #tpu.memory_space<vmem>>
        %dma_start3A_340 = tpu.memref_squeeze %dma_start3A_339 : memref<1x125x64xf32, #tpu.memory_space<vmem>> -> memref<125x64xf32, #tpu.memory_space<vmem>>
        %dma_start3A_341 = arith.constant 0 : i32
        %dma_start3A_342 = tpu.memref_slice %arg8[%add3A_319, %dma_start3A_341] : memref<160x125xi32, #tpu.memory_space<vmem>> -> memref<1x125xi32, #tpu.memory_space<vmem>>
        %dma_start3A_343 = tpu.memref_squeeze %dma_start3A_342 : memref<1x125xi32, #tpu.memory_space<vmem>> -> memref<125xi32, #tpu.memory_space<vmem>>
        %dma_start3A_344 = arith.constant 0 : i32
        %dma_start3A_345 = arith.constant 0 : i32
        %dma_start3A_346 = tpu.memref_slice %arg10[%dma_start3A_344, %dma_start3A_345] : memref<10000x64xf32, #tpu.memory_space<vmem_shared>> -> memref<10000x64xf32, #tpu.memory_space<vmem_shared>>
        %dma_start3A_347 = tpu.memref_slice %arg12[%dma_start3A_336] : memref<5x!tpu.dma_semaphore, #tpu.memory_space<semaphore_mem>> -> memref<1x!tpu.dma_semaphore, #tpu.memory_space<semaphore_mem>>
        %dma_start3A_348 = tpu.memref_squeeze %dma_start3A_347 : memref<1x!tpu.dma_semaphore, #tpu.memory_space<semaphore_mem>> -> memref<!tpu.dma_semaphore, #tpu.memory_space<semaphore_mem>>
        tpu.enqueue_indirect_dma source(%dma_start3A_340 : memref<125x64xf32, #tpu.memory_space<vmem>>) target(%dma_start3A_346 : memref<10000x64xf32, #tpu.memory_space<vmem_shared>>) offsets(%dma_start3A_343 : memref<125xi32, #tpu.memory_space<vmem>>) semaphore(%dma_start3A_348 : memref<!tpu.dma_semaphore, #tpu.memory_space<semaphore_mem>>) {add = true}
        %add3A_349 = arith.constant 2 : i32
        %add3A_350 = arith.addi %add3A_319, %add3A_349 : i32
        %sub3A_351 = arith.constant 5 : i32
        %sub3A_352 = arith.subi %add3A_350, %sub3A_351 : i32
        %add3A_353 = arith.constant 2 : i32
        %add3A_354 = arith.addi %add3A_319, %add3A_353 : i32
        %lt3A_355 = arith.constant 160 : i32
        %lt3A_356 = arith.cmpi slt, %add3A_354, %lt3A_355 : i32
        %convert_element_type3A_357 = arith.extui %lt3A_356 : i1 to i32
        %cond3A_358 = arith.constant 0 : i32
        %cond3A_359 = arith.cmpi ne, %convert_element_type3A_357, %cond3A_358 : i32
        scf.if %cond3A_359 {
          %ge3A = arith.constant 0 : i32
          %ge3A_361 = arith.cmpi sge, %sub3A_352, %ge3A : i32
          %convert_element_type3A_362 = arith.extui %ge3A_361 : i1 to i32
          %cond3A_363 = arith.constant 0 : i32
          %cond3A_364 = arith.cmpi ne, %convert_element_type3A_362, %cond3A_363 : i32
          scf.if %cond3A_364 {
            %dma_wait3A_379 = arith.constant 1 : i32
            %dma_wait3A_380 = arith.constant 0 : i32
            %dma_wait3A_381 = arith.constant 1 : i32
            %dma_wait3A_382 = arith.constant 0 : i32
            %dma_wait3A_383 = arith.constant 0 : i32
            %dma_wait3A_384 = tpu.memref_slice %arg9[%dma_wait3A_379, %dma_wait3A_382, %dma_wait3A_383] : memref<5x125x64xf32, #tpu.memory_space<vmem>> -> memref<1x125x64xf32, #tpu.memory_space<vmem>>
            %dma_wait3A_385 = tpu.memref_squeeze %dma_wait3A_384 : memref<1x125x64xf32, #tpu.memory_space<vmem>> -> memref<125x64xf32, #tpu.memory_space<vmem>>
            %dma_wait3A_386 = arith.constant 0 : i32
            %dma_wait3A_387 = tpu.memref_slice %arg8[%dma_wait3A_380, %dma_wait3A_386] : memref<160x125xi32, #tpu.memory_space<vmem>> -> memref<1x125xi32, #tpu.memory_space<vmem>>
            %dma_wait3A_388 = tpu.memref_squeeze %dma_wait3A_387 : memref<1x125xi32, #tpu.memory_space<vmem>> -> memref<125xi32, #tpu.memory_space<vmem>>
            %dma_wait3A_389 = arith.constant 0 : i32
            %dma_wait3A_390 = arith.constant 0 : i32
            %dma_wait3A_391 = tpu.memref_slice %arg10[%dma_wait3A_389, %dma_wait3A_390] : memref<10000x64xf32, #tpu.memory_space<vmem_shared>> -> memref<10000x64xf32, #tpu.memory_space<vmem_shared>>
            %dma_wait3A_392 = tpu.memref_slice %arg12[%dma_wait3A_381] : memref<5x!tpu.dma_semaphore, #tpu.memory_space<semaphore_mem>> -> memref<1x!tpu.dma_semaphore, #tpu.memory_space<semaphore_mem>>
            %dma_wait3A_393 = tpu.memref_squeeze %dma_wait3A_392 : memref<1x!tpu.dma_semaphore, #tpu.memory_space<semaphore_mem>> -> memref<!tpu.dma_semaphore, #tpu.memory_space<semaphore_mem>>
            tpu.wait_indirect_dma semaphore(%dma_wait3A_393 : memref<!tpu.dma_semaphore, #tpu.memory_space<semaphore_mem>>) src(%dma_wait3A_385 : memref<125x64xf32, #tpu.memory_space<vmem>>) dst(%dma_wait3A_391 : memref<10000x64xf32, #tpu.memory_space<vmem_shared>>)
          } else {
          }
          %dma_start3A_365 = arith.constant 1 : i32
          %dma_start3A_366 = arith.constant 1 : i32
          %dma_start3A_367 = arith.constant 0 : i32
          %dma_start3A_368 = arith.constant 0 : i32
          %dma_start3A_369 = tpu.memref_slice %arg9[%dma_start3A_365, %dma_start3A_367, %dma_start3A_368] : memref<5x125x64xf32, #tpu.memory_space<vmem>> -> memref<1x125x64xf32, #tpu.memory_space<vmem>>
          %dma_start3A_370 = tpu.memref_squeeze %dma_start3A_369 : memref<1x125x64xf32, #tpu.memory_space<vmem>> -> memref<125x64xf32, #tpu.memory_space<vmem>>
          %dma_start3A_371 = arith.constant 0 : i32
          %dma_start3A_372 = tpu.memref_slice %arg7[%add3A_354, %dma_start3A_371] : memref<160x125xi32, #tpu.memory_space<vmem>> -> memref<1x125xi32, #tpu.memory_space<vmem>>
          %dma_start3A_373 = tpu.memref_squeeze %dma_start3A_372 : memref<1x125xi32, #tpu.memory_space<vmem>> -> memref<125xi32, #tpu.memory_space<vmem>>
          %dma_start3A_374 = arith.constant 0 : i32
          %dma_start3A_375 = arith.constant 0 : i32
          %dma_start3A_376 = tpu.memref_slice %arg2[%dma_start3A_374, %dma_start3A_375] : memref<10000x64xf32, #tpu.memory_space<hbm>> -> memref<10000x64xf32, #tpu.memory_space<hbm>>
          %dma_start3A_377 = tpu.memref_slice %arg11[%dma_start3A_366] : memref<5x!tpu.dma_semaphore, #tpu.memory_space<semaphore_mem>> -> memref<1x!tpu.dma_semaphore, #tpu.memory_space<semaphore_mem>>
          %dma_start3A_378 = tpu.memref_squeeze %dma_start3A_377 : memref<1x!tpu.dma_semaphore, #tpu.memory_space<semaphore_mem>> -> memref<!tpu.dma_semaphore, #tpu.memory_space<semaphore_mem>>
          tpu.enqueue_indirect_dma source(%dma_start3A_376 : memref<10000x64xf32, #tpu.memory_space<hbm>>) target(%dma_start3A_370 : memref<125x64xf32, #tpu.memory_space<vmem>>) offsets(%dma_start3A_373 : memref<125xi32, #tpu.memory_space<vmem>>) semaphore(%dma_start3A_378 : memref<!tpu.dma_semaphore, #tpu.memory_space<semaphore_mem>>)
        } else {
        }
        %scan3A_360 = arith.constant 0 : i32
        scf.yield %scan3A_360 : i32
      }
      %scan3A_52 = arith.constant 32 : i32
      %dma_wait3A = arith.constant 0 : i32
      %dma_wait3A_53 = arith.constant 0 : i32
      %dma_wait3A_54 = arith.constant 0 : i32
      %dma_wait3A_55 = arith.constant 0 : i32
      %dma_wait3A_56 = arith.constant 0 : i32
      %dma_wait3A_57 = tpu.memref_slice %arg9[%dma_wait3A, %dma_wait3A_55, %dma_wait3A_56] : memref<5x125x64xf32, #tpu.memory_space<vmem>> -> memref<1x125x64xf32, #tpu.memory_space<vmem>>
      %dma_wait3A_58 = tpu.memref_squeeze %dma_wait3A_57 : memref<1x125x64xf32, #tpu.memory_space<vmem>> -> memref<125x64xf32, #tpu.memory_space<vmem>>
      %dma_wait3A_59 = arith.constant 0 : i32
      %dma_wait3A_60 = tpu.memref_slice %arg8[%dma_wait3A_53, %dma_wait3A_59] : memref<160x125xi32, #tpu.memory_space<vmem>> -> memref<1x125xi32, #tpu.memory_space<vmem>>
      %dma_wait3A_61 = tpu.memref_squeeze %dma_wait3A_60 : memref<1x125xi32, #tpu.memory_space<vmem>> -> memref<125xi32, #tpu.memory_space<vmem>>
      %dma_wait3A_62 = arith.constant 0 : i32
      %dma_wait3A_63 = arith.constant 0 : i32
      %dma_wait3A_64 = tpu.memref_slice %arg10[%dma_wait3A_62, %dma_wait3A_63] : memref<10000x64xf32, #tpu.memory_space<vmem_shared>> -> memref<10000x64xf32, #tpu.memory_space<vmem_shared>>
      %dma_wait3A_65 = tpu.memref_slice %arg12[%dma_wait3A_54] : memref<5x!tpu.dma_semaphore, #tpu.memory_space<semaphore_mem>> -> memref<1x!tpu.dma_semaphore, #tpu.memory_space<semaphore_mem>>
      %dma_wait3A_66 = tpu.memref_squeeze %dma_wait3A_65 : memref<1x!tpu.dma_semaphore, #tpu.memory_space<semaphore_mem>> -> memref<!tpu.dma_semaphore, #tpu.memory_space<semaphore_mem>>
      tpu.wait_indirect_dma semaphore(%dma_wait3A_66 : memref<!tpu.dma_semaphore, #tpu.memory_space<semaphore_mem>>) src(%dma_wait3A_58 : memref<125x64xf32, #tpu.memory_space<vmem>>) dst(%dma_wait3A_64 : memref<10000x64xf32, #tpu.memory_space<vmem_shared>>)
      %dma_wait3A_67 = arith.constant 1 : i32
      %dma_wait3A_68 = arith.constant 0 : i32
      %dma_wait3A_69 = arith.constant 1 : i32
      %dma_wait3A_70 = arith.constant 0 : i32
      %dma_wait3A_71 = arith.constant 0 : i32
      %dma_wait3A_72 = tpu.memref_slice %arg9[%dma_wait3A_67, %dma_wait3A_70, %dma_wait3A_71] : memref<5x125x64xf32, #tpu.memory_space<vmem>> -> memref<1x125x64xf32, #tpu.memory_space<vmem>>
      %dma_wait3A_73 = tpu.memref_squeeze %dma_wait3A_72 : memref<1x125x64xf32, #tpu.memory_space<vmem>> -> memref<125x64xf32, #tpu.memory_space<vmem>>
      %dma_wait3A_74 = arith.constant 0 : i32
      %dma_wait3A_75 = tpu.memref_slice %arg8[%dma_wait3A_68, %dma_wait3A_74] : memref<160x125xi32, #tpu.memory_space<vmem>> -> memref<1x125xi32, #tpu.memory_space<vmem>>
      %dma_wait3A_76 = tpu.memref_squeeze %dma_wait3A_75 : memref<1x125xi32, #tpu.memory_space<vmem>> -> memref<125xi32, #tpu.memory_space<vmem>>
      %dma_wait3A_77 = arith.constant 0 : i32
      %dma_wait3A_78 = arith.constant 0 : i32
      %dma_wait3A_79 = tpu.memref_slice %arg10[%dma_wait3A_77, %dma_wait3A_78] : memref<10000x64xf32, #tpu.memory_space<vmem_shared>> -> memref<10000x64xf32, #tpu.memory_space<vmem_shared>>
      %dma_wait3A_80 = tpu.memref_slice %arg12[%dma_wait3A_69] : memref<5x!tpu.dma_semaphore, #tpu.memory_space<semaphore_mem>> -> memref<1x!tpu.dma_semaphore, #tpu.memory_space<semaphore_mem>>
      %dma_wait3A_81 = tpu.memref_squeeze %dma_wait3A_80 : memref<1x!tpu.dma_semaphore, #tpu.memory_space<semaphore_mem>> -> memref<!tpu.dma_semaphore, #tpu.memory_space<semaphore_mem>>
      tpu.wait_indirect_dma semaphore(%dma_wait3A_81 : memref<!tpu.dma_semaphore, #tpu.memory_space<semaphore_mem>>) src(%dma_wait3A_73 : memref<125x64xf32, #tpu.memory_space<vmem>>) dst(%dma_wait3A_79 : memref<10000x64xf32, #tpu.memory_space<vmem_shared>>)
      %dma_wait3A_82 = arith.constant 2 : i32
      %dma_wait3A_83 = arith.constant 0 : i32
      %dma_wait3A_84 = arith.constant 2 : i32
      %dma_wait3A_85 = arith.constant 0 : i32
      %dma_wait3A_86 = arith.constant 0 : i32
      %dma_wait3A_87 = tpu.memref_slice %arg9[%dma_wait3A_82, %dma_wait3A_85, %dma_wait3A_86] : memref<5x125x64xf32, #tpu.memory_space<vmem>> -> memref<1x125x64xf32, #tpu.memory_space<vmem>>
      %dma_wait3A_88 = tpu.memref_squeeze %dma_wait3A_87 : memref<1x125x64xf32, #tpu.memory_space<vmem>> -> memref<125x64xf32, #tpu.memory_space<vmem>>
      %dma_wait3A_89 = arith.constant 0 : i32
      %dma_wait3A_90 = tpu.memref_slice %arg8[%dma_wait3A_83, %dma_wait3A_89] : memref<160x125xi32, #tpu.memory_space<vmem>> -> memref<1x125xi32, #tpu.memory_space<vmem>>
      %dma_wait3A_91 = tpu.memref_squeeze %dma_wait3A_90 : memref<1x125xi32, #tpu.memory_space<vmem>> -> memref<125xi32, #tpu.memory_space<vmem>>
      %dma_wait3A_92 = arith.constant 0 : i32
      %dma_wait3A_93 = arith.constant 0 : i32
      %dma_wait3A_94 = tpu.memref_slice %arg10[%dma_wait3A_92, %dma_wait3A_93] : memref<10000x64xf32, #tpu.memory_space<vmem_shared>> -> memref<10000x64xf32, #tpu.memory_space<vmem_shared>>
      %dma_wait3A_95 = tpu.memref_slice %arg12[%dma_wait3A_84] : memref<5x!tpu.dma_semaphore, #tpu.memory_space<semaphore_mem>> -> memref<1x!tpu.dma_semaphore, #tpu.memory_space<semaphore_mem>>
      %dma_wait3A_96 = tpu.memref_squeeze %dma_wait3A_95 : memref<1x!tpu.dma_semaphore, #tpu.memory_space<semaphore_mem>> -> memref<!tpu.dma_semaphore, #tpu.memory_space<semaphore_mem>>
      tpu.wait_indirect_dma semaphore(%dma_wait3A_96 : memref<!tpu.dma_semaphore, #tpu.memory_space<semaphore_mem>>) src(%dma_wait3A_88 : memref<125x64xf32, #tpu.memory_space<vmem>>) dst(%dma_wait3A_94 : memref<10000x64xf32, #tpu.memory_space<vmem_shared>>)
      %dma_wait3A_97 = arith.constant 3 : i32
      %dma_wait3A_98 = arith.constant 0 : i32
      %dma_wait3A_99 = arith.constant 3 : i32
      %dma_wait3A_100 = arith.constant 0 : i32
      %dma_wait3A_101 = arith.constant 0 : i32
      %dma_wait3A_102 = tpu.memref_slice %arg9[%dma_wait3A_97, %dma_wait3A_100, %dma_wait3A_101] : memref<5x125x64xf32, #tpu.memory_space<vmem>> -> memref<1x125x64xf32, #tpu.memory_space<vmem>>
      %dma_wait3A_103 = tpu.memref_squeeze %dma_wait3A_102 : memref<1x125x64xf32, #tpu.memory_space<vmem>> -> memref<125x64xf32, #tpu.memory_space<vmem>>
      %dma_wait3A_104 = arith.constant 0 : i32
      %dma_wait3A_105 = tpu.memref_slice %arg8[%dma_wait3A_98, %dma_wait3A_104] : memref<160x125xi32, #tpu.memory_space<vmem>> -> memref<1x125xi32, #tpu.memory_space<vmem>>
      %dma_wait3A_106 = tpu.memref_squeeze %dma_wait3A_105 : memref<1x125xi32, #tpu.memory_space<vmem>> -> memref<125xi32, #tpu.memory_space<vmem>>
      %dma_wait3A_107 = arith.constant 0 : i32
      %dma_wait3A_108 = arith.constant 0 : i32
      %dma_wait3A_109 = tpu.memref_slice %arg10[%dma_wait3A_107, %dma_wait3A_108] : memref<10000x64xf32, #tpu.memory_space<vmem_shared>> -> memref<10000x64xf32, #tpu.memory_space<vmem_shared>>
      %dma_wait3A_110 = tpu.memref_slice %arg12[%dma_wait3A_99] : memref<5x!tpu.dma_semaphore, #tpu.memory_space<semaphore_mem>> -> memref<1x!tpu.dma_semaphore, #tpu.memory_space<semaphore_mem>>
      %dma_wait3A_111 = tpu.memref_squeeze %dma_wait3A_110 : memref<1x!tpu.dma_semaphore, #tpu.memory_space<semaphore_mem>> -> memref<!tpu.dma_semaphore, #tpu.memory_space<semaphore_mem>>
      tpu.wait_indirect_dma semaphore(%dma_wait3A_111 : memref<!tpu.dma_semaphore, #tpu.memory_space<semaphore_mem>>) src(%dma_wait3A_103 : memref<125x64xf32, #tpu.memory_space<vmem>>) dst(%dma_wait3A_109 : memref<10000x64xf32, #tpu.memory_space<vmem_shared>>)
      %dma_wait3A_112 = arith.constant 4 : i32
      %dma_wait3A_113 = arith.constant 0 : i32
      %dma_wait3A_114 = arith.constant 4 : i32
      %dma_wait3A_115 = arith.constant 0 : i32
      %dma_wait3A_116 = arith.constant 0 : i32
      %dma_wait3A_117 = tpu.memref_slice %arg9[%dma_wait3A_112, %dma_wait3A_115, %dma_wait3A_116] : memref<5x125x64xf32, #tpu.memory_space<vmem>> -> memref<1x125x64xf32, #tpu.memory_space<vmem>>
      %dma_wait3A_118 = tpu.memref_squeeze %dma_wait3A_117 : memref<1x125x64xf32, #tpu.memory_space<vmem>> -> memref<125x64xf32, #tpu.memory_space<vmem>>
      %dma_wait3A_119 = arith.constant 0 : i32
      %dma_wait3A_120 = tpu.memref_slice %arg8[%dma_wait3A_113, %dma_wait3A_119] : memref<160x125xi32, #tpu.memory_space<vmem>> -> memref<1x125xi32, #tpu.memory_space<vmem>>
      %dma_wait3A_121 = tpu.memref_squeeze %dma_wait3A_120 : memref<1x125xi32, #tpu.memory_space<vmem>> -> memref<125xi32, #tpu.memory_space<vmem>>
      %dma_wait3A_122 = arith.constant 0 : i32
      %dma_wait3A_123 = arith.constant 0 : i32
      %dma_wait3A_124 = tpu.memref_slice %arg10[%dma_wait3A_122, %dma_wait3A_123] : memref<10000x64xf32, #tpu.memory_space<vmem_shared>> -> memref<10000x64xf32, #tpu.memory_space<vmem_shared>>
      %dma_wait3A_125 = tpu.memref_slice %arg12[%dma_wait3A_114] : memref<5x!tpu.dma_semaphore, #tpu.memory_space<semaphore_mem>> -> memref<1x!tpu.dma_semaphore, #tpu.memory_space<semaphore_mem>>
      %dma_wait3A_126 = tpu.memref_squeeze %dma_wait3A_125 : memref<1x!tpu.dma_semaphore, #tpu.memory_space<semaphore_mem>> -> memref<!tpu.dma_semaphore, #tpu.memory_space<semaphore_mem>>
      tpu.wait_indirect_dma semaphore(%dma_wait3A_126 : memref<!tpu.dma_semaphore, #tpu.memory_space<semaphore_mem>>) src(%dma_wait3A_118 : memref<125x64xf32, #tpu.memory_space<vmem>>) dst(%dma_wait3A_124 : memref<10000x64xf32, #tpu.memory_space<vmem_shared>>)
      %barrier3A_127 = arith.constant 0 : index
      tpu.barrier barrier_id(%barrier3A_127)
      %mul3A_128 = arith.constant 632 : i32
      %mul3A_129 = arith.muli %arg1, %mul3A_128 : i32
      %lt3A_130 = arith.constant 15 : i32
      %lt3A_131 = arith.cmpi slt, %arg1, %lt3A_130 : i32
      %convert_element_type3A_132 = arith.extui %lt3A_131 : i1 to i32
      %cond3A_133 = arith.constant 0 : i32
      %cond3A_134 = arith.cmpi ne, %convert_element_type3A_132, %cond3A_133 : i32
      scf.if %cond3A_134 {
        "tpu.region"() ({
          %run_scoped3A_140 = tpu.sem_alloc : memref<!tpu.dma_semaphore, #tpu.memory_space<semaphore_mem>>
          %dma_start3A_141 = arith.constant 0 : i32
          %dma_start3A_142 = tpu.memref_slice %arg5[%mul3A_129, %dma_start3A_141] : memref<10000x64xf32, #tpu.memory_space<hbm>> -> memref<632x64xf32, #tpu.memory_space<hbm>>
          %dma_start3A_143 = arith.constant 0 : i32
          %dma_start3A_144 = tpu.memref_slice %arg10[%mul3A_129, %dma_start3A_143] : memref<10000x64xf32, #tpu.memory_space<vmem_shared>> -> memref<632x64xf32, #tpu.memory_space<vmem_shared>>
          tpu.enqueue_dma source(%dma_start3A_144 : memref<632x64xf32, #tpu.memory_space<vmem_shared>>) target(%dma_start3A_142 : memref<632x64xf32, #tpu.memory_space<hbm>>) target_semaphore(%run_scoped3A_140 : memref<!tpu.dma_semaphore, #tpu.memory_space<semaphore_mem>>)
          %dma_wait3A_145 = arith.constant 0 : i32
          %dma_wait3A_146 = tpu.memref_slice %arg5[%mul3A_129, %dma_wait3A_145] : memref<10000x64xf32, #tpu.memory_space<hbm>> -> memref<632x64xf32, #tpu.memory_space<hbm>>
          %dma_wait3A_147 = arith.constant 0 : i32
          %dma_wait3A_148 = tpu.memref_slice %arg10[%mul3A_129, %dma_wait3A_147] : memref<10000x64xf32, #tpu.memory_space<vmem_shared>> -> memref<632x64xf32, #tpu.memory_space<vmem_shared>>
          tpu.wait_dma2 semaphore(%run_scoped3A_140 : memref<!tpu.dma_semaphore, #tpu.memory_space<semaphore_mem>>) src(%dma_wait3A_148 : memref<632x64xf32, #tpu.memory_space<vmem_shared>>) dst(%dma_wait3A_146 : memref<632x64xf32, #tpu.memory_space<hbm>>)
          tpu.yield
        }) : () -> ()
      } else {
      }
      %eq3A_135 = arith.constant 15 : i32
      %eq3A_136 = arith.cmpi eq, %arg1, %eq3A_135 : i32
      %convert_element_type3A_137 = arith.extui %eq3A_136 : i1 to i32
      %cond3A_138 = arith.constant 0 : i32
      %cond3A_139 = arith.cmpi ne, %convert_element_type3A_137, %cond3A_138 : i32
      scf.if %cond3A_139 {
        "tpu.region"() ({
          %run_scoped3A_140 = tpu.sem_alloc : memref<!tpu.dma_semaphore, #tpu.memory_space<semaphore_mem>>
          %dma_start3A_141 = arith.constant 0 : i32
          %dma_start3A_142 = tpu.memref_slice %arg5[%mul3A_129, %dma_start3A_141] : memref<10000x64xf32, #tpu.memory_space<hbm>> -> memref<520x64xf32, #tpu.memory_space<hbm>>
          %dma_start3A_143 = arith.constant 0 : i32
          %dma_start3A_144 = tpu.memref_slice %arg10[%mul3A_129, %dma_start3A_143] : memref<10000x64xf32, #tpu.memory_space<vmem_shared>> -> memref<520x64xf32, #tpu.memory_space<vmem_shared>>
          tpu.enqueue_dma source(%dma_start3A_144 : memref<520x64xf32, #tpu.memory_space<vmem_shared>>) target(%dma_start3A_142 : memref<520x64xf32, #tpu.memory_space<hbm>>) target_semaphore(%run_scoped3A_140 : memref<!tpu.dma_semaphore, #tpu.memory_space<semaphore_mem>>)
          %dma_wait3A_145 = arith.constant 0 : i32
          %dma_wait3A_146 = tpu.memref_slice %arg5[%mul3A_129, %dma_wait3A_145] : memref<10000x64xf32, #tpu.memory_space<hbm>> -> memref<520x64xf32, #tpu.memory_space<hbm>>
          %dma_wait3A_147 = arith.constant 0 : i32
          %dma_wait3A_148 = tpu.memref_slice %arg10[%mul3A_129, %dma_wait3A_147] : memref<10000x64xf32, #tpu.memory_space<vmem_shared>> -> memref<520x64xf32, #tpu.memory_space<vmem_shared>>
          tpu.wait_dma2 semaphore(%run_scoped3A_140 : memref<!tpu.dma_semaphore, #tpu.memory_space<semaphore_mem>>) src(%dma_wait3A_148 : memref<520x64xf32, #tpu.memory_space<vmem_shared>>) dst(%dma_wait3A_146 : memref<520x64xf32, #tpu.memory_space<hbm>>)
          tpu.yield
        }) : () -> ()
      } else {
      }
    } else {
    }
    %eq3A_3 = arith.constant 1 : i32
    %eq3A_4 = arith.cmpi eq, %arg0, %eq3A_3 : i32
    %convert_element_type3A_5 = arith.extui %eq3A_4 : i1 to i32
    %cond3A_6 = arith.constant 0 : i32
    %cond3A_7 = arith.cmpi ne, %convert_element_type3A_5, %cond3A_6 : i32
    scf.if %cond3A_7 {
      %mul3A = arith.constant 632 : i32
      %mul3A_8 = arith.muli %arg1, %mul3A : i32
      %lt3A = arith.constant 15 : i32
      %lt3A_9 = arith.cmpi slt, %arg1, %lt3A : i32
      %convert_element_type3A_10 = arith.extui %lt3A_9 : i1 to i32
      %cond3A_11 = arith.constant 0 : i32
      %cond3A_12 = arith.cmpi ne, %convert_element_type3A_10, %cond3A_11 : i32
      scf.if %cond3A_12 {
        "tpu.region"() ({
          %run_scoped3A_140 = tpu.sem_alloc : memref<!tpu.dma_semaphore, #tpu.memory_space<semaphore_mem>>
          %dma_start3A_141 = arith.constant 0 : i32
          %dma_start3A_142 = tpu.memref_slice %arg10[%mul3A_8, %dma_start3A_141] : memref<10000x64xf32, #tpu.memory_space<vmem_shared>> -> memref<632x64xf32, #tpu.memory_space<vmem_shared>>
          %dma_start3A_143 = arith.constant 0 : i32
          %dma_start3A_144 = tpu.memref_slice %arg3[%mul3A_8, %dma_start3A_143] : memref<10000x64xf32, #tpu.memory_space<hbm>> -> memref<632x64xf32, #tpu.memory_space<hbm>>
          tpu.enqueue_dma source(%dma_start3A_144 : memref<632x64xf32, #tpu.memory_space<hbm>>) target(%dma_start3A_142 : memref<632x64xf32, #tpu.memory_space<vmem_shared>>) target_semaphore(%run_scoped3A_140 : memref<!tpu.dma_semaphore, #tpu.memory_space<semaphore_mem>>)
          %dma_wait3A_145 = arith.constant 0 : i32
          %dma_wait3A_146 = tpu.memref_slice %arg10[%mul3A_8, %dma_wait3A_145] : memref<10000x64xf32, #tpu.memory_space<vmem_shared>> -> memref<632x64xf32, #tpu.memory_space<vmem_shared>>
          %dma_wait3A_147 = arith.constant 0 : i32
          %dma_wait3A_148 = tpu.memref_slice %arg3[%mul3A_8, %dma_wait3A_147] : memref<10000x64xf32, #tpu.memory_space<hbm>> -> memref<632x64xf32, #tpu.memory_space<hbm>>
          tpu.wait_dma2 semaphore(%run_scoped3A_140 : memref<!tpu.dma_semaphore, #tpu.memory_space<semaphore_mem>>) src(%dma_wait3A_148 : memref<632x64xf32, #tpu.memory_space<hbm>>) dst(%dma_wait3A_146 : memref<632x64xf32, #tpu.memory_space<vmem_shared>>)
          tpu.yield
        }) : () -> ()
      } else {
      }
      %eq3A_13 = arith.constant 15 : i32
      %eq3A_14 = arith.cmpi eq, %arg1, %eq3A_13 : i32
      %convert_element_type3A_15 = arith.extui %eq3A_14 : i1 to i32
      %cond3A_16 = arith.constant 0 : i32
      %cond3A_17 = arith.cmpi ne, %convert_element_type3A_15, %cond3A_16 : i32
      scf.if %cond3A_17 {
        "tpu.region"() ({
          %run_scoped3A_140 = tpu.sem_alloc : memref<!tpu.dma_semaphore, #tpu.memory_space<semaphore_mem>>
          %dma_start3A_141 = arith.constant 0 : i32
          %dma_start3A_142 = tpu.memref_slice %arg10[%mul3A_8, %dma_start3A_141] : memref<10000x64xf32, #tpu.memory_space<vmem_shared>> -> memref<520x64xf32, #tpu.memory_space<vmem_shared>>
          %dma_start3A_143 = arith.constant 0 : i32
          %dma_start3A_144 = tpu.memref_slice %arg3[%mul3A_8, %dma_start3A_143] : memref<10000x64xf32, #tpu.memory_space<hbm>> -> memref<520x64xf32, #tpu.memory_space<hbm>>
          tpu.enqueue_dma source(%dma_start3A_144 : memref<520x64xf32, #tpu.memory_space<hbm>>) target(%dma_start3A_142 : memref<520x64xf32, #tpu.memory_space<vmem_shared>>) target_semaphore(%run_scoped3A_140 : memref<!tpu.dma_semaphore, #tpu.memory_space<semaphore_mem>>)
          %dma_wait3A_145 = arith.constant 0 : i32
          %dma_wait3A_146 = tpu.memref_slice %arg10[%mul3A_8, %dma_wait3A_145] : memref<10000x64xf32, #tpu.memory_space<vmem_shared>> -> memref<520x64xf32, #tpu.memory_space<vmem_shared>>
          %dma_wait3A_147 = arith.constant 0 : i32
          %dma_wait3A_148 = tpu.memref_slice %arg3[%mul3A_8, %dma_wait3A_147] : memref<10000x64xf32, #tpu.memory_space<hbm>> -> memref<520x64xf32, #tpu.memory_space<hbm>>
          tpu.wait_dma2 semaphore(%run_scoped3A_140 : memref<!tpu.dma_semaphore, #tpu.memory_space<semaphore_mem>>) src(%dma_wait3A_148 : memref<520x64xf32, #tpu.memory_space<hbm>>) dst(%dma_wait3A_146 : memref<520x64xf32, #tpu.memory_space<vmem_shared>>)
          tpu.yield
        }) : () -> ()
      } else {
      }
      %barrier3A = arith.constant 0 : index
      tpu.barrier barrier_id(%barrier3A)
      %dma_start3A = arith.constant 0 : i32
      %dma_start3A_18 = arith.constant 0 : i32
      %dma_start3A_19 = arith.constant 0 : i32
      %dma_start3A_20 = arith.constant 0 : i32
      %dma_start3A_21 = arith.constant 0 : i32
      %dma_start3A_22 = tpu.memref_slice %arg9[%dma_start3A_18, %dma_start3A_20, %dma_start3A_21] : memref<5x125x64xf32, #tpu.memory_space<vmem>> -> memref<1x125x64xf32, #tpu.memory_space<vmem>>
      %dma_start3A_23 = tpu.memref_squeeze %dma_start3A_22 : memref<1x125x64xf32, #tpu.memory_space<vmem>> -> memref<125x64xf32, #tpu.memory_space<vmem>>
      %dma_start3A_24 = arith.constant 0 : i32
      %dma_start3A_25 = tpu.memref_slice %arg7[%dma_start3A, %dma_start3A_24] : memref<160x125xi32, #tpu.memory_space<vmem>> -> memref<1x125xi32, #tpu.memory_space<vmem>>
      %dma_start3A_26 = tpu.memref_squeeze %dma_start3A_25 : memref<1x125xi32, #tpu.memory_space<vmem>> -> memref<125xi32, #tpu.memory_space<vmem>>
      %dma_start3A_27 = arith.constant 0 : i32
      %dma_start3A_28 = arith.constant 0 : i32
      %dma_start3A_29 = tpu.memref_slice %arg3[%dma_start3A_27, %dma_start3A_28] : memref<10000x64xf32, #tpu.memory_space<hbm>> -> memref<10000x64xf32, #tpu.memory_space<hbm>>
      %dma_start3A_30 = tpu.memref_slice %arg11[%dma_start3A_19] : memref<5x!tpu.dma_semaphore, #tpu.memory_space<semaphore_mem>> -> memref<1x!tpu.dma_semaphore, #tpu.memory_space<semaphore_mem>>
      %dma_start3A_31 = tpu.memref_squeeze %dma_start3A_30 : memref<1x!tpu.dma_semaphore, #tpu.memory_space<semaphore_mem>> -> memref<!tpu.dma_semaphore, #tpu.memory_space<semaphore_mem>>
      tpu.enqueue_indirect_dma source(%dma_start3A_29 : memref<10000x64xf32, #tpu.memory_space<hbm>>) target(%dma_start3A_23 : memref<125x64xf32, #tpu.memory_space<vmem>>) offsets(%dma_start3A_26 : memref<125xi32, #tpu.memory_space<vmem>>) semaphore(%dma_start3A_31 : memref<!tpu.dma_semaphore, #tpu.memory_space<semaphore_mem>>)
      %dma_start3A_32 = arith.constant 1 : i32
      %dma_start3A_33 = arith.constant 1 : i32
      %dma_start3A_34 = arith.constant 1 : i32
      %dma_start3A_35 = arith.constant 0 : i32
      %dma_start3A_36 = arith.constant 0 : i32
      %dma_start3A_37 = tpu.memref_slice %arg9[%dma_start3A_33, %dma_start3A_35, %dma_start3A_36] : memref<5x125x64xf32, #tpu.memory_space<vmem>> -> memref<1x125x64xf32, #tpu.memory_space<vmem>>
      %dma_start3A_38 = tpu.memref_squeeze %dma_start3A_37 : memref<1x125x64xf32, #tpu.memory_space<vmem>> -> memref<125x64xf32, #tpu.memory_space<vmem>>
      %dma_start3A_39 = arith.constant 0 : i32
      %dma_start3A_40 = tpu.memref_slice %arg7[%dma_start3A_32, %dma_start3A_39] : memref<160x125xi32, #tpu.memory_space<vmem>> -> memref<1x125xi32, #tpu.memory_space<vmem>>
      %dma_start3A_41 = tpu.memref_squeeze %dma_start3A_40 : memref<1x125xi32, #tpu.memory_space<vmem>> -> memref<125xi32, #tpu.memory_space<vmem>>
      %dma_start3A_42 = arith.constant 0 : i32
      %dma_start3A_43 = arith.constant 0 : i32
      %dma_start3A_44 = tpu.memref_slice %arg3[%dma_start3A_42, %dma_start3A_43] : memref<10000x64xf32, #tpu.memory_space<hbm>> -> memref<10000x64xf32, #tpu.memory_space<hbm>>
      %dma_start3A_45 = tpu.memref_slice %arg11[%dma_start3A_34] : memref<5x!tpu.dma_semaphore, #tpu.memory_space<semaphore_mem>> -> memref<1x!tpu.dma_semaphore, #tpu.memory_space<semaphore_mem>>
      %dma_start3A_46 = tpu.memref_squeeze %dma_start3A_45 : memref<1x!tpu.dma_semaphore, #tpu.memory_space<semaphore_mem>> -> memref<!tpu.dma_semaphore, #tpu.memory_space<semaphore_mem>>
      tpu.enqueue_indirect_dma source(%dma_start3A_44 : memref<10000x64xf32, #tpu.memory_space<hbm>>) target(%dma_start3A_38 : memref<125x64xf32, #tpu.memory_space<vmem>>) offsets(%dma_start3A_41 : memref<125xi32, #tpu.memory_space<vmem>>) semaphore(%dma_start3A_46 : memref<!tpu.dma_semaphore, #tpu.memory_space<semaphore_mem>>)
      %scan3A = arith.constant 0 : i32
      %scan3A_47 = arith.constant 0 : i32
      %scan3A_48 = arith.constant 32 : i32
      %scan3A_49 = arith.addi %scan3A_47, %scan3A_48 : i32
      %scan3A_50 = arith.constant 1 : i32
      %scan3A_51 = scf.for %scan3A_140 = %scan3A_47 to %scan3A_49 step %scan3A_50 iter_args(%scan3A_141 = %scan3A) -> (i32)  : i32 {
        %mul3A_142 = arith.constant 5 : i32
        %mul3A_143 = arith.muli %mul3A_142, %scan3A_140 : i32
        %add3A = arith.constant 0 : i32
        %add3A_144 = arith.addi %mul3A_143, %add3A : i32
        %dma_wait3A_145 = arith.constant 0 : i32
        %dma_wait3A_146 = arith.constant 0 : i32
        %dma_wait3A_147 = arith.constant 0 : i32
        %dma_wait3A_148 = arith.constant 0 : i32
        %dma_wait3A_149 = arith.constant 0 : i32
        %dma_wait3A_150 = tpu.memref_slice %arg9[%dma_wait3A_146, %dma_wait3A_148, %dma_wait3A_149] : memref<5x125x64xf32, #tpu.memory_space<vmem>> -> memref<1x125x64xf32, #tpu.memory_space<vmem>>
        %dma_wait3A_151 = tpu.memref_squeeze %dma_wait3A_150 : memref<1x125x64xf32, #tpu.memory_space<vmem>> -> memref<125x64xf32, #tpu.memory_space<vmem>>
        %dma_wait3A_152 = arith.constant 0 : i32
        %dma_wait3A_153 = tpu.memref_slice %arg7[%dma_wait3A_145, %dma_wait3A_152] : memref<160x125xi32, #tpu.memory_space<vmem>> -> memref<1x125xi32, #tpu.memory_space<vmem>>
        %dma_wait3A_154 = tpu.memref_squeeze %dma_wait3A_153 : memref<1x125xi32, #tpu.memory_space<vmem>> -> memref<125xi32, #tpu.memory_space<vmem>>
        %dma_wait3A_155 = arith.constant 0 : i32
        %dma_wait3A_156 = arith.constant 0 : i32
        %dma_wait3A_157 = tpu.memref_slice %arg3[%dma_wait3A_155, %dma_wait3A_156] : memref<10000x64xf32, #tpu.memory_space<hbm>> -> memref<10000x64xf32, #tpu.memory_space<hbm>>
        %dma_wait3A_158 = tpu.memref_slice %arg11[%dma_wait3A_147] : memref<5x!tpu.dma_semaphore, #tpu.memory_space<semaphore_mem>> -> memref<1x!tpu.dma_semaphore, #tpu.memory_space<semaphore_mem>>
        %dma_wait3A_159 = tpu.memref_squeeze %dma_wait3A_158 : memref<1x!tpu.dma_semaphore, #tpu.memory_space<semaphore_mem>> -> memref<!tpu.dma_semaphore, #tpu.memory_space<semaphore_mem>>
        tpu.wait_indirect_dma semaphore(%dma_wait3A_159 : memref<!tpu.dma_semaphore, #tpu.memory_space<semaphore_mem>>) src(%dma_wait3A_157 : memref<10000x64xf32, #tpu.memory_space<hbm>>) dst(%dma_wait3A_151 : memref<125x64xf32, #tpu.memory_space<vmem>>)
        %dma_start3A_160 = arith.constant 0 : i32
        %dma_start3A_161 = arith.constant 0 : i32
        %dma_start3A_162 = arith.constant 0 : i32
        %dma_start3A_163 = arith.constant 0 : i32
        %dma_start3A_164 = tpu.memref_slice %arg9[%dma_start3A_160, %dma_start3A_162, %dma_start3A_163] : memref<5x125x64xf32, #tpu.memory_space<vmem>> -> memref<1x125x64xf32, #tpu.memory_space<vmem>>
        %dma_start3A_165 = tpu.memref_squeeze %dma_start3A_164 : memref<1x125x64xf32, #tpu.memory_space<vmem>> -> memref<125x64xf32, #tpu.memory_space<vmem>>
        %dma_start3A_166 = arith.constant 0 : i32
        %dma_start3A_167 = tpu.memref_slice %arg8[%add3A_144, %dma_start3A_166] : memref<160x125xi32, #tpu.memory_space<vmem>> -> memref<1x125xi32, #tpu.memory_space<vmem>>
        %dma_start3A_168 = tpu.memref_squeeze %dma_start3A_167 : memref<1x125xi32, #tpu.memory_space<vmem>> -> memref<125xi32, #tpu.memory_space<vmem>>
        %dma_start3A_169 = arith.constant 0 : i32
        %dma_start3A_170 = arith.constant 0 : i32
        %dma_start3A_171 = tpu.memref_slice %arg10[%dma_start3A_169, %dma_start3A_170] : memref<10000x64xf32, #tpu.memory_space<vmem_shared>> -> memref<10000x64xf32, #tpu.memory_space<vmem_shared>>
        %dma_start3A_172 = tpu.memref_slice %arg12[%dma_start3A_161] : memref<5x!tpu.dma_semaphore, #tpu.memory_space<semaphore_mem>> -> memref<1x!tpu.dma_semaphore, #tpu.memory_space<semaphore_mem>>
        %dma_start3A_173 = tpu.memref_squeeze %dma_start3A_172 : memref<1x!tpu.dma_semaphore, #tpu.memory_space<semaphore_mem>> -> memref<!tpu.dma_semaphore, #tpu.memory_space<semaphore_mem>>
        tpu.enqueue_indirect_dma source(%dma_start3A_165 : memref<125x64xf32, #tpu.memory_space<vmem>>) target(%dma_start3A_171 : memref<10000x64xf32, #tpu.memory_space<vmem_shared>>) offsets(%dma_start3A_168 : memref<125xi32, #tpu.memory_space<vmem>>) semaphore(%dma_start3A_173 : memref<!tpu.dma_semaphore, #tpu.memory_space<semaphore_mem>>) {add = true}
        %add3A_174 = arith.constant 2 : i32
        %add3A_175 = arith.addi %add3A_144, %add3A_174 : i32
        %sub3A = arith.constant 5 : i32
        %sub3A_176 = arith.subi %add3A_175, %sub3A : i32
        %add3A_177 = arith.constant 2 : i32
        %add3A_178 = arith.addi %add3A_144, %add3A_177 : i32
        %lt3A_179 = arith.constant 160 : i32
        %lt3A_180 = arith.cmpi slt, %add3A_178, %lt3A_179 : i32
        %convert_element_type3A_181 = arith.extui %lt3A_180 : i1 to i32
        %cond3A_182 = arith.constant 0 : i32
        %cond3A_183 = arith.cmpi ne, %convert_element_type3A_181, %cond3A_182 : i32
        scf.if %cond3A_183 {
          %ge3A = arith.constant 0 : i32
          %ge3A_361 = arith.cmpi sge, %sub3A_176, %ge3A : i32
          %convert_element_type3A_362 = arith.extui %ge3A_361 : i1 to i32
          %cond3A_363 = arith.constant 0 : i32
          %cond3A_364 = arith.cmpi ne, %convert_element_type3A_362, %cond3A_363 : i32
          scf.if %cond3A_364 {
            %dma_wait3A_379 = arith.constant 2 : i32
            %dma_wait3A_380 = arith.constant 0 : i32
            %dma_wait3A_381 = arith.constant 2 : i32
            %dma_wait3A_382 = arith.constant 0 : i32
            %dma_wait3A_383 = arith.constant 0 : i32
            %dma_wait3A_384 = tpu.memref_slice %arg9[%dma_wait3A_379, %dma_wait3A_382, %dma_wait3A_383] : memref<5x125x64xf32, #tpu.memory_space<vmem>> -> memref<1x125x64xf32, #tpu.memory_space<vmem>>
            %dma_wait3A_385 = tpu.memref_squeeze %dma_wait3A_384 : memref<1x125x64xf32, #tpu.memory_space<vmem>> -> memref<125x64xf32, #tpu.memory_space<vmem>>
            %dma_wait3A_386 = arith.constant 0 : i32
            %dma_wait3A_387 = tpu.memref_slice %arg8[%dma_wait3A_380, %dma_wait3A_386] : memref<160x125xi32, #tpu.memory_space<vmem>> -> memref<1x125xi32, #tpu.memory_space<vmem>>
            %dma_wait3A_388 = tpu.memref_squeeze %dma_wait3A_387 : memref<1x125xi32, #tpu.memory_space<vmem>> -> memref<125xi32, #tpu.memory_space<vmem>>
            %dma_wait3A_389 = arith.constant 0 : i32
            %dma_wait3A_390 = arith.constant 0 : i32
            %dma_wait3A_391 = tpu.memref_slice %arg10[%dma_wait3A_389, %dma_wait3A_390] : memref<10000x64xf32, #tpu.memory_space<vmem_shared>> -> memref<10000x64xf32, #tpu.memory_space<vmem_shared>>
            %dma_wait3A_392 = tpu.memref_slice %arg12[%dma_wait3A_381] : memref<5x!tpu.dma_semaphore, #tpu.memory_space<semaphore_mem>> -> memref<1x!tpu.dma_semaphore, #tpu.memory_space<semaphore_mem>>
            %dma_wait3A_393 = tpu.memref_squeeze %dma_wait3A_392 : memref<1x!tpu.dma_semaphore, #tpu.memory_space<semaphore_mem>> -> memref<!tpu.dma_semaphore, #tpu.memory_space<semaphore_mem>>
            tpu.wait_indirect_dma semaphore(%dma_wait3A_393 : memref<!tpu.dma_semaphore, #tpu.memory_space<semaphore_mem>>) src(%dma_wait3A_385 : memref<125x64xf32, #tpu.memory_space<vmem>>) dst(%dma_wait3A_391 : memref<10000x64xf32, #tpu.memory_space<vmem_shared>>)
          } else {
          }
          %dma_start3A_365 = arith.constant 2 : i32
          %dma_start3A_366 = arith.constant 2 : i32
          %dma_start3A_367 = arith.constant 0 : i32
          %dma_start3A_368 = arith.constant 0 : i32
          %dma_start3A_369 = tpu.memref_slice %arg9[%dma_start3A_365, %dma_start3A_367, %dma_start3A_368] : memref<5x125x64xf32, #tpu.memory_space<vmem>> -> memref<1x125x64xf32, #tpu.memory_space<vmem>>
          %dma_start3A_370 = tpu.memref_squeeze %dma_start3A_369 : memref<1x125x64xf32, #tpu.memory_space<vmem>> -> memref<125x64xf32, #tpu.memory_space<vmem>>
          %dma_start3A_371 = arith.constant 0 : i32
          %dma_start3A_372 = tpu.memref_slice %arg7[%add3A_178, %dma_start3A_371] : memref<160x125xi32, #tpu.memory_space<vmem>> -> memref<1x125xi32, #tpu.memory_space<vmem>>
          %dma_start3A_373 = tpu.memref_squeeze %dma_start3A_372 : memref<1x125xi32, #tpu.memory_space<vmem>> -> memref<125xi32, #tpu.memory_space<vmem>>
          %dma_start3A_374 = arith.constant 0 : i32
          %dma_start3A_375 = arith.constant 0 : i32
          %dma_start3A_376 = tpu.memref_slice %arg3[%dma_start3A_374, %dma_start3A_375] : memref<10000x64xf32, #tpu.memory_space<hbm>> -> memref<10000x64xf32, #tpu.memory_space<hbm>>
          %dma_start3A_377 = tpu.memref_slice %arg11[%dma_start3A_366] : memref<5x!tpu.dma_semaphore, #tpu.memory_space<semaphore_mem>> -> memref<1x!tpu.dma_semaphore, #tpu.memory_space<semaphore_mem>>
          %dma_start3A_378 = tpu.memref_squeeze %dma_start3A_377 : memref<1x!tpu.dma_semaphore, #tpu.memory_space<semaphore_mem>> -> memref<!tpu.dma_semaphore, #tpu.memory_space<semaphore_mem>>
          tpu.enqueue_indirect_dma source(%dma_start3A_376 : memref<10000x64xf32, #tpu.memory_space<hbm>>) target(%dma_start3A_370 : memref<125x64xf32, #tpu.memory_space<vmem>>) offsets(%dma_start3A_373 : memref<125xi32, #tpu.memory_space<vmem>>) semaphore(%dma_start3A_378 : memref<!tpu.dma_semaphore, #tpu.memory_space<semaphore_mem>>)
        } else {
        }
        %mul3A_184 = arith.constant 5 : i32
        %mul3A_185 = arith.muli %mul3A_184, %scan3A_140 : i32
        %add3A_186 = arith.constant 1 : i32
        %add3A_187 = arith.addi %mul3A_185, %add3A_186 : i32
        %dma_wait3A_188 = arith.constant 0 : i32
        %dma_wait3A_189 = arith.constant 1 : i32
        %dma_wait3A_190 = arith.constant 1 : i32
        %dma_wait3A_191 = arith.constant 0 : i32
        %dma_wait3A_192 = arith.constant 0 : i32
        %dma_wait3A_193 = tpu.memref_slice %arg9[%dma_wait3A_189, %dma_wait3A_191, %dma_wait3A_192] : memref<5x125x64xf32, #tpu.memory_space<vmem>> -> memref<1x125x64xf32, #tpu.memory_space<vmem>>
        %dma_wait3A_194 = tpu.memref_squeeze %dma_wait3A_193 : memref<1x125x64xf32, #tpu.memory_space<vmem>> -> memref<125x64xf32, #tpu.memory_space<vmem>>
        %dma_wait3A_195 = arith.constant 0 : i32
        %dma_wait3A_196 = tpu.memref_slice %arg7[%dma_wait3A_188, %dma_wait3A_195] : memref<160x125xi32, #tpu.memory_space<vmem>> -> memref<1x125xi32, #tpu.memory_space<vmem>>
        %dma_wait3A_197 = tpu.memref_squeeze %dma_wait3A_196 : memref<1x125xi32, #tpu.memory_space<vmem>> -> memref<125xi32, #tpu.memory_space<vmem>>
        %dma_wait3A_198 = arith.constant 0 : i32
        %dma_wait3A_199 = arith.constant 0 : i32
        %dma_wait3A_200 = tpu.memref_slice %arg3[%dma_wait3A_198, %dma_wait3A_199] : memref<10000x64xf32, #tpu.memory_space<hbm>> -> memref<10000x64xf32, #tpu.memory_space<hbm>>
        %dma_wait3A_201 = tpu.memref_slice %arg11[%dma_wait3A_190] : memref<5x!tpu.dma_semaphore, #tpu.memory_space<semaphore_mem>> -> memref<1x!tpu.dma_semaphore, #tpu.memory_space<semaphore_mem>>
        %dma_wait3A_202 = tpu.memref_squeeze %dma_wait3A_201 : memref<1x!tpu.dma_semaphore, #tpu.memory_space<semaphore_mem>> -> memref<!tpu.dma_semaphore, #tpu.memory_space<semaphore_mem>>
        tpu.wait_indirect_dma semaphore(%dma_wait3A_202 : memref<!tpu.dma_semaphore, #tpu.memory_space<semaphore_mem>>) src(%dma_wait3A_200 : memref<10000x64xf32, #tpu.memory_space<hbm>>) dst(%dma_wait3A_194 : memref<125x64xf32, #tpu.memory_space<vmem>>)
        %dma_start3A_203 = arith.constant 1 : i32
        %dma_start3A_204 = arith.constant 1 : i32
        %dma_start3A_205 = arith.constant 0 : i32
        %dma_start3A_206 = arith.constant 0 : i32
        %dma_start3A_207 = tpu.memref_slice %arg9[%dma_start3A_203, %dma_start3A_205, %dma_start3A_206] : memref<5x125x64xf32, #tpu.memory_space<vmem>> -> memref<1x125x64xf32, #tpu.memory_space<vmem>>
        %dma_start3A_208 = tpu.memref_squeeze %dma_start3A_207 : memref<1x125x64xf32, #tpu.memory_space<vmem>> -> memref<125x64xf32, #tpu.memory_space<vmem>>
        %dma_start3A_209 = arith.constant 0 : i32
        %dma_start3A_210 = tpu.memref_slice %arg8[%add3A_187, %dma_start3A_209] : memref<160x125xi32, #tpu.memory_space<vmem>> -> memref<1x125xi32, #tpu.memory_space<vmem>>
        %dma_start3A_211 = tpu.memref_squeeze %dma_start3A_210 : memref<1x125xi32, #tpu.memory_space<vmem>> -> memref<125xi32, #tpu.memory_space<vmem>>
        %dma_start3A_212 = arith.constant 0 : i32
        %dma_start3A_213 = arith.constant 0 : i32
        %dma_start3A_214 = tpu.memref_slice %arg10[%dma_start3A_212, %dma_start3A_213] : memref<10000x64xf32, #tpu.memory_space<vmem_shared>> -> memref<10000x64xf32, #tpu.memory_space<vmem_shared>>
        %dma_start3A_215 = tpu.memref_slice %arg12[%dma_start3A_204] : memref<5x!tpu.dma_semaphore, #tpu.memory_space<semaphore_mem>> -> memref<1x!tpu.dma_semaphore, #tpu.memory_space<semaphore_mem>>
        %dma_start3A_216 = tpu.memref_squeeze %dma_start3A_215 : memref<1x!tpu.dma_semaphore, #tpu.memory_space<semaphore_mem>> -> memref<!tpu.dma_semaphore, #tpu.memory_space<semaphore_mem>>
        tpu.enqueue_indirect_dma source(%dma_start3A_208 : memref<125x64xf32, #tpu.memory_space<vmem>>) target(%dma_start3A_214 : memref<10000x64xf32, #tpu.memory_space<vmem_shared>>) offsets(%dma_start3A_211 : memref<125xi32, #tpu.memory_space<vmem>>) semaphore(%dma_start3A_216 : memref<!tpu.dma_semaphore, #tpu.memory_space<semaphore_mem>>) {add = true}
        %add3A_217 = arith.constant 2 : i32
        %add3A_218 = arith.addi %add3A_187, %add3A_217 : i32
        %sub3A_219 = arith.constant 5 : i32
        %sub3A_220 = arith.subi %add3A_218, %sub3A_219 : i32
        %add3A_221 = arith.constant 2 : i32
        %add3A_222 = arith.addi %add3A_187, %add3A_221 : i32
        %lt3A_223 = arith.constant 160 : i32
        %lt3A_224 = arith.cmpi slt, %add3A_222, %lt3A_223 : i32
        %convert_element_type3A_225 = arith.extui %lt3A_224 : i1 to i32
        %cond3A_226 = arith.constant 0 : i32
        %cond3A_227 = arith.cmpi ne, %convert_element_type3A_225, %cond3A_226 : i32
        scf.if %cond3A_227 {
          %ge3A = arith.constant 0 : i32
          %ge3A_361 = arith.cmpi sge, %sub3A_220, %ge3A : i32
          %convert_element_type3A_362 = arith.extui %ge3A_361 : i1 to i32
          %cond3A_363 = arith.constant 0 : i32
          %cond3A_364 = arith.cmpi ne, %convert_element_type3A_362, %cond3A_363 : i32
          scf.if %cond3A_364 {
            %dma_wait3A_379 = arith.constant 3 : i32
            %dma_wait3A_380 = arith.constant 0 : i32
            %dma_wait3A_381 = arith.constant 3 : i32
            %dma_wait3A_382 = arith.constant 0 : i32
            %dma_wait3A_383 = arith.constant 0 : i32
            %dma_wait3A_384 = tpu.memref_slice %arg9[%dma_wait3A_379, %dma_wait3A_382, %dma_wait3A_383] : memref<5x125x64xf32, #tpu.memory_space<vmem>> -> memref<1x125x64xf32, #tpu.memory_space<vmem>>
            %dma_wait3A_385 = tpu.memref_squeeze %dma_wait3A_384 : memref<1x125x64xf32, #tpu.memory_space<vmem>> -> memref<125x64xf32, #tpu.memory_space<vmem>>
            %dma_wait3A_386 = arith.constant 0 : i32
            %dma_wait3A_387 = tpu.memref_slice %arg8[%dma_wait3A_380, %dma_wait3A_386] : memref<160x125xi32, #tpu.memory_space<vmem>> -> memref<1x125xi32, #tpu.memory_space<vmem>>
            %dma_wait3A_388 = tpu.memref_squeeze %dma_wait3A_387 : memref<1x125xi32, #tpu.memory_space<vmem>> -> memref<125xi32, #tpu.memory_space<vmem>>
            %dma_wait3A_389 = arith.constant 0 : i32
            %dma_wait3A_390 = arith.constant 0 : i32
            %dma_wait3A_391 = tpu.memref_slice %arg10[%dma_wait3A_389, %dma_wait3A_390] : memref<10000x64xf32, #tpu.memory_space<vmem_shared>> -> memref<10000x64xf32, #tpu.memory_space<vmem_shared>>
            %dma_wait3A_392 = tpu.memref_slice %arg12[%dma_wait3A_381] : memref<5x!tpu.dma_semaphore, #tpu.memory_space<semaphore_mem>> -> memref<1x!tpu.dma_semaphore, #tpu.memory_space<semaphore_mem>>
            %dma_wait3A_393 = tpu.memref_squeeze %dma_wait3A_392 : memref<1x!tpu.dma_semaphore, #tpu.memory_space<semaphore_mem>> -> memref<!tpu.dma_semaphore, #tpu.memory_space<semaphore_mem>>
            tpu.wait_indirect_dma semaphore(%dma_wait3A_393 : memref<!tpu.dma_semaphore, #tpu.memory_space<semaphore_mem>>) src(%dma_wait3A_385 : memref<125x64xf32, #tpu.memory_space<vmem>>) dst(%dma_wait3A_391 : memref<10000x64xf32, #tpu.memory_space<vmem_shared>>)
          } else {
          }
          %dma_start3A_365 = arith.constant 3 : i32
          %dma_start3A_366 = arith.constant 3 : i32
          %dma_start3A_367 = arith.constant 0 : i32
          %dma_start3A_368 = arith.constant 0 : i32
          %dma_start3A_369 = tpu.memref_slice %arg9[%dma_start3A_365, %dma_start3A_367, %dma_start3A_368] : memref<5x125x64xf32, #tpu.memory_space<vmem>> -> memref<1x125x64xf32, #tpu.memory_space<vmem>>
          %dma_start3A_370 = tpu.memref_squeeze %dma_start3A_369 : memref<1x125x64xf32, #tpu.memory_space<vmem>> -> memref<125x64xf32, #tpu.memory_space<vmem>>
          %dma_start3A_371 = arith.constant 0 : i32
          %dma_start3A_372 = tpu.memref_slice %arg7[%add3A_222, %dma_start3A_371] : memref<160x125xi32, #tpu.memory_space<vmem>> -> memref<1x125xi32, #tpu.memory_space<vmem>>
          %dma_start3A_373 = tpu.memref_squeeze %dma_start3A_372 : memref<1x125xi32, #tpu.memory_space<vmem>> -> memref<125xi32, #tpu.memory_space<vmem>>
          %dma_start3A_374 = arith.constant 0 : i32
          %dma_start3A_375 = arith.constant 0 : i32
          %dma_start3A_376 = tpu.memref_slice %arg3[%dma_start3A_374, %dma_start3A_375] : memref<10000x64xf32, #tpu.memory_space<hbm>> -> memref<10000x64xf32, #tpu.memory_space<hbm>>
          %dma_start3A_377 = tpu.memref_slice %arg11[%dma_start3A_366] : memref<5x!tpu.dma_semaphore, #tpu.memory_space<semaphore_mem>> -> memref<1x!tpu.dma_semaphore, #tpu.memory_space<semaphore_mem>>
          %dma_start3A_378 = tpu.memref_squeeze %dma_start3A_377 : memref<1x!tpu.dma_semaphore, #tpu.memory_space<semaphore_mem>> -> memref<!tpu.dma_semaphore, #tpu.memory_space<semaphore_mem>>
          tpu.enqueue_indirect_dma source(%dma_start3A_376 : memref<10000x64xf32, #tpu.memory_space<hbm>>) target(%dma_start3A_370 : memref<125x64xf32, #tpu.memory_space<vmem>>) offsets(%dma_start3A_373 : memref<125xi32, #tpu.memory_space<vmem>>) semaphore(%dma_start3A_378 : memref<!tpu.dma_semaphore, #tpu.memory_space<semaphore_mem>>)
        } else {
        }
        %mul3A_228 = arith.constant 5 : i32
        %mul3A_229 = arith.muli %mul3A_228, %scan3A_140 : i32
        %add3A_230 = arith.constant 2 : i32
        %add3A_231 = arith.addi %mul3A_229, %add3A_230 : i32
        %dma_wait3A_232 = arith.constant 0 : i32
        %dma_wait3A_233 = arith.constant 2 : i32
        %dma_wait3A_234 = arith.constant 2 : i32
        %dma_wait3A_235 = arith.constant 0 : i32
        %dma_wait3A_236 = arith.constant 0 : i32
        %dma_wait3A_237 = tpu.memref_slice %arg9[%dma_wait3A_233, %dma_wait3A_235, %dma_wait3A_236] : memref<5x125x64xf32, #tpu.memory_space<vmem>> -> memref<1x125x64xf32, #tpu.memory_space<vmem>>
        %dma_wait3A_238 = tpu.memref_squeeze %dma_wait3A_237 : memref<1x125x64xf32, #tpu.memory_space<vmem>> -> memref<125x64xf32, #tpu.memory_space<vmem>>
        %dma_wait3A_239 = arith.constant 0 : i32
        %dma_wait3A_240 = tpu.memref_slice %arg7[%dma_wait3A_232, %dma_wait3A_239] : memref<160x125xi32, #tpu.memory_space<vmem>> -> memref<1x125xi32, #tpu.memory_space<vmem>>
        %dma_wait3A_241 = tpu.memref_squeeze %dma_wait3A_240 : memref<1x125xi32, #tpu.memory_space<vmem>> -> memref<125xi32, #tpu.memory_space<vmem>>
        %dma_wait3A_242 = arith.constant 0 : i32
        %dma_wait3A_243 = arith.constant 0 : i32
        %dma_wait3A_244 = tpu.memref_slice %arg3[%dma_wait3A_242, %dma_wait3A_243] : memref<10000x64xf32, #tpu.memory_space<hbm>> -> memref<10000x64xf32, #tpu.memory_space<hbm>>
        %dma_wait3A_245 = tpu.memref_slice %arg11[%dma_wait3A_234] : memref<5x!tpu.dma_semaphore, #tpu.memory_space<semaphore_mem>> -> memref<1x!tpu.dma_semaphore, #tpu.memory_space<semaphore_mem>>
        %dma_wait3A_246 = tpu.memref_squeeze %dma_wait3A_245 : memref<1x!tpu.dma_semaphore, #tpu.memory_space<semaphore_mem>> -> memref<!tpu.dma_semaphore, #tpu.memory_space<semaphore_mem>>
        tpu.wait_indirect_dma semaphore(%dma_wait3A_246 : memref<!tpu.dma_semaphore, #tpu.memory_space<semaphore_mem>>) src(%dma_wait3A_244 : memref<10000x64xf32, #tpu.memory_space<hbm>>) dst(%dma_wait3A_238 : memref<125x64xf32, #tpu.memory_space<vmem>>)
        %dma_start3A_247 = arith.constant 2 : i32
        %dma_start3A_248 = arith.constant 2 : i32
        %dma_start3A_249 = arith.constant 0 : i32
        %dma_start3A_250 = arith.constant 0 : i32
        %dma_start3A_251 = tpu.memref_slice %arg9[%dma_start3A_247, %dma_start3A_249, %dma_start3A_250] : memref<5x125x64xf32, #tpu.memory_space<vmem>> -> memref<1x125x64xf32, #tpu.memory_space<vmem>>
        %dma_start3A_252 = tpu.memref_squeeze %dma_start3A_251 : memref<1x125x64xf32, #tpu.memory_space<vmem>> -> memref<125x64xf32, #tpu.memory_space<vmem>>
        %dma_start3A_253 = arith.constant 0 : i32
        %dma_start3A_254 = tpu.memref_slice %arg8[%add3A_231, %dma_start3A_253] : memref<160x125xi32, #tpu.memory_space<vmem>> -> memref<1x125xi32, #tpu.memory_space<vmem>>
        %dma_start3A_255 = tpu.memref_squeeze %dma_start3A_254 : memref<1x125xi32, #tpu.memory_space<vmem>> -> memref<125xi32, #tpu.memory_space<vmem>>
        %dma_start3A_256 = arith.constant 0 : i32
        %dma_start3A_257 = arith.constant 0 : i32
        %dma_start3A_258 = tpu.memref_slice %arg10[%dma_start3A_256, %dma_start3A_257] : memref<10000x64xf32, #tpu.memory_space<vmem_shared>> -> memref<10000x64xf32, #tpu.memory_space<vmem_shared>>
        %dma_start3A_259 = tpu.memref_slice %arg12[%dma_start3A_248] : memref<5x!tpu.dma_semaphore, #tpu.memory_space<semaphore_mem>> -> memref<1x!tpu.dma_semaphore, #tpu.memory_space<semaphore_mem>>
        %dma_start3A_260 = tpu.memref_squeeze %dma_start3A_259 : memref<1x!tpu.dma_semaphore, #tpu.memory_space<semaphore_mem>> -> memref<!tpu.dma_semaphore, #tpu.memory_space<semaphore_mem>>
        tpu.enqueue_indirect_dma source(%dma_start3A_252 : memref<125x64xf32, #tpu.memory_space<vmem>>) target(%dma_start3A_258 : memref<10000x64xf32, #tpu.memory_space<vmem_shared>>) offsets(%dma_start3A_255 : memref<125xi32, #tpu.memory_space<vmem>>) semaphore(%dma_start3A_260 : memref<!tpu.dma_semaphore, #tpu.memory_space<semaphore_mem>>) {add = true}
        %add3A_261 = arith.constant 2 : i32
        %add3A_262 = arith.addi %add3A_231, %add3A_261 : i32
        %sub3A_263 = arith.constant 5 : i32
        %sub3A_264 = arith.subi %add3A_262, %sub3A_263 : i32
        %add3A_265 = arith.constant 2 : i32
        %add3A_266 = arith.addi %add3A_231, %add3A_265 : i32
        %lt3A_267 = arith.constant 160 : i32
        %lt3A_268 = arith.cmpi slt, %add3A_266, %lt3A_267 : i32
        %convert_element_type3A_269 = arith.extui %lt3A_268 : i1 to i32
        %cond3A_270 = arith.constant 0 : i32
        %cond3A_271 = arith.cmpi ne, %convert_element_type3A_269, %cond3A_270 : i32
        scf.if %cond3A_271 {
          %ge3A = arith.constant 0 : i32
          %ge3A_361 = arith.cmpi sge, %sub3A_264, %ge3A : i32
          %convert_element_type3A_362 = arith.extui %ge3A_361 : i1 to i32
          %cond3A_363 = arith.constant 0 : i32
          %cond3A_364 = arith.cmpi ne, %convert_element_type3A_362, %cond3A_363 : i32
          scf.if %cond3A_364 {
            %dma_wait3A_379 = arith.constant 4 : i32
            %dma_wait3A_380 = arith.constant 0 : i32
            %dma_wait3A_381 = arith.constant 4 : i32
            %dma_wait3A_382 = arith.constant 0 : i32
            %dma_wait3A_383 = arith.constant 0 : i32
            %dma_wait3A_384 = tpu.memref_slice %arg9[%dma_wait3A_379, %dma_wait3A_382, %dma_wait3A_383] : memref<5x125x64xf32, #tpu.memory_space<vmem>> -> memref<1x125x64xf32, #tpu.memory_space<vmem>>
            %dma_wait3A_385 = tpu.memref_squeeze %dma_wait3A_384 : memref<1x125x64xf32, #tpu.memory_space<vmem>> -> memref<125x64xf32, #tpu.memory_space<vmem>>
            %dma_wait3A_386 = arith.constant 0 : i32
            %dma_wait3A_387 = tpu.memref_slice %arg8[%dma_wait3A_380, %dma_wait3A_386] : memref<160x125xi32, #tpu.memory_space<vmem>> -> memref<1x125xi32, #tpu.memory_space<vmem>>
            %dma_wait3A_388 = tpu.memref_squeeze %dma_wait3A_387 : memref<1x125xi32, #tpu.memory_space<vmem>> -> memref<125xi32, #tpu.memory_space<vmem>>
            %dma_wait3A_389 = arith.constant 0 : i32
            %dma_wait3A_390 = arith.constant 0 : i32
            %dma_wait3A_391 = tpu.memref_slice %arg10[%dma_wait3A_389, %dma_wait3A_390] : memref<10000x64xf32, #tpu.memory_space<vmem_shared>> -> memref<10000x64xf32, #tpu.memory_space<vmem_shared>>
            %dma_wait3A_392 = tpu.memref_slice %arg12[%dma_wait3A_381] : memref<5x!tpu.dma_semaphore, #tpu.memory_space<semaphore_mem>> -> memref<1x!tpu.dma_semaphore, #tpu.memory_space<semaphore_mem>>
            %dma_wait3A_393 = tpu.memref_squeeze %dma_wait3A_392 : memref<1x!tpu.dma_semaphore, #tpu.memory_space<semaphore_mem>> -> memref<!tpu.dma_semaphore, #tpu.memory_space<semaphore_mem>>
            tpu.wait_indirect_dma semaphore(%dma_wait3A_393 : memref<!tpu.dma_semaphore, #tpu.memory_space<semaphore_mem>>) src(%dma_wait3A_385 : memref<125x64xf32, #tpu.memory_space<vmem>>) dst(%dma_wait3A_391 : memref<10000x64xf32, #tpu.memory_space<vmem_shared>>)
          } else {
          }
          %dma_start3A_365 = arith.constant 4 : i32
          %dma_start3A_366 = arith.constant 4 : i32
          %dma_start3A_367 = arith.constant 0 : i32
          %dma_start3A_368 = arith.constant 0 : i32
          %dma_start3A_369 = tpu.memref_slice %arg9[%dma_start3A_365, %dma_start3A_367, %dma_start3A_368] : memref<5x125x64xf32, #tpu.memory_space<vmem>> -> memref<1x125x64xf32, #tpu.memory_space<vmem>>
          %dma_start3A_370 = tpu.memref_squeeze %dma_start3A_369 : memref<1x125x64xf32, #tpu.memory_space<vmem>> -> memref<125x64xf32, #tpu.memory_space<vmem>>
          %dma_start3A_371 = arith.constant 0 : i32
          %dma_start3A_372 = tpu.memref_slice %arg7[%add3A_266, %dma_start3A_371] : memref<160x125xi32, #tpu.memory_space<vmem>> -> memref<1x125xi32, #tpu.memory_space<vmem>>
          %dma_start3A_373 = tpu.memref_squeeze %dma_start3A_372 : memref<1x125xi32, #tpu.memory_space<vmem>> -> memref<125xi32, #tpu.memory_space<vmem>>
          %dma_start3A_374 = arith.constant 0 : i32
          %dma_start3A_375 = arith.constant 0 : i32
          %dma_start3A_376 = tpu.memref_slice %arg3[%dma_start3A_374, %dma_start3A_375] : memref<10000x64xf32, #tpu.memory_space<hbm>> -> memref<10000x64xf32, #tpu.memory_space<hbm>>
          %dma_start3A_377 = tpu.memref_slice %arg11[%dma_start3A_366] : memref<5x!tpu.dma_semaphore, #tpu.memory_space<semaphore_mem>> -> memref<1x!tpu.dma_semaphore, #tpu.memory_space<semaphore_mem>>
          %dma_start3A_378 = tpu.memref_squeeze %dma_start3A_377 : memref<1x!tpu.dma_semaphore, #tpu.memory_space<semaphore_mem>> -> memref<!tpu.dma_semaphore, #tpu.memory_space<semaphore_mem>>
          tpu.enqueue_indirect_dma source(%dma_start3A_376 : memref<10000x64xf32, #tpu.memory_space<hbm>>) target(%dma_start3A_370 : memref<125x64xf32, #tpu.memory_space<vmem>>) offsets(%dma_start3A_373 : memref<125xi32, #tpu.memory_space<vmem>>) semaphore(%dma_start3A_378 : memref<!tpu.dma_semaphore, #tpu.memory_space<semaphore_mem>>)
        } else {
        }
        %mul3A_272 = arith.constant 5 : i32
        %mul3A_273 = arith.muli %mul3A_272, %scan3A_140 : i32
        %add3A_274 = arith.constant 3 : i32
        %add3A_275 = arith.addi %mul3A_273, %add3A_274 : i32
        %dma_wait3A_276 = arith.constant 0 : i32
        %dma_wait3A_277 = arith.constant 3 : i32
        %dma_wait3A_278 = arith.constant 3 : i32
        %dma_wait3A_279 = arith.constant 0 : i32
        %dma_wait3A_280 = arith.constant 0 : i32
        %dma_wait3A_281 = tpu.memref_slice %arg9[%dma_wait3A_277, %dma_wait3A_279, %dma_wait3A_280] : memref<5x125x64xf32, #tpu.memory_space<vmem>> -> memref<1x125x64xf32, #tpu.memory_space<vmem>>
        %dma_wait3A_282 = tpu.memref_squeeze %dma_wait3A_281 : memref<1x125x64xf32, #tpu.memory_space<vmem>> -> memref<125x64xf32, #tpu.memory_space<vmem>>
        %dma_wait3A_283 = arith.constant 0 : i32
        %dma_wait3A_284 = tpu.memref_slice %arg7[%dma_wait3A_276, %dma_wait3A_283] : memref<160x125xi32, #tpu.memory_space<vmem>> -> memref<1x125xi32, #tpu.memory_space<vmem>>
        %dma_wait3A_285 = tpu.memref_squeeze %dma_wait3A_284 : memref<1x125xi32, #tpu.memory_space<vmem>> -> memref<125xi32, #tpu.memory_space<vmem>>
        %dma_wait3A_286 = arith.constant 0 : i32
        %dma_wait3A_287 = arith.constant 0 : i32
        %dma_wait3A_288 = tpu.memref_slice %arg3[%dma_wait3A_286, %dma_wait3A_287] : memref<10000x64xf32, #tpu.memory_space<hbm>> -> memref<10000x64xf32, #tpu.memory_space<hbm>>
        %dma_wait3A_289 = tpu.memref_slice %arg11[%dma_wait3A_278] : memref<5x!tpu.dma_semaphore, #tpu.memory_space<semaphore_mem>> -> memref<1x!tpu.dma_semaphore, #tpu.memory_space<semaphore_mem>>
        %dma_wait3A_290 = tpu.memref_squeeze %dma_wait3A_289 : memref<1x!tpu.dma_semaphore, #tpu.memory_space<semaphore_mem>> -> memref<!tpu.dma_semaphore, #tpu.memory_space<semaphore_mem>>
        tpu.wait_indirect_dma semaphore(%dma_wait3A_290 : memref<!tpu.dma_semaphore, #tpu.memory_space<semaphore_mem>>) src(%dma_wait3A_288 : memref<10000x64xf32, #tpu.memory_space<hbm>>) dst(%dma_wait3A_282 : memref<125x64xf32, #tpu.memory_space<vmem>>)
        %dma_start3A_291 = arith.constant 3 : i32
        %dma_start3A_292 = arith.constant 3 : i32
        %dma_start3A_293 = arith.constant 0 : i32
        %dma_start3A_294 = arith.constant 0 : i32
        %dma_start3A_295 = tpu.memref_slice %arg9[%dma_start3A_291, %dma_start3A_293, %dma_start3A_294] : memref<5x125x64xf32, #tpu.memory_space<vmem>> -> memref<1x125x64xf32, #tpu.memory_space<vmem>>
        %dma_start3A_296 = tpu.memref_squeeze %dma_start3A_295 : memref<1x125x64xf32, #tpu.memory_space<vmem>> -> memref<125x64xf32, #tpu.memory_space<vmem>>
        %dma_start3A_297 = arith.constant 0 : i32
        %dma_start3A_298 = tpu.memref_slice %arg8[%add3A_275, %dma_start3A_297] : memref<160x125xi32, #tpu.memory_space<vmem>> -> memref<1x125xi32, #tpu.memory_space<vmem>>
        %dma_start3A_299 = tpu.memref_squeeze %dma_start3A_298 : memref<1x125xi32, #tpu.memory_space<vmem>> -> memref<125xi32, #tpu.memory_space<vmem>>
        %dma_start3A_300 = arith.constant 0 : i32
        %dma_start3A_301 = arith.constant 0 : i32
        %dma_start3A_302 = tpu.memref_slice %arg10[%dma_start3A_300, %dma_start3A_301] : memref<10000x64xf32, #tpu.memory_space<vmem_shared>> -> memref<10000x64xf32, #tpu.memory_space<vmem_shared>>
        %dma_start3A_303 = tpu.memref_slice %arg12[%dma_start3A_292] : memref<5x!tpu.dma_semaphore, #tpu.memory_space<semaphore_mem>> -> memref<1x!tpu.dma_semaphore, #tpu.memory_space<semaphore_mem>>
        %dma_start3A_304 = tpu.memref_squeeze %dma_start3A_303 : memref<1x!tpu.dma_semaphore, #tpu.memory_space<semaphore_mem>> -> memref<!tpu.dma_semaphore, #tpu.memory_space<semaphore_mem>>
        tpu.enqueue_indirect_dma source(%dma_start3A_296 : memref<125x64xf32, #tpu.memory_space<vmem>>) target(%dma_start3A_302 : memref<10000x64xf32, #tpu.memory_space<vmem_shared>>) offsets(%dma_start3A_299 : memref<125xi32, #tpu.memory_space<vmem>>) semaphore(%dma_start3A_304 : memref<!tpu.dma_semaphore, #tpu.memory_space<semaphore_mem>>) {add = true}
        %add3A_305 = arith.constant 2 : i32
        %add3A_306 = arith.addi %add3A_275, %add3A_305 : i32
        %sub3A_307 = arith.constant 5 : i32
        %sub3A_308 = arith.subi %add3A_306, %sub3A_307 : i32
        %add3A_309 = arith.constant 2 : i32
        %add3A_310 = arith.addi %add3A_275, %add3A_309 : i32
        %lt3A_311 = arith.constant 160 : i32
        %lt3A_312 = arith.cmpi slt, %add3A_310, %lt3A_311 : i32
        %convert_element_type3A_313 = arith.extui %lt3A_312 : i1 to i32
        %cond3A_314 = arith.constant 0 : i32
        %cond3A_315 = arith.cmpi ne, %convert_element_type3A_313, %cond3A_314 : i32
        scf.if %cond3A_315 {
          %ge3A = arith.constant 0 : i32
          %ge3A_361 = arith.cmpi sge, %sub3A_308, %ge3A : i32
          %convert_element_type3A_362 = arith.extui %ge3A_361 : i1 to i32
          %cond3A_363 = arith.constant 0 : i32
          %cond3A_364 = arith.cmpi ne, %convert_element_type3A_362, %cond3A_363 : i32
          scf.if %cond3A_364 {
            %dma_wait3A_379 = arith.constant 0 : i32
            %dma_wait3A_380 = arith.constant 0 : i32
            %dma_wait3A_381 = arith.constant 0 : i32
            %dma_wait3A_382 = arith.constant 0 : i32
            %dma_wait3A_383 = arith.constant 0 : i32
            %dma_wait3A_384 = tpu.memref_slice %arg9[%dma_wait3A_379, %dma_wait3A_382, %dma_wait3A_383] : memref<5x125x64xf32, #tpu.memory_space<vmem>> -> memref<1x125x64xf32, #tpu.memory_space<vmem>>
            %dma_wait3A_385 = tpu.memref_squeeze %dma_wait3A_384 : memref<1x125x64xf32, #tpu.memory_space<vmem>> -> memref<125x64xf32, #tpu.memory_space<vmem>>
            %dma_wait3A_386 = arith.constant 0 : i32
            %dma_wait3A_387 = tpu.memref_slice %arg8[%dma_wait3A_380, %dma_wait3A_386] : memref<160x125xi32, #tpu.memory_space<vmem>> -> memref<1x125xi32, #tpu.memory_space<vmem>>
            %dma_wait3A_388 = tpu.memref_squeeze %dma_wait3A_387 : memref<1x125xi32, #tpu.memory_space<vmem>> -> memref<125xi32, #tpu.memory_space<vmem>>
            %dma_wait3A_389 = arith.constant 0 : i32
            %dma_wait3A_390 = arith.constant 0 : i32
            %dma_wait3A_391 = tpu.memref_slice %arg10[%dma_wait3A_389, %dma_wait3A_390] : memref<10000x64xf32, #tpu.memory_space<vmem_shared>> -> memref<10000x64xf32, #tpu.memory_space<vmem_shared>>
            %dma_wait3A_392 = tpu.memref_slice %arg12[%dma_wait3A_381] : memref<5x!tpu.dma_semaphore, #tpu.memory_space<semaphore_mem>> -> memref<1x!tpu.dma_semaphore, #tpu.memory_space<semaphore_mem>>
            %dma_wait3A_393 = tpu.memref_squeeze %dma_wait3A_392 : memref<1x!tpu.dma_semaphore, #tpu.memory_space<semaphore_mem>> -> memref<!tpu.dma_semaphore, #tpu.memory_space<semaphore_mem>>
            tpu.wait_indirect_dma semaphore(%dma_wait3A_393 : memref<!tpu.dma_semaphore, #tpu.memory_space<semaphore_mem>>) src(%dma_wait3A_385 : memref<125x64xf32, #tpu.memory_space<vmem>>) dst(%dma_wait3A_391 : memref<10000x64xf32, #tpu.memory_space<vmem_shared>>)
          } else {
          }
          %dma_start3A_365 = arith.constant 0 : i32
          %dma_start3A_366 = arith.constant 0 : i32
          %dma_start3A_367 = arith.constant 0 : i32
          %dma_start3A_368 = arith.constant 0 : i32
          %dma_start3A_369 = tpu.memref_slice %arg9[%dma_start3A_365, %dma_start3A_367, %dma_start3A_368] : memref<5x125x64xf32, #tpu.memory_space<vmem>> -> memref<1x125x64xf32, #tpu.memory_space<vmem>>
          %dma_start3A_370 = tpu.memref_squeeze %dma_start3A_369 : memref<1x125x64xf32, #tpu.memory_space<vmem>> -> memref<125x64xf32, #tpu.memory_space<vmem>>
          %dma_start3A_371 = arith.constant 0 : i32
          %dma_start3A_372 = tpu.memref_slice %arg7[%add3A_310, %dma_start3A_371] : memref<160x125xi32, #tpu.memory_space<vmem>> -> memref<1x125xi32, #tpu.memory_space<vmem>>
          %dma_start3A_373 = tpu.memref_squeeze %dma_start3A_372 : memref<1x125xi32, #tpu.memory_space<vmem>> -> memref<125xi32, #tpu.memory_space<vmem>>
          %dma_start3A_374 = arith.constant 0 : i32
          %dma_start3A_375 = arith.constant 0 : i32
          %dma_start3A_376 = tpu.memref_slice %arg3[%dma_start3A_374, %dma_start3A_375] : memref<10000x64xf32, #tpu.memory_space<hbm>> -> memref<10000x64xf32, #tpu.memory_space<hbm>>
          %dma_start3A_377 = tpu.memref_slice %arg11[%dma_start3A_366] : memref<5x!tpu.dma_semaphore, #tpu.memory_space<semaphore_mem>> -> memref<1x!tpu.dma_semaphore, #tpu.memory_space<semaphore_mem>>
          %dma_start3A_378 = tpu.memref_squeeze %dma_start3A_377 : memref<1x!tpu.dma_semaphore, #tpu.memory_space<semaphore_mem>> -> memref<!tpu.dma_semaphore, #tpu.memory_space<semaphore_mem>>
          tpu.enqueue_indirect_dma source(%dma_start3A_376 : memref<10000x64xf32, #tpu.memory_space<hbm>>) target(%dma_start3A_370 : memref<125x64xf32, #tpu.memory_space<vmem>>) offsets(%dma_start3A_373 : memref<125xi32, #tpu.memory_space<vmem>>) semaphore(%dma_start3A_378 : memref<!tpu.dma_semaphore, #tpu.memory_space<semaphore_mem>>)
        } else {
        }
        %mul3A_316 = arith.constant 5 : i32
        %mul3A_317 = arith.muli %mul3A_316, %scan3A_140 : i32
        %add3A_318 = arith.constant 4 : i32
        %add3A_319 = arith.addi %mul3A_317, %add3A_318 : i32
        %dma_wait3A_320 = arith.constant 0 : i32
        %dma_wait3A_321 = arith.constant 4 : i32
        %dma_wait3A_322 = arith.constant 4 : i32
        %dma_wait3A_323 = arith.constant 0 : i32
        %dma_wait3A_324 = arith.constant 0 : i32
        %dma_wait3A_325 = tpu.memref_slice %arg9[%dma_wait3A_321, %dma_wait3A_323, %dma_wait3A_324] : memref<5x125x64xf32, #tpu.memory_space<vmem>> -> memref<1x125x64xf32, #tpu.memory_space<vmem>>
        %dma_wait3A_326 = tpu.memref_squeeze %dma_wait3A_325 : memref<1x125x64xf32, #tpu.memory_space<vmem>> -> memref<125x64xf32, #tpu.memory_space<vmem>>
        %dma_wait3A_327 = arith.constant 0 : i32
        %dma_wait3A_328 = tpu.memref_slice %arg7[%dma_wait3A_320, %dma_wait3A_327] : memref<160x125xi32, #tpu.memory_space<vmem>> -> memref<1x125xi32, #tpu.memory_space<vmem>>
        %dma_wait3A_329 = tpu.memref_squeeze %dma_wait3A_328 : memref<1x125xi32, #tpu.memory_space<vmem>> -> memref<125xi32, #tpu.memory_space<vmem>>
        %dma_wait3A_330 = arith.constant 0 : i32
        %dma_wait3A_331 = arith.constant 0 : i32
        %dma_wait3A_332 = tpu.memref_slice %arg3[%dma_wait3A_330, %dma_wait3A_331] : memref<10000x64xf32, #tpu.memory_space<hbm>> -> memref<10000x64xf32, #tpu.memory_space<hbm>>
        %dma_wait3A_333 = tpu.memref_slice %arg11[%dma_wait3A_322] : memref<5x!tpu.dma_semaphore, #tpu.memory_space<semaphore_mem>> -> memref<1x!tpu.dma_semaphore, #tpu.memory_space<semaphore_mem>>
        %dma_wait3A_334 = tpu.memref_squeeze %dma_wait3A_333 : memref<1x!tpu.dma_semaphore, #tpu.memory_space<semaphore_mem>> -> memref<!tpu.dma_semaphore, #tpu.memory_space<semaphore_mem>>
        tpu.wait_indirect_dma semaphore(%dma_wait3A_334 : memref<!tpu.dma_semaphore, #tpu.memory_space<semaphore_mem>>) src(%dma_wait3A_332 : memref<10000x64xf32, #tpu.memory_space<hbm>>) dst(%dma_wait3A_326 : memref<125x64xf32, #tpu.memory_space<vmem>>)
        %dma_start3A_335 = arith.constant 4 : i32
        %dma_start3A_336 = arith.constant 4 : i32
        %dma_start3A_337 = arith.constant 0 : i32
        %dma_start3A_338 = arith.constant 0 : i32
        %dma_start3A_339 = tpu.memref_slice %arg9[%dma_start3A_335, %dma_start3A_337, %dma_start3A_338] : memref<5x125x64xf32, #tpu.memory_space<vmem>> -> memref<1x125x64xf32, #tpu.memory_space<vmem>>
        %dma_start3A_340 = tpu.memref_squeeze %dma_start3A_339 : memref<1x125x64xf32, #tpu.memory_space<vmem>> -> memref<125x64xf32, #tpu.memory_space<vmem>>
        %dma_start3A_341 = arith.constant 0 : i32
        %dma_start3A_342 = tpu.memref_slice %arg8[%add3A_319, %dma_start3A_341] : memref<160x125xi32, #tpu.memory_space<vmem>> -> memref<1x125xi32, #tpu.memory_space<vmem>>
        %dma_start3A_343 = tpu.memref_squeeze %dma_start3A_342 : memref<1x125xi32, #tpu.memory_space<vmem>> -> memref<125xi32, #tpu.memory_space<vmem>>
        %dma_start3A_344 = arith.constant 0 : i32
        %dma_start3A_345 = arith.constant 0 : i32
        %dma_start3A_346 = tpu.memref_slice %arg10[%dma_start3A_344, %dma_start3A_345] : memref<10000x64xf32, #tpu.memory_space<vmem_shared>> -> memref<10000x64xf32, #tpu.memory_space<vmem_shared>>
        %dma_start3A_347 = tpu.memref_slice %arg12[%dma_start3A_336] : memref<5x!tpu.dma_semaphore, #tpu.memory_space<semaphore_mem>> -> memref<1x!tpu.dma_semaphore, #tpu.memory_space<semaphore_mem>>
        %dma_start3A_348 = tpu.memref_squeeze %dma_start3A_347 : memref<1x!tpu.dma_semaphore, #tpu.memory_space<semaphore_mem>> -> memref<!tpu.dma_semaphore, #tpu.memory_space<semaphore_mem>>
        tpu.enqueue_indirect_dma source(%dma_start3A_340 : memref<125x64xf32, #tpu.memory_space<vmem>>) target(%dma_start3A_346 : memref<10000x64xf32, #tpu.memory_space<vmem_shared>>) offsets(%dma_start3A_343 : memref<125xi32, #tpu.memory_space<vmem>>) semaphore(%dma_start3A_348 : memref<!tpu.dma_semaphore, #tpu.memory_space<semaphore_mem>>) {add = true}
        %add3A_349 = arith.constant 2 : i32
        %add3A_350 = arith.addi %add3A_319, %add3A_349 : i32
        %sub3A_351 = arith.constant 5 : i32
        %sub3A_352 = arith.subi %add3A_350, %sub3A_351 : i32
        %add3A_353 = arith.constant 2 : i32
        %add3A_354 = arith.addi %add3A_319, %add3A_353 : i32
        %lt3A_355 = arith.constant 160 : i32
        %lt3A_356 = arith.cmpi slt, %add3A_354, %lt3A_355 : i32
        %convert_element_type3A_357 = arith.extui %lt3A_356 : i1 to i32
        %cond3A_358 = arith.constant 0 : i32
        %cond3A_359 = arith.cmpi ne, %convert_element_type3A_357, %cond3A_358 : i32
        scf.if %cond3A_359 {
          %ge3A = arith.constant 0 : i32
          %ge3A_361 = arith.cmpi sge, %sub3A_352, %ge3A : i32
          %convert_element_type3A_362 = arith.extui %ge3A_361 : i1 to i32
          %cond3A_363 = arith.constant 0 : i32
          %cond3A_364 = arith.cmpi ne, %convert_element_type3A_362, %cond3A_363 : i32
          scf.if %cond3A_364 {
            %dma_wait3A_379 = arith.constant 1 : i32
            %dma_wait3A_380 = arith.constant 0 : i32
            %dma_wait3A_381 = arith.constant 1 : i32
            %dma_wait3A_382 = arith.constant 0 : i32
            %dma_wait3A_383 = arith.constant 0 : i32
            %dma_wait3A_384 = tpu.memref_slice %arg9[%dma_wait3A_379, %dma_wait3A_382, %dma_wait3A_383] : memref<5x125x64xf32, #tpu.memory_space<vmem>> -> memref<1x125x64xf32, #tpu.memory_space<vmem>>
            %dma_wait3A_385 = tpu.memref_squeeze %dma_wait3A_384 : memref<1x125x64xf32, #tpu.memory_space<vmem>> -> memref<125x64xf32, #tpu.memory_space<vmem>>
            %dma_wait3A_386 = arith.constant 0 : i32
            %dma_wait3A_387 = tpu.memref_slice %arg8[%dma_wait3A_380, %dma_wait3A_386] : memref<160x125xi32, #tpu.memory_space<vmem>> -> memref<1x125xi32, #tpu.memory_space<vmem>>
            %dma_wait3A_388 = tpu.memref_squeeze %dma_wait3A_387 : memref<1x125xi32, #tpu.memory_space<vmem>> -> memref<125xi32, #tpu.memory_space<vmem>>
            %dma_wait3A_389 = arith.constant 0 : i32
            %dma_wait3A_390 = arith.constant 0 : i32
            %dma_wait3A_391 = tpu.memref_slice %arg10[%dma_wait3A_389, %dma_wait3A_390] : memref<10000x64xf32, #tpu.memory_space<vmem_shared>> -> memref<10000x64xf32, #tpu.memory_space<vmem_shared>>
            %dma_wait3A_392 = tpu.memref_slice %arg12[%dma_wait3A_381] : memref<5x!tpu.dma_semaphore, #tpu.memory_space<semaphore_mem>> -> memref<1x!tpu.dma_semaphore, #tpu.memory_space<semaphore_mem>>
            %dma_wait3A_393 = tpu.memref_squeeze %dma_wait3A_392 : memref<1x!tpu.dma_semaphore, #tpu.memory_space<semaphore_mem>> -> memref<!tpu.dma_semaphore, #tpu.memory_space<semaphore_mem>>
            tpu.wait_indirect_dma semaphore(%dma_wait3A_393 : memref<!tpu.dma_semaphore, #tpu.memory_space<semaphore_mem>>) src(%dma_wait3A_385 : memref<125x64xf32, #tpu.memory_space<vmem>>) dst(%dma_wait3A_391 : memref<10000x64xf32, #tpu.memory_space<vmem_shared>>)
          } else {
          }
          %dma_start3A_365 = arith.constant 1 : i32
          %dma_start3A_366 = arith.constant 1 : i32
          %dma_start3A_367 = arith.constant 0 : i32
          %dma_start3A_368 = arith.constant 0 : i32
          %dma_start3A_369 = tpu.memref_slice %arg9[%dma_start3A_365, %dma_start3A_367, %dma_start3A_368] : memref<5x125x64xf32, #tpu.memory_space<vmem>> -> memref<1x125x64xf32, #tpu.memory_space<vmem>>
          %dma_start3A_370 = tpu.memref_squeeze %dma_start3A_369 : memref<1x125x64xf32, #tpu.memory_space<vmem>> -> memref<125x64xf32, #tpu.memory_space<vmem>>
          %dma_start3A_371 = arith.constant 0 : i32
          %dma_start3A_372 = tpu.memref_slice %arg7[%add3A_354, %dma_start3A_371] : memref<160x125xi32, #tpu.memory_space<vmem>> -> memref<1x125xi32, #tpu.memory_space<vmem>>
          %dma_start3A_373 = tpu.memref_squeeze %dma_start3A_372 : memref<1x125xi32, #tpu.memory_space<vmem>> -> memref<125xi32, #tpu.memory_space<vmem>>
          %dma_start3A_374 = arith.constant 0 : i32
          %dma_start3A_375 = arith.constant 0 : i32
          %dma_start3A_376 = tpu.memref_slice %arg3[%dma_start3A_374, %dma_start3A_375] : memref<10000x64xf32, #tpu.memory_space<hbm>> -> memref<10000x64xf32, #tpu.memory_space<hbm>>
          %dma_start3A_377 = tpu.memref_slice %arg11[%dma_start3A_366] : memref<5x!tpu.dma_semaphore, #tpu.memory_space<semaphore_mem>> -> memref<1x!tpu.dma_semaphore, #tpu.memory_space<semaphore_mem>>
          %dma_start3A_378 = tpu.memref_squeeze %dma_start3A_377 : memref<1x!tpu.dma_semaphore, #tpu.memory_space<semaphore_mem>> -> memref<!tpu.dma_semaphore, #tpu.memory_space<semaphore_mem>>
          tpu.enqueue_indirect_dma source(%dma_start3A_376 : memref<10000x64xf32, #tpu.memory_space<hbm>>) target(%dma_start3A_370 : memref<125x64xf32, #tpu.memory_space<vmem>>) offsets(%dma_start3A_373 : memref<125xi32, #tpu.memory_space<vmem>>) semaphore(%dma_start3A_378 : memref<!tpu.dma_semaphore, #tpu.memory_space<semaphore_mem>>)
        } else {
        }
        %scan3A_360 = arith.constant 0 : i32
        scf.yield %scan3A_360 : i32
      }
      %scan3A_52 = arith.constant 32 : i32
      %dma_wait3A = arith.constant 0 : i32
      %dma_wait3A_53 = arith.constant 0 : i32
      %dma_wait3A_54 = arith.constant 0 : i32
      %dma_wait3A_55 = arith.constant 0 : i32
      %dma_wait3A_56 = arith.constant 0 : i32
      %dma_wait3A_57 = tpu.memref_slice %arg9[%dma_wait3A, %dma_wait3A_55, %dma_wait3A_56] : memref<5x125x64xf32, #tpu.memory_space<vmem>> -> memref<1x125x64xf32, #tpu.memory_space<vmem>>
      %dma_wait3A_58 = tpu.memref_squeeze %dma_wait3A_57 : memref<1x125x64xf32, #tpu.memory_space<vmem>> -> memref<125x64xf32, #tpu.memory_space<vmem>>
      %dma_wait3A_59 = arith.constant 0 : i32
      %dma_wait3A_60 = tpu.memref_slice %arg8[%dma_wait3A_53, %dma_wait3A_59] : memref<160x125xi32, #tpu.memory_space<vmem>> -> memref<1x125xi32, #tpu.memory_space<vmem>>
      %dma_wait3A_61 = tpu.memref_squeeze %dma_wait3A_60 : memref<1x125xi32, #tpu.memory_space<vmem>> -> memref<125xi32, #tpu.memory_space<vmem>>
      %dma_wait3A_62 = arith.constant 0 : i32
      %dma_wait3A_63 = arith.constant 0 : i32
      %dma_wait3A_64 = tpu.memref_slice %arg10[%dma_wait3A_62, %dma_wait3A_63] : memref<10000x64xf32, #tpu.memory_space<vmem_shared>> -> memref<10000x64xf32, #tpu.memory_space<vmem_shared>>
      %dma_wait3A_65 = tpu.memref_slice %arg12[%dma_wait3A_54] : memref<5x!tpu.dma_semaphore, #tpu.memory_space<semaphore_mem>> -> memref<1x!tpu.dma_semaphore, #tpu.memory_space<semaphore_mem>>
      %dma_wait3A_66 = tpu.memref_squeeze %dma_wait3A_65 : memref<1x!tpu.dma_semaphore, #tpu.memory_space<semaphore_mem>> -> memref<!tpu.dma_semaphore, #tpu.memory_space<semaphore_mem>>
      tpu.wait_indirect_dma semaphore(%dma_wait3A_66 : memref<!tpu.dma_semaphore, #tpu.memory_space<semaphore_mem>>) src(%dma_wait3A_58 : memref<125x64xf32, #tpu.memory_space<vmem>>) dst(%dma_wait3A_64 : memref<10000x64xf32, #tpu.memory_space<vmem_shared>>)
      %dma_wait3A_67 = arith.constant 1 : i32
      %dma_wait3A_68 = arith.constant 0 : i32
      %dma_wait3A_69 = arith.constant 1 : i32
      %dma_wait3A_70 = arith.constant 0 : i32
      %dma_wait3A_71 = arith.constant 0 : i32
      %dma_wait3A_72 = tpu.memref_slice %arg9[%dma_wait3A_67, %dma_wait3A_70, %dma_wait3A_71] : memref<5x125x64xf32, #tpu.memory_space<vmem>> -> memref<1x125x64xf32, #tpu.memory_space<vmem>>
      %dma_wait3A_73 = tpu.memref_squeeze %dma_wait3A_72 : memref<1x125x64xf32, #tpu.memory_space<vmem>> -> memref<125x64xf32, #tpu.memory_space<vmem>>
      %dma_wait3A_74 = arith.constant 0 : i32
      %dma_wait3A_75 = tpu.memref_slice %arg8[%dma_wait3A_68, %dma_wait3A_74] : memref<160x125xi32, #tpu.memory_space<vmem>> -> memref<1x125xi32, #tpu.memory_space<vmem>>
      %dma_wait3A_76 = tpu.memref_squeeze %dma_wait3A_75 : memref<1x125xi32, #tpu.memory_space<vmem>> -> memref<125xi32, #tpu.memory_space<vmem>>
      %dma_wait3A_77 = arith.constant 0 : i32
      %dma_wait3A_78 = arith.constant 0 : i32
      %dma_wait3A_79 = tpu.memref_slice %arg10[%dma_wait3A_77, %dma_wait3A_78] : memref<10000x64xf32, #tpu.memory_space<vmem_shared>> -> memref<10000x64xf32, #tpu.memory_space<vmem_shared>>
      %dma_wait3A_80 = tpu.memref_slice %arg12[%dma_wait3A_69] : memref<5x!tpu.dma_semaphore, #tpu.memory_space<semaphore_mem>> -> memref<1x!tpu.dma_semaphore, #tpu.memory_space<semaphore_mem>>
      %dma_wait3A_81 = tpu.memref_squeeze %dma_wait3A_80 : memref<1x!tpu.dma_semaphore, #tpu.memory_space<semaphore_mem>> -> memref<!tpu.dma_semaphore, #tpu.memory_space<semaphore_mem>>
      tpu.wait_indirect_dma semaphore(%dma_wait3A_81 : memref<!tpu.dma_semaphore, #tpu.memory_space<semaphore_mem>>) src(%dma_wait3A_73 : memref<125x64xf32, #tpu.memory_space<vmem>>) dst(%dma_wait3A_79 : memref<10000x64xf32, #tpu.memory_space<vmem_shared>>)
      %dma_wait3A_82 = arith.constant 2 : i32
      %dma_wait3A_83 = arith.constant 0 : i32
      %dma_wait3A_84 = arith.constant 2 : i32
      %dma_wait3A_85 = arith.constant 0 : i32
      %dma_wait3A_86 = arith.constant 0 : i32
      %dma_wait3A_87 = tpu.memref_slice %arg9[%dma_wait3A_82, %dma_wait3A_85, %dma_wait3A_86] : memref<5x125x64xf32, #tpu.memory_space<vmem>> -> memref<1x125x64xf32, #tpu.memory_space<vmem>>
      %dma_wait3A_88 = tpu.memref_squeeze %dma_wait3A_87 : memref<1x125x64xf32, #tpu.memory_space<vmem>> -> memref<125x64xf32, #tpu.memory_space<vmem>>
      %dma_wait3A_89 = arith.constant 0 : i32
      %dma_wait3A_90 = tpu.memref_slice %arg8[%dma_wait3A_83, %dma_wait3A_89] : memref<160x125xi32, #tpu.memory_space<vmem>> -> memref<1x125xi32, #tpu.memory_space<vmem>>
      %dma_wait3A_91 = tpu.memref_squeeze %dma_wait3A_90 : memref<1x125xi32, #tpu.memory_space<vmem>> -> memref<125xi32, #tpu.memory_space<vmem>>
      %dma_wait3A_92 = arith.constant 0 : i32
      %dma_wait3A_93 = arith.constant 0 : i32
      %dma_wait3A_94 = tpu.memref_slice %arg10[%dma_wait3A_92, %dma_wait3A_93] : memref<10000x64xf32, #tpu.memory_space<vmem_shared>> -> memref<10000x64xf32, #tpu.memory_space<vmem_shared>>
      %dma_wait3A_95 = tpu.memref_slice %arg12[%dma_wait3A_84] : memref<5x!tpu.dma_semaphore, #tpu.memory_space<semaphore_mem>> -> memref<1x!tpu.dma_semaphore, #tpu.memory_space<semaphore_mem>>
      %dma_wait3A_96 = tpu.memref_squeeze %dma_wait3A_95 : memref<1x!tpu.dma_semaphore, #tpu.memory_space<semaphore_mem>> -> memref<!tpu.dma_semaphore, #tpu.memory_space<semaphore_mem>>
      tpu.wait_indirect_dma semaphore(%dma_wait3A_96 : memref<!tpu.dma_semaphore, #tpu.memory_space<semaphore_mem>>) src(%dma_wait3A_88 : memref<125x64xf32, #tpu.memory_space<vmem>>) dst(%dma_wait3A_94 : memref<10000x64xf32, #tpu.memory_space<vmem_shared>>)
      %dma_wait3A_97 = arith.constant 3 : i32
      %dma_wait3A_98 = arith.constant 0 : i32
      %dma_wait3A_99 = arith.constant 3 : i32
      %dma_wait3A_100 = arith.constant 0 : i32
      %dma_wait3A_101 = arith.constant 0 : i32
      %dma_wait3A_102 = tpu.memref_slice %arg9[%dma_wait3A_97, %dma_wait3A_100, %dma_wait3A_101] : memref<5x125x64xf32, #tpu.memory_space<vmem>> -> memref<1x125x64xf32, #tpu.memory_space<vmem>>
      %dma_wait3A_103 = tpu.memref_squeeze %dma_wait3A_102 : memref<1x125x64xf32, #tpu.memory_space<vmem>> -> memref<125x64xf32, #tpu.memory_space<vmem>>
      %dma_wait3A_104 = arith.constant 0 : i32
      %dma_wait3A_105 = tpu.memref_slice %arg8[%dma_wait3A_98, %dma_wait3A_104] : memref<160x125xi32, #tpu.memory_space<vmem>> -> memref<1x125xi32, #tpu.memory_space<vmem>>
      %dma_wait3A_106 = tpu.memref_squeeze %dma_wait3A_105 : memref<1x125xi32, #tpu.memory_space<vmem>> -> memref<125xi32, #tpu.memory_space<vmem>>
      %dma_wait3A_107 = arith.constant 0 : i32
      %dma_wait3A_108 = arith.constant 0 : i32
      %dma_wait3A_109 = tpu.memref_slice %arg10[%dma_wait3A_107, %dma_wait3A_108] : memref<10000x64xf32, #tpu.memory_space<vmem_shared>> -> memref<10000x64xf32, #tpu.memory_space<vmem_shared>>
      %dma_wait3A_110 = tpu.memref_slice %arg12[%dma_wait3A_99] : memref<5x!tpu.dma_semaphore, #tpu.memory_space<semaphore_mem>> -> memref<1x!tpu.dma_semaphore, #tpu.memory_space<semaphore_mem>>
      %dma_wait3A_111 = tpu.memref_squeeze %dma_wait3A_110 : memref<1x!tpu.dma_semaphore, #tpu.memory_space<semaphore_mem>> -> memref<!tpu.dma_semaphore, #tpu.memory_space<semaphore_mem>>
      tpu.wait_indirect_dma semaphore(%dma_wait3A_111 : memref<!tpu.dma_semaphore, #tpu.memory_space<semaphore_mem>>) src(%dma_wait3A_103 : memref<125x64xf32, #tpu.memory_space<vmem>>) dst(%dma_wait3A_109 : memref<10000x64xf32, #tpu.memory_space<vmem_shared>>)
      %dma_wait3A_112 = arith.constant 4 : i32
      %dma_wait3A_113 = arith.constant 0 : i32
      %dma_wait3A_114 = arith.constant 4 : i32
      %dma_wait3A_115 = arith.constant 0 : i32
      %dma_wait3A_116 = arith.constant 0 : i32
      %dma_wait3A_117 = tpu.memref_slice %arg9[%dma_wait3A_112, %dma_wait3A_115, %dma_wait3A_116] : memref<5x125x64xf32, #tpu.memory_space<vmem>> -> memref<1x125x64xf32, #tpu.memory_space<vmem>>
      %dma_wait3A_118 = tpu.memref_squeeze %dma_wait3A_117 : memref<1x125x64xf32, #tpu.memory_space<vmem>> -> memref<125x64xf32, #tpu.memory_space<vmem>>
      %dma_wait3A_119 = arith.constant 0 : i32
      %dma_wait3A_120 = tpu.memref_slice %arg8[%dma_wait3A_113, %dma_wait3A_119] : memref<160x125xi32, #tpu.memory_space<vmem>> -> memref<1x125xi32, #tpu.memory_space<vmem>>
      %dma_wait3A_121 = tpu.memref_squeeze %dma_wait3A_120 : memref<1x125xi32, #tpu.memory_space<vmem>> -> memref<125xi32, #tpu.memory_space<vmem>>
      %dma_wait3A_122 = arith.constant 0 : i32
      %dma_wait3A_123 = arith.constant 0 : i32
      %dma_wait3A_124 = tpu.memref_slice %arg10[%dma_wait3A_122, %dma_wait3A_123] : memref<10000x64xf32, #tpu.memory_space<vmem_shared>> -> memref<10000x64xf32, #tpu.memory_space<vmem_shared>>
      %dma_wait3A_125 = tpu.memref_slice %arg12[%dma_wait3A_114] : memref<5x!tpu.dma_semaphore, #tpu.memory_space<semaphore_mem>> -> memref<1x!tpu.dma_semaphore, #tpu.memory_space<semaphore_mem>>
      %dma_wait3A_126 = tpu.memref_squeeze %dma_wait3A_125 : memref<1x!tpu.dma_semaphore, #tpu.memory_space<semaphore_mem>> -> memref<!tpu.dma_semaphore, #tpu.memory_space<semaphore_mem>>
      tpu.wait_indirect_dma semaphore(%dma_wait3A_126 : memref<!tpu.dma_semaphore, #tpu.memory_space<semaphore_mem>>) src(%dma_wait3A_118 : memref<125x64xf32, #tpu.memory_space<vmem>>) dst(%dma_wait3A_124 : memref<10000x64xf32, #tpu.memory_space<vmem_shared>>)
      %barrier3A_127 = arith.constant 0 : index
      tpu.barrier barrier_id(%barrier3A_127)
      %mul3A_128 = arith.constant 632 : i32
      %mul3A_129 = arith.muli %arg1, %mul3A_128 : i32
      %lt3A_130 = arith.constant 15 : i32
      %lt3A_131 = arith.cmpi slt, %arg1, %lt3A_130 : i32
      %convert_element_type3A_132 = arith.extui %lt3A_131 : i1 to i32
      %cond3A_133 = arith.constant 0 : i32
      %cond3A_134 = arith.cmpi ne, %convert_element_type3A_132, %cond3A_133 : i32
      scf.if %cond3A_134 {
        "tpu.region"() ({
          %run_scoped3A_140 = tpu.sem_alloc : memref<!tpu.dma_semaphore, #tpu.memory_space<semaphore_mem>>
          %dma_start3A_141 = arith.constant 0 : i32
          %dma_start3A_142 = tpu.memref_slice %arg6[%mul3A_129, %dma_start3A_141] : memref<10000x64xf32, #tpu.memory_space<hbm>> -> memref<632x64xf32, #tpu.memory_space<hbm>>
          %dma_start3A_143 = arith.constant 0 : i32
          %dma_start3A_144 = tpu.memref_slice %arg10[%mul3A_129, %dma_start3A_143] : memref<10000x64xf32, #tpu.memory_space<vmem_shared>> -> memref<632x64xf32, #tpu.memory_space<vmem_shared>>
          tpu.enqueue_dma source(%dma_start3A_144 : memref<632x64xf32, #tpu.memory_space<vmem_shared>>) target(%dma_start3A_142 : memref<632x64xf32, #tpu.memory_space<hbm>>) target_semaphore(%run_scoped3A_140 : memref<!tpu.dma_semaphore, #tpu.memory_space<semaphore_mem>>)
          %dma_wait3A_145 = arith.constant 0 : i32
          %dma_wait3A_146 = tpu.memref_slice %arg6[%mul3A_129, %dma_wait3A_145] : memref<10000x64xf32, #tpu.memory_space<hbm>> -> memref<632x64xf32, #tpu.memory_space<hbm>>
          %dma_wait3A_147 = arith.constant 0 : i32
          %dma_wait3A_148 = tpu.memref_slice %arg10[%mul3A_129, %dma_wait3A_147] : memref<10000x64xf32, #tpu.memory_space<vmem_shared>> -> memref<632x64xf32, #tpu.memory_space<vmem_shared>>
          tpu.wait_dma2 semaphore(%run_scoped3A_140 : memref<!tpu.dma_semaphore, #tpu.memory_space<semaphore_mem>>) src(%dma_wait3A_148 : memref<632x64xf32, #tpu.memory_space<vmem_shared>>) dst(%dma_wait3A_146 : memref<632x64xf32, #tpu.memory_space<hbm>>)
          tpu.yield
        }) : () -> ()
      } else {
      }
      %eq3A_135 = arith.constant 15 : i32
      %eq3A_136 = arith.cmpi eq, %arg1, %eq3A_135 : i32
      %convert_element_type3A_137 = arith.extui %eq3A_136 : i1 to i32
      %cond3A_138 = arith.constant 0 : i32
      %cond3A_139 = arith.cmpi ne, %convert_element_type3A_137, %cond3A_138 : i32
      scf.if %cond3A_139 {
        "tpu.region"() ({
          %run_scoped3A_140 = tpu.sem_alloc : memref<!tpu.dma_semaphore, #tpu.memory_space<semaphore_mem>>
          %dma_start3A_141 = arith.constant 0 : i32
          %dma_start3A_142 = tpu.memref_slice %arg6[%mul3A_129, %dma_start3A_141] : memref<10000x64xf32, #tpu.memory_space<hbm>> -> memref<520x64xf32, #tpu.memory_space<hbm>>
          %dma_start3A_143 = arith.constant 0 : i32
          %dma_start3A_144 = tpu.memref_slice %arg10[%mul3A_129, %dma_start3A_143] : memref<10000x64xf32, #tpu.memory_space<vmem_shared>> -> memref<520x64xf32, #tpu.memory_space<vmem_shared>>
          tpu.enqueue_dma source(%dma_start3A_144 : memref<520x64xf32, #tpu.memory_space<vmem_shared>>) target(%dma_start3A_142 : memref<520x64xf32, #tpu.memory_space<hbm>>) target_semaphore(%run_scoped3A_140 : memref<!tpu.dma_semaphore, #tpu.memory_space<semaphore_mem>>)
          %dma_wait3A_145 = arith.constant 0 : i32
          %dma_wait3A_146 = tpu.memref_slice %arg6[%mul3A_129, %dma_wait3A_145] : memref<10000x64xf32, #tpu.memory_space<hbm>> -> memref<520x64xf32, #tpu.memory_space<hbm>>
          %dma_wait3A_147 = arith.constant 0 : i32
          %dma_wait3A_148 = tpu.memref_slice %arg10[%mul3A_129, %dma_wait3A_147] : memref<10000x64xf32, #tpu.memory_space<vmem_shared>> -> memref<520x64xf32, #tpu.memory_space<vmem_shared>>
          tpu.wait_dma2 semaphore(%run_scoped3A_140 : memref<!tpu.dma_semaphore, #tpu.memory_space<semaphore_mem>>) src(%dma_wait3A_148 : memref<520x64xf32, #tpu.memory_space<vmem_shared>>) dst(%dma_wait3A_146 : memref<520x64xf32, #tpu.memory_space<hbm>>)
          tpu.yield
        }) : () -> ()
      } else {
      }
    } else {
    }
    return
  }
}

#map = affine_map<(d0, d1) -> (0, 0)>
#map1 = affine_map<(d0, d1) -> (0, 0, 0, 0)>
module attributes {stable_mosaic.version = 14 : i64} {
  func.func @_spmm_sc(%arg0: i32, %arg1: i32, %arg2: memref<10000x64xf32, #tpu.memory_space<hbm>>, %arg3: memref<10000x64xf32, #tpu.memory_space<hbm>>, %arg4: memref<2x16x160x125xi32, #tpu.memory_space<hbm>>, %arg5: memref<10000x64xf32, #tpu.memory_space<hbm>>, %arg6: memref<10000x64xf32, #tpu.memory_space<hbm>>, %arg7: memref<160x125xi32, #tpu.memory_space<vmem>>, %arg8: memref<160x125xi32, #tpu.memory_space<vmem>>, %arg9: memref<5x125x64xf32, #tpu.memory_space<vmem>>, %arg10: memref<10000x64xf32, #tpu.memory_space<vmem_shared>>, %arg11: memref<5x!tpu.dma_semaphore, #tpu.memory_space<semaphore_mem>>, %arg12: memref<5x!tpu.dma_semaphore, #tpu.memory_space<semaphore_mem>>) attributes {dimension_semantics = [#tpu.dimension_semantics<core_parallel>, #tpu.dimension_semantics<subcore_parallel>], iteration_bounds = array<i64: 2, 16>, scalar_prefetch = 0 : i64, scratch_operands = 6 : i64, tpu.core_type = #tpu.core_type<sc_vector_subcore>, window_params = [{transform_indices = #map}, {transform_indices = #map}, {transform_indices = #map1}, {transform_indices = #map}, {transform_indices = #map}]} {
    %run_scoped3A = arith.constant 0 : i32
    "tpu.region"() ({
      %run_scoped3A_8 = tpu.sem_alloc : memref<!tpu.dma_semaphore, #tpu.memory_space<semaphore_mem>>
      %dma_start3A = arith.constant 0 : i32
      %dma_start3A_9 = arith.constant 0 : i32
      %dma_start3A_10 = tpu.memref_slice %arg4[%run_scoped3A, %arg1, %dma_start3A, %dma_start3A_9] : memref<2x16x160x125xi32, #tpu.memory_space<hbm>> -> memref<1x1x160x125xi32, #tpu.memory_space<hbm>>
      %dma_start3A_11 = tpu.memref_squeeze %dma_start3A_10 : memref<1x1x160x125xi32, #tpu.memory_space<hbm>> -> memref<160x125xi32, #tpu.memory_space<hbm>>
      %dma_start3A_12 = arith.constant 0 : i32
      %dma_start3A_13 = arith.constant 0 : i32
      %dma_start3A_14 = tpu.memref_slice %arg4[%run_scoped3A, %arg1, %dma_start3A_12, %dma_start3A_13] : memref<2x16x160x125xi32, #tpu.memory_space<hbm>> -> memref<1x1x160x125xi32, #tpu.memory_space<hbm>>
      %dma_start3A_15 = tpu.memref_squeeze %dma_start3A_14 : memref<1x1x160x125xi32, #tpu.memory_space<hbm>> -> memref<160x125xi32, #tpu.memory_space<hbm>>
      tpu.enqueue_dma source(%dma_start3A_15 : memref<160x125xi32, #tpu.memory_space<hbm>>) target(%arg7 : memref<160x125xi32, #tpu.memory_space<vmem>>) target_semaphore(%run_scoped3A_8 : memref<!tpu.dma_semaphore, #tpu.memory_space<semaphore_mem>>)
      %dma_wait3A = arith.constant 0 : i32
      %dma_wait3A_16 = arith.constant 0 : i32
      %dma_wait3A_17 = tpu.memref_slice %arg4[%run_scoped3A, %arg1, %dma_wait3A, %dma_wait3A_16] : memref<2x16x160x125xi32, #tpu.memory_space<hbm>> -> memref<1x1x160x125xi32, #tpu.memory_space<hbm>>
      %dma_wait3A_18 = tpu.memref_squeeze %dma_wait3A_17 : memref<1x1x160x125xi32, #tpu.memory_space<hbm>> -> memref<160x125xi32, #tpu.memory_space<hbm>>
      %dma_wait3A_19 = arith.constant 0 : i32
      %dma_wait3A_20 = arith.constant 0 : i32
      %dma_wait3A_21 = tpu.memref_slice %arg4[%run_scoped3A, %arg1, %dma_wait3A_19, %dma_wait3A_20] : memref<2x16x160x125xi32, #tpu.memory_space<hbm>> -> memref<1x1x160x125xi32, #tpu.memory_space<hbm>>
      %dma_wait3A_22 = tpu.memref_squeeze %dma_wait3A_21 : memref<1x1x160x125xi32, #tpu.memory_space<hbm>> -> memref<160x125xi32, #tpu.memory_space<hbm>>
      tpu.wait_dma2 semaphore(%run_scoped3A_8 : memref<!tpu.dma_semaphore, #tpu.memory_space<semaphore_mem>>) src(%dma_wait3A_22 : memref<160x125xi32, #tpu.memory_space<hbm>>) dst(%arg7 : memref<160x125xi32, #tpu.memory_space<vmem>>)
      tpu.yield
    }) : () -> ()
    %run_scoped3A_0 = arith.constant 1 : i32
    "tpu.region"() ({
      %run_scoped3A_8 = tpu.sem_alloc : memref<!tpu.dma_semaphore, #tpu.memory_space<semaphore_mem>>
      %dma_start3A = arith.constant 0 : i32
      %dma_start3A_9 = arith.constant 0 : i32
      %dma_start3A_10 = tpu.memref_slice %arg4[%run_scoped3A_0, %arg1, %dma_start3A, %dma_start3A_9] : memref<2x16x160x125xi32, #tpu.memory_space<hbm>> -> memref<1x1x160x125xi32, #tpu.memory_space<hbm>>
      %dma_start3A_11 = tpu.memref_squeeze %dma_start3A_10 : memref<1x1x160x125xi32, #tpu.memory_space<hbm>> -> memref<160x125xi32, #tpu.memory_space<hbm>>
      %dma_start3A_12 = arith.constant 0 : i32
      %dma_start3A_13 = arith.constant 0 : i32
      %dma_start3A_14 = tpu.memref_slice %arg4[%run_scoped3A_0, %arg1, %dma_start3A_12, %dma_start3A_13] : memref<2x16x160x125xi32, #tpu.memory_space<hbm>> -> memref<1x1x160x125xi32, #tpu.memory_space<hbm>>
      %dma_start3A_15 = tpu.memref_squeeze %dma_start3A_14 : memref<1x1x160x125xi32, #tpu.memory_space<hbm>> -> memref<160x125xi32, #tpu.memory_space<hbm>>
      tpu.enqueue_dma source(%dma_start3A_15 : memref<160x125xi32, #tpu.memory_space<hbm>>) target(%arg8 : memref<160x125xi32, #tpu.memory_space<vmem>>) target_semaphore(%run_scoped3A_8 : memref<!tpu.dma_semaphore, #tpu.memory_space<semaphore_mem>>)
      %dma_wait3A = arith.constant 0 : i32
      %dma_wait3A_16 = arith.constant 0 : i32
      %dma_wait3A_17 = tpu.memref_slice %arg4[%run_scoped3A_0, %arg1, %dma_wait3A, %dma_wait3A_16] : memref<2x16x160x125xi32, #tpu.memory_space<hbm>> -> memref<1x1x160x125xi32, #tpu.memory_space<hbm>>
      %dma_wait3A_18 = tpu.memref_squeeze %dma_wait3A_17 : memref<1x1x160x125xi32, #tpu.memory_space<hbm>> -> memref<160x125xi32, #tpu.memory_space<hbm>>
      %dma_wait3A_19 = arith.constant 0 : i32
      %dma_wait3A_20 = arith.constant 0 : i32
      %dma_wait3A_21 = tpu.memref_slice %arg4[%run_scoped3A_0, %arg1, %dma_wait3A_19, %dma_wait3A_20] : memref<2x16x160x125xi32, #tpu.memory_space<hbm>> -> memref<1x1x160x125xi32, #tpu.memory_space<hbm>>
      %dma_wait3A_22 = tpu.memref_squeeze %dma_wait3A_21 : memref<1x1x160x125xi32, #tpu.memory_space<hbm>> -> memref<160x125xi32, #tpu.memory_space<hbm>>
      tpu.wait_dma2 semaphore(%run_scoped3A_8 : memref<!tpu.dma_semaphore, #tpu.memory_space<semaphore_mem>>) src(%dma_wait3A_22 : memref<160x125xi32, #tpu.memory_space<hbm>>) dst(%arg8 : memref<160x125xi32, #tpu.memory_space<vmem>>)
      tpu.yield
    }) : () -> ()
    %eq3A = arith.constant 0 : i32
    %eq3A_1 = arith.cmpi eq, %arg0, %eq3A : i32
    %convert_element_type3A = arith.extui %eq3A_1 : i1 to i32
    %cond3A = arith.constant 0 : i32
    %cond3A_2 = arith.cmpi ne, %convert_element_type3A, %cond3A : i32
    scf.if %cond3A_2 {
      %mul3A = arith.constant 632 : i32
      %mul3A_8 = arith.muli %arg1, %mul3A : i32
      %lt3A = arith.constant 15 : i32
      %lt3A_9 = arith.cmpi slt, %arg1, %lt3A : i32
      %convert_element_type3A_10 = arith.extui %lt3A_9 : i1 to i32
      %cond3A_11 = arith.constant 0 : i32
      %cond3A_12 = arith.cmpi ne, %convert_element_type3A_10, %cond3A_11 : i32
      scf.if %cond3A_12 {
        "tpu.region"() ({
          %run_scoped3A_140 = tpu.sem_alloc : memref<!tpu.dma_semaphore, #tpu.memory_space<semaphore_mem>>
          %dma_start3A_141 = arith.constant 0 : i32
          %dma_start3A_142 = tpu.memref_slice %arg10[%mul3A_8, %dma_start3A_141] : memref<10000x64xf32, #tpu.memory_space<vmem_shared>> -> memref<632x64xf32, #tpu.memory_space<vmem_shared>>
          %dma_start3A_143 = arith.constant 0 : i32
          %dma_start3A_144 = tpu.memref_slice %arg2[%mul3A_8, %dma_start3A_143] : memref<10000x64xf32, #tpu.memory_space<hbm>> -> memref<632x64xf32, #tpu.memory_space<hbm>>
          tpu.enqueue_dma source(%dma_start3A_144 : memref<632x64xf32, #tpu.memory_space<hbm>>) target(%dma_start3A_142 : memref<632x64xf32, #tpu.memory_space<vmem_shared>>) target_semaphore(%run_scoped3A_140 : memref<!tpu.dma_semaphore, #tpu.memory_space<semaphore_mem>>)
          %dma_wait3A_145 = arith.constant 0 : i32
          %dma_wait3A_146 = tpu.memref_slice %arg10[%mul3A_8, %dma_wait3A_145] : memref<10000x64xf32, #tpu.memory_space<vmem_shared>> -> memref<632x64xf32, #tpu.memory_space<vmem_shared>>
          %dma_wait3A_147 = arith.constant 0 : i32
          %dma_wait3A_148 = tpu.memref_slice %arg2[%mul3A_8, %dma_wait3A_147] : memref<10000x64xf32, #tpu.memory_space<hbm>> -> memref<632x64xf32, #tpu.memory_space<hbm>>
          tpu.wait_dma2 semaphore(%run_scoped3A_140 : memref<!tpu.dma_semaphore, #tpu.memory_space<semaphore_mem>>) src(%dma_wait3A_148 : memref<632x64xf32, #tpu.memory_space<hbm>>) dst(%dma_wait3A_146 : memref<632x64xf32, #tpu.memory_space<vmem_shared>>)
          tpu.yield
        }) : () -> ()
      } else {
      }
      %eq3A_13 = arith.constant 15 : i32
      %eq3A_14 = arith.cmpi eq, %arg1, %eq3A_13 : i32
      %convert_element_type3A_15 = arith.extui %eq3A_14 : i1 to i32
      %cond3A_16 = arith.constant 0 : i32
      %cond3A_17 = arith.cmpi ne, %convert_element_type3A_15, %cond3A_16 : i32
      scf.if %cond3A_17 {
        "tpu.region"() ({
          %run_scoped3A_140 = tpu.sem_alloc : memref<!tpu.dma_semaphore, #tpu.memory_space<semaphore_mem>>
          %dma_start3A_141 = arith.constant 0 : i32
          %dma_start3A_142 = tpu.memref_slice %arg10[%mul3A_8, %dma_start3A_141] : memref<10000x64xf32, #tpu.memory_space<vmem_shared>> -> memref<520x64xf32, #tpu.memory_space<vmem_shared>>
          %dma_start3A_143 = arith.constant 0 : i32
          %dma_start3A_144 = tpu.memref_slice %arg2[%mul3A_8, %dma_start3A_143] : memref<10000x64xf32, #tpu.memory_space<hbm>> -> memref<520x64xf32, #tpu.memory_space<hbm>>
          tpu.enqueue_dma source(%dma_start3A_144 : memref<520x64xf32, #tpu.memory_space<hbm>>) target(%dma_start3A_142 : memref<520x64xf32, #tpu.memory_space<vmem_shared>>) target_semaphore(%run_scoped3A_140 : memref<!tpu.dma_semaphore, #tpu.memory_space<semaphore_mem>>)
          %dma_wait3A_145 = arith.constant 0 : i32
          %dma_wait3A_146 = tpu.memref_slice %arg10[%mul3A_8, %dma_wait3A_145] : memref<10000x64xf32, #tpu.memory_space<vmem_shared>> -> memref<520x64xf32, #tpu.memory_space<vmem_shared>>
          %dma_wait3A_147 = arith.constant 0 : i32
          %dma_wait3A_148 = tpu.memref_slice %arg2[%mul3A_8, %dma_wait3A_147] : memref<10000x64xf32, #tpu.memory_space<hbm>> -> memref<520x64xf32, #tpu.memory_space<hbm>>
          tpu.wait_dma2 semaphore(%run_scoped3A_140 : memref<!tpu.dma_semaphore, #tpu.memory_space<semaphore_mem>>) src(%dma_wait3A_148 : memref<520x64xf32, #tpu.memory_space<hbm>>) dst(%dma_wait3A_146 : memref<520x64xf32, #tpu.memory_space<vmem_shared>>)
          tpu.yield
        }) : () -> ()
      } else {
      }
      %barrier3A = arith.constant 0 : index
      tpu.barrier barrier_id(%barrier3A)
      %dma_start3A = arith.constant 0 : i32
      %dma_start3A_18 = arith.constant 0 : i32
      %dma_start3A_19 = arith.constant 0 : i32
      %dma_start3A_20 = arith.constant 0 : i32
      %dma_start3A_21 = arith.constant 0 : i32
      %dma_start3A_22 = tpu.memref_slice %arg9[%dma_start3A_18, %dma_start3A_20, %dma_start3A_21] : memref<5x125x64xf32, #tpu.memory_space<vmem>> -> memref<1x125x64xf32, #tpu.memory_space<vmem>>
      %dma_start3A_23 = tpu.memref_squeeze %dma_start3A_22 : memref<1x125x64xf32, #tpu.memory_space<vmem>> -> memref<125x64xf32, #tpu.memory_space<vmem>>
      %dma_start3A_24 = arith.constant 0 : i32
      %dma_start3A_25 = tpu.memref_slice %arg7[%dma_start3A, %dma_start3A_24] : memref<160x125xi32, #tpu.memory_space<vmem>> -> memref<1x125xi32, #tpu.memory_space<vmem>>
      %dma_start3A_26 = tpu.memref_squeeze %dma_start3A_25 : memref<1x125xi32, #tpu.memory_space<vmem>> -> memref<125xi32, #tpu.memory_space<vmem>>
      %dma_start3A_27 = arith.constant 0 : i32
      %dma_start3A_28 = arith.constant 0 : i32
      %dma_start3A_29 = tpu.memref_slice %arg2[%dma_start3A_27, %dma_start3A_28] : memref<10000x64xf32, #tpu.memory_space<hbm>> -> memref<10000x64xf32, #tpu.memory_space<hbm>>
      %dma_start3A_30 = tpu.memref_slice %arg11[%dma_start3A_19] : memref<5x!tpu.dma_semaphore, #tpu.memory_space<semaphore_mem>> -> memref<1x!tpu.dma_semaphore, #tpu.memory_space<semaphore_mem>>
      %dma_start3A_31 = tpu.memref_squeeze %dma_start3A_30 : memref<1x!tpu.dma_semaphore, #tpu.memory_space<semaphore_mem>> -> memref<!tpu.dma_semaphore, #tpu.memory_space<semaphore_mem>>
      tpu.enqueue_indirect_dma source(%dma_start3A_29 : memref<10000x64xf32, #tpu.memory_space<hbm>>) target(%dma_start3A_23 : memref<125x64xf32, #tpu.memory_space<vmem>>) offsets(%dma_start3A_26 : memref<125xi32, #tpu.memory_space<vmem>>) semaphore(%dma_start3A_31 : memref<!tpu.dma_semaphore, #tpu.memory_space<semaphore_mem>>)
      %dma_start3A_32 = arith.constant 1 : i32
      %dma_start3A_33 = arith.constant 1 : i32
      %dma_start3A_34 = arith.constant 1 : i32
      %dma_start3A_35 = arith.constant 0 : i32
      %dma_start3A_36 = arith.constant 0 : i32
      %dma_start3A_37 = tpu.memref_slice %arg9[%dma_start3A_33, %dma_start3A_35, %dma_start3A_36] : memref<5x125x64xf32, #tpu.memory_space<vmem>> -> memref<1x125x64xf32, #tpu.memory_space<vmem>>
      %dma_start3A_38 = tpu.memref_squeeze %dma_start3A_37 : memref<1x125x64xf32, #tpu.memory_space<vmem>> -> memref<125x64xf32, #tpu.memory_space<vmem>>
      %dma_start3A_39 = arith.constant 0 : i32
      %dma_start3A_40 = tpu.memref_slice %arg7[%dma_start3A_32, %dma_start3A_39] : memref<160x125xi32, #tpu.memory_space<vmem>> -> memref<1x125xi32, #tpu.memory_space<vmem>>
      %dma_start3A_41 = tpu.memref_squeeze %dma_start3A_40 : memref<1x125xi32, #tpu.memory_space<vmem>> -> memref<125xi32, #tpu.memory_space<vmem>>
      %dma_start3A_42 = arith.constant 0 : i32
      %dma_start3A_43 = arith.constant 0 : i32
      %dma_start3A_44 = tpu.memref_slice %arg2[%dma_start3A_42, %dma_start3A_43] : memref<10000x64xf32, #tpu.memory_space<hbm>> -> memref<10000x64xf32, #tpu.memory_space<hbm>>
      %dma_start3A_45 = tpu.memref_slice %arg11[%dma_start3A_34] : memref<5x!tpu.dma_semaphore, #tpu.memory_space<semaphore_mem>> -> memref<1x!tpu.dma_semaphore, #tpu.memory_space<semaphore_mem>>
      %dma_start3A_46 = tpu.memref_squeeze %dma_start3A_45 : memref<1x!tpu.dma_semaphore, #tpu.memory_space<semaphore_mem>> -> memref<!tpu.dma_semaphore, #tpu.memory_space<semaphore_mem>>
      tpu.enqueue_indirect_dma source(%dma_start3A_44 : memref<10000x64xf32, #tpu.memory_space<hbm>>) target(%dma_start3A_38 : memref<125x64xf32, #tpu.memory_space<vmem>>) offsets(%dma_start3A_41 : memref<125xi32, #tpu.memory_space<vmem>>) semaphore(%dma_start3A_46 : memref<!tpu.dma_semaphore, #tpu.memory_space<semaphore_mem>>)
      %scan3A = arith.constant 0 : i32
      %scan3A_47 = arith.constant 0 : i32
      %scan3A_48 = arith.constant 32 : i32
      %scan3A_49 = arith.addi %scan3A_47, %scan3A_48 : i32
      %scan3A_50 = arith.constant 1 : i32
      %scan3A_51 = scf.for %scan3A_140 = %scan3A_47 to %scan3A_49 step %scan3A_50 iter_args(%scan3A_141 = %scan3A) -> (i32)  : i32 {
        %mul3A_142 = arith.constant 5 : i32
        %mul3A_143 = arith.muli %mul3A_142, %scan3A_140 : i32
        %add3A = arith.constant 0 : i32
        %add3A_144 = arith.addi %mul3A_143, %add3A : i32
        %dma_wait3A_145 = arith.constant 0 : i32
        %dma_wait3A_146 = arith.constant 0 : i32
        %dma_wait3A_147 = arith.constant 0 : i32
        %dma_wait3A_148 = arith.constant 0 : i32
        %dma_wait3A_149 = arith.constant 0 : i32
        %dma_wait3A_150 = tpu.memref_slice %arg9[%dma_wait3A_146, %dma_wait3A_148, %dma_wait3A_149] : memref<5x125x64xf32, #tpu.memory_space<vmem>> -> memref<1x125x64xf32, #tpu.memory_space<vmem>>
        %dma_wait3A_151 = tpu.memref_squeeze %dma_wait3A_150 : memref<1x125x64xf32, #tpu.memory_space<vmem>> -> memref<125x64xf32, #tpu.memory_space<vmem>>
        %dma_wait3A_152 = arith.constant 0 : i32
        %dma_wait3A_153 = tpu.memref_slice %arg7[%dma_wait3A_145, %dma_wait3A_152] : memref<160x125xi32, #tpu.memory_space<vmem>> -> memref<1x125xi32, #tpu.memory_space<vmem>>
        %dma_wait3A_154 = tpu.memref_squeeze %dma_wait3A_153 : memref<1x125xi32, #tpu.memory_space<vmem>> -> memref<125xi32, #tpu.memory_space<vmem>>
        %dma_wait3A_155 = arith.constant 0 : i32
        %dma_wait3A_156 = arith.constant 0 : i32
        %dma_wait3A_157 = tpu.memref_slice %arg2[%dma_wait3A_155, %dma_wait3A_156] : memref<10000x64xf32, #tpu.memory_space<hbm>> -> memref<10000x64xf32, #tpu.memory_space<hbm>>
        %dma_wait3A_158 = tpu.memref_slice %arg11[%dma_wait3A_147] : memref<5x!tpu.dma_semaphore, #tpu.memory_space<semaphore_mem>> -> memref<1x!tpu.dma_semaphore, #tpu.memory_space<semaphore_mem>>
        %dma_wait3A_159 = tpu.memref_squeeze %dma_wait3A_158 : memref<1x!tpu.dma_semaphore, #tpu.memory_space<semaphore_mem>> -> memref<!tpu.dma_semaphore, #tpu.memory_space<semaphore_mem>>
        tpu.wait_indirect_dma semaphore(%dma_wait3A_159 : memref<!tpu.dma_semaphore, #tpu.memory_space<semaphore_mem>>) src(%dma_wait3A_157 : memref<10000x64xf32, #tpu.memory_space<hbm>>) dst(%dma_wait3A_151 : memref<125x64xf32, #tpu.memory_space<vmem>>)
        %dma_start3A_160 = arith.constant 0 : i32
        %dma_start3A_161 = arith.constant 0 : i32
        %dma_start3A_162 = arith.constant 0 : i32
        %dma_start3A_163 = arith.constant 0 : i32
        %dma_start3A_164 = tpu.memref_slice %arg9[%dma_start3A_160, %dma_start3A_162, %dma_start3A_163] : memref<5x125x64xf32, #tpu.memory_space<vmem>> -> memref<1x125x64xf32, #tpu.memory_space<vmem>>
        %dma_start3A_165 = tpu.memref_squeeze %dma_start3A_164 : memref<1x125x64xf32, #tpu.memory_space<vmem>> -> memref<125x64xf32, #tpu.memory_space<vmem>>
        %dma_start3A_166 = arith.constant 0 : i32
        %dma_start3A_167 = tpu.memref_slice %arg8[%add3A_144, %dma_start3A_166] : memref<160x125xi32, #tpu.memory_space<vmem>> -> memref<1x125xi32, #tpu.memory_space<vmem>>
        %dma_start3A_168 = tpu.memref_squeeze %dma_start3A_167 : memref<1x125xi32, #tpu.memory_space<vmem>> -> memref<125xi32, #tpu.memory_space<vmem>>
        %dma_start3A_169 = arith.constant 0 : i32
        %dma_start3A_170 = arith.constant 0 : i32
        %dma_start3A_171 = tpu.memref_slice %arg10[%dma_start3A_169, %dma_start3A_170] : memref<10000x64xf32, #tpu.memory_space<vmem_shared>> -> memref<10000x64xf32, #tpu.memory_space<vmem_shared>>
        %dma_start3A_172 = tpu.memref_slice %arg12[%dma_start3A_161] : memref<5x!tpu.dma_semaphore, #tpu.memory_space<semaphore_mem>> -> memref<1x!tpu.dma_semaphore, #tpu.memory_space<semaphore_mem>>
        %dma_start3A_173 = tpu.memref_squeeze %dma_start3A_172 : memref<1x!tpu.dma_semaphore, #tpu.memory_space<semaphore_mem>> -> memref<!tpu.dma_semaphore, #tpu.memory_space<semaphore_mem>>
        tpu.enqueue_indirect_dma source(%dma_start3A_165 : memref<125x64xf32, #tpu.memory_space<vmem>>) target(%dma_start3A_171 : memref<10000x64xf32, #tpu.memory_space<vmem_shared>>) offsets(%dma_start3A_168 : memref<125xi32, #tpu.memory_space<vmem>>) semaphore(%dma_start3A_173 : memref<!tpu.dma_semaphore, #tpu.memory_space<semaphore_mem>>) {add = true}
        %add3A_174 = arith.constant 2 : i32
        %add3A_175 = arith.addi %add3A_144, %add3A_174 : i32
        %sub3A = arith.constant 5 : i32
        %sub3A_176 = arith.subi %add3A_175, %sub3A : i32
        %add3A_177 = arith.constant 2 : i32
        %add3A_178 = arith.addi %add3A_144, %add3A_177 : i32
        %lt3A_179 = arith.constant 160 : i32
        %lt3A_180 = arith.cmpi slt, %add3A_178, %lt3A_179 : i32
        %convert_element_type3A_181 = arith.extui %lt3A_180 : i1 to i32
        %cond3A_182 = arith.constant 0 : i32
        %cond3A_183 = arith.cmpi ne, %convert_element_type3A_181, %cond3A_182 : i32
        scf.if %cond3A_183 {
          %ge3A = arith.constant 0 : i32
          %ge3A_361 = arith.cmpi sge, %sub3A_176, %ge3A : i32
          %convert_element_type3A_362 = arith.extui %ge3A_361 : i1 to i32
          %cond3A_363 = arith.constant 0 : i32
          %cond3A_364 = arith.cmpi ne, %convert_element_type3A_362, %cond3A_363 : i32
          scf.if %cond3A_364 {
            %dma_wait3A_379 = arith.constant 2 : i32
            %dma_wait3A_380 = arith.constant 0 : i32
            %dma_wait3A_381 = arith.constant 2 : i32
            %dma_wait3A_382 = arith.constant 0 : i32
            %dma_wait3A_383 = arith.constant 0 : i32
            %dma_wait3A_384 = tpu.memref_slice %arg9[%dma_wait3A_379, %dma_wait3A_382, %dma_wait3A_383] : memref<5x125x64xf32, #tpu.memory_space<vmem>> -> memref<1x125x64xf32, #tpu.memory_space<vmem>>
            %dma_wait3A_385 = tpu.memref_squeeze %dma_wait3A_384 : memref<1x125x64xf32, #tpu.memory_space<vmem>> -> memref<125x64xf32, #tpu.memory_space<vmem>>
            %dma_wait3A_386 = arith.constant 0 : i32
            %dma_wait3A_387 = tpu.memref_slice %arg8[%dma_wait3A_380, %dma_wait3A_386] : memref<160x125xi32, #tpu.memory_space<vmem>> -> memref<1x125xi32, #tpu.memory_space<vmem>>
            %dma_wait3A_388 = tpu.memref_squeeze %dma_wait3A_387 : memref<1x125xi32, #tpu.memory_space<vmem>> -> memref<125xi32, #tpu.memory_space<vmem>>
            %dma_wait3A_389 = arith.constant 0 : i32
            %dma_wait3A_390 = arith.constant 0 : i32
            %dma_wait3A_391 = tpu.memref_slice %arg10[%dma_wait3A_389, %dma_wait3A_390] : memref<10000x64xf32, #tpu.memory_space<vmem_shared>> -> memref<10000x64xf32, #tpu.memory_space<vmem_shared>>
            %dma_wait3A_392 = tpu.memref_slice %arg12[%dma_wait3A_381] : memref<5x!tpu.dma_semaphore, #tpu.memory_space<semaphore_mem>> -> memref<1x!tpu.dma_semaphore, #tpu.memory_space<semaphore_mem>>
            %dma_wait3A_393 = tpu.memref_squeeze %dma_wait3A_392 : memref<1x!tpu.dma_semaphore, #tpu.memory_space<semaphore_mem>> -> memref<!tpu.dma_semaphore, #tpu.memory_space<semaphore_mem>>
            tpu.wait_indirect_dma semaphore(%dma_wait3A_393 : memref<!tpu.dma_semaphore, #tpu.memory_space<semaphore_mem>>) src(%dma_wait3A_385 : memref<125x64xf32, #tpu.memory_space<vmem>>) dst(%dma_wait3A_391 : memref<10000x64xf32, #tpu.memory_space<vmem_shared>>)
          } else {
          }
          %dma_start3A_365 = arith.constant 2 : i32
          %dma_start3A_366 = arith.constant 2 : i32
          %dma_start3A_367 = arith.constant 0 : i32
          %dma_start3A_368 = arith.constant 0 : i32
          %dma_start3A_369 = tpu.memref_slice %arg9[%dma_start3A_365, %dma_start3A_367, %dma_start3A_368] : memref<5x125x64xf32, #tpu.memory_space<vmem>> -> memref<1x125x64xf32, #tpu.memory_space<vmem>>
          %dma_start3A_370 = tpu.memref_squeeze %dma_start3A_369 : memref<1x125x64xf32, #tpu.memory_space<vmem>> -> memref<125x64xf32, #tpu.memory_space<vmem>>
          %dma_start3A_371 = arith.constant 0 : i32
          %dma_start3A_372 = tpu.memref_slice %arg7[%add3A_178, %dma_start3A_371] : memref<160x125xi32, #tpu.memory_space<vmem>> -> memref<1x125xi32, #tpu.memory_space<vmem>>
          %dma_start3A_373 = tpu.memref_squeeze %dma_start3A_372 : memref<1x125xi32, #tpu.memory_space<vmem>> -> memref<125xi32, #tpu.memory_space<vmem>>
          %dma_start3A_374 = arith.constant 0 : i32
          %dma_start3A_375 = arith.constant 0 : i32
          %dma_start3A_376 = tpu.memref_slice %arg2[%dma_start3A_374, %dma_start3A_375] : memref<10000x64xf32, #tpu.memory_space<hbm>> -> memref<10000x64xf32, #tpu.memory_space<hbm>>
          %dma_start3A_377 = tpu.memref_slice %arg11[%dma_start3A_366] : memref<5x!tpu.dma_semaphore, #tpu.memory_space<semaphore_mem>> -> memref<1x!tpu.dma_semaphore, #tpu.memory_space<semaphore_mem>>
          %dma_start3A_378 = tpu.memref_squeeze %dma_start3A_377 : memref<1x!tpu.dma_semaphore, #tpu.memory_space<semaphore_mem>> -> memref<!tpu.dma_semaphore, #tpu.memory_space<semaphore_mem>>
          tpu.enqueue_indirect_dma source(%dma_start3A_376 : memref<10000x64xf32, #tpu.memory_space<hbm>>) target(%dma_start3A_370 : memref<125x64xf32, #tpu.memory_space<vmem>>) offsets(%dma_start3A_373 : memref<125xi32, #tpu.memory_space<vmem>>) semaphore(%dma_start3A_378 : memref<!tpu.dma_semaphore, #tpu.memory_space<semaphore_mem>>)
        } else {
        }
        %mul3A_184 = arith.constant 5 : i32
        %mul3A_185 = arith.muli %mul3A_184, %scan3A_140 : i32
        %add3A_186 = arith.constant 1 : i32
        %add3A_187 = arith.addi %mul3A_185, %add3A_186 : i32
        %dma_wait3A_188 = arith.constant 0 : i32
        %dma_wait3A_189 = arith.constant 1 : i32
        %dma_wait3A_190 = arith.constant 1 : i32
        %dma_wait3A_191 = arith.constant 0 : i32
        %dma_wait3A_192 = arith.constant 0 : i32
        %dma_wait3A_193 = tpu.memref_slice %arg9[%dma_wait3A_189, %dma_wait3A_191, %dma_wait3A_192] : memref<5x125x64xf32, #tpu.memory_space<vmem>> -> memref<1x125x64xf32, #tpu.memory_space<vmem>>
        %dma_wait3A_194 = tpu.memref_squeeze %dma_wait3A_193 : memref<1x125x64xf32, #tpu.memory_space<vmem>> -> memref<125x64xf32, #tpu.memory_space<vmem>>
        %dma_wait3A_195 = arith.constant 0 : i32
        %dma_wait3A_196 = tpu.memref_slice %arg7[%dma_wait3A_188, %dma_wait3A_195] : memref<160x125xi32, #tpu.memory_space<vmem>> -> memref<1x125xi32, #tpu.memory_space<vmem>>
        %dma_wait3A_197 = tpu.memref_squeeze %dma_wait3A_196 : memref<1x125xi32, #tpu.memory_space<vmem>> -> memref<125xi32, #tpu.memory_space<vmem>>
        %dma_wait3A_198 = arith.constant 0 : i32
        %dma_wait3A_199 = arith.constant 0 : i32
        %dma_wait3A_200 = tpu.memref_slice %arg2[%dma_wait3A_198, %dma_wait3A_199] : memref<10000x64xf32, #tpu.memory_space<hbm>> -> memref<10000x64xf32, #tpu.memory_space<hbm>>
        %dma_wait3A_201 = tpu.memref_slice %arg11[%dma_wait3A_190] : memref<5x!tpu.dma_semaphore, #tpu.memory_space<semaphore_mem>> -> memref<1x!tpu.dma_semaphore, #tpu.memory_space<semaphore_mem>>
        %dma_wait3A_202 = tpu.memref_squeeze %dma_wait3A_201 : memref<1x!tpu.dma_semaphore, #tpu.memory_space<semaphore_mem>> -> memref<!tpu.dma_semaphore, #tpu.memory_space<semaphore_mem>>
        tpu.wait_indirect_dma semaphore(%dma_wait3A_202 : memref<!tpu.dma_semaphore, #tpu.memory_space<semaphore_mem>>) src(%dma_wait3A_200 : memref<10000x64xf32, #tpu.memory_space<hbm>>) dst(%dma_wait3A_194 : memref<125x64xf32, #tpu.memory_space<vmem>>)
        %dma_start3A_203 = arith.constant 1 : i32
        %dma_start3A_204 = arith.constant 1 : i32
        %dma_start3A_205 = arith.constant 0 : i32
        %dma_start3A_206 = arith.constant 0 : i32
        %dma_start3A_207 = tpu.memref_slice %arg9[%dma_start3A_203, %dma_start3A_205, %dma_start3A_206] : memref<5x125x64xf32, #tpu.memory_space<vmem>> -> memref<1x125x64xf32, #tpu.memory_space<vmem>>
        %dma_start3A_208 = tpu.memref_squeeze %dma_start3A_207 : memref<1x125x64xf32, #tpu.memory_space<vmem>> -> memref<125x64xf32, #tpu.memory_space<vmem>>
        %dma_start3A_209 = arith.constant 0 : i32
        %dma_start3A_210 = tpu.memref_slice %arg8[%add3A_187, %dma_start3A_209] : memref<160x125xi32, #tpu.memory_space<vmem>> -> memref<1x125xi32, #tpu.memory_space<vmem>>
        %dma_start3A_211 = tpu.memref_squeeze %dma_start3A_210 : memref<1x125xi32, #tpu.memory_space<vmem>> -> memref<125xi32, #tpu.memory_space<vmem>>
        %dma_start3A_212 = arith.constant 0 : i32
        %dma_start3A_213 = arith.constant 0 : i32
        %dma_start3A_214 = tpu.memref_slice %arg10[%dma_start3A_212, %dma_start3A_213] : memref<10000x64xf32, #tpu.memory_space<vmem_shared>> -> memref<10000x64xf32, #tpu.memory_space<vmem_shared>>
        %dma_start3A_215 = tpu.memref_slice %arg12[%dma_start3A_204] : memref<5x!tpu.dma_semaphore, #tpu.memory_space<semaphore_mem>> -> memref<1x!tpu.dma_semaphore, #tpu.memory_space<semaphore_mem>>
        %dma_start3A_216 = tpu.memref_squeeze %dma_start3A_215 : memref<1x!tpu.dma_semaphore, #tpu.memory_space<semaphore_mem>> -> memref<!tpu.dma_semaphore, #tpu.memory_space<semaphore_mem>>
        tpu.enqueue_indirect_dma source(%dma_start3A_208 : memref<125x64xf32, #tpu.memory_space<vmem>>) target(%dma_start3A_214 : memref<10000x64xf32, #tpu.memory_space<vmem_shared>>) offsets(%dma_start3A_211 : memref<125xi32, #tpu.memory_space<vmem>>) semaphore(%dma_start3A_216 : memref<!tpu.dma_semaphore, #tpu.memory_space<semaphore_mem>>) {add = true}
        %add3A_217 = arith.constant 2 : i32
        %add3A_218 = arith.addi %add3A_187, %add3A_217 : i32
        %sub3A_219 = arith.constant 5 : i32
        %sub3A_220 = arith.subi %add3A_218, %sub3A_219 : i32
        %add3A_221 = arith.constant 2 : i32
        %add3A_222 = arith.addi %add3A_187, %add3A_221 : i32
        %lt3A_223 = arith.constant 160 : i32
        %lt3A_224 = arith.cmpi slt, %add3A_222, %lt3A_223 : i32
        %convert_element_type3A_225 = arith.extui %lt3A_224 : i1 to i32
        %cond3A_226 = arith.constant 0 : i32
        %cond3A_227 = arith.cmpi ne, %convert_element_type3A_225, %cond3A_226 : i32
        scf.if %cond3A_227 {
          %ge3A = arith.constant 0 : i32
          %ge3A_361 = arith.cmpi sge, %sub3A_220, %ge3A : i32
          %convert_element_type3A_362 = arith.extui %ge3A_361 : i1 to i32
          %cond3A_363 = arith.constant 0 : i32
          %cond3A_364 = arith.cmpi ne, %convert_element_type3A_362, %cond3A_363 : i32
          scf.if %cond3A_364 {
            %dma_wait3A_379 = arith.constant 3 : i32
            %dma_wait3A_380 = arith.constant 0 : i32
            %dma_wait3A_381 = arith.constant 3 : i32
            %dma_wait3A_382 = arith.constant 0 : i32
            %dma_wait3A_383 = arith.constant 0 : i32
            %dma_wait3A_384 = tpu.memref_slice %arg9[%dma_wait3A_379, %dma_wait3A_382, %dma_wait3A_383] : memref<5x125x64xf32, #tpu.memory_space<vmem>> -> memref<1x125x64xf32, #tpu.memory_space<vmem>>
            %dma_wait3A_385 = tpu.memref_squeeze %dma_wait3A_384 : memref<1x125x64xf32, #tpu.memory_space<vmem>> -> memref<125x64xf32, #tpu.memory_space<vmem>>
            %dma_wait3A_386 = arith.constant 0 : i32
            %dma_wait3A_387 = tpu.memref_slice %arg8[%dma_wait3A_380, %dma_wait3A_386] : memref<160x125xi32, #tpu.memory_space<vmem>> -> memref<1x125xi32, #tpu.memory_space<vmem>>
            %dma_wait3A_388 = tpu.memref_squeeze %dma_wait3A_387 : memref<1x125xi32, #tpu.memory_space<vmem>> -> memref<125xi32, #tpu.memory_space<vmem>>
            %dma_wait3A_389 = arith.constant 0 : i32
            %dma_wait3A_390 = arith.constant 0 : i32
            %dma_wait3A_391 = tpu.memref_slice %arg10[%dma_wait3A_389, %dma_wait3A_390] : memref<10000x64xf32, #tpu.memory_space<vmem_shared>> -> memref<10000x64xf32, #tpu.memory_space<vmem_shared>>
            %dma_wait3A_392 = tpu.memref_slice %arg12[%dma_wait3A_381] : memref<5x!tpu.dma_semaphore, #tpu.memory_space<semaphore_mem>> -> memref<1x!tpu.dma_semaphore, #tpu.memory_space<semaphore_mem>>
            %dma_wait3A_393 = tpu.memref_squeeze %dma_wait3A_392 : memref<1x!tpu.dma_semaphore, #tpu.memory_space<semaphore_mem>> -> memref<!tpu.dma_semaphore, #tpu.memory_space<semaphore_mem>>
            tpu.wait_indirect_dma semaphore(%dma_wait3A_393 : memref<!tpu.dma_semaphore, #tpu.memory_space<semaphore_mem>>) src(%dma_wait3A_385 : memref<125x64xf32, #tpu.memory_space<vmem>>) dst(%dma_wait3A_391 : memref<10000x64xf32, #tpu.memory_space<vmem_shared>>)
          } else {
          }
          %dma_start3A_365 = arith.constant 3 : i32
          %dma_start3A_366 = arith.constant 3 : i32
          %dma_start3A_367 = arith.constant 0 : i32
          %dma_start3A_368 = arith.constant 0 : i32
          %dma_start3A_369 = tpu.memref_slice %arg9[%dma_start3A_365, %dma_start3A_367, %dma_start3A_368] : memref<5x125x64xf32, #tpu.memory_space<vmem>> -> memref<1x125x64xf32, #tpu.memory_space<vmem>>
          %dma_start3A_370 = tpu.memref_squeeze %dma_start3A_369 : memref<1x125x64xf32, #tpu.memory_space<vmem>> -> memref<125x64xf32, #tpu.memory_space<vmem>>
          %dma_start3A_371 = arith.constant 0 : i32
          %dma_start3A_372 = tpu.memref_slice %arg7[%add3A_222, %dma_start3A_371] : memref<160x125xi32, #tpu.memory_space<vmem>> -> memref<1x125xi32, #tpu.memory_space<vmem>>
          %dma_start3A_373 = tpu.memref_squeeze %dma_start3A_372 : memref<1x125xi32, #tpu.memory_space<vmem>> -> memref<125xi32, #tpu.memory_space<vmem>>
          %dma_start3A_374 = arith.constant 0 : i32
          %dma_start3A_375 = arith.constant 0 : i32
          %dma_start3A_376 = tpu.memref_slice %arg2[%dma_start3A_374, %dma_start3A_375] : memref<10000x64xf32, #tpu.memory_space<hbm>> -> memref<10000x64xf32, #tpu.memory_space<hbm>>
          %dma_start3A_377 = tpu.memref_slice %arg11[%dma_start3A_366] : memref<5x!tpu.dma_semaphore, #tpu.memory_space<semaphore_mem>> -> memref<1x!tpu.dma_semaphore, #tpu.memory_space<semaphore_mem>>
          %dma_start3A_378 = tpu.memref_squeeze %dma_start3A_377 : memref<1x!tpu.dma_semaphore, #tpu.memory_space<semaphore_mem>> -> memref<!tpu.dma_semaphore, #tpu.memory_space<semaphore_mem>>
          tpu.enqueue_indirect_dma source(%dma_start3A_376 : memref<10000x64xf32, #tpu.memory_space<hbm>>) target(%dma_start3A_370 : memref<125x64xf32, #tpu.memory_space<vmem>>) offsets(%dma_start3A_373 : memref<125xi32, #tpu.memory_space<vmem>>) semaphore(%dma_start3A_378 : memref<!tpu.dma_semaphore, #tpu.memory_space<semaphore_mem>>)
        } else {
        }
        %mul3A_228 = arith.constant 5 : i32
        %mul3A_229 = arith.muli %mul3A_228, %scan3A_140 : i32
        %add3A_230 = arith.constant 2 : i32
        %add3A_231 = arith.addi %mul3A_229, %add3A_230 : i32
        %dma_wait3A_232 = arith.constant 0 : i32
        %dma_wait3A_233 = arith.constant 2 : i32
        %dma_wait3A_234 = arith.constant 2 : i32
        %dma_wait3A_235 = arith.constant 0 : i32
        %dma_wait3A_236 = arith.constant 0 : i32
        %dma_wait3A_237 = tpu.memref_slice %arg9[%dma_wait3A_233, %dma_wait3A_235, %dma_wait3A_236] : memref<5x125x64xf32, #tpu.memory_space<vmem>> -> memref<1x125x64xf32, #tpu.memory_space<vmem>>
        %dma_wait3A_238 = tpu.memref_squeeze %dma_wait3A_237 : memref<1x125x64xf32, #tpu.memory_space<vmem>> -> memref<125x64xf32, #tpu.memory_space<vmem>>
        %dma_wait3A_239 = arith.constant 0 : i32
        %dma_wait3A_240 = tpu.memref_slice %arg7[%dma_wait3A_232, %dma_wait3A_239] : memref<160x125xi32, #tpu.memory_space<vmem>> -> memref<1x125xi32, #tpu.memory_space<vmem>>
        %dma_wait3A_241 = tpu.memref_squeeze %dma_wait3A_240 : memref<1x125xi32, #tpu.memory_space<vmem>> -> memref<125xi32, #tpu.memory_space<vmem>>
        %dma_wait3A_242 = arith.constant 0 : i32
        %dma_wait3A_243 = arith.constant 0 : i32
        %dma_wait3A_244 = tpu.memref_slice %arg2[%dma_wait3A_242, %dma_wait3A_243] : memref<10000x64xf32, #tpu.memory_space<hbm>> -> memref<10000x64xf32, #tpu.memory_space<hbm>>
        %dma_wait3A_245 = tpu.memref_slice %arg11[%dma_wait3A_234] : memref<5x!tpu.dma_semaphore, #tpu.memory_space<semaphore_mem>> -> memref<1x!tpu.dma_semaphore, #tpu.memory_space<semaphore_mem>>
        %dma_wait3A_246 = tpu.memref_squeeze %dma_wait3A_245 : memref<1x!tpu.dma_semaphore, #tpu.memory_space<semaphore_mem>> -> memref<!tpu.dma_semaphore, #tpu.memory_space<semaphore_mem>>
        tpu.wait_indirect_dma semaphore(%dma_wait3A_246 : memref<!tpu.dma_semaphore, #tpu.memory_space<semaphore_mem>>) src(%dma_wait3A_244 : memref<10000x64xf32, #tpu.memory_space<hbm>>) dst(%dma_wait3A_238 : memref<125x64xf32, #tpu.memory_space<vmem>>)
        %dma_start3A_247 = arith.constant 2 : i32
        %dma_start3A_248 = arith.constant 2 : i32
        %dma_start3A_249 = arith.constant 0 : i32
        %dma_start3A_250 = arith.constant 0 : i32
        %dma_start3A_251 = tpu.memref_slice %arg9[%dma_start3A_247, %dma_start3A_249, %dma_start3A_250] : memref<5x125x64xf32, #tpu.memory_space<vmem>> -> memref<1x125x64xf32, #tpu.memory_space<vmem>>
        %dma_start3A_252 = tpu.memref_squeeze %dma_start3A_251 : memref<1x125x64xf32, #tpu.memory_space<vmem>> -> memref<125x64xf32, #tpu.memory_space<vmem>>
        %dma_start3A_253 = arith.constant 0 : i32
        %dma_start3A_254 = tpu.memref_slice %arg8[%add3A_231, %dma_start3A_253] : memref<160x125xi32, #tpu.memory_space<vmem>> -> memref<1x125xi32, #tpu.memory_space<vmem>>
        %dma_start3A_255 = tpu.memref_squeeze %dma_start3A_254 : memref<1x125xi32, #tpu.memory_space<vmem>> -> memref<125xi32, #tpu.memory_space<vmem>>
        %dma_start3A_256 = arith.constant 0 : i32
        %dma_start3A_257 = arith.constant 0 : i32
        %dma_start3A_258 = tpu.memref_slice %arg10[%dma_start3A_256, %dma_start3A_257] : memref<10000x64xf32, #tpu.memory_space<vmem_shared>> -> memref<10000x64xf32, #tpu.memory_space<vmem_shared>>
        %dma_start3A_259 = tpu.memref_slice %arg12[%dma_start3A_248] : memref<5x!tpu.dma_semaphore, #tpu.memory_space<semaphore_mem>> -> memref<1x!tpu.dma_semaphore, #tpu.memory_space<semaphore_mem>>
        %dma_start3A_260 = tpu.memref_squeeze %dma_start3A_259 : memref<1x!tpu.dma_semaphore, #tpu.memory_space<semaphore_mem>> -> memref<!tpu.dma_semaphore, #tpu.memory_space<semaphore_mem>>
        tpu.enqueue_indirect_dma source(%dma_start3A_252 : memref<125x64xf32, #tpu.memory_space<vmem>>) target(%dma_start3A_258 : memref<10000x64xf32, #tpu.memory_space<vmem_shared>>) offsets(%dma_start3A_255 : memref<125xi32, #tpu.memory_space<vmem>>) semaphore(%dma_start3A_260 : memref<!tpu.dma_semaphore, #tpu.memory_space<semaphore_mem>>) {add = true}
        %add3A_261 = arith.constant 2 : i32
        %add3A_262 = arith.addi %add3A_231, %add3A_261 : i32
        %sub3A_263 = arith.constant 5 : i32
        %sub3A_264 = arith.subi %add3A_262, %sub3A_263 : i32
        %add3A_265 = arith.constant 2 : i32
        %add3A_266 = arith.addi %add3A_231, %add3A_265 : i32
        %lt3A_267 = arith.constant 160 : i32
        %lt3A_268 = arith.cmpi slt, %add3A_266, %lt3A_267 : i32
        %convert_element_type3A_269 = arith.extui %lt3A_268 : i1 to i32
        %cond3A_270 = arith.constant 0 : i32
        %cond3A_271 = arith.cmpi ne, %convert_element_type3A_269, %cond3A_270 : i32
        scf.if %cond3A_271 {
          %ge3A = arith.constant 0 : i32
          %ge3A_361 = arith.cmpi sge, %sub3A_264, %ge3A : i32
          %convert_element_type3A_362 = arith.extui %ge3A_361 : i1 to i32
          %cond3A_363 = arith.constant 0 : i32
          %cond3A_364 = arith.cmpi ne, %convert_element_type3A_362, %cond3A_363 : i32
          scf.if %cond3A_364 {
            %dma_wait3A_379 = arith.constant 4 : i32
            %dma_wait3A_380 = arith.constant 0 : i32
            %dma_wait3A_381 = arith.constant 4 : i32
            %dma_wait3A_382 = arith.constant 0 : i32
            %dma_wait3A_383 = arith.constant 0 : i32
            %dma_wait3A_384 = tpu.memref_slice %arg9[%dma_wait3A_379, %dma_wait3A_382, %dma_wait3A_383] : memref<5x125x64xf32, #tpu.memory_space<vmem>> -> memref<1x125x64xf32, #tpu.memory_space<vmem>>
            %dma_wait3A_385 = tpu.memref_squeeze %dma_wait3A_384 : memref<1x125x64xf32, #tpu.memory_space<vmem>> -> memref<125x64xf32, #tpu.memory_space<vmem>>
            %dma_wait3A_386 = arith.constant 0 : i32
            %dma_wait3A_387 = tpu.memref_slice %arg8[%dma_wait3A_380, %dma_wait3A_386] : memref<160x125xi32, #tpu.memory_space<vmem>> -> memref<1x125xi32, #tpu.memory_space<vmem>>
            %dma_wait3A_388 = tpu.memref_squeeze %dma_wait3A_387 : memref<1x125xi32, #tpu.memory_space<vmem>> -> memref<125xi32, #tpu.memory_space<vmem>>
            %dma_wait3A_389 = arith.constant 0 : i32
            %dma_wait3A_390 = arith.constant 0 : i32
            %dma_wait3A_391 = tpu.memref_slice %arg10[%dma_wait3A_389, %dma_wait3A_390] : memref<10000x64xf32, #tpu.memory_space<vmem_shared>> -> memref<10000x64xf32, #tpu.memory_space<vmem_shared>>
            %dma_wait3A_392 = tpu.memref_slice %arg12[%dma_wait3A_381] : memref<5x!tpu.dma_semaphore, #tpu.memory_space<semaphore_mem>> -> memref<1x!tpu.dma_semaphore, #tpu.memory_space<semaphore_mem>>
            %dma_wait3A_393 = tpu.memref_squeeze %dma_wait3A_392 : memref<1x!tpu.dma_semaphore, #tpu.memory_space<semaphore_mem>> -> memref<!tpu.dma_semaphore, #tpu.memory_space<semaphore_mem>>
            tpu.wait_indirect_dma semaphore(%dma_wait3A_393 : memref<!tpu.dma_semaphore, #tpu.memory_space<semaphore_mem>>) src(%dma_wait3A_385 : memref<125x64xf32, #tpu.memory_space<vmem>>) dst(%dma_wait3A_391 : memref<10000x64xf32, #tpu.memory_space<vmem_shared>>)
          } else {
          }
          %dma_start3A_365 = arith.constant 4 : i32
          %dma_start3A_366 = arith.constant 4 : i32
          %dma_start3A_367 = arith.constant 0 : i32
          %dma_start3A_368 = arith.constant 0 : i32
          %dma_start3A_369 = tpu.memref_slice %arg9[%dma_start3A_365, %dma_start3A_367, %dma_start3A_368] : memref<5x125x64xf32, #tpu.memory_space<vmem>> -> memref<1x125x64xf32, #tpu.memory_space<vmem>>
          %dma_start3A_370 = tpu.memref_squeeze %dma_start3A_369 : memref<1x125x64xf32, #tpu.memory_space<vmem>> -> memref<125x64xf32, #tpu.memory_space<vmem>>
          %dma_start3A_371 = arith.constant 0 : i32
          %dma_start3A_372 = tpu.memref_slice %arg7[%add3A_266, %dma_start3A_371] : memref<160x125xi32, #tpu.memory_space<vmem>> -> memref<1x125xi32, #tpu.memory_space<vmem>>
          %dma_start3A_373 = tpu.memref_squeeze %dma_start3A_372 : memref<1x125xi32, #tpu.memory_space<vmem>> -> memref<125xi32, #tpu.memory_space<vmem>>
          %dma_start3A_374 = arith.constant 0 : i32
          %dma_start3A_375 = arith.constant 0 : i32
          %dma_start3A_376 = tpu.memref_slice %arg2[%dma_start3A_374, %dma_start3A_375] : memref<10000x64xf32, #tpu.memory_space<hbm>> -> memref<10000x64xf32, #tpu.memory_space<hbm>>
          %dma_start3A_377 = tpu.memref_slice %arg11[%dma_start3A_366] : memref<5x!tpu.dma_semaphore, #tpu.memory_space<semaphore_mem>> -> memref<1x!tpu.dma_semaphore, #tpu.memory_space<semaphore_mem>>
          %dma_start3A_378 = tpu.memref_squeeze %dma_start3A_377 : memref<1x!tpu.dma_semaphore, #tpu.memory_space<semaphore_mem>> -> memref<!tpu.dma_semaphore, #tpu.memory_space<semaphore_mem>>
          tpu.enqueue_indirect_dma source(%dma_start3A_376 : memref<10000x64xf32, #tpu.memory_space<hbm>>) target(%dma_start3A_370 : memref<125x64xf32, #tpu.memory_space<vmem>>) offsets(%dma_start3A_373 : memref<125xi32, #tpu.memory_space<vmem>>) semaphore(%dma_start3A_378 : memref<!tpu.dma_semaphore, #tpu.memory_space<semaphore_mem>>)
        } else {
        }
        %mul3A_272 = arith.constant 5 : i32
        %mul3A_273 = arith.muli %mul3A_272, %scan3A_140 : i32
        %add3A_274 = arith.constant 3 : i32
        %add3A_275 = arith.addi %mul3A_273, %add3A_274 : i32
        %dma_wait3A_276 = arith.constant 0 : i32
        %dma_wait3A_277 = arith.constant 3 : i32
        %dma_wait3A_278 = arith.constant 3 : i32
        %dma_wait3A_279 = arith.constant 0 : i32
        %dma_wait3A_280 = arith.constant 0 : i32
        %dma_wait3A_281 = tpu.memref_slice %arg9[%dma_wait3A_277, %dma_wait3A_279, %dma_wait3A_280] : memref<5x125x64xf32, #tpu.memory_space<vmem>> -> memref<1x125x64xf32, #tpu.memory_space<vmem>>
        %dma_wait3A_282 = tpu.memref_squeeze %dma_wait3A_281 : memref<1x125x64xf32, #tpu.memory_space<vmem>> -> memref<125x64xf32, #tpu.memory_space<vmem>>
        %dma_wait3A_283 = arith.constant 0 : i32
        %dma_wait3A_284 = tpu.memref_slice %arg7[%dma_wait3A_276, %dma_wait3A_283] : memref<160x125xi32, #tpu.memory_space<vmem>> -> memref<1x125xi32, #tpu.memory_space<vmem>>
        %dma_wait3A_285 = tpu.memref_squeeze %dma_wait3A_284 : memref<1x125xi32, #tpu.memory_space<vmem>> -> memref<125xi32, #tpu.memory_space<vmem>>
        %dma_wait3A_286 = arith.constant 0 : i32
        %dma_wait3A_287 = arith.constant 0 : i32
        %dma_wait3A_288 = tpu.memref_slice %arg2[%dma_wait3A_286, %dma_wait3A_287] : memref<10000x64xf32, #tpu.memory_space<hbm>> -> memref<10000x64xf32, #tpu.memory_space<hbm>>
        %dma_wait3A_289 = tpu.memref_slice %arg11[%dma_wait3A_278] : memref<5x!tpu.dma_semaphore, #tpu.memory_space<semaphore_mem>> -> memref<1x!tpu.dma_semaphore, #tpu.memory_space<semaphore_mem>>
        %dma_wait3A_290 = tpu.memref_squeeze %dma_wait3A_289 : memref<1x!tpu.dma_semaphore, #tpu.memory_space<semaphore_mem>> -> memref<!tpu.dma_semaphore, #tpu.memory_space<semaphore_mem>>
        tpu.wait_indirect_dma semaphore(%dma_wait3A_290 : memref<!tpu.dma_semaphore, #tpu.memory_space<semaphore_mem>>) src(%dma_wait3A_288 : memref<10000x64xf32, #tpu.memory_space<hbm>>) dst(%dma_wait3A_282 : memref<125x64xf32, #tpu.memory_space<vmem>>)
        %dma_start3A_291 = arith.constant 3 : i32
        %dma_start3A_292 = arith.constant 3 : i32
        %dma_start3A_293 = arith.constant 0 : i32
        %dma_start3A_294 = arith.constant 0 : i32
        %dma_start3A_295 = tpu.memref_slice %arg9[%dma_start3A_291, %dma_start3A_293, %dma_start3A_294] : memref<5x125x64xf32, #tpu.memory_space<vmem>> -> memref<1x125x64xf32, #tpu.memory_space<vmem>>
        %dma_start3A_296 = tpu.memref_squeeze %dma_start3A_295 : memref<1x125x64xf32, #tpu.memory_space<vmem>> -> memref<125x64xf32, #tpu.memory_space<vmem>>
        %dma_start3A_297 = arith.constant 0 : i32
        %dma_start3A_298 = tpu.memref_slice %arg8[%add3A_275, %dma_start3A_297] : memref<160x125xi32, #tpu.memory_space<vmem>> -> memref<1x125xi32, #tpu.memory_space<vmem>>
        %dma_start3A_299 = tpu.memref_squeeze %dma_start3A_298 : memref<1x125xi32, #tpu.memory_space<vmem>> -> memref<125xi32, #tpu.memory_space<vmem>>
        %dma_start3A_300 = arith.constant 0 : i32
        %dma_start3A_301 = arith.constant 0 : i32
        %dma_start3A_302 = tpu.memref_slice %arg10[%dma_start3A_300, %dma_start3A_301] : memref<10000x64xf32, #tpu.memory_space<vmem_shared>> -> memref<10000x64xf32, #tpu.memory_space<vmem_shared>>
        %dma_start3A_303 = tpu.memref_slice %arg12[%dma_start3A_292] : memref<5x!tpu.dma_semaphore, #tpu.memory_space<semaphore_mem>> -> memref<1x!tpu.dma_semaphore, #tpu.memory_space<semaphore_mem>>
        %dma_start3A_304 = tpu.memref_squeeze %dma_start3A_303 : memref<1x!tpu.dma_semaphore, #tpu.memory_space<semaphore_mem>> -> memref<!tpu.dma_semaphore, #tpu.memory_space<semaphore_mem>>
        tpu.enqueue_indirect_dma source(%dma_start3A_296 : memref<125x64xf32, #tpu.memory_space<vmem>>) target(%dma_start3A_302 : memref<10000x64xf32, #tpu.memory_space<vmem_shared>>) offsets(%dma_start3A_299 : memref<125xi32, #tpu.memory_space<vmem>>) semaphore(%dma_start3A_304 : memref<!tpu.dma_semaphore, #tpu.memory_space<semaphore_mem>>) {add = true}
        %add3A_305 = arith.constant 2 : i32
        %add3A_306 = arith.addi %add3A_275, %add3A_305 : i32
        %sub3A_307 = arith.constant 5 : i32
        %sub3A_308 = arith.subi %add3A_306, %sub3A_307 : i32
        %add3A_309 = arith.constant 2 : i32
        %add3A_310 = arith.addi %add3A_275, %add3A_309 : i32
        %lt3A_311 = arith.constant 160 : i32
        %lt3A_312 = arith.cmpi slt, %add3A_310, %lt3A_311 : i32
        %convert_element_type3A_313 = arith.extui %lt3A_312 : i1 to i32
        %cond3A_314 = arith.constant 0 : i32
        %cond3A_315 = arith.cmpi ne, %convert_element_type3A_313, %cond3A_314 : i32
        scf.if %cond3A_315 {
          %ge3A = arith.constant 0 : i32
          %ge3A_361 = arith.cmpi sge, %sub3A_308, %ge3A : i32
          %convert_element_type3A_362 = arith.extui %ge3A_361 : i1 to i32
          %cond3A_363 = arith.constant 0 : i32
          %cond3A_364 = arith.cmpi ne, %convert_element_type3A_362, %cond3A_363 : i32
          scf.if %cond3A_364 {
            %dma_wait3A_379 = arith.constant 0 : i32
            %dma_wait3A_380 = arith.constant 0 : i32
            %dma_wait3A_381 = arith.constant 0 : i32
            %dma_wait3A_382 = arith.constant 0 : i32
            %dma_wait3A_383 = arith.constant 0 : i32
            %dma_wait3A_384 = tpu.memref_slice %arg9[%dma_wait3A_379, %dma_wait3A_382, %dma_wait3A_383] : memref<5x125x64xf32, #tpu.memory_space<vmem>> -> memref<1x125x64xf32, #tpu.memory_space<vmem>>
            %dma_wait3A_385 = tpu.memref_squeeze %dma_wait3A_384 : memref<1x125x64xf32, #tpu.memory_space<vmem>> -> memref<125x64xf32, #tpu.memory_space<vmem>>
            %dma_wait3A_386 = arith.constant 0 : i32
            %dma_wait3A_387 = tpu.memref_slice %arg8[%dma_wait3A_380, %dma_wait3A_386] : memref<160x125xi32, #tpu.memory_space<vmem>> -> memref<1x125xi32, #tpu.memory_space<vmem>>
            %dma_wait3A_388 = tpu.memref_squeeze %dma_wait3A_387 : memref<1x125xi32, #tpu.memory_space<vmem>> -> memref<125xi32, #tpu.memory_space<vmem>>
            %dma_wait3A_389 = arith.constant 0 : i32
            %dma_wait3A_390 = arith.constant 0 : i32
            %dma_wait3A_391 = tpu.memref_slice %arg10[%dma_wait3A_389, %dma_wait3A_390] : memref<10000x64xf32, #tpu.memory_space<vmem_shared>> -> memref<10000x64xf32, #tpu.memory_space<vmem_shared>>
            %dma_wait3A_392 = tpu.memref_slice %arg12[%dma_wait3A_381] : memref<5x!tpu.dma_semaphore, #tpu.memory_space<semaphore_mem>> -> memref<1x!tpu.dma_semaphore, #tpu.memory_space<semaphore_mem>>
            %dma_wait3A_393 = tpu.memref_squeeze %dma_wait3A_392 : memref<1x!tpu.dma_semaphore, #tpu.memory_space<semaphore_mem>> -> memref<!tpu.dma_semaphore, #tpu.memory_space<semaphore_mem>>
            tpu.wait_indirect_dma semaphore(%dma_wait3A_393 : memref<!tpu.dma_semaphore, #tpu.memory_space<semaphore_mem>>) src(%dma_wait3A_385 : memref<125x64xf32, #tpu.memory_space<vmem>>) dst(%dma_wait3A_391 : memref<10000x64xf32, #tpu.memory_space<vmem_shared>>)
          } else {
          }
          %dma_start3A_365 = arith.constant 0 : i32
          %dma_start3A_366 = arith.constant 0 : i32
          %dma_start3A_367 = arith.constant 0 : i32
          %dma_start3A_368 = arith.constant 0 : i32
          %dma_start3A_369 = tpu.memref_slice %arg9[%dma_start3A_365, %dma_start3A_367, %dma_start3A_368] : memref<5x125x64xf32, #tpu.memory_space<vmem>> -> memref<1x125x64xf32, #tpu.memory_space<vmem>>
          %dma_start3A_370 = tpu.memref_squeeze %dma_start3A_369 : memref<1x125x64xf32, #tpu.memory_space<vmem>> -> memref<125x64xf32, #tpu.memory_space<vmem>>
          %dma_start3A_371 = arith.constant 0 : i32
          %dma_start3A_372 = tpu.memref_slice %arg7[%add3A_310, %dma_start3A_371] : memref<160x125xi32, #tpu.memory_space<vmem>> -> memref<1x125xi32, #tpu.memory_space<vmem>>
          %dma_start3A_373 = tpu.memref_squeeze %dma_start3A_372 : memref<1x125xi32, #tpu.memory_space<vmem>> -> memref<125xi32, #tpu.memory_space<vmem>>
          %dma_start3A_374 = arith.constant 0 : i32
          %dma_start3A_375 = arith.constant 0 : i32
          %dma_start3A_376 = tpu.memref_slice %arg2[%dma_start3A_374, %dma_start3A_375] : memref<10000x64xf32, #tpu.memory_space<hbm>> -> memref<10000x64xf32, #tpu.memory_space<hbm>>
          %dma_start3A_377 = tpu.memref_slice %arg11[%dma_start3A_366] : memref<5x!tpu.dma_semaphore, #tpu.memory_space<semaphore_mem>> -> memref<1x!tpu.dma_semaphore, #tpu.memory_space<semaphore_mem>>
          %dma_start3A_378 = tpu.memref_squeeze %dma_start3A_377 : memref<1x!tpu.dma_semaphore, #tpu.memory_space<semaphore_mem>> -> memref<!tpu.dma_semaphore, #tpu.memory_space<semaphore_mem>>
          tpu.enqueue_indirect_dma source(%dma_start3A_376 : memref<10000x64xf32, #tpu.memory_space<hbm>>) target(%dma_start3A_370 : memref<125x64xf32, #tpu.memory_space<vmem>>) offsets(%dma_start3A_373 : memref<125xi32, #tpu.memory_space<vmem>>) semaphore(%dma_start3A_378 : memref<!tpu.dma_semaphore, #tpu.memory_space<semaphore_mem>>)
        } else {
        }
        %mul3A_316 = arith.constant 5 : i32
        %mul3A_317 = arith.muli %mul3A_316, %scan3A_140 : i32
        %add3A_318 = arith.constant 4 : i32
        %add3A_319 = arith.addi %mul3A_317, %add3A_318 : i32
        %dma_wait3A_320 = arith.constant 0 : i32
        %dma_wait3A_321 = arith.constant 4 : i32
        %dma_wait3A_322 = arith.constant 4 : i32
        %dma_wait3A_323 = arith.constant 0 : i32
        %dma_wait3A_324 = arith.constant 0 : i32
        %dma_wait3A_325 = tpu.memref_slice %arg9[%dma_wait3A_321, %dma_wait3A_323, %dma_wait3A_324] : memref<5x125x64xf32, #tpu.memory_space<vmem>> -> memref<1x125x64xf32, #tpu.memory_space<vmem>>
        %dma_wait3A_326 = tpu.memref_squeeze %dma_wait3A_325 : memref<1x125x64xf32, #tpu.memory_space<vmem>> -> memref<125x64xf32, #tpu.memory_space<vmem>>
        %dma_wait3A_327 = arith.constant 0 : i32
        %dma_wait3A_328 = tpu.memref_slice %arg7[%dma_wait3A_320, %dma_wait3A_327] : memref<160x125xi32, #tpu.memory_space<vmem>> -> memref<1x125xi32, #tpu.memory_space<vmem>>
        %dma_wait3A_329 = tpu.memref_squeeze %dma_wait3A_328 : memref<1x125xi32, #tpu.memory_space<vmem>> -> memref<125xi32, #tpu.memory_space<vmem>>
        %dma_wait3A_330 = arith.constant 0 : i32
        %dma_wait3A_331 = arith.constant 0 : i32
        %dma_wait3A_332 = tpu.memref_slice %arg2[%dma_wait3A_330, %dma_wait3A_331] : memref<10000x64xf32, #tpu.memory_space<hbm>> -> memref<10000x64xf32, #tpu.memory_space<hbm>>
        %dma_wait3A_333 = tpu.memref_slice %arg11[%dma_wait3A_322] : memref<5x!tpu.dma_semaphore, #tpu.memory_space<semaphore_mem>> -> memref<1x!tpu.dma_semaphore, #tpu.memory_space<semaphore_mem>>
        %dma_wait3A_334 = tpu.memref_squeeze %dma_wait3A_333 : memref<1x!tpu.dma_semaphore, #tpu.memory_space<semaphore_mem>> -> memref<!tpu.dma_semaphore, #tpu.memory_space<semaphore_mem>>
        tpu.wait_indirect_dma semaphore(%dma_wait3A_334 : memref<!tpu.dma_semaphore, #tpu.memory_space<semaphore_mem>>) src(%dma_wait3A_332 : memref<10000x64xf32, #tpu.memory_space<hbm>>) dst(%dma_wait3A_326 : memref<125x64xf32, #tpu.memory_space<vmem>>)
        %dma_start3A_335 = arith.constant 4 : i32
        %dma_start3A_336 = arith.constant 4 : i32
        %dma_start3A_337 = arith.constant 0 : i32
        %dma_start3A_338 = arith.constant 0 : i32
        %dma_start3A_339 = tpu.memref_slice %arg9[%dma_start3A_335, %dma_start3A_337, %dma_start3A_338] : memref<5x125x64xf32, #tpu.memory_space<vmem>> -> memref<1x125x64xf32, #tpu.memory_space<vmem>>
        %dma_start3A_340 = tpu.memref_squeeze %dma_start3A_339 : memref<1x125x64xf32, #tpu.memory_space<vmem>> -> memref<125x64xf32, #tpu.memory_space<vmem>>
        %dma_start3A_341 = arith.constant 0 : i32
        %dma_start3A_342 = tpu.memref_slice %arg8[%add3A_319, %dma_start3A_341] : memref<160x125xi32, #tpu.memory_space<vmem>> -> memref<1x125xi32, #tpu.memory_space<vmem>>
        %dma_start3A_343 = tpu.memref_squeeze %dma_start3A_342 : memref<1x125xi32, #tpu.memory_space<vmem>> -> memref<125xi32, #tpu.memory_space<vmem>>
        %dma_start3A_344 = arith.constant 0 : i32
        %dma_start3A_345 = arith.constant 0 : i32
        %dma_start3A_346 = tpu.memref_slice %arg10[%dma_start3A_344, %dma_start3A_345] : memref<10000x64xf32, #tpu.memory_space<vmem_shared>> -> memref<10000x64xf32, #tpu.memory_space<vmem_shared>>
        %dma_start3A_347 = tpu.memref_slice %arg12[%dma_start3A_336] : memref<5x!tpu.dma_semaphore, #tpu.memory_space<semaphore_mem>> -> memref<1x!tpu.dma_semaphore, #tpu.memory_space<semaphore_mem>>
        %dma_start3A_348 = tpu.memref_squeeze %dma_start3A_347 : memref<1x!tpu.dma_semaphore, #tpu.memory_space<semaphore_mem>> -> memref<!tpu.dma_semaphore, #tpu.memory_space<semaphore_mem>>
        tpu.enqueue_indirect_dma source(%dma_start3A_340 : memref<125x64xf32, #tpu.memory_space<vmem>>) target(%dma_start3A_346 : memref<10000x64xf32, #tpu.memory_space<vmem_shared>>) offsets(%dma_start3A_343 : memref<125xi32, #tpu.memory_space<vmem>>) semaphore(%dma_start3A_348 : memref<!tpu.dma_semaphore, #tpu.memory_space<semaphore_mem>>) {add = true}
        %add3A_349 = arith.constant 2 : i32
        %add3A_350 = arith.addi %add3A_319, %add3A_349 : i32
        %sub3A_351 = arith.constant 5 : i32
        %sub3A_352 = arith.subi %add3A_350, %sub3A_351 : i32
        %add3A_353 = arith.constant 2 : i32
        %add3A_354 = arith.addi %add3A_319, %add3A_353 : i32
        %lt3A_355 = arith.constant 160 : i32
        %lt3A_356 = arith.cmpi slt, %add3A_354, %lt3A_355 : i32
        %convert_element_type3A_357 = arith.extui %lt3A_356 : i1 to i32
        %cond3A_358 = arith.constant 0 : i32
        %cond3A_359 = arith.cmpi ne, %convert_element_type3A_357, %cond3A_358 : i32
        scf.if %cond3A_359 {
          %ge3A = arith.constant 0 : i32
          %ge3A_361 = arith.cmpi sge, %sub3A_352, %ge3A : i32
          %convert_element_type3A_362 = arith.extui %ge3A_361 : i1 to i32
          %cond3A_363 = arith.constant 0 : i32
          %cond3A_364 = arith.cmpi ne, %convert_element_type3A_362, %cond3A_363 : i32
          scf.if %cond3A_364 {
            %dma_wait3A_379 = arith.constant 1 : i32
            %dma_wait3A_380 = arith.constant 0 : i32
            %dma_wait3A_381 = arith.constant 1 : i32
            %dma_wait3A_382 = arith.constant 0 : i32
            %dma_wait3A_383 = arith.constant 0 : i32
            %dma_wait3A_384 = tpu.memref_slice %arg9[%dma_wait3A_379, %dma_wait3A_382, %dma_wait3A_383] : memref<5x125x64xf32, #tpu.memory_space<vmem>> -> memref<1x125x64xf32, #tpu.memory_space<vmem>>
            %dma_wait3A_385 = tpu.memref_squeeze %dma_wait3A_384 : memref<1x125x64xf32, #tpu.memory_space<vmem>> -> memref<125x64xf32, #tpu.memory_space<vmem>>
            %dma_wait3A_386 = arith.constant 0 : i32
            %dma_wait3A_387 = tpu.memref_slice %arg8[%dma_wait3A_380, %dma_wait3A_386] : memref<160x125xi32, #tpu.memory_space<vmem>> -> memref<1x125xi32, #tpu.memory_space<vmem>>
            %dma_wait3A_388 = tpu.memref_squeeze %dma_wait3A_387 : memref<1x125xi32, #tpu.memory_space<vmem>> -> memref<125xi32, #tpu.memory_space<vmem>>
            %dma_wait3A_389 = arith.constant 0 : i32
            %dma_wait3A_390 = arith.constant 0 : i32
            %dma_wait3A_391 = tpu.memref_slice %arg10[%dma_wait3A_389, %dma_wait3A_390] : memref<10000x64xf32, #tpu.memory_space<vmem_shared>> -> memref<10000x64xf32, #tpu.memory_space<vmem_shared>>
            %dma_wait3A_392 = tpu.memref_slice %arg12[%dma_wait3A_381] : memref<5x!tpu.dma_semaphore, #tpu.memory_space<semaphore_mem>> -> memref<1x!tpu.dma_semaphore, #tpu.memory_space<semaphore_mem>>
            %dma_wait3A_393 = tpu.memref_squeeze %dma_wait3A_392 : memref<1x!tpu.dma_semaphore, #tpu.memory_space<semaphore_mem>> -> memref<!tpu.dma_semaphore, #tpu.memory_space<semaphore_mem>>
            tpu.wait_indirect_dma semaphore(%dma_wait3A_393 : memref<!tpu.dma_semaphore, #tpu.memory_space<semaphore_mem>>) src(%dma_wait3A_385 : memref<125x64xf32, #tpu.memory_space<vmem>>) dst(%dma_wait3A_391 : memref<10000x64xf32, #tpu.memory_space<vmem_shared>>)
          } else {
          }
          %dma_start3A_365 = arith.constant 1 : i32
          %dma_start3A_366 = arith.constant 1 : i32
          %dma_start3A_367 = arith.constant 0 : i32
          %dma_start3A_368 = arith.constant 0 : i32
          %dma_start3A_369 = tpu.memref_slice %arg9[%dma_start3A_365, %dma_start3A_367, %dma_start3A_368] : memref<5x125x64xf32, #tpu.memory_space<vmem>> -> memref<1x125x64xf32, #tpu.memory_space<vmem>>
          %dma_start3A_370 = tpu.memref_squeeze %dma_start3A_369 : memref<1x125x64xf32, #tpu.memory_space<vmem>> -> memref<125x64xf32, #tpu.memory_space<vmem>>
          %dma_start3A_371 = arith.constant 0 : i32
          %dma_start3A_372 = tpu.memref_slice %arg7[%add3A_354, %dma_start3A_371] : memref<160x125xi32, #tpu.memory_space<vmem>> -> memref<1x125xi32, #tpu.memory_space<vmem>>
          %dma_start3A_373 = tpu.memref_squeeze %dma_start3A_372 : memref<1x125xi32, #tpu.memory_space<vmem>> -> memref<125xi32, #tpu.memory_space<vmem>>
          %dma_start3A_374 = arith.constant 0 : i32
          %dma_start3A_375 = arith.constant 0 : i32
          %dma_start3A_376 = tpu.memref_slice %arg2[%dma_start3A_374, %dma_start3A_375] : memref<10000x64xf32, #tpu.memory_space<hbm>> -> memref<10000x64xf32, #tpu.memory_space<hbm>>
          %dma_start3A_377 = tpu.memref_slice %arg11[%dma_start3A_366] : memref<5x!tpu.dma_semaphore, #tpu.memory_space<semaphore_mem>> -> memref<1x!tpu.dma_semaphore, #tpu.memory_space<semaphore_mem>>
          %dma_start3A_378 = tpu.memref_squeeze %dma_start3A_377 : memref<1x!tpu.dma_semaphore, #tpu.memory_space<semaphore_mem>> -> memref<!tpu.dma_semaphore, #tpu.memory_space<semaphore_mem>>
          tpu.enqueue_indirect_dma source(%dma_start3A_376 : memref<10000x64xf32, #tpu.memory_space<hbm>>) target(%dma_start3A_370 : memref<125x64xf32, #tpu.memory_space<vmem>>) offsets(%dma_start3A_373 : memref<125xi32, #tpu.memory_space<vmem>>) semaphore(%dma_start3A_378 : memref<!tpu.dma_semaphore, #tpu.memory_space<semaphore_mem>>)
        } else {
        }
        %scan3A_360 = arith.constant 0 : i32
        scf.yield %scan3A_360 : i32
      }
      %scan3A_52 = arith.constant 32 : i32
      %dma_wait3A = arith.constant 0 : i32
      %dma_wait3A_53 = arith.constant 0 : i32
      %dma_wait3A_54 = arith.constant 0 : i32
      %dma_wait3A_55 = arith.constant 0 : i32
      %dma_wait3A_56 = arith.constant 0 : i32
      %dma_wait3A_57 = tpu.memref_slice %arg9[%dma_wait3A, %dma_wait3A_55, %dma_wait3A_56] : memref<5x125x64xf32, #tpu.memory_space<vmem>> -> memref<1x125x64xf32, #tpu.memory_space<vmem>>
      %dma_wait3A_58 = tpu.memref_squeeze %dma_wait3A_57 : memref<1x125x64xf32, #tpu.memory_space<vmem>> -> memref<125x64xf32, #tpu.memory_space<vmem>>
      %dma_wait3A_59 = arith.constant 0 : i32
      %dma_wait3A_60 = tpu.memref_slice %arg8[%dma_wait3A_53, %dma_wait3A_59] : memref<160x125xi32, #tpu.memory_space<vmem>> -> memref<1x125xi32, #tpu.memory_space<vmem>>
      %dma_wait3A_61 = tpu.memref_squeeze %dma_wait3A_60 : memref<1x125xi32, #tpu.memory_space<vmem>> -> memref<125xi32, #tpu.memory_space<vmem>>
      %dma_wait3A_62 = arith.constant 0 : i32
      %dma_wait3A_63 = arith.constant 0 : i32
      %dma_wait3A_64 = tpu.memref_slice %arg10[%dma_wait3A_62, %dma_wait3A_63] : memref<10000x64xf32, #tpu.memory_space<vmem_shared>> -> memref<10000x64xf32, #tpu.memory_space<vmem_shared>>
      %dma_wait3A_65 = tpu.memref_slice %arg12[%dma_wait3A_54] : memref<5x!tpu.dma_semaphore, #tpu.memory_space<semaphore_mem>> -> memref<1x!tpu.dma_semaphore, #tpu.memory_space<semaphore_mem>>
      %dma_wait3A_66 = tpu.memref_squeeze %dma_wait3A_65 : memref<1x!tpu.dma_semaphore, #tpu.memory_space<semaphore_mem>> -> memref<!tpu.dma_semaphore, #tpu.memory_space<semaphore_mem>>
      tpu.wait_indirect_dma semaphore(%dma_wait3A_66 : memref<!tpu.dma_semaphore, #tpu.memory_space<semaphore_mem>>) src(%dma_wait3A_58 : memref<125x64xf32, #tpu.memory_space<vmem>>) dst(%dma_wait3A_64 : memref<10000x64xf32, #tpu.memory_space<vmem_shared>>)
      %dma_wait3A_67 = arith.constant 1 : i32
      %dma_wait3A_68 = arith.constant 0 : i32
      %dma_wait3A_69 = arith.constant 1 : i32
      %dma_wait3A_70 = arith.constant 0 : i32
      %dma_wait3A_71 = arith.constant 0 : i32
      %dma_wait3A_72 = tpu.memref_slice %arg9[%dma_wait3A_67, %dma_wait3A_70, %dma_wait3A_71] : memref<5x125x64xf32, #tpu.memory_space<vmem>> -> memref<1x125x64xf32, #tpu.memory_space<vmem>>
      %dma_wait3A_73 = tpu.memref_squeeze %dma_wait3A_72 : memref<1x125x64xf32, #tpu.memory_space<vmem>> -> memref<125x64xf32, #tpu.memory_space<vmem>>
      %dma_wait3A_74 = arith.constant 0 : i32
      %dma_wait3A_75 = tpu.memref_slice %arg8[%dma_wait3A_68, %dma_wait3A_74] : memref<160x125xi32, #tpu.memory_space<vmem>> -> memref<1x125xi32, #tpu.memory_space<vmem>>
      %dma_wait3A_76 = tpu.memref_squeeze %dma_wait3A_75 : memref<1x125xi32, #tpu.memory_space<vmem>> -> memref<125xi32, #tpu.memory_space<vmem>>
      %dma_wait3A_77 = arith.constant 0 : i32
      %dma_wait3A_78 = arith.constant 0 : i32
      %dma_wait3A_79 = tpu.memref_slice %arg10[%dma_wait3A_77, %dma_wait3A_78] : memref<10000x64xf32, #tpu.memory_space<vmem_shared>> -> memref<10000x64xf32, #tpu.memory_space<vmem_shared>>
      %dma_wait3A_80 = tpu.memref_slice %arg12[%dma_wait3A_69] : memref<5x!tpu.dma_semaphore, #tpu.memory_space<semaphore_mem>> -> memref<1x!tpu.dma_semaphore, #tpu.memory_space<semaphore_mem>>
      %dma_wait3A_81 = tpu.memref_squeeze %dma_wait3A_80 : memref<1x!tpu.dma_semaphore, #tpu.memory_space<semaphore_mem>> -> memref<!tpu.dma_semaphore, #tpu.memory_space<semaphore_mem>>
      tpu.wait_indirect_dma semaphore(%dma_wait3A_81 : memref<!tpu.dma_semaphore, #tpu.memory_space<semaphore_mem>>) src(%dma_wait3A_73 : memref<125x64xf32, #tpu.memory_space<vmem>>) dst(%dma_wait3A_79 : memref<10000x64xf32, #tpu.memory_space<vmem_shared>>)
      %dma_wait3A_82 = arith.constant 2 : i32
      %dma_wait3A_83 = arith.constant 0 : i32
      %dma_wait3A_84 = arith.constant 2 : i32
      %dma_wait3A_85 = arith.constant 0 : i32
      %dma_wait3A_86 = arith.constant 0 : i32
      %dma_wait3A_87 = tpu.memref_slice %arg9[%dma_wait3A_82, %dma_wait3A_85, %dma_wait3A_86] : memref<5x125x64xf32, #tpu.memory_space<vmem>> -> memref<1x125x64xf32, #tpu.memory_space<vmem>>
      %dma_wait3A_88 = tpu.memref_squeeze %dma_wait3A_87 : memref<1x125x64xf32, #tpu.memory_space<vmem>> -> memref<125x64xf32, #tpu.memory_space<vmem>>
      %dma_wait3A_89 = arith.constant 0 : i32
      %dma_wait3A_90 = tpu.memref_slice %arg8[%dma_wait3A_83, %dma_wait3A_89] : memref<160x125xi32, #tpu.memory_space<vmem>> -> memref<1x125xi32, #tpu.memory_space<vmem>>
      %dma_wait3A_91 = tpu.memref_squeeze %dma_wait3A_90 : memref<1x125xi32, #tpu.memory_space<vmem>> -> memref<125xi32, #tpu.memory_space<vmem>>
      %dma_wait3A_92 = arith.constant 0 : i32
      %dma_wait3A_93 = arith.constant 0 : i32
      %dma_wait3A_94 = tpu.memref_slice %arg10[%dma_wait3A_92, %dma_wait3A_93] : memref<10000x64xf32, #tpu.memory_space<vmem_shared>> -> memref<10000x64xf32, #tpu.memory_space<vmem_shared>>
      %dma_wait3A_95 = tpu.memref_slice %arg12[%dma_wait3A_84] : memref<5x!tpu.dma_semaphore, #tpu.memory_space<semaphore_mem>> -> memref<1x!tpu.dma_semaphore, #tpu.memory_space<semaphore_mem>>
      %dma_wait3A_96 = tpu.memref_squeeze %dma_wait3A_95 : memref<1x!tpu.dma_semaphore, #tpu.memory_space<semaphore_mem>> -> memref<!tpu.dma_semaphore, #tpu.memory_space<semaphore_mem>>
      tpu.wait_indirect_dma semaphore(%dma_wait3A_96 : memref<!tpu.dma_semaphore, #tpu.memory_space<semaphore_mem>>) src(%dma_wait3A_88 : memref<125x64xf32, #tpu.memory_space<vmem>>) dst(%dma_wait3A_94 : memref<10000x64xf32, #tpu.memory_space<vmem_shared>>)
      %dma_wait3A_97 = arith.constant 3 : i32
      %dma_wait3A_98 = arith.constant 0 : i32
      %dma_wait3A_99 = arith.constant 3 : i32
      %dma_wait3A_100 = arith.constant 0 : i32
      %dma_wait3A_101 = arith.constant 0 : i32
      %dma_wait3A_102 = tpu.memref_slice %arg9[%dma_wait3A_97, %dma_wait3A_100, %dma_wait3A_101] : memref<5x125x64xf32, #tpu.memory_space<vmem>> -> memref<1x125x64xf32, #tpu.memory_space<vmem>>
      %dma_wait3A_103 = tpu.memref_squeeze %dma_wait3A_102 : memref<1x125x64xf32, #tpu.memory_space<vmem>> -> memref<125x64xf32, #tpu.memory_space<vmem>>
      %dma_wait3A_104 = arith.constant 0 : i32
      %dma_wait3A_105 = tpu.memref_slice %arg8[%dma_wait3A_98, %dma_wait3A_104] : memref<160x125xi32, #tpu.memory_space<vmem>> -> memref<1x125xi32, #tpu.memory_space<vmem>>
      %dma_wait3A_106 = tpu.memref_squeeze %dma_wait3A_105 : memref<1x125xi32, #tpu.memory_space<vmem>> -> memref<125xi32, #tpu.memory_space<vmem>>
      %dma_wait3A_107 = arith.constant 0 : i32
      %dma_wait3A_108 = arith.constant 0 : i32
      %dma_wait3A_109 = tpu.memref_slice %arg10[%dma_wait3A_107, %dma_wait3A_108] : memref<10000x64xf32, #tpu.memory_space<vmem_shared>> -> memref<10000x64xf32, #tpu.memory_space<vmem_shared>>
      %dma_wait3A_110 = tpu.memref_slice %arg12[%dma_wait3A_99] : memref<5x!tpu.dma_semaphore, #tpu.memory_space<semaphore_mem>> -> memref<1x!tpu.dma_semaphore, #tpu.memory_space<semaphore_mem>>
      %dma_wait3A_111 = tpu.memref_squeeze %dma_wait3A_110 : memref<1x!tpu.dma_semaphore, #tpu.memory_space<semaphore_mem>> -> memref<!tpu.dma_semaphore, #tpu.memory_space<semaphore_mem>>
      tpu.wait_indirect_dma semaphore(%dma_wait3A_111 : memref<!tpu.dma_semaphore, #tpu.memory_space<semaphore_mem>>) src(%dma_wait3A_103 : memref<125x64xf32, #tpu.memory_space<vmem>>) dst(%dma_wait3A_109 : memref<10000x64xf32, #tpu.memory_space<vmem_shared>>)
      %dma_wait3A_112 = arith.constant 4 : i32
      %dma_wait3A_113 = arith.constant 0 : i32
      %dma_wait3A_114 = arith.constant 4 : i32
      %dma_wait3A_115 = arith.constant 0 : i32
      %dma_wait3A_116 = arith.constant 0 : i32
      %dma_wait3A_117 = tpu.memref_slice %arg9[%dma_wait3A_112, %dma_wait3A_115, %dma_wait3A_116] : memref<5x125x64xf32, #tpu.memory_space<vmem>> -> memref<1x125x64xf32, #tpu.memory_space<vmem>>
      %dma_wait3A_118 = tpu.memref_squeeze %dma_wait3A_117 : memref<1x125x64xf32, #tpu.memory_space<vmem>> -> memref<125x64xf32, #tpu.memory_space<vmem>>
      %dma_wait3A_119 = arith.constant 0 : i32
      %dma_wait3A_120 = tpu.memref_slice %arg8[%dma_wait3A_113, %dma_wait3A_119] : memref<160x125xi32, #tpu.memory_space<vmem>> -> memref<1x125xi32, #tpu.memory_space<vmem>>
      %dma_wait3A_121 = tpu.memref_squeeze %dma_wait3A_120 : memref<1x125xi32, #tpu.memory_space<vmem>> -> memref<125xi32, #tpu.memory_space<vmem>>
      %dma_wait3A_122 = arith.constant 0 : i32
      %dma_wait3A_123 = arith.constant 0 : i32
      %dma_wait3A_124 = tpu.memref_slice %arg10[%dma_wait3A_122, %dma_wait3A_123] : memref<10000x64xf32, #tpu.memory_space<vmem_shared>> -> memref<10000x64xf32, #tpu.memory_space<vmem_shared>>
      %dma_wait3A_125 = tpu.memref_slice %arg12[%dma_wait3A_114] : memref<5x!tpu.dma_semaphore, #tpu.memory_space<semaphore_mem>> -> memref<1x!tpu.dma_semaphore, #tpu.memory_space<semaphore_mem>>
      %dma_wait3A_126 = tpu.memref_squeeze %dma_wait3A_125 : memref<1x!tpu.dma_semaphore, #tpu.memory_space<semaphore_mem>> -> memref<!tpu.dma_semaphore, #tpu.memory_space<semaphore_mem>>
      tpu.wait_indirect_dma semaphore(%dma_wait3A_126 : memref<!tpu.dma_semaphore, #tpu.memory_space<semaphore_mem>>) src(%dma_wait3A_118 : memref<125x64xf32, #tpu.memory_space<vmem>>) dst(%dma_wait3A_124 : memref<10000x64xf32, #tpu.memory_space<vmem_shared>>)
      %barrier3A_127 = arith.constant 0 : index
      tpu.barrier barrier_id(%barrier3A_127)
      %mul3A_128 = arith.constant 632 : i32
      %mul3A_129 = arith.muli %arg1, %mul3A_128 : i32
      %lt3A_130 = arith.constant 15 : i32
      %lt3A_131 = arith.cmpi slt, %arg1, %lt3A_130 : i32
      %convert_element_type3A_132 = arith.extui %lt3A_131 : i1 to i32
      %cond3A_133 = arith.constant 0 : i32
      %cond3A_134 = arith.cmpi ne, %convert_element_type3A_132, %cond3A_133 : i32
      scf.if %cond3A_134 {
        "tpu.region"() ({
          %run_scoped3A_140 = tpu.sem_alloc : memref<!tpu.dma_semaphore, #tpu.memory_space<semaphore_mem>>
          %dma_start3A_141 = arith.constant 0 : i32
          %dma_start3A_142 = tpu.memref_slice %arg5[%mul3A_129, %dma_start3A_141] : memref<10000x64xf32, #tpu.memory_space<hbm>> -> memref<632x64xf32, #tpu.memory_space<hbm>>
          %dma_start3A_143 = arith.constant 0 : i32
          %dma_start3A_144 = tpu.memref_slice %arg10[%mul3A_129, %dma_start3A_143] : memref<10000x64xf32, #tpu.memory_space<vmem_shared>> -> memref<632x64xf32, #tpu.memory_space<vmem_shared>>
          tpu.enqueue_dma source(%dma_start3A_144 : memref<632x64xf32, #tpu.memory_space<vmem_shared>>) target(%dma_start3A_142 : memref<632x64xf32, #tpu.memory_space<hbm>>) target_semaphore(%run_scoped3A_140 : memref<!tpu.dma_semaphore, #tpu.memory_space<semaphore_mem>>)
          %dma_wait3A_145 = arith.constant 0 : i32
          %dma_wait3A_146 = tpu.memref_slice %arg5[%mul3A_129, %dma_wait3A_145] : memref<10000x64xf32, #tpu.memory_space<hbm>> -> memref<632x64xf32, #tpu.memory_space<hbm>>
          %dma_wait3A_147 = arith.constant 0 : i32
          %dma_wait3A_148 = tpu.memref_slice %arg10[%mul3A_129, %dma_wait3A_147] : memref<10000x64xf32, #tpu.memory_space<vmem_shared>> -> memref<632x64xf32, #tpu.memory_space<vmem_shared>>
          tpu.wait_dma2 semaphore(%run_scoped3A_140 : memref<!tpu.dma_semaphore, #tpu.memory_space<semaphore_mem>>) src(%dma_wait3A_148 : memref<632x64xf32, #tpu.memory_space<vmem_shared>>) dst(%dma_wait3A_146 : memref<632x64xf32, #tpu.memory_space<hbm>>)
          tpu.yield
        }) : () -> ()
      } else {
      }
      %eq3A_135 = arith.constant 15 : i32
      %eq3A_136 = arith.cmpi eq, %arg1, %eq3A_135 : i32
      %convert_element_type3A_137 = arith.extui %eq3A_136 : i1 to i32
      %cond3A_138 = arith.constant 0 : i32
      %cond3A_139 = arith.cmpi ne, %convert_element_type3A_137, %cond3A_138 : i32
      scf.if %cond3A_139 {
        "tpu.region"() ({
          %run_scoped3A_140 = tpu.sem_alloc : memref<!tpu.dma_semaphore, #tpu.memory_space<semaphore_mem>>
          %dma_start3A_141 = arith.constant 0 : i32
          %dma_start3A_142 = tpu.memref_slice %arg5[%mul3A_129, %dma_start3A_141] : memref<10000x64xf32, #tpu.memory_space<hbm>> -> memref<520x64xf32, #tpu.memory_space<hbm>>
          %dma_start3A_143 = arith.constant 0 : i32
          %dma_start3A_144 = tpu.memref_slice %arg10[%mul3A_129, %dma_start3A_143] : memref<10000x64xf32, #tpu.memory_space<vmem_shared>> -> memref<520x64xf32, #tpu.memory_space<vmem_shared>>
          tpu.enqueue_dma source(%dma_start3A_144 : memref<520x64xf32, #tpu.memory_space<vmem_shared>>) target(%dma_start3A_142 : memref<520x64xf32, #tpu.memory_space<hbm>>) target_semaphore(%run_scoped3A_140 : memref<!tpu.dma_semaphore, #tpu.memory_space<semaphore_mem>>)
          %dma_wait3A_145 = arith.constant 0 : i32
          %dma_wait3A_146 = tpu.memref_slice %arg5[%mul3A_129, %dma_wait3A_145] : memref<10000x64xf32, #tpu.memory_space<hbm>> -> memref<520x64xf32, #tpu.memory_space<hbm>>
          %dma_wait3A_147 = arith.constant 0 : i32
          %dma_wait3A_148 = tpu.memref_slice %arg10[%mul3A_129, %dma_wait3A_147] : memref<10000x64xf32, #tpu.memory_space<vmem_shared>> -> memref<520x64xf32, #tpu.memory_space<vmem_shared>>
          tpu.wait_dma2 semaphore(%run_scoped3A_140 : memref<!tpu.dma_semaphore, #tpu.memory_space<semaphore_mem>>) src(%dma_wait3A_148 : memref<520x64xf32, #tpu.memory_space<vmem_shared>>) dst(%dma_wait3A_146 : memref<520x64xf32, #tpu.memory_space<hbm>>)
          tpu.yield
        }) : () -> ()
      } else {
      }
    } else {
    }
    %eq3A_3 = arith.constant 1 : i32
    %eq3A_4 = arith.cmpi eq, %arg0, %eq3A_3 : i32
    %convert_element_type3A_5 = arith.extui %eq3A_4 : i1 to i32
    %cond3A_6 = arith.constant 0 : i32
    %cond3A_7 = arith.cmpi ne, %convert_element_type3A_5, %cond3A_6 : i32
    scf.if %cond3A_7 {
      %mul3A = arith.constant 632 : i32
      %mul3A_8 = arith.muli %arg1, %mul3A : i32
      %lt3A = arith.constant 15 : i32
      %lt3A_9 = arith.cmpi slt, %arg1, %lt3A : i32
      %convert_element_type3A_10 = arith.extui %lt3A_9 : i1 to i32
      %cond3A_11 = arith.constant 0 : i32
      %cond3A_12 = arith.cmpi ne, %convert_element_type3A_10, %cond3A_11 : i32
      scf.if %cond3A_12 {
        "tpu.region"() ({
          %run_scoped3A_140 = tpu.sem_alloc : memref<!tpu.dma_semaphore, #tpu.memory_space<semaphore_mem>>
          %dma_start3A_141 = arith.constant 0 : i32
          %dma_start3A_142 = tpu.memref_slice %arg10[%mul3A_8, %dma_start3A_141] : memref<10000x64xf32, #tpu.memory_space<vmem_shared>> -> memref<632x64xf32, #tpu.memory_space<vmem_shared>>
          %dma_start3A_143 = arith.constant 0 : i32
          %dma_start3A_144 = tpu.memref_slice %arg3[%mul3A_8, %dma_start3A_143] : memref<10000x64xf32, #tpu.memory_space<hbm>> -> memref<632x64xf32, #tpu.memory_space<hbm>>
          tpu.enqueue_dma source(%dma_start3A_144 : memref<632x64xf32, #tpu.memory_space<hbm>>) target(%dma_start3A_142 : memref<632x64xf32, #tpu.memory_space<vmem_shared>>) target_semaphore(%run_scoped3A_140 : memref<!tpu.dma_semaphore, #tpu.memory_space<semaphore_mem>>)
          %dma_wait3A_145 = arith.constant 0 : i32
          %dma_wait3A_146 = tpu.memref_slice %arg10[%mul3A_8, %dma_wait3A_145] : memref<10000x64xf32, #tpu.memory_space<vmem_shared>> -> memref<632x64xf32, #tpu.memory_space<vmem_shared>>
          %dma_wait3A_147 = arith.constant 0 : i32
          %dma_wait3A_148 = tpu.memref_slice %arg3[%mul3A_8, %dma_wait3A_147] : memref<10000x64xf32, #tpu.memory_space<hbm>> -> memref<632x64xf32, #tpu.memory_space<hbm>>
          tpu.wait_dma2 semaphore(%run_scoped3A_140 : memref<!tpu.dma_semaphore, #tpu.memory_space<semaphore_mem>>) src(%dma_wait3A_148 : memref<632x64xf32, #tpu.memory_space<hbm>>) dst(%dma_wait3A_146 : memref<632x64xf32, #tpu.memory_space<vmem_shared>>)
          tpu.yield
        }) : () -> ()
      } else {
      }
      %eq3A_13 = arith.constant 15 : i32
      %eq3A_14 = arith.cmpi eq, %arg1, %eq3A_13 : i32
      %convert_element_type3A_15 = arith.extui %eq3A_14 : i1 to i32
      %cond3A_16 = arith.constant 0 : i32
      %cond3A_17 = arith.cmpi ne, %convert_element_type3A_15, %cond3A_16 : i32
      scf.if %cond3A_17 {
        "tpu.region"() ({
          %run_scoped3A_140 = tpu.sem_alloc : memref<!tpu.dma_semaphore, #tpu.memory_space<semaphore_mem>>
          %dma_start3A_141 = arith.constant 0 : i32
          %dma_start3A_142 = tpu.memref_slice %arg10[%mul3A_8, %dma_start3A_141] : memref<10000x64xf32, #tpu.memory_space<vmem_shared>> -> memref<520x64xf32, #tpu.memory_space<vmem_shared>>
          %dma_start3A_143 = arith.constant 0 : i32
          %dma_start3A_144 = tpu.memref_slice %arg3[%mul3A_8, %dma_start3A_143] : memref<10000x64xf32, #tpu.memory_space<hbm>> -> memref<520x64xf32, #tpu.memory_space<hbm>>
          tpu.enqueue_dma source(%dma_start3A_144 : memref<520x64xf32, #tpu.memory_space<hbm>>) target(%dma_start3A_142 : memref<520x64xf32, #tpu.memory_space<vmem_shared>>) target_semaphore(%run_scoped3A_140 : memref<!tpu.dma_semaphore, #tpu.memory_space<semaphore_mem>>)
          %dma_wait3A_145 = arith.constant 0 : i32
          %dma_wait3A_146 = tpu.memref_slice %arg10[%mul3A_8, %dma_wait3A_145] : memref<10000x64xf32, #tpu.memory_space<vmem_shared>> -> memref<520x64xf32, #tpu.memory_space<vmem_shared>>
          %dma_wait3A_147 = arith.constant 0 : i32
          %dma_wait3A_148 = tpu.memref_slice %arg3[%mul3A_8, %dma_wait3A_147] : memref<10000x64xf32, #tpu.memory_space<hbm>> -> memref<520x64xf32, #tpu.memory_space<hbm>>
          tpu.wait_dma2 semaphore(%run_scoped3A_140 : memref<!tpu.dma_semaphore, #tpu.memory_space<semaphore_mem>>) src(%dma_wait3A_148 : memref<520x64xf32, #tpu.memory_space<hbm>>) dst(%dma_wait3A_146 : memref<520x64xf32, #tpu.memory_space<vmem_shared>>)
          tpu.yield
        }) : () -> ()
      } else {
      }
      %barrier3A = arith.constant 0 : index
      tpu.barrier barrier_id(%barrier3A)
      %dma_start3A = arith.constant 0 : i32
      %dma_start3A_18 = arith.constant 0 : i32
      %dma_start3A_19 = arith.constant 0 : i32
      %dma_start3A_20 = arith.constant 0 : i32
      %dma_start3A_21 = arith.constant 0 : i32
      %dma_start3A_22 = tpu.memref_slice %arg9[%dma_start3A_18, %dma_start3A_20, %dma_start3A_21] : memref<5x125x64xf32, #tpu.memory_space<vmem>> -> memref<1x125x64xf32, #tpu.memory_space<vmem>>
      %dma_start3A_23 = tpu.memref_squeeze %dma_start3A_22 : memref<1x125x64xf32, #tpu.memory_space<vmem>> -> memref<125x64xf32, #tpu.memory_space<vmem>>
      %dma_start3A_24 = arith.constant 0 : i32
      %dma_start3A_25 = tpu.memref_slice %arg7[%dma_start3A, %dma_start3A_24] : memref<160x125xi32, #tpu.memory_space<vmem>> -> memref<1x125xi32, #tpu.memory_space<vmem>>
      %dma_start3A_26 = tpu.memref_squeeze %dma_start3A_25 : memref<1x125xi32, #tpu.memory_space<vmem>> -> memref<125xi32, #tpu.memory_space<vmem>>
      %dma_start3A_27 = arith.constant 0 : i32
      %dma_start3A_28 = arith.constant 0 : i32
      %dma_start3A_29 = tpu.memref_slice %arg3[%dma_start3A_27, %dma_start3A_28] : memref<10000x64xf32, #tpu.memory_space<hbm>> -> memref<10000x64xf32, #tpu.memory_space<hbm>>
      %dma_start3A_30 = tpu.memref_slice %arg11[%dma_start3A_19] : memref<5x!tpu.dma_semaphore, #tpu.memory_space<semaphore_mem>> -> memref<1x!tpu.dma_semaphore, #tpu.memory_space<semaphore_mem>>
      %dma_start3A_31 = tpu.memref_squeeze %dma_start3A_30 : memref<1x!tpu.dma_semaphore, #tpu.memory_space<semaphore_mem>> -> memref<!tpu.dma_semaphore, #tpu.memory_space<semaphore_mem>>
      tpu.enqueue_indirect_dma source(%dma_start3A_29 : memref<10000x64xf32, #tpu.memory_space<hbm>>) target(%dma_start3A_23 : memref<125x64xf32, #tpu.memory_space<vmem>>) offsets(%dma_start3A_26 : memref<125xi32, #tpu.memory_space<vmem>>) semaphore(%dma_start3A_31 : memref<!tpu.dma_semaphore, #tpu.memory_space<semaphore_mem>>)
      %dma_start3A_32 = arith.constant 1 : i32
      %dma_start3A_33 = arith.constant 1 : i32
      %dma_start3A_34 = arith.constant 1 : i32
      %dma_start3A_35 = arith.constant 0 : i32
      %dma_start3A_36 = arith.constant 0 : i32
      %dma_start3A_37 = tpu.memref_slice %arg9[%dma_start3A_33, %dma_start3A_35, %dma_start3A_36] : memref<5x125x64xf32, #tpu.memory_space<vmem>> -> memref<1x125x64xf32, #tpu.memory_space<vmem>>
      %dma_start3A_38 = tpu.memref_squeeze %dma_start3A_37 : memref<1x125x64xf32, #tpu.memory_space<vmem>> -> memref<125x64xf32, #tpu.memory_space<vmem>>
      %dma_start3A_39 = arith.constant 0 : i32
      %dma_start3A_40 = tpu.memref_slice %arg7[%dma_start3A_32, %dma_start3A_39] : memref<160x125xi32, #tpu.memory_space<vmem>> -> memref<1x125xi32, #tpu.memory_space<vmem>>
      %dma_start3A_41 = tpu.memref_squeeze %dma_start3A_40 : memref<1x125xi32, #tpu.memory_space<vmem>> -> memref<125xi32, #tpu.memory_space<vmem>>
      %dma_start3A_42 = arith.constant 0 : i32
      %dma_start3A_43 = arith.constant 0 : i32
      %dma_start3A_44 = tpu.memref_slice %arg3[%dma_start3A_42, %dma_start3A_43] : memref<10000x64xf32, #tpu.memory_space<hbm>> -> memref<10000x64xf32, #tpu.memory_space<hbm>>
      %dma_start3A_45 = tpu.memref_slice %arg11[%dma_start3A_34] : memref<5x!tpu.dma_semaphore, #tpu.memory_space<semaphore_mem>> -> memref<1x!tpu.dma_semaphore, #tpu.memory_space<semaphore_mem>>
      %dma_start3A_46 = tpu.memref_squeeze %dma_start3A_45 : memref<1x!tpu.dma_semaphore, #tpu.memory_space<semaphore_mem>> -> memref<!tpu.dma_semaphore, #tpu.memory_space<semaphore_mem>>
      tpu.enqueue_indirect_dma source(%dma_start3A_44 : memref<10000x64xf32, #tpu.memory_space<hbm>>) target(%dma_start3A_38 : memref<125x64xf32, #tpu.memory_space<vmem>>) offsets(%dma_start3A_41 : memref<125xi32, #tpu.memory_space<vmem>>) semaphore(%dma_start3A_46 : memref<!tpu.dma_semaphore, #tpu.memory_space<semaphore_mem>>)
      %scan3A = arith.constant 0 : i32
      %scan3A_47 = arith.constant 0 : i32
      %scan3A_48 = arith.constant 32 : i32
      %scan3A_49 = arith.addi %scan3A_47, %scan3A_48 : i32
      %scan3A_50 = arith.constant 1 : i32
      %scan3A_51 = scf.for %scan3A_140 = %scan3A_47 to %scan3A_49 step %scan3A_50 iter_args(%scan3A_141 = %scan3A) -> (i32)  : i32 {
        %mul3A_142 = arith.constant 5 : i32
        %mul3A_143 = arith.muli %mul3A_142, %scan3A_140 : i32
        %add3A = arith.constant 0 : i32
        %add3A_144 = arith.addi %mul3A_143, %add3A : i32
        %dma_wait3A_145 = arith.constant 0 : i32
        %dma_wait3A_146 = arith.constant 0 : i32
        %dma_wait3A_147 = arith.constant 0 : i32
        %dma_wait3A_148 = arith.constant 0 : i32
        %dma_wait3A_149 = arith.constant 0 : i32
        %dma_wait3A_150 = tpu.memref_slice %arg9[%dma_wait3A_146, %dma_wait3A_148, %dma_wait3A_149] : memref<5x125x64xf32, #tpu.memory_space<vmem>> -> memref<1x125x64xf32, #tpu.memory_space<vmem>>
        %dma_wait3A_151 = tpu.memref_squeeze %dma_wait3A_150 : memref<1x125x64xf32, #tpu.memory_space<vmem>> -> memref<125x64xf32, #tpu.memory_space<vmem>>
        %dma_wait3A_152 = arith.constant 0 : i32
        %dma_wait3A_153 = tpu.memref_slice %arg7[%dma_wait3A_145, %dma_wait3A_152] : memref<160x125xi32, #tpu.memory_space<vmem>> -> memref<1x125xi32, #tpu.memory_space<vmem>>
        %dma_wait3A_154 = tpu.memref_squeeze %dma_wait3A_153 : memref<1x125xi32, #tpu.memory_space<vmem>> -> memref<125xi32, #tpu.memory_space<vmem>>
        %dma_wait3A_155 = arith.constant 0 : i32
        %dma_wait3A_156 = arith.constant 0 : i32
        %dma_wait3A_157 = tpu.memref_slice %arg3[%dma_wait3A_155, %dma_wait3A_156] : memref<10000x64xf32, #tpu.memory_space<hbm>> -> memref<10000x64xf32, #tpu.memory_space<hbm>>
        %dma_wait3A_158 = tpu.memref_slice %arg11[%dma_wait3A_147] : memref<5x!tpu.dma_semaphore, #tpu.memory_space<semaphore_mem>> -> memref<1x!tpu.dma_semaphore, #tpu.memory_space<semaphore_mem>>
        %dma_wait3A_159 = tpu.memref_squeeze %dma_wait3A_158 : memref<1x!tpu.dma_semaphore, #tpu.memory_space<semaphore_mem>> -> memref<!tpu.dma_semaphore, #tpu.memory_space<semaphore_mem>>
        tpu.wait_indirect_dma semaphore(%dma_wait3A_159 : memref<!tpu.dma_semaphore, #tpu.memory_space<semaphore_mem>>) src(%dma_wait3A_157 : memref<10000x64xf32, #tpu.memory_space<hbm>>) dst(%dma_wait3A_151 : memref<125x64xf32, #tpu.memory_space<vmem>>)
        %dma_start3A_160 = arith.constant 0 : i32
        %dma_start3A_161 = arith.constant 0 : i32
        %dma_start3A_162 = arith.constant 0 : i32
        %dma_start3A_163 = arith.constant 0 : i32
        %dma_start3A_164 = tpu.memref_slice %arg9[%dma_start3A_160, %dma_start3A_162, %dma_start3A_163] : memref<5x125x64xf32, #tpu.memory_space<vmem>> -> memref<1x125x64xf32, #tpu.memory_space<vmem>>
        %dma_start3A_165 = tpu.memref_squeeze %dma_start3A_164 : memref<1x125x64xf32, #tpu.memory_space<vmem>> -> memref<125x64xf32, #tpu.memory_space<vmem>>
        %dma_start3A_166 = arith.constant 0 : i32
        %dma_start3A_167 = tpu.memref_slice %arg8[%add3A_144, %dma_start3A_166] : memref<160x125xi32, #tpu.memory_space<vmem>> -> memref<1x125xi32, #tpu.memory_space<vmem>>
        %dma_start3A_168 = tpu.memref_squeeze %dma_start3A_167 : memref<1x125xi32, #tpu.memory_space<vmem>> -> memref<125xi32, #tpu.memory_space<vmem>>
        %dma_start3A_169 = arith.constant 0 : i32
        %dma_start3A_170 = arith.constant 0 : i32
        %dma_start3A_171 = tpu.memref_slice %arg10[%dma_start3A_169, %dma_start3A_170] : memref<10000x64xf32, #tpu.memory_space<vmem_shared>> -> memref<10000x64xf32, #tpu.memory_space<vmem_shared>>
        %dma_start3A_172 = tpu.memref_slice %arg12[%dma_start3A_161] : memref<5x!tpu.dma_semaphore, #tpu.memory_space<semaphore_mem>> -> memref<1x!tpu.dma_semaphore, #tpu.memory_space<semaphore_mem>>
        %dma_start3A_173 = tpu.memref_squeeze %dma_start3A_172 : memref<1x!tpu.dma_semaphore, #tpu.memory_space<semaphore_mem>> -> memref<!tpu.dma_semaphore, #tpu.memory_space<semaphore_mem>>
        tpu.enqueue_indirect_dma source(%dma_start3A_165 : memref<125x64xf32, #tpu.memory_space<vmem>>) target(%dma_start3A_171 : memref<10000x64xf32, #tpu.memory_space<vmem_shared>>) offsets(%dma_start3A_168 : memref<125xi32, #tpu.memory_space<vmem>>) semaphore(%dma_start3A_173 : memref<!tpu.dma_semaphore, #tpu.memory_space<semaphore_mem>>) {add = true}
        %add3A_174 = arith.constant 2 : i32
        %add3A_175 = arith.addi %add3A_144, %add3A_174 : i32
        %sub3A = arith.constant 5 : i32
        %sub3A_176 = arith.subi %add3A_175, %sub3A : i32
        %add3A_177 = arith.constant 2 : i32
        %add3A_178 = arith.addi %add3A_144, %add3A_177 : i32
        %lt3A_179 = arith.constant 160 : i32
        %lt3A_180 = arith.cmpi slt, %add3A_178, %lt3A_179 : i32
        %convert_element_type3A_181 = arith.extui %lt3A_180 : i1 to i32
        %cond3A_182 = arith.constant 0 : i32
        %cond3A_183 = arith.cmpi ne, %convert_element_type3A_181, %cond3A_182 : i32
        scf.if %cond3A_183 {
          %ge3A = arith.constant 0 : i32
          %ge3A_361 = arith.cmpi sge, %sub3A_176, %ge3A : i32
          %convert_element_type3A_362 = arith.extui %ge3A_361 : i1 to i32
          %cond3A_363 = arith.constant 0 : i32
          %cond3A_364 = arith.cmpi ne, %convert_element_type3A_362, %cond3A_363 : i32
          scf.if %cond3A_364 {
            %dma_wait3A_379 = arith.constant 2 : i32
            %dma_wait3A_380 = arith.constant 0 : i32
            %dma_wait3A_381 = arith.constant 2 : i32
            %dma_wait3A_382 = arith.constant 0 : i32
            %dma_wait3A_383 = arith.constant 0 : i32
            %dma_wait3A_384 = tpu.memref_slice %arg9[%dma_wait3A_379, %dma_wait3A_382, %dma_wait3A_383] : memref<5x125x64xf32, #tpu.memory_space<vmem>> -> memref<1x125x64xf32, #tpu.memory_space<vmem>>
            %dma_wait3A_385 = tpu.memref_squeeze %dma_wait3A_384 : memref<1x125x64xf32, #tpu.memory_space<vmem>> -> memref<125x64xf32, #tpu.memory_space<vmem>>
            %dma_wait3A_386 = arith.constant 0 : i32
            %dma_wait3A_387 = tpu.memref_slice %arg8[%dma_wait3A_380, %dma_wait3A_386] : memref<160x125xi32, #tpu.memory_space<vmem>> -> memref<1x125xi32, #tpu.memory_space<vmem>>
            %dma_wait3A_388 = tpu.memref_squeeze %dma_wait3A_387 : memref<1x125xi32, #tpu.memory_space<vmem>> -> memref<125xi32, #tpu.memory_space<vmem>>
            %dma_wait3A_389 = arith.constant 0 : i32
            %dma_wait3A_390 = arith.constant 0 : i32
            %dma_wait3A_391 = tpu.memref_slice %arg10[%dma_wait3A_389, %dma_wait3A_390] : memref<10000x64xf32, #tpu.memory_space<vmem_shared>> -> memref<10000x64xf32, #tpu.memory_space<vmem_shared>>
            %dma_wait3A_392 = tpu.memref_slice %arg12[%dma_wait3A_381] : memref<5x!tpu.dma_semaphore, #tpu.memory_space<semaphore_mem>> -> memref<1x!tpu.dma_semaphore, #tpu.memory_space<semaphore_mem>>
            %dma_wait3A_393 = tpu.memref_squeeze %dma_wait3A_392 : memref<1x!tpu.dma_semaphore, #tpu.memory_space<semaphore_mem>> -> memref<!tpu.dma_semaphore, #tpu.memory_space<semaphore_mem>>
            tpu.wait_indirect_dma semaphore(%dma_wait3A_393 : memref<!tpu.dma_semaphore, #tpu.memory_space<semaphore_mem>>) src(%dma_wait3A_385 : memref<125x64xf32, #tpu.memory_space<vmem>>) dst(%dma_wait3A_391 : memref<10000x64xf32, #tpu.memory_space<vmem_shared>>)
          } else {
          }
          %dma_start3A_365 = arith.constant 2 : i32
          %dma_start3A_366 = arith.constant 2 : i32
          %dma_start3A_367 = arith.constant 0 : i32
          %dma_start3A_368 = arith.constant 0 : i32
          %dma_start3A_369 = tpu.memref_slice %arg9[%dma_start3A_365, %dma_start3A_367, %dma_start3A_368] : memref<5x125x64xf32, #tpu.memory_space<vmem>> -> memref<1x125x64xf32, #tpu.memory_space<vmem>>
          %dma_start3A_370 = tpu.memref_squeeze %dma_start3A_369 : memref<1x125x64xf32, #tpu.memory_space<vmem>> -> memref<125x64xf32, #tpu.memory_space<vmem>>
          %dma_start3A_371 = arith.constant 0 : i32
          %dma_start3A_372 = tpu.memref_slice %arg7[%add3A_178, %dma_start3A_371] : memref<160x125xi32, #tpu.memory_space<vmem>> -> memref<1x125xi32, #tpu.memory_space<vmem>>
          %dma_start3A_373 = tpu.memref_squeeze %dma_start3A_372 : memref<1x125xi32, #tpu.memory_space<vmem>> -> memref<125xi32, #tpu.memory_space<vmem>>
          %dma_start3A_374 = arith.constant 0 : i32
          %dma_start3A_375 = arith.constant 0 : i32
          %dma_start3A_376 = tpu.memref_slice %arg3[%dma_start3A_374, %dma_start3A_375] : memref<10000x64xf32, #tpu.memory_space<hbm>> -> memref<10000x64xf32, #tpu.memory_space<hbm>>
          %dma_start3A_377 = tpu.memref_slice %arg11[%dma_start3A_366] : memref<5x!tpu.dma_semaphore, #tpu.memory_space<semaphore_mem>> -> memref<1x!tpu.dma_semaphore, #tpu.memory_space<semaphore_mem>>
          %dma_start3A_378 = tpu.memref_squeeze %dma_start3A_377 : memref<1x!tpu.dma_semaphore, #tpu.memory_space<semaphore_mem>> -> memref<!tpu.dma_semaphore, #tpu.memory_space<semaphore_mem>>
          tpu.enqueue_indirect_dma source(%dma_start3A_376 : memref<10000x64xf32, #tpu.memory_space<hbm>>) target(%dma_start3A_370 : memref<125x64xf32, #tpu.memory_space<vmem>>) offsets(%dma_start3A_373 : memref<125xi32, #tpu.memory_space<vmem>>) semaphore(%dma_start3A_378 : memref<!tpu.dma_semaphore, #tpu.memory_space<semaphore_mem>>)
        } else {
        }
        %mul3A_184 = arith.constant 5 : i32
        %mul3A_185 = arith.muli %mul3A_184, %scan3A_140 : i32
        %add3A_186 = arith.constant 1 : i32
        %add3A_187 = arith.addi %mul3A_185, %add3A_186 : i32
        %dma_wait3A_188 = arith.constant 0 : i32
        %dma_wait3A_189 = arith.constant 1 : i32
        %dma_wait3A_190 = arith.constant 1 : i32
        %dma_wait3A_191 = arith.constant 0 : i32
        %dma_wait3A_192 = arith.constant 0 : i32
        %dma_wait3A_193 = tpu.memref_slice %arg9[%dma_wait3A_189, %dma_wait3A_191, %dma_wait3A_192] : memref<5x125x64xf32, #tpu.memory_space<vmem>> -> memref<1x125x64xf32, #tpu.memory_space<vmem>>
        %dma_wait3A_194 = tpu.memref_squeeze %dma_wait3A_193 : memref<1x125x64xf32, #tpu.memory_space<vmem>> -> memref<125x64xf32, #tpu.memory_space<vmem>>
        %dma_wait3A_195 = arith.constant 0 : i32
        %dma_wait3A_196 = tpu.memref_slice %arg7[%dma_wait3A_188, %dma_wait3A_195] : memref<160x125xi32, #tpu.memory_space<vmem>> -> memref<1x125xi32, #tpu.memory_space<vmem>>
        %dma_wait3A_197 = tpu.memref_squeeze %dma_wait3A_196 : memref<1x125xi32, #tpu.memory_space<vmem>> -> memref<125xi32, #tpu.memory_space<vmem>>
        %dma_wait3A_198 = arith.constant 0 : i32
        %dma_wait3A_199 = arith.constant 0 : i32
        %dma_wait3A_200 = tpu.memref_slice %arg3[%dma_wait3A_198, %dma_wait3A_199] : memref<10000x64xf32, #tpu.memory_space<hbm>> -> memref<10000x64xf32, #tpu.memory_space<hbm>>
        %dma_wait3A_201 = tpu.memref_slice %arg11[%dma_wait3A_190] : memref<5x!tpu.dma_semaphore, #tpu.memory_space<semaphore_mem>> -> memref<1x!tpu.dma_semaphore, #tpu.memory_space<semaphore_mem>>
        %dma_wait3A_202 = tpu.memref_squeeze %dma_wait3A_201 : memref<1x!tpu.dma_semaphore, #tpu.memory_space<semaphore_mem>> -> memref<!tpu.dma_semaphore, #tpu.memory_space<semaphore_mem>>
        tpu.wait_indirect_dma semaphore(%dma_wait3A_202 : memref<!tpu.dma_semaphore, #tpu.memory_space<semaphore_mem>>) src(%dma_wait3A_200 : memref<10000x64xf32, #tpu.memory_space<hbm>>) dst(%dma_wait3A_194 : memref<125x64xf32, #tpu.memory_space<vmem>>)
        %dma_start3A_203 = arith.constant 1 : i32
        %dma_start3A_204 = arith.constant 1 : i32
        %dma_start3A_205 = arith.constant 0 : i32
        %dma_start3A_206 = arith.constant 0 : i32
        %dma_start3A_207 = tpu.memref_slice %arg9[%dma_start3A_203, %dma_start3A_205, %dma_start3A_206] : memref<5x125x64xf32, #tpu.memory_space<vmem>> -> memref<1x125x64xf32, #tpu.memory_space<vmem>>
        %dma_start3A_208 = tpu.memref_squeeze %dma_start3A_207 : memref<1x125x64xf32, #tpu.memory_space<vmem>> -> memref<125x64xf32, #tpu.memory_space<vmem>>
        %dma_start3A_209 = arith.constant 0 : i32
        %dma_start3A_210 = tpu.memref_slice %arg8[%add3A_187, %dma_start3A_209] : memref<160x125xi32, #tpu.memory_space<vmem>> -> memref<1x125xi32, #tpu.memory_space<vmem>>
        %dma_start3A_211 = tpu.memref_squeeze %dma_start3A_210 : memref<1x125xi32, #tpu.memory_space<vmem>> -> memref<125xi32, #tpu.memory_space<vmem>>
        %dma_start3A_212 = arith.constant 0 : i32
        %dma_start3A_213 = arith.constant 0 : i32
        %dma_start3A_214 = tpu.memref_slice %arg10[%dma_start3A_212, %dma_start3A_213] : memref<10000x64xf32, #tpu.memory_space<vmem_shared>> -> memref<10000x64xf32, #tpu.memory_space<vmem_shared>>
        %dma_start3A_215 = tpu.memref_slice %arg12[%dma_start3A_204] : memref<5x!tpu.dma_semaphore, #tpu.memory_space<semaphore_mem>> -> memref<1x!tpu.dma_semaphore, #tpu.memory_space<semaphore_mem>>
        %dma_start3A_216 = tpu.memref_squeeze %dma_start3A_215 : memref<1x!tpu.dma_semaphore, #tpu.memory_space<semaphore_mem>> -> memref<!tpu.dma_semaphore, #tpu.memory_space<semaphore_mem>>
        tpu.enqueue_indirect_dma source(%dma_start3A_208 : memref<125x64xf32, #tpu.memory_space<vmem>>) target(%dma_start3A_214 : memref<10000x64xf32, #tpu.memory_space<vmem_shared>>) offsets(%dma_start3A_211 : memref<125xi32, #tpu.memory_space<vmem>>) semaphore(%dma_start3A_216 : memref<!tpu.dma_semaphore, #tpu.memory_space<semaphore_mem>>) {add = true}
        %add3A_217 = arith.constant 2 : i32
        %add3A_218 = arith.addi %add3A_187, %add3A_217 : i32
        %sub3A_219 = arith.constant 5 : i32
        %sub3A_220 = arith.subi %add3A_218, %sub3A_219 : i32
        %add3A_221 = arith.constant 2 : i32
        %add3A_222 = arith.addi %add3A_187, %add3A_221 : i32
        %lt3A_223 = arith.constant 160 : i32
        %lt3A_224 = arith.cmpi slt, %add3A_222, %lt3A_223 : i32
        %convert_element_type3A_225 = arith.extui %lt3A_224 : i1 to i32
        %cond3A_226 = arith.constant 0 : i32
        %cond3A_227 = arith.cmpi ne, %convert_element_type3A_225, %cond3A_226 : i32
        scf.if %cond3A_227 {
          %ge3A = arith.constant 0 : i32
          %ge3A_361 = arith.cmpi sge, %sub3A_220, %ge3A : i32
          %convert_element_type3A_362 = arith.extui %ge3A_361 : i1 to i32
          %cond3A_363 = arith.constant 0 : i32
          %cond3A_364 = arith.cmpi ne, %convert_element_type3A_362, %cond3A_363 : i32
          scf.if %cond3A_364 {
            %dma_wait3A_379 = arith.constant 3 : i32
            %dma_wait3A_380 = arith.constant 0 : i32
            %dma_wait3A_381 = arith.constant 3 : i32
            %dma_wait3A_382 = arith.constant 0 : i32
            %dma_wait3A_383 = arith.constant 0 : i32
            %dma_wait3A_384 = tpu.memref_slice %arg9[%dma_wait3A_379, %dma_wait3A_382, %dma_wait3A_383] : memref<5x125x64xf32, #tpu.memory_space<vmem>> -> memref<1x125x64xf32, #tpu.memory_space<vmem>>
            %dma_wait3A_385 = tpu.memref_squeeze %dma_wait3A_384 : memref<1x125x64xf32, #tpu.memory_space<vmem>> -> memref<125x64xf32, #tpu.memory_space<vmem>>
            %dma_wait3A_386 = arith.constant 0 : i32
            %dma_wait3A_387 = tpu.memref_slice %arg8[%dma_wait3A_380, %dma_wait3A_386] : memref<160x125xi32, #tpu.memory_space<vmem>> -> memref<1x125xi32, #tpu.memory_space<vmem>>
            %dma_wait3A_388 = tpu.memref_squeeze %dma_wait3A_387 : memref<1x125xi32, #tpu.memory_space<vmem>> -> memref<125xi32, #tpu.memory_space<vmem>>
            %dma_wait3A_389 = arith.constant 0 : i32
            %dma_wait3A_390 = arith.constant 0 : i32
            %dma_wait3A_391 = tpu.memref_slice %arg10[%dma_wait3A_389, %dma_wait3A_390] : memref<10000x64xf32, #tpu.memory_space<vmem_shared>> -> memref<10000x64xf32, #tpu.memory_space<vmem_shared>>
            %dma_wait3A_392 = tpu.memref_slice %arg12[%dma_wait3A_381] : memref<5x!tpu.dma_semaphore, #tpu.memory_space<semaphore_mem>> -> memref<1x!tpu.dma_semaphore, #tpu.memory_space<semaphore_mem>>
            %dma_wait3A_393 = tpu.memref_squeeze %dma_wait3A_392 : memref<1x!tpu.dma_semaphore, #tpu.memory_space<semaphore_mem>> -> memref<!tpu.dma_semaphore, #tpu.memory_space<semaphore_mem>>
            tpu.wait_indirect_dma semaphore(%dma_wait3A_393 : memref<!tpu.dma_semaphore, #tpu.memory_space<semaphore_mem>>) src(%dma_wait3A_385 : memref<125x64xf32, #tpu.memory_space<vmem>>) dst(%dma_wait3A_391 : memref<10000x64xf32, #tpu.memory_space<vmem_shared>>)
          } else {
          }
          %dma_start3A_365 = arith.constant 3 : i32
          %dma_start3A_366 = arith.constant 3 : i32
          %dma_start3A_367 = arith.constant 0 : i32
          %dma_start3A_368 = arith.constant 0 : i32
          %dma_start3A_369 = tpu.memref_slice %arg9[%dma_start3A_365, %dma_start3A_367, %dma_start3A_368] : memref<5x125x64xf32, #tpu.memory_space<vmem>> -> memref<1x125x64xf32, #tpu.memory_space<vmem>>
          %dma_start3A_370 = tpu.memref_squeeze %dma_start3A_369 : memref<1x125x64xf32, #tpu.memory_space<vmem>> -> memref<125x64xf32, #tpu.memory_space<vmem>>
          %dma_start3A_371 = arith.constant 0 : i32
          %dma_start3A_372 = tpu.memref_slice %arg7[%add3A_222, %dma_start3A_371] : memref<160x125xi32, #tpu.memory_space<vmem>> -> memref<1x125xi32, #tpu.memory_space<vmem>>
          %dma_start3A_373 = tpu.memref_squeeze %dma_start3A_372 : memref<1x125xi32, #tpu.memory_space<vmem>> -> memref<125xi32, #tpu.memory_space<vmem>>
          %dma_start3A_374 = arith.constant 0 : i32
          %dma_start3A_375 = arith.constant 0 : i32
          %dma_start3A_376 = tpu.memref_slice %arg3[%dma_start3A_374, %dma_start3A_375] : memref<10000x64xf32, #tpu.memory_space<hbm>> -> memref<10000x64xf32, #tpu.memory_space<hbm>>
          %dma_start3A_377 = tpu.memref_slice %arg11[%dma_start3A_366] : memref<5x!tpu.dma_semaphore, #tpu.memory_space<semaphore_mem>> -> memref<1x!tpu.dma_semaphore, #tpu.memory_space<semaphore_mem>>
          %dma_start3A_378 = tpu.memref_squeeze %dma_start3A_377 : memref<1x!tpu.dma_semaphore, #tpu.memory_space<semaphore_mem>> -> memref<!tpu.dma_semaphore, #tpu.memory_space<semaphore_mem>>
          tpu.enqueue_indirect_dma source(%dma_start3A_376 : memref<10000x64xf32, #tpu.memory_space<hbm>>) target(%dma_start3A_370 : memref<125x64xf32, #tpu.memory_space<vmem>>) offsets(%dma_start3A_373 : memref<125xi32, #tpu.memory_space<vmem>>) semaphore(%dma_start3A_378 : memref<!tpu.dma_semaphore, #tpu.memory_space<semaphore_mem>>)
        } else {
        }
        %mul3A_228 = arith.constant 5 : i32
        %mul3A_229 = arith.muli %mul3A_228, %scan3A_140 : i32
        %add3A_230 = arith.constant 2 : i32
        %add3A_231 = arith.addi %mul3A_229, %add3A_230 : i32
        %dma_wait3A_232 = arith.constant 0 : i32
        %dma_wait3A_233 = arith.constant 2 : i32
        %dma_wait3A_234 = arith.constant 2 : i32
        %dma_wait3A_235 = arith.constant 0 : i32
        %dma_wait3A_236 = arith.constant 0 : i32
        %dma_wait3A_237 = tpu.memref_slice %arg9[%dma_wait3A_233, %dma_wait3A_235, %dma_wait3A_236] : memref<5x125x64xf32, #tpu.memory_space<vmem>> -> memref<1x125x64xf32, #tpu.memory_space<vmem>>
        %dma_wait3A_238 = tpu.memref_squeeze %dma_wait3A_237 : memref<1x125x64xf32, #tpu.memory_space<vmem>> -> memref<125x64xf32, #tpu.memory_space<vmem>>
        %dma_wait3A_239 = arith.constant 0 : i32
        %dma_wait3A_240 = tpu.memref_slice %arg7[%dma_wait3A_232, %dma_wait3A_239] : memref<160x125xi32, #tpu.memory_space<vmem>> -> memref<1x125xi32, #tpu.memory_space<vmem>>
        %dma_wait3A_241 = tpu.memref_squeeze %dma_wait3A_240 : memref<1x125xi32, #tpu.memory_space<vmem>> -> memref<125xi32, #tpu.memory_space<vmem>>
        %dma_wait3A_242 = arith.constant 0 : i32
        %dma_wait3A_243 = arith.constant 0 : i32
        %dma_wait3A_244 = tpu.memref_slice %arg3[%dma_wait3A_242, %dma_wait3A_243] : memref<10000x64xf32, #tpu.memory_space<hbm>> -> memref<10000x64xf32, #tpu.memory_space<hbm>>
        %dma_wait3A_245 = tpu.memref_slice %arg11[%dma_wait3A_234] : memref<5x!tpu.dma_semaphore, #tpu.memory_space<semaphore_mem>> -> memref<1x!tpu.dma_semaphore, #tpu.memory_space<semaphore_mem>>
        %dma_wait3A_246 = tpu.memref_squeeze %dma_wait3A_245 : memref<1x!tpu.dma_semaphore, #tpu.memory_space<semaphore_mem>> -> memref<!tpu.dma_semaphore, #tpu.memory_space<semaphore_mem>>
        tpu.wait_indirect_dma semaphore(%dma_wait3A_246 : memref<!tpu.dma_semaphore, #tpu.memory_space<semaphore_mem>>) src(%dma_wait3A_244 : memref<10000x64xf32, #tpu.memory_space<hbm>>) dst(%dma_wait3A_238 : memref<125x64xf32, #tpu.memory_space<vmem>>)
        %dma_start3A_247 = arith.constant 2 : i32
        %dma_start3A_248 = arith.constant 2 : i32
        %dma_start3A_249 = arith.constant 0 : i32
        %dma_start3A_250 = arith.constant 0 : i32
        %dma_start3A_251 = tpu.memref_slice %arg9[%dma_start3A_247, %dma_start3A_249, %dma_start3A_250] : memref<5x125x64xf32, #tpu.memory_space<vmem>> -> memref<1x125x64xf32, #tpu.memory_space<vmem>>
        %dma_start3A_252 = tpu.memref_squeeze %dma_start3A_251 : memref<1x125x64xf32, #tpu.memory_space<vmem>> -> memref<125x64xf32, #tpu.memory_space<vmem>>
        %dma_start3A_253 = arith.constant 0 : i32
        %dma_start3A_254 = tpu.memref_slice %arg8[%add3A_231, %dma_start3A_253] : memref<160x125xi32, #tpu.memory_space<vmem>> -> memref<1x125xi32, #tpu.memory_space<vmem>>
        %dma_start3A_255 = tpu.memref_squeeze %dma_start3A_254 : memref<1x125xi32, #tpu.memory_space<vmem>> -> memref<125xi32, #tpu.memory_space<vmem>>
        %dma_start3A_256 = arith.constant 0 : i32
        %dma_start3A_257 = arith.constant 0 : i32
        %dma_start3A_258 = tpu.memref_slice %arg10[%dma_start3A_256, %dma_start3A_257] : memref<10000x64xf32, #tpu.memory_space<vmem_shared>> -> memref<10000x64xf32, #tpu.memory_space<vmem_shared>>
        %dma_start3A_259 = tpu.memref_slice %arg12[%dma_start3A_248] : memref<5x!tpu.dma_semaphore, #tpu.memory_space<semaphore_mem>> -> memref<1x!tpu.dma_semaphore, #tpu.memory_space<semaphore_mem>>
        %dma_start3A_260 = tpu.memref_squeeze %dma_start3A_259 : memref<1x!tpu.dma_semaphore, #tpu.memory_space<semaphore_mem>> -> memref<!tpu.dma_semaphore, #tpu.memory_space<semaphore_mem>>
        tpu.enqueue_indirect_dma source(%dma_start3A_252 : memref<125x64xf32, #tpu.memory_space<vmem>>) target(%dma_start3A_258 : memref<10000x64xf32, #tpu.memory_space<vmem_shared>>) offsets(%dma_start3A_255 : memref<125xi32, #tpu.memory_space<vmem>>) semaphore(%dma_start3A_260 : memref<!tpu.dma_semaphore, #tpu.memory_space<semaphore_mem>>) {add = true}
        %add3A_261 = arith.constant 2 : i32
        %add3A_262 = arith.addi %add3A_231, %add3A_261 : i32
        %sub3A_263 = arith.constant 5 : i32
        %sub3A_264 = arith.subi %add3A_262, %sub3A_263 : i32
        %add3A_265 = arith.constant 2 : i32
        %add3A_266 = arith.addi %add3A_231, %add3A_265 : i32
        %lt3A_267 = arith.constant 160 : i32
        %lt3A_268 = arith.cmpi slt, %add3A_266, %lt3A_267 : i32
        %convert_element_type3A_269 = arith.extui %lt3A_268 : i1 to i32
        %cond3A_270 = arith.constant 0 : i32
        %cond3A_271 = arith.cmpi ne, %convert_element_type3A_269, %cond3A_270 : i32
        scf.if %cond3A_271 {
          %ge3A = arith.constant 0 : i32
          %ge3A_361 = arith.cmpi sge, %sub3A_264, %ge3A : i32
          %convert_element_type3A_362 = arith.extui %ge3A_361 : i1 to i32
          %cond3A_363 = arith.constant 0 : i32
          %cond3A_364 = arith.cmpi ne, %convert_element_type3A_362, %cond3A_363 : i32
          scf.if %cond3A_364 {
            %dma_wait3A_379 = arith.constant 4 : i32
            %dma_wait3A_380 = arith.constant 0 : i32
            %dma_wait3A_381 = arith.constant 4 : i32
            %dma_wait3A_382 = arith.constant 0 : i32
            %dma_wait3A_383 = arith.constant 0 : i32
            %dma_wait3A_384 = tpu.memref_slice %arg9[%dma_wait3A_379, %dma_wait3A_382, %dma_wait3A_383] : memref<5x125x64xf32, #tpu.memory_space<vmem>> -> memref<1x125x64xf32, #tpu.memory_space<vmem>>
            %dma_wait3A_385 = tpu.memref_squeeze %dma_wait3A_384 : memref<1x125x64xf32, #tpu.memory_space<vmem>> -> memref<125x64xf32, #tpu.memory_space<vmem>>
            %dma_wait3A_386 = arith.constant 0 : i32
            %dma_wait3A_387 = tpu.memref_slice %arg8[%dma_wait3A_380, %dma_wait3A_386] : memref<160x125xi32, #tpu.memory_space<vmem>> -> memref<1x125xi32, #tpu.memory_space<vmem>>
            %dma_wait3A_388 = tpu.memref_squeeze %dma_wait3A_387 : memref<1x125xi32, #tpu.memory_space<vmem>> -> memref<125xi32, #tpu.memory_space<vmem>>
            %dma_wait3A_389 = arith.constant 0 : i32
            %dma_wait3A_390 = arith.constant 0 : i32
            %dma_wait3A_391 = tpu.memref_slice %arg10[%dma_wait3A_389, %dma_wait3A_390] : memref<10000x64xf32, #tpu.memory_space<vmem_shared>> -> memref<10000x64xf32, #tpu.memory_space<vmem_shared>>
            %dma_wait3A_392 = tpu.memref_slice %arg12[%dma_wait3A_381] : memref<5x!tpu.dma_semaphore, #tpu.memory_space<semaphore_mem>> -> memref<1x!tpu.dma_semaphore, #tpu.memory_space<semaphore_mem>>
            %dma_wait3A_393 = tpu.memref_squeeze %dma_wait3A_392 : memref<1x!tpu.dma_semaphore, #tpu.memory_space<semaphore_mem>> -> memref<!tpu.dma_semaphore, #tpu.memory_space<semaphore_mem>>
            tpu.wait_indirect_dma semaphore(%dma_wait3A_393 : memref<!tpu.dma_semaphore, #tpu.memory_space<semaphore_mem>>) src(%dma_wait3A_385 : memref<125x64xf32, #tpu.memory_space<vmem>>) dst(%dma_wait3A_391 : memref<10000x64xf32, #tpu.memory_space<vmem_shared>>)
          } else {
          }
          %dma_start3A_365 = arith.constant 4 : i32
          %dma_start3A_366 = arith.constant 4 : i32
          %dma_start3A_367 = arith.constant 0 : i32
          %dma_start3A_368 = arith.constant 0 : i32
          %dma_start3A_369 = tpu.memref_slice %arg9[%dma_start3A_365, %dma_start3A_367, %dma_start3A_368] : memref<5x125x64xf32, #tpu.memory_space<vmem>> -> memref<1x125x64xf32, #tpu.memory_space<vmem>>
          %dma_start3A_370 = tpu.memref_squeeze %dma_start3A_369 : memref<1x125x64xf32, #tpu.memory_space<vmem>> -> memref<125x64xf32, #tpu.memory_space<vmem>>
          %dma_start3A_371 = arith.constant 0 : i32
          %dma_start3A_372 = tpu.memref_slice %arg7[%add3A_266, %dma_start3A_371] : memref<160x125xi32, #tpu.memory_space<vmem>> -> memref<1x125xi32, #tpu.memory_space<vmem>>
          %dma_start3A_373 = tpu.memref_squeeze %dma_start3A_372 : memref<1x125xi32, #tpu.memory_space<vmem>> -> memref<125xi32, #tpu.memory_space<vmem>>
          %dma_start3A_374 = arith.constant 0 : i32
          %dma_start3A_375 = arith.constant 0 : i32
          %dma_start3A_376 = tpu.memref_slice %arg3[%dma_start3A_374, %dma_start3A_375] : memref<10000x64xf32, #tpu.memory_space<hbm>> -> memref<10000x64xf32, #tpu.memory_space<hbm>>
          %dma_start3A_377 = tpu.memref_slice %arg11[%dma_start3A_366] : memref<5x!tpu.dma_semaphore, #tpu.memory_space<semaphore_mem>> -> memref<1x!tpu.dma_semaphore, #tpu.memory_space<semaphore_mem>>
          %dma_start3A_378 = tpu.memref_squeeze %dma_start3A_377 : memref<1x!tpu.dma_semaphore, #tpu.memory_space<semaphore_mem>> -> memref<!tpu.dma_semaphore, #tpu.memory_space<semaphore_mem>>
          tpu.enqueue_indirect_dma source(%dma_start3A_376 : memref<10000x64xf32, #tpu.memory_space<hbm>>) target(%dma_start3A_370 : memref<125x64xf32, #tpu.memory_space<vmem>>) offsets(%dma_start3A_373 : memref<125xi32, #tpu.memory_space<vmem>>) semaphore(%dma_start3A_378 : memref<!tpu.dma_semaphore, #tpu.memory_space<semaphore_mem>>)
        } else {
        }
        %mul3A_272 = arith.constant 5 : i32
        %mul3A_273 = arith.muli %mul3A_272, %scan3A_140 : i32
        %add3A_274 = arith.constant 3 : i32
        %add3A_275 = arith.addi %mul3A_273, %add3A_274 : i32
        %dma_wait3A_276 = arith.constant 0 : i32
        %dma_wait3A_277 = arith.constant 3 : i32
        %dma_wait3A_278 = arith.constant 3 : i32
        %dma_wait3A_279 = arith.constant 0 : i32
        %dma_wait3A_280 = arith.constant 0 : i32
        %dma_wait3A_281 = tpu.memref_slice %arg9[%dma_wait3A_277, %dma_wait3A_279, %dma_wait3A_280] : memref<5x125x64xf32, #tpu.memory_space<vmem>> -> memref<1x125x64xf32, #tpu.memory_space<vmem>>
        %dma_wait3A_282 = tpu.memref_squeeze %dma_wait3A_281 : memref<1x125x64xf32, #tpu.memory_space<vmem>> -> memref<125x64xf32, #tpu.memory_space<vmem>>
        %dma_wait3A_283 = arith.constant 0 : i32
        %dma_wait3A_284 = tpu.memref_slice %arg7[%dma_wait3A_276, %dma_wait3A_283] : memref<160x125xi32, #tpu.memory_space<vmem>> -> memref<1x125xi32, #tpu.memory_space<vmem>>
        %dma_wait3A_285 = tpu.memref_squeeze %dma_wait3A_284 : memref<1x125xi32, #tpu.memory_space<vmem>> -> memref<125xi32, #tpu.memory_space<vmem>>
        %dma_wait3A_286 = arith.constant 0 : i32
        %dma_wait3A_287 = arith.constant 0 : i32
        %dma_wait3A_288 = tpu.memref_slice %arg3[%dma_wait3A_286, %dma_wait3A_287] : memref<10000x64xf32, #tpu.memory_space<hbm>> -> memref<10000x64xf32, #tpu.memory_space<hbm>>
        %dma_wait3A_289 = tpu.memref_slice %arg11[%dma_wait3A_278] : memref<5x!tpu.dma_semaphore, #tpu.memory_space<semaphore_mem>> -> memref<1x!tpu.dma_semaphore, #tpu.memory_space<semaphore_mem>>
        %dma_wait3A_290 = tpu.memref_squeeze %dma_wait3A_289 : memref<1x!tpu.dma_semaphore, #tpu.memory_space<semaphore_mem>> -> memref<!tpu.dma_semaphore, #tpu.memory_space<semaphore_mem>>
        tpu.wait_indirect_dma semaphore(%dma_wait3A_290 : memref<!tpu.dma_semaphore, #tpu.memory_space<semaphore_mem>>) src(%dma_wait3A_288 : memref<10000x64xf32, #tpu.memory_space<hbm>>) dst(%dma_wait3A_282 : memref<125x64xf32, #tpu.memory_space<vmem>>)
        %dma_start3A_291 = arith.constant 3 : i32
        %dma_start3A_292 = arith.constant 3 : i32
        %dma_start3A_293 = arith.constant 0 : i32
        %dma_start3A_294 = arith.constant 0 : i32
        %dma_start3A_295 = tpu.memref_slice %arg9[%dma_start3A_291, %dma_start3A_293, %dma_start3A_294] : memref<5x125x64xf32, #tpu.memory_space<vmem>> -> memref<1x125x64xf32, #tpu.memory_space<vmem>>
        %dma_start3A_296 = tpu.memref_squeeze %dma_start3A_295 : memref<1x125x64xf32, #tpu.memory_space<vmem>> -> memref<125x64xf32, #tpu.memory_space<vmem>>
        %dma_start3A_297 = arith.constant 0 : i32
        %dma_start3A_298 = tpu.memref_slice %arg8[%add3A_275, %dma_start3A_297] : memref<160x125xi32, #tpu.memory_space<vmem>> -> memref<1x125xi32, #tpu.memory_space<vmem>>
        %dma_start3A_299 = tpu.memref_squeeze %dma_start3A_298 : memref<1x125xi32, #tpu.memory_space<vmem>> -> memref<125xi32, #tpu.memory_space<vmem>>
        %dma_start3A_300 = arith.constant 0 : i32
        %dma_start3A_301 = arith.constant 0 : i32
        %dma_start3A_302 = tpu.memref_slice %arg10[%dma_start3A_300, %dma_start3A_301] : memref<10000x64xf32, #tpu.memory_space<vmem_shared>> -> memref<10000x64xf32, #tpu.memory_space<vmem_shared>>
        %dma_start3A_303 = tpu.memref_slice %arg12[%dma_start3A_292] : memref<5x!tpu.dma_semaphore, #tpu.memory_space<semaphore_mem>> -> memref<1x!tpu.dma_semaphore, #tpu.memory_space<semaphore_mem>>
        %dma_start3A_304 = tpu.memref_squeeze %dma_start3A_303 : memref<1x!tpu.dma_semaphore, #tpu.memory_space<semaphore_mem>> -> memref<!tpu.dma_semaphore, #tpu.memory_space<semaphore_mem>>
        tpu.enqueue_indirect_dma source(%dma_start3A_296 : memref<125x64xf32, #tpu.memory_space<vmem>>) target(%dma_start3A_302 : memref<10000x64xf32, #tpu.memory_space<vmem_shared>>) offsets(%dma_start3A_299 : memref<125xi32, #tpu.memory_space<vmem>>) semaphore(%dma_start3A_304 : memref<!tpu.dma_semaphore, #tpu.memory_space<semaphore_mem>>) {add = true}
        %add3A_305 = arith.constant 2 : i32
        %add3A_306 = arith.addi %add3A_275, %add3A_305 : i32
        %sub3A_307 = arith.constant 5 : i32
        %sub3A_308 = arith.subi %add3A_306, %sub3A_307 : i32
        %add3A_309 = arith.constant 2 : i32
        %add3A_310 = arith.addi %add3A_275, %add3A_309 : i32
        %lt3A_311 = arith.constant 160 : i32
        %lt3A_312 = arith.cmpi slt, %add3A_310, %lt3A_311 : i32
        %convert_element_type3A_313 = arith.extui %lt3A_312 : i1 to i32
        %cond3A_314 = arith.constant 0 : i32
        %cond3A_315 = arith.cmpi ne, %convert_element_type3A_313, %cond3A_314 : i32
        scf.if %cond3A_315 {
          %ge3A = arith.constant 0 : i32
          %ge3A_361 = arith.cmpi sge, %sub3A_308, %ge3A : i32
          %convert_element_type3A_362 = arith.extui %ge3A_361 : i1 to i32
          %cond3A_363 = arith.constant 0 : i32
          %cond3A_364 = arith.cmpi ne, %convert_element_type3A_362, %cond3A_363 : i32
          scf.if %cond3A_364 {
            %dma_wait3A_379 = arith.constant 0 : i32
            %dma_wait3A_380 = arith.constant 0 : i32
            %dma_wait3A_381 = arith.constant 0 : i32
            %dma_wait3A_382 = arith.constant 0 : i32
            %dma_wait3A_383 = arith.constant 0 : i32
            %dma_wait3A_384 = tpu.memref_slice %arg9[%dma_wait3A_379, %dma_wait3A_382, %dma_wait3A_383] : memref<5x125x64xf32, #tpu.memory_space<vmem>> -> memref<1x125x64xf32, #tpu.memory_space<vmem>>
            %dma_wait3A_385 = tpu.memref_squeeze %dma_wait3A_384 : memref<1x125x64xf32, #tpu.memory_space<vmem>> -> memref<125x64xf32, #tpu.memory_space<vmem>>
            %dma_wait3A_386 = arith.constant 0 : i32
            %dma_wait3A_387 = tpu.memref_slice %arg8[%dma_wait3A_380, %dma_wait3A_386] : memref<160x125xi32, #tpu.memory_space<vmem>> -> memref<1x125xi32, #tpu.memory_space<vmem>>
            %dma_wait3A_388 = tpu.memref_squeeze %dma_wait3A_387 : memref<1x125xi32, #tpu.memory_space<vmem>> -> memref<125xi32, #tpu.memory_space<vmem>>
            %dma_wait3A_389 = arith.constant 0 : i32
            %dma_wait3A_390 = arith.constant 0 : i32
            %dma_wait3A_391 = tpu.memref_slice %arg10[%dma_wait3A_389, %dma_wait3A_390] : memref<10000x64xf32, #tpu.memory_space<vmem_shared>> -> memref<10000x64xf32, #tpu.memory_space<vmem_shared>>
            %dma_wait3A_392 = tpu.memref_slice %arg12[%dma_wait3A_381] : memref<5x!tpu.dma_semaphore, #tpu.memory_space<semaphore_mem>> -> memref<1x!tpu.dma_semaphore, #tpu.memory_space<semaphore_mem>>
            %dma_wait3A_393 = tpu.memref_squeeze %dma_wait3A_392 : memref<1x!tpu.dma_semaphore, #tpu.memory_space<semaphore_mem>> -> memref<!tpu.dma_semaphore, #tpu.memory_space<semaphore_mem>>
            tpu.wait_indirect_dma semaphore(%dma_wait3A_393 : memref<!tpu.dma_semaphore, #tpu.memory_space<semaphore_mem>>) src(%dma_wait3A_385 : memref<125x64xf32, #tpu.memory_space<vmem>>) dst(%dma_wait3A_391 : memref<10000x64xf32, #tpu.memory_space<vmem_shared>>)
          } else {
          }
          %dma_start3A_365 = arith.constant 0 : i32
          %dma_start3A_366 = arith.constant 0 : i32
          %dma_start3A_367 = arith.constant 0 : i32
          %dma_start3A_368 = arith.constant 0 : i32
          %dma_start3A_369 = tpu.memref_slice %arg9[%dma_start3A_365, %dma_start3A_367, %dma_start3A_368] : memref<5x125x64xf32, #tpu.memory_space<vmem>> -> memref<1x125x64xf32, #tpu.memory_space<vmem>>
          %dma_start3A_370 = tpu.memref_squeeze %dma_start3A_369 : memref<1x125x64xf32, #tpu.memory_space<vmem>> -> memref<125x64xf32, #tpu.memory_space<vmem>>
          %dma_start3A_371 = arith.constant 0 : i32
          %dma_start3A_372 = tpu.memref_slice %arg7[%add3A_310, %dma_start3A_371] : memref<160x125xi32, #tpu.memory_space<vmem>> -> memref<1x125xi32, #tpu.memory_space<vmem>>
          %dma_start3A_373 = tpu.memref_squeeze %dma_start3A_372 : memref<1x125xi32, #tpu.memory_space<vmem>> -> memref<125xi32, #tpu.memory_space<vmem>>
          %dma_start3A_374 = arith.constant 0 : i32
          %dma_start3A_375 = arith.constant 0 : i32
          %dma_start3A_376 = tpu.memref_slice %arg3[%dma_start3A_374, %dma_start3A_375] : memref<10000x64xf32, #tpu.memory_space<hbm>> -> memref<10000x64xf32, #tpu.memory_space<hbm>>
          %dma_start3A_377 = tpu.memref_slice %arg11[%dma_start3A_366] : memref<5x!tpu.dma_semaphore, #tpu.memory_space<semaphore_mem>> -> memref<1x!tpu.dma_semaphore, #tpu.memory_space<semaphore_mem>>
          %dma_start3A_378 = tpu.memref_squeeze %dma_start3A_377 : memref<1x!tpu.dma_semaphore, #tpu.memory_space<semaphore_mem>> -> memref<!tpu.dma_semaphore, #tpu.memory_space<semaphore_mem>>
          tpu.enqueue_indirect_dma source(%dma_start3A_376 : memref<10000x64xf32, #tpu.memory_space<hbm>>) target(%dma_start3A_370 : memref<125x64xf32, #tpu.memory_space<vmem>>) offsets(%dma_start3A_373 : memref<125xi32, #tpu.memory_space<vmem>>) semaphore(%dma_start3A_378 : memref<!tpu.dma_semaphore, #tpu.memory_space<semaphore_mem>>)
        } else {
        }
        %mul3A_316 = arith.constant 5 : i32
        %mul3A_317 = arith.muli %mul3A_316, %scan3A_140 : i32
        %add3A_318 = arith.constant 4 : i32
        %add3A_319 = arith.addi %mul3A_317, %add3A_318 : i32
        %dma_wait3A_320 = arith.constant 0 : i32
        %dma_wait3A_321 = arith.constant 4 : i32
        %dma_wait3A_322 = arith.constant 4 : i32
        %dma_wait3A_323 = arith.constant 0 : i32
        %dma_wait3A_324 = arith.constant 0 : i32
        %dma_wait3A_325 = tpu.memref_slice %arg9[%dma_wait3A_321, %dma_wait3A_323, %dma_wait3A_324] : memref<5x125x64xf32, #tpu.memory_space<vmem>> -> memref<1x125x64xf32, #tpu.memory_space<vmem>>
        %dma_wait3A_326 = tpu.memref_squeeze %dma_wait3A_325 : memref<1x125x64xf32, #tpu.memory_space<vmem>> -> memref<125x64xf32, #tpu.memory_space<vmem>>
        %dma_wait3A_327 = arith.constant 0 : i32
        %dma_wait3A_328 = tpu.memref_slice %arg7[%dma_wait3A_320, %dma_wait3A_327] : memref<160x125xi32, #tpu.memory_space<vmem>> -> memref<1x125xi32, #tpu.memory_space<vmem>>
        %dma_wait3A_329 = tpu.memref_squeeze %dma_wait3A_328 : memref<1x125xi32, #tpu.memory_space<vmem>> -> memref<125xi32, #tpu.memory_space<vmem>>
        %dma_wait3A_330 = arith.constant 0 : i32
        %dma_wait3A_331 = arith.constant 0 : i32
        %dma_wait3A_332 = tpu.memref_slice %arg3[%dma_wait3A_330, %dma_wait3A_331] : memref<10000x64xf32, #tpu.memory_space<hbm>> -> memref<10000x64xf32, #tpu.memory_space<hbm>>
        %dma_wait3A_333 = tpu.memref_slice %arg11[%dma_wait3A_322] : memref<5x!tpu.dma_semaphore, #tpu.memory_space<semaphore_mem>> -> memref<1x!tpu.dma_semaphore, #tpu.memory_space<semaphore_mem>>
        %dma_wait3A_334 = tpu.memref_squeeze %dma_wait3A_333 : memref<1x!tpu.dma_semaphore, #tpu.memory_space<semaphore_mem>> -> memref<!tpu.dma_semaphore, #tpu.memory_space<semaphore_mem>>
        tpu.wait_indirect_dma semaphore(%dma_wait3A_334 : memref<!tpu.dma_semaphore, #tpu.memory_space<semaphore_mem>>) src(%dma_wait3A_332 : memref<10000x64xf32, #tpu.memory_space<hbm>>) dst(%dma_wait3A_326 : memref<125x64xf32, #tpu.memory_space<vmem>>)
        %dma_start3A_335 = arith.constant 4 : i32
        %dma_start3A_336 = arith.constant 4 : i32
        %dma_start3A_337 = arith.constant 0 : i32
        %dma_start3A_338 = arith.constant 0 : i32
        %dma_start3A_339 = tpu.memref_slice %arg9[%dma_start3A_335, %dma_start3A_337, %dma_start3A_338] : memref<5x125x64xf32, #tpu.memory_space<vmem>> -> memref<1x125x64xf32, #tpu.memory_space<vmem>>
        %dma_start3A_340 = tpu.memref_squeeze %dma_start3A_339 : memref<1x125x64xf32, #tpu.memory_space<vmem>> -> memref<125x64xf32, #tpu.memory_space<vmem>>
        %dma_start3A_341 = arith.constant 0 : i32
        %dma_start3A_342 = tpu.memref_slice %arg8[%add3A_319, %dma_start3A_341] : memref<160x125xi32, #tpu.memory_space<vmem>> -> memref<1x125xi32, #tpu.memory_space<vmem>>
        %dma_start3A_343 = tpu.memref_squeeze %dma_start3A_342 : memref<1x125xi32, #tpu.memory_space<vmem>> -> memref<125xi32, #tpu.memory_space<vmem>>
        %dma_start3A_344 = arith.constant 0 : i32
        %dma_start3A_345 = arith.constant 0 : i32
        %dma_start3A_346 = tpu.memref_slice %arg10[%dma_start3A_344, %dma_start3A_345] : memref<10000x64xf32, #tpu.memory_space<vmem_shared>> -> memref<10000x64xf32, #tpu.memory_space<vmem_shared>>
        %dma_start3A_347 = tpu.memref_slice %arg12[%dma_start3A_336] : memref<5x!tpu.dma_semaphore, #tpu.memory_space<semaphore_mem>> -> memref<1x!tpu.dma_semaphore, #tpu.memory_space<semaphore_mem>>
        %dma_start3A_348 = tpu.memref_squeeze %dma_start3A_347 : memref<1x!tpu.dma_semaphore, #tpu.memory_space<semaphore_mem>> -> memref<!tpu.dma_semaphore, #tpu.memory_space<semaphore_mem>>
        tpu.enqueue_indirect_dma source(%dma_start3A_340 : memref<125x64xf32, #tpu.memory_space<vmem>>) target(%dma_start3A_346 : memref<10000x64xf32, #tpu.memory_space<vmem_shared>>) offsets(%dma_start3A_343 : memref<125xi32, #tpu.memory_space<vmem>>) semaphore(%dma_start3A_348 : memref<!tpu.dma_semaphore, #tpu.memory_space<semaphore_mem>>) {add = true}
        %add3A_349 = arith.constant 2 : i32
        %add3A_350 = arith.addi %add3A_319, %add3A_349 : i32
        %sub3A_351 = arith.constant 5 : i32
        %sub3A_352 = arith.subi %add3A_350, %sub3A_351 : i32
        %add3A_353 = arith.constant 2 : i32
        %add3A_354 = arith.addi %add3A_319, %add3A_353 : i32
        %lt3A_355 = arith.constant 160 : i32
        %lt3A_356 = arith.cmpi slt, %add3A_354, %lt3A_355 : i32
        %convert_element_type3A_357 = arith.extui %lt3A_356 : i1 to i32
        %cond3A_358 = arith.constant 0 : i32
        %cond3A_359 = arith.cmpi ne, %convert_element_type3A_357, %cond3A_358 : i32
        scf.if %cond3A_359 {
          %ge3A = arith.constant 0 : i32
          %ge3A_361 = arith.cmpi sge, %sub3A_352, %ge3A : i32
          %convert_element_type3A_362 = arith.extui %ge3A_361 : i1 to i32
          %cond3A_363 = arith.constant 0 : i32
          %cond3A_364 = arith.cmpi ne, %convert_element_type3A_362, %cond3A_363 : i32
          scf.if %cond3A_364 {
            %dma_wait3A_379 = arith.constant 1 : i32
            %dma_wait3A_380 = arith.constant 0 : i32
            %dma_wait3A_381 = arith.constant 1 : i32
            %dma_wait3A_382 = arith.constant 0 : i32
            %dma_wait3A_383 = arith.constant 0 : i32
            %dma_wait3A_384 = tpu.memref_slice %arg9[%dma_wait3A_379, %dma_wait3A_382, %dma_wait3A_383] : memref<5x125x64xf32, #tpu.memory_space<vmem>> -> memref<1x125x64xf32, #tpu.memory_space<vmem>>
            %dma_wait3A_385 = tpu.memref_squeeze %dma_wait3A_384 : memref<1x125x64xf32, #tpu.memory_space<vmem>> -> memref<125x64xf32, #tpu.memory_space<vmem>>
            %dma_wait3A_386 = arith.constant 0 : i32
            %dma_wait3A_387 = tpu.memref_slice %arg8[%dma_wait3A_380, %dma_wait3A_386] : memref<160x125xi32, #tpu.memory_space<vmem>> -> memref<1x125xi32, #tpu.memory_space<vmem>>
            %dma_wait3A_388 = tpu.memref_squeeze %dma_wait3A_387 : memref<1x125xi32, #tpu.memory_space<vmem>> -> memref<125xi32, #tpu.memory_space<vmem>>
            %dma_wait3A_389 = arith.constant 0 : i32
            %dma_wait3A_390 = arith.constant 0 : i32
            %dma_wait3A_391 = tpu.memref_slice %arg10[%dma_wait3A_389, %dma_wait3A_390] : memref<10000x64xf32, #tpu.memory_space<vmem_shared>> -> memref<10000x64xf32, #tpu.memory_space<vmem_shared>>
            %dma_wait3A_392 = tpu.memref_slice %arg12[%dma_wait3A_381] : memref<5x!tpu.dma_semaphore, #tpu.memory_space<semaphore_mem>> -> memref<1x!tpu.dma_semaphore, #tpu.memory_space<semaphore_mem>>
            %dma_wait3A_393 = tpu.memref_squeeze %dma_wait3A_392 : memref<1x!tpu.dma_semaphore, #tpu.memory_space<semaphore_mem>> -> memref<!tpu.dma_semaphore, #tpu.memory_space<semaphore_mem>>
            tpu.wait_indirect_dma semaphore(%dma_wait3A_393 : memref<!tpu.dma_semaphore, #tpu.memory_space<semaphore_mem>>) src(%dma_wait3A_385 : memref<125x64xf32, #tpu.memory_space<vmem>>) dst(%dma_wait3A_391 : memref<10000x64xf32, #tpu.memory_space<vmem_shared>>)
          } else {
          }
          %dma_start3A_365 = arith.constant 1 : i32
          %dma_start3A_366 = arith.constant 1 : i32
          %dma_start3A_367 = arith.constant 0 : i32
          %dma_start3A_368 = arith.constant 0 : i32
          %dma_start3A_369 = tpu.memref_slice %arg9[%dma_start3A_365, %dma_start3A_367, %dma_start3A_368] : memref<5x125x64xf32, #tpu.memory_space<vmem>> -> memref<1x125x64xf32, #tpu.memory_space<vmem>>
          %dma_start3A_370 = tpu.memref_squeeze %dma_start3A_369 : memref<1x125x64xf32, #tpu.memory_space<vmem>> -> memref<125x64xf32, #tpu.memory_space<vmem>>
          %dma_start3A_371 = arith.constant 0 : i32
          %dma_start3A_372 = tpu.memref_slice %arg7[%add3A_354, %dma_start3A_371] : memref<160x125xi32, #tpu.memory_space<vmem>> -> memref<1x125xi32, #tpu.memory_space<vmem>>
          %dma_start3A_373 = tpu.memref_squeeze %dma_start3A_372 : memref<1x125xi32, #tpu.memory_space<vmem>> -> memref<125xi32, #tpu.memory_space<vmem>>
          %dma_start3A_374 = arith.constant 0 : i32
          %dma_start3A_375 = arith.constant 0 : i32
          %dma_start3A_376 = tpu.memref_slice %arg3[%dma_start3A_374, %dma_start3A_375] : memref<10000x64xf32, #tpu.memory_space<hbm>> -> memref<10000x64xf32, #tpu.memory_space<hbm>>
          %dma_start3A_377 = tpu.memref_slice %arg11[%dma_start3A_366] : memref<5x!tpu.dma_semaphore, #tpu.memory_space<semaphore_mem>> -> memref<1x!tpu.dma_semaphore, #tpu.memory_space<semaphore_mem>>
          %dma_start3A_378 = tpu.memref_squeeze %dma_start3A_377 : memref<1x!tpu.dma_semaphore, #tpu.memory_space<semaphore_mem>> -> memref<!tpu.dma_semaphore, #tpu.memory_space<semaphore_mem>>
          tpu.enqueue_indirect_dma source(%dma_start3A_376 : memref<10000x64xf32, #tpu.memory_space<hbm>>) target(%dma_start3A_370 : memref<125x64xf32, #tpu.memory_space<vmem>>) offsets(%dma_start3A_373 : memref<125xi32, #tpu.memory_space<vmem>>) semaphore(%dma_start3A_378 : memref<!tpu.dma_semaphore, #tpu.memory_space<semaphore_mem>>)
        } else {
        }
        %scan3A_360 = arith.constant 0 : i32
        scf.yield %scan3A_360 : i32
      }
      %scan3A_52 = arith.constant 32 : i32
      %dma_wait3A = arith.constant 0 : i32
      %dma_wait3A_53 = arith.constant 0 : i32
      %dma_wait3A_54 = arith.constant 0 : i32
      %dma_wait3A_55 = arith.constant 0 : i32
      %dma_wait3A_56 = arith.constant 0 : i32
      %dma_wait3A_57 = tpu.memref_slice %arg9[%dma_wait3A, %dma_wait3A_55, %dma_wait3A_56] : memref<5x125x64xf32, #tpu.memory_space<vmem>> -> memref<1x125x64xf32, #tpu.memory_space<vmem>>
      %dma_wait3A_58 = tpu.memref_squeeze %dma_wait3A_57 : memref<1x125x64xf32, #tpu.memory_space<vmem>> -> memref<125x64xf32, #tpu.memory_space<vmem>>
      %dma_wait3A_59 = arith.constant 0 : i32
      %dma_wait3A_60 = tpu.memref_slice %arg8[%dma_wait3A_53, %dma_wait3A_59] : memref<160x125xi32, #tpu.memory_space<vmem>> -> memref<1x125xi32, #tpu.memory_space<vmem>>
      %dma_wait3A_61 = tpu.memref_squeeze %dma_wait3A_60 : memref<1x125xi32, #tpu.memory_space<vmem>> -> memref<125xi32, #tpu.memory_space<vmem>>
      %dma_wait3A_62 = arith.constant 0 : i32
      %dma_wait3A_63 = arith.constant 0 : i32
      %dma_wait3A_64 = tpu.memref_slice %arg10[%dma_wait3A_62, %dma_wait3A_63] : memref<10000x64xf32, #tpu.memory_space<vmem_shared>> -> memref<10000x64xf32, #tpu.memory_space<vmem_shared>>
      %dma_wait3A_65 = tpu.memref_slice %arg12[%dma_wait3A_54] : memref<5x!tpu.dma_semaphore, #tpu.memory_space<semaphore_mem>> -> memref<1x!tpu.dma_semaphore, #tpu.memory_space<semaphore_mem>>
      %dma_wait3A_66 = tpu.memref_squeeze %dma_wait3A_65 : memref<1x!tpu.dma_semaphore, #tpu.memory_space<semaphore_mem>> -> memref<!tpu.dma_semaphore, #tpu.memory_space<semaphore_mem>>
      tpu.wait_indirect_dma semaphore(%dma_wait3A_66 : memref<!tpu.dma_semaphore, #tpu.memory_space<semaphore_mem>>) src(%dma_wait3A_58 : memref<125x64xf32, #tpu.memory_space<vmem>>) dst(%dma_wait3A_64 : memref<10000x64xf32, #tpu.memory_space<vmem_shared>>)
      %dma_wait3A_67 = arith.constant 1 : i32
      %dma_wait3A_68 = arith.constant 0 : i32
      %dma_wait3A_69 = arith.constant 1 : i32
      %dma_wait3A_70 = arith.constant 0 : i32
      %dma_wait3A_71 = arith.constant 0 : i32
      %dma_wait3A_72 = tpu.memref_slice %arg9[%dma_wait3A_67, %dma_wait3A_70, %dma_wait3A_71] : memref<5x125x64xf32, #tpu.memory_space<vmem>> -> memref<1x125x64xf32, #tpu.memory_space<vmem>>
      %dma_wait3A_73 = tpu.memref_squeeze %dma_wait3A_72 : memref<1x125x64xf32, #tpu.memory_space<vmem>> -> memref<125x64xf32, #tpu.memory_space<vmem>>
      %dma_wait3A_74 = arith.constant 0 : i32
      %dma_wait3A_75 = tpu.memref_slice %arg8[%dma_wait3A_68, %dma_wait3A_74] : memref<160x125xi32, #tpu.memory_space<vmem>> -> memref<1x125xi32, #tpu.memory_space<vmem>>
      %dma_wait3A_76 = tpu.memref_squeeze %dma_wait3A_75 : memref<1x125xi32, #tpu.memory_space<vmem>> -> memref<125xi32, #tpu.memory_space<vmem>>
      %dma_wait3A_77 = arith.constant 0 : i32
      %dma_wait3A_78 = arith.constant 0 : i32
      %dma_wait3A_79 = tpu.memref_slice %arg10[%dma_wait3A_77, %dma_wait3A_78] : memref<10000x64xf32, #tpu.memory_space<vmem_shared>> -> memref<10000x64xf32, #tpu.memory_space<vmem_shared>>
      %dma_wait3A_80 = tpu.memref_slice %arg12[%dma_wait3A_69] : memref<5x!tpu.dma_semaphore, #tpu.memory_space<semaphore_mem>> -> memref<1x!tpu.dma_semaphore, #tpu.memory_space<semaphore_mem>>
      %dma_wait3A_81 = tpu.memref_squeeze %dma_wait3A_80 : memref<1x!tpu.dma_semaphore, #tpu.memory_space<semaphore_mem>> -> memref<!tpu.dma_semaphore, #tpu.memory_space<semaphore_mem>>
      tpu.wait_indirect_dma semaphore(%dma_wait3A_81 : memref<!tpu.dma_semaphore, #tpu.memory_space<semaphore_mem>>) src(%dma_wait3A_73 : memref<125x64xf32, #tpu.memory_space<vmem>>) dst(%dma_wait3A_79 : memref<10000x64xf32, #tpu.memory_space<vmem_shared>>)
      %dma_wait3A_82 = arith.constant 2 : i32
      %dma_wait3A_83 = arith.constant 0 : i32
      %dma_wait3A_84 = arith.constant 2 : i32
      %dma_wait3A_85 = arith.constant 0 : i32
      %dma_wait3A_86 = arith.constant 0 : i32
      %dma_wait3A_87 = tpu.memref_slice %arg9[%dma_wait3A_82, %dma_wait3A_85, %dma_wait3A_86] : memref<5x125x64xf32, #tpu.memory_space<vmem>> -> memref<1x125x64xf32, #tpu.memory_space<vmem>>
      %dma_wait3A_88 = tpu.memref_squeeze %dma_wait3A_87 : memref<1x125x64xf32, #tpu.memory_space<vmem>> -> memref<125x64xf32, #tpu.memory_space<vmem>>
      %dma_wait3A_89 = arith.constant 0 : i32
      %dma_wait3A_90 = tpu.memref_slice %arg8[%dma_wait3A_83, %dma_wait3A_89] : memref<160x125xi32, #tpu.memory_space<vmem>> -> memref<1x125xi32, #tpu.memory_space<vmem>>
      %dma_wait3A_91 = tpu.memref_squeeze %dma_wait3A_90 : memref<1x125xi32, #tpu.memory_space<vmem>> -> memref<125xi32, #tpu.memory_space<vmem>>
      %dma_wait3A_92 = arith.constant 0 : i32
      %dma_wait3A_93 = arith.constant 0 : i32
      %dma_wait3A_94 = tpu.memref_slice %arg10[%dma_wait3A_92, %dma_wait3A_93] : memref<10000x64xf32, #tpu.memory_space<vmem_shared>> -> memref<10000x64xf32, #tpu.memory_space<vmem_shared>>
      %dma_wait3A_95 = tpu.memref_slice %arg12[%dma_wait3A_84] : memref<5x!tpu.dma_semaphore, #tpu.memory_space<semaphore_mem>> -> memref<1x!tpu.dma_semaphore, #tpu.memory_space<semaphore_mem>>
      %dma_wait3A_96 = tpu.memref_squeeze %dma_wait3A_95 : memref<1x!tpu.dma_semaphore, #tpu.memory_space<semaphore_mem>> -> memref<!tpu.dma_semaphore, #tpu.memory_space<semaphore_mem>>
      tpu.wait_indirect_dma semaphore(%dma_wait3A_96 : memref<!tpu.dma_semaphore, #tpu.memory_space<semaphore_mem>>) src(%dma_wait3A_88 : memref<125x64xf32, #tpu.memory_space<vmem>>) dst(%dma_wait3A_94 : memref<10000x64xf32, #tpu.memory_space<vmem_shared>>)
      %dma_wait3A_97 = arith.constant 3 : i32
      %dma_wait3A_98 = arith.constant 0 : i32
      %dma_wait3A_99 = arith.constant 3 : i32
      %dma_wait3A_100 = arith.constant 0 : i32
      %dma_wait3A_101 = arith.constant 0 : i32
      %dma_wait3A_102 = tpu.memref_slice %arg9[%dma_wait3A_97, %dma_wait3A_100, %dma_wait3A_101] : memref<5x125x64xf32, #tpu.memory_space<vmem>> -> memref<1x125x64xf32, #tpu.memory_space<vmem>>
      %dma_wait3A_103 = tpu.memref_squeeze %dma_wait3A_102 : memref<1x125x64xf32, #tpu.memory_space<vmem>> -> memref<125x64xf32, #tpu.memory_space<vmem>>
      %dma_wait3A_104 = arith.constant 0 : i32
      %dma_wait3A_105 = tpu.memref_slice %arg8[%dma_wait3A_98, %dma_wait3A_104] : memref<160x125xi32, #tpu.memory_space<vmem>> -> memref<1x125xi32, #tpu.memory_space<vmem>>
      %dma_wait3A_106 = tpu.memref_squeeze %dma_wait3A_105 : memref<1x125xi32, #tpu.memory_space<vmem>> -> memref<125xi32, #tpu.memory_space<vmem>>
      %dma_wait3A_107 = arith.constant 0 : i32
      %dma_wait3A_108 = arith.constant 0 : i32
      %dma_wait3A_109 = tpu.memref_slice %arg10[%dma_wait3A_107, %dma_wait3A_108] : memref<10000x64xf32, #tpu.memory_space<vmem_shared>> -> memref<10000x64xf32, #tpu.memory_space<vmem_shared>>
      %dma_wait3A_110 = tpu.memref_slice %arg12[%dma_wait3A_99] : memref<5x!tpu.dma_semaphore, #tpu.memory_space<semaphore_mem>> -> memref<1x!tpu.dma_semaphore, #tpu.memory_space<semaphore_mem>>
      %dma_wait3A_111 = tpu.memref_squeeze %dma_wait3A_110 : memref<1x!tpu.dma_semaphore, #tpu.memory_space<semaphore_mem>> -> memref<!tpu.dma_semaphore, #tpu.memory_space<semaphore_mem>>
      tpu.wait_indirect_dma semaphore(%dma_wait3A_111 : memref<!tpu.dma_semaphore, #tpu.memory_space<semaphore_mem>>) src(%dma_wait3A_103 : memref<125x64xf32, #tpu.memory_space<vmem>>) dst(%dma_wait3A_109 : memref<10000x64xf32, #tpu.memory_space<vmem_shared>>)
      %dma_wait3A_112 = arith.constant 4 : i32
      %dma_wait3A_113 = arith.constant 0 : i32
      %dma_wait3A_114 = arith.constant 4 : i32
      %dma_wait3A_115 = arith.constant 0 : i32
      %dma_wait3A_116 = arith.constant 0 : i32
      %dma_wait3A_117 = tpu.memref_slice %arg9[%dma_wait3A_112, %dma_wait3A_115, %dma_wait3A_116] : memref<5x125x64xf32, #tpu.memory_space<vmem>> -> memref<1x125x64xf32, #tpu.memory_space<vmem>>
      %dma_wait3A_118 = tpu.memref_squeeze %dma_wait3A_117 : memref<1x125x64xf32, #tpu.memory_space<vmem>> -> memref<125x64xf32, #tpu.memory_space<vmem>>
      %dma_wait3A_119 = arith.constant 0 : i32
      %dma_wait3A_120 = tpu.memref_slice %arg8[%dma_wait3A_113, %dma_wait3A_119] : memref<160x125xi32, #tpu.memory_space<vmem>> -> memref<1x125xi32, #tpu.memory_space<vmem>>
      %dma_wait3A_121 = tpu.memref_squeeze %dma_wait3A_120 : memref<1x125xi32, #tpu.memory_space<vmem>> -> memref<125xi32, #tpu.memory_space<vmem>>
      %dma_wait3A_122 = arith.constant 0 : i32
      %dma_wait3A_123 = arith.constant 0 : i32
      %dma_wait3A_124 = tpu.memref_slice %arg10[%dma_wait3A_122, %dma_wait3A_123] : memref<10000x64xf32, #tpu.memory_space<vmem_shared>> -> memref<10000x64xf32, #tpu.memory_space<vmem_shared>>
      %dma_wait3A_125 = tpu.memref_slice %arg12[%dma_wait3A_114] : memref<5x!tpu.dma_semaphore, #tpu.memory_space<semaphore_mem>> -> memref<1x!tpu.dma_semaphore, #tpu.memory_space<semaphore_mem>>
      %dma_wait3A_126 = tpu.memref_squeeze %dma_wait3A_125 : memref<1x!tpu.dma_semaphore, #tpu.memory_space<semaphore_mem>> -> memref<!tpu.dma_semaphore, #tpu.memory_space<semaphore_mem>>
      tpu.wait_indirect_dma semaphore(%dma_wait3A_126 : memref<!tpu.dma_semaphore, #tpu.memory_space<semaphore_mem>>) src(%dma_wait3A_118 : memref<125x64xf32, #tpu.memory_space<vmem>>) dst(%dma_wait3A_124 : memref<10000x64xf32, #tpu.memory_space<vmem_shared>>)
      %barrier3A_127 = arith.constant 0 : index
      tpu.barrier barrier_id(%barrier3A_127)
      %mul3A_128 = arith.constant 632 : i32
      %mul3A_129 = arith.muli %arg1, %mul3A_128 : i32
      %lt3A_130 = arith.constant 15 : i32
      %lt3A_131 = arith.cmpi slt, %arg1, %lt3A_130 : i32
      %convert_element_type3A_132 = arith.extui %lt3A_131 : i1 to i32
      %cond3A_133 = arith.constant 0 : i32
      %cond3A_134 = arith.cmpi ne, %convert_element_type3A_132, %cond3A_133 : i32
      scf.if %cond3A_134 {
        "tpu.region"() ({
          %run_scoped3A_140 = tpu.sem_alloc : memref<!tpu.dma_semaphore, #tpu.memory_space<semaphore_mem>>
          %dma_start3A_141 = arith.constant 0 : i32
          %dma_start3A_142 = tpu.memref_slice %arg6[%mul3A_129, %dma_start3A_141] : memref<10000x64xf32, #tpu.memory_space<hbm>> -> memref<632x64xf32, #tpu.memory_space<hbm>>
          %dma_start3A_143 = arith.constant 0 : i32
          %dma_start3A_144 = tpu.memref_slice %arg10[%mul3A_129, %dma_start3A_143] : memref<10000x64xf32, #tpu.memory_space<vmem_shared>> -> memref<632x64xf32, #tpu.memory_space<vmem_shared>>
          tpu.enqueue_dma source(%dma_start3A_144 : memref<632x64xf32, #tpu.memory_space<vmem_shared>>) target(%dma_start3A_142 : memref<632x64xf32, #tpu.memory_space<hbm>>) target_semaphore(%run_scoped3A_140 : memref<!tpu.dma_semaphore, #tpu.memory_space<semaphore_mem>>)
          %dma_wait3A_145 = arith.constant 0 : i32
          %dma_wait3A_146 = tpu.memref_slice %arg6[%mul3A_129, %dma_wait3A_145] : memref<10000x64xf32, #tpu.memory_space<hbm>> -> memref<632x64xf32, #tpu.memory_space<hbm>>
          %dma_wait3A_147 = arith.constant 0 : i32
          %dma_wait3A_148 = tpu.memref_slice %arg10[%mul3A_129, %dma_wait3A_147] : memref<10000x64xf32, #tpu.memory_space<vmem_shared>> -> memref<632x64xf32, #tpu.memory_space<vmem_shared>>
          tpu.wait_dma2 semaphore(%run_scoped3A_140 : memref<!tpu.dma_semaphore, #tpu.memory_space<semaphore_mem>>) src(%dma_wait3A_148 : memref<632x64xf32, #tpu.memory_space<vmem_shared>>) dst(%dma_wait3A_146 : memref<632x64xf32, #tpu.memory_space<hbm>>)
          tpu.yield
        }) : () -> ()
      } else {
      }
      %eq3A_135 = arith.constant 15 : i32
      %eq3A_136 = arith.cmpi eq, %arg1, %eq3A_135 : i32
      %convert_element_type3A_137 = arith.extui %eq3A_136 : i1 to i32
      %cond3A_138 = arith.constant 0 : i32
      %cond3A_139 = arith.cmpi ne, %convert_element_type3A_137, %cond3A_138 : i32
      scf.if %cond3A_139 {
        "tpu.region"() ({
          %run_scoped3A_140 = tpu.sem_alloc : memref<!tpu.dma_semaphore, #tpu.memory_space<semaphore_mem>>
          %dma_start3A_141 = arith.constant 0 : i32
          %dma_start3A_142 = tpu.memref_slice %arg6[%mul3A_129, %dma_start3A_141] : memref<10000x64xf32, #tpu.memory_space<hbm>> -> memref<520x64xf32, #tpu.memory_space<hbm>>
          %dma_start3A_143 = arith.constant 0 : i32
          %dma_start3A_144 = tpu.memref_slice %arg10[%mul3A_129, %dma_start3A_143] : memref<10000x64xf32, #tpu.memory_space<vmem_shared>> -> memref<520x64xf32, #tpu.memory_space<vmem_shared>>
          tpu.enqueue_dma source(%dma_start3A_144 : memref<520x64xf32, #tpu.memory_space<vmem_shared>>) target(%dma_start3A_142 : memref<520x64xf32, #tpu.memory_space<hbm>>) target_semaphore(%run_scoped3A_140 : memref<!tpu.dma_semaphore, #tpu.memory_space<semaphore_mem>>)
          %dma_wait3A_145 = arith.constant 0 : i32
          %dma_wait3A_146 = tpu.memref_slice %arg6[%mul3A_129, %dma_wait3A_145] : memref<10000x64xf32, #tpu.memory_space<hbm>> -> memref<520x64xf32, #tpu.memory_space<hbm>>
          %dma_wait3A_147 = arith.constant 0 : i32
          %dma_wait3A_148 = tpu.memref_slice %arg10[%mul3A_129, %dma_wait3A_147] : memref<10000x64xf32, #tpu.memory_space<vmem_shared>> -> memref<520x64xf32, #tpu.memory_space<vmem_shared>>
          tpu.wait_dma2 semaphore(%run_scoped3A_140 : memref<!tpu.dma_semaphore, #tpu.memory_space<semaphore_mem>>) src(%dma_wait3A_148 : memref<520x64xf32, #tpu.memory_space<vmem_shared>>) dst(%dma_wait3A_146 : memref<520x64xf32, #tpu.memory_space<hbm>>)
          tpu.yield
        }) : () -> ()
      } else {
      }
    } else {
    }
    return
  }
}

#map = affine_map<(d0, d1) -> (0, 0, 0, 0)>
#map1 = affine_map<(d0, d1) -> (0, 0)>
#map2 = affine_map<(d0, d1) -> (0, 0, 0)>
module attributes {stable_mosaic.version = 14 : i64} {
  func.func @_deg_sc(%arg0: i32, %arg1: i32, %arg2: memref<2x16x160x125xi32, #tpu.memory_space<hbm>>, %arg3: memref<10000x16xf32, #tpu.memory_space<hbm>>, %arg4: memref<125x16xf32, #tpu.memory_space<hbm>>, %arg5: memref<2x10000x16xf32, #tpu.memory_space<hbm>>, %arg6: memref<80x125xi32, #tpu.memory_space<vmem>>, %arg7: memref<125x16xf32, #tpu.memory_space<vmem>>, %arg8: memref<10000x16xf32, #tpu.memory_space<vmem_shared>>) attributes {dimension_semantics = [#tpu.dimension_semantics<core_parallel>, #tpu.dimension_semantics<subcore_parallel>], iteration_bounds = array<i64: 2, 16>, scalar_prefetch = 0 : i64, scratch_operands = 3 : i64, tpu.core_type = #tpu.core_type<sc_vector_subcore>, window_params = [{transform_indices = #map}, {transform_indices = #map1}, {transform_indices = #map1}, {transform_indices = #map2}]} {
    %mul3A = arith.constant 632 : i32
    %mul3A_0 = arith.muli %arg1, %mul3A : i32
    %lt3A = arith.constant 15 : i32
    %lt3A_1 = arith.cmpi slt, %arg1, %lt3A : i32
    %convert_element_type3A = arith.extui %lt3A_1 : i1 to i32
    %cond3A = arith.constant 0 : i32
    %cond3A_2 = arith.cmpi ne, %convert_element_type3A, %cond3A : i32
    scf.if %cond3A_2 {
      "tpu.region"() ({
        %run_scoped3A_28 = tpu.sem_alloc : memref<!tpu.dma_semaphore, #tpu.memory_space<semaphore_mem>>
        %dma_start3A = arith.constant 0 : i32
        %dma_start3A_29 = tpu.memref_slice %arg8[%mul3A_0, %dma_start3A] : memref<10000x16xf32, #tpu.memory_space<vmem_shared>> -> memref<632x16xf32, #tpu.memory_space<vmem_shared>>
        %dma_start3A_30 = arith.constant 0 : i32
        %dma_start3A_31 = tpu.memref_slice %arg3[%mul3A_0, %dma_start3A_30] : memref<10000x16xf32, #tpu.memory_space<hbm>> -> memref<632x16xf32, #tpu.memory_space<hbm>>
        tpu.enqueue_dma source(%dma_start3A_31 : memref<632x16xf32, #tpu.memory_space<hbm>>) target(%dma_start3A_29 : memref<632x16xf32, #tpu.memory_space<vmem_shared>>) target_semaphore(%run_scoped3A_28 : memref<!tpu.dma_semaphore, #tpu.memory_space<semaphore_mem>>)
        %dma_wait3A = arith.constant 0 : i32
        %dma_wait3A_32 = tpu.memref_slice %arg8[%mul3A_0, %dma_wait3A] : memref<10000x16xf32, #tpu.memory_space<vmem_shared>> -> memref<632x16xf32, #tpu.memory_space<vmem_shared>>
        %dma_wait3A_33 = arith.constant 0 : i32
        %dma_wait3A_34 = tpu.memref_slice %arg3[%mul3A_0, %dma_wait3A_33] : memref<10000x16xf32, #tpu.memory_space<hbm>> -> memref<632x16xf32, #tpu.memory_space<hbm>>
        tpu.wait_dma2 semaphore(%run_scoped3A_28 : memref<!tpu.dma_semaphore, #tpu.memory_space<semaphore_mem>>) src(%dma_wait3A_34 : memref<632x16xf32, #tpu.memory_space<hbm>>) dst(%dma_wait3A_32 : memref<632x16xf32, #tpu.memory_space<vmem_shared>>)
        tpu.yield
      }) : () -> ()
    } else {
    }
    %eq3A = arith.constant 15 : i32
    %eq3A_3 = arith.cmpi eq, %arg1, %eq3A : i32
    %convert_element_type3A_4 = arith.extui %eq3A_3 : i1 to i32
    %cond3A_5 = arith.constant 0 : i32
    %cond3A_6 = arith.cmpi ne, %convert_element_type3A_4, %cond3A_5 : i32
    scf.if %cond3A_6 {
      "tpu.region"() ({
        %run_scoped3A_28 = tpu.sem_alloc : memref<!tpu.dma_semaphore, #tpu.memory_space<semaphore_mem>>
        %dma_start3A = arith.constant 0 : i32
        %dma_start3A_29 = tpu.memref_slice %arg8[%mul3A_0, %dma_start3A] : memref<10000x16xf32, #tpu.memory_space<vmem_shared>> -> memref<520x16xf32, #tpu.memory_space<vmem_shared>>
        %dma_start3A_30 = arith.constant 0 : i32
        %dma_start3A_31 = tpu.memref_slice %arg3[%mul3A_0, %dma_start3A_30] : memref<10000x16xf32, #tpu.memory_space<hbm>> -> memref<520x16xf32, #tpu.memory_space<hbm>>
        tpu.enqueue_dma source(%dma_start3A_31 : memref<520x16xf32, #tpu.memory_space<hbm>>) target(%dma_start3A_29 : memref<520x16xf32, #tpu.memory_space<vmem_shared>>) target_semaphore(%run_scoped3A_28 : memref<!tpu.dma_semaphore, #tpu.memory_space<semaphore_mem>>)
        %dma_wait3A = arith.constant 0 : i32
        %dma_wait3A_32 = tpu.memref_slice %arg8[%mul3A_0, %dma_wait3A] : memref<10000x16xf32, #tpu.memory_space<vmem_shared>> -> memref<520x16xf32, #tpu.memory_space<vmem_shared>>
        %dma_wait3A_33 = arith.constant 0 : i32
        %dma_wait3A_34 = tpu.memref_slice %arg3[%mul3A_0, %dma_wait3A_33] : memref<10000x16xf32, #tpu.memory_space<hbm>> -> memref<520x16xf32, #tpu.memory_space<hbm>>
        tpu.wait_dma2 semaphore(%run_scoped3A_28 : memref<!tpu.dma_semaphore, #tpu.memory_space<semaphore_mem>>) src(%dma_wait3A_34 : memref<520x16xf32, #tpu.memory_space<hbm>>) dst(%dma_wait3A_32 : memref<520x16xf32, #tpu.memory_space<vmem_shared>>)
        tpu.yield
      }) : () -> ()
    } else {
    }
    "tpu.region"() ({
      %run_scoped3A_28 = tpu.sem_alloc : memref<!tpu.dma_semaphore, #tpu.memory_space<semaphore_mem>>
      tpu.enqueue_dma source(%arg4 : memref<125x16xf32, #tpu.memory_space<hbm>>) target(%arg7 : memref<125x16xf32, #tpu.memory_space<vmem>>) target_semaphore(%run_scoped3A_28 : memref<!tpu.dma_semaphore, #tpu.memory_space<semaphore_mem>>)
      tpu.wait_dma2 semaphore(%run_scoped3A_28 : memref<!tpu.dma_semaphore, #tpu.memory_space<semaphore_mem>>) src(%arg4 : memref<125x16xf32, #tpu.memory_space<hbm>>) dst(%arg7 : memref<125x16xf32, #tpu.memory_space<vmem>>)
      tpu.yield
    }) : () -> ()
    %mul3A_7 = arith.constant 80 : i32
    %mul3A_8 = arith.muli %arg0, %mul3A_7 : i32
    %run_scoped3A = arith.constant 1 : i32
    "tpu.region"() ({
      %run_scoped3A_28 = tpu.sem_alloc : memref<!tpu.dma_semaphore, #tpu.memory_space<semaphore_mem>>
      %dma_start3A = arith.constant 0 : i32
      %dma_start3A_29 = tpu.memref_slice %arg2[%run_scoped3A, %arg1, %mul3A_8, %dma_start3A] : memref<2x16x160x125xi32, #tpu.memory_space<hbm>> -> memref<1x1x80x125xi32, #tpu.memory_space<hbm>>
      %dma_start3A_30 = tpu.memref_squeeze %dma_start3A_29 : memref<1x1x80x125xi32, #tpu.memory_space<hbm>> -> memref<80x125xi32, #tpu.memory_space<hbm>>
      %dma_start3A_31 = arith.constant 0 : i32
      %dma_start3A_32 = tpu.memref_slice %arg2[%run_scoped3A, %arg1, %mul3A_8, %dma_start3A_31] : memref<2x16x160x125xi32, #tpu.memory_space<hbm>> -> memref<1x1x80x125xi32, #tpu.memory_space<hbm>>
      %dma_start3A_33 = tpu.memref_squeeze %dma_start3A_32 : memref<1x1x80x125xi32, #tpu.memory_space<hbm>> -> memref<80x125xi32, #tpu.memory_space<hbm>>
      tpu.enqueue_dma source(%dma_start3A_33 : memref<80x125xi32, #tpu.memory_space<hbm>>) target(%arg6 : memref<80x125xi32, #tpu.memory_space<vmem>>) target_semaphore(%run_scoped3A_28 : memref<!tpu.dma_semaphore, #tpu.memory_space<semaphore_mem>>)
      %dma_wait3A = arith.constant 0 : i32
      %dma_wait3A_34 = tpu.memref_slice %arg2[%run_scoped3A, %arg1, %mul3A_8, %dma_wait3A] : memref<2x16x160x125xi32, #tpu.memory_space<hbm>> -> memref<1x1x80x125xi32, #tpu.memory_space<hbm>>
      %dma_wait3A_35 = tpu.memref_squeeze %dma_wait3A_34 : memref<1x1x80x125xi32, #tpu.memory_space<hbm>> -> memref<80x125xi32, #tpu.memory_space<hbm>>
      %dma_wait3A_36 = arith.constant 0 : i32
      %dma_wait3A_37 = tpu.memref_slice %arg2[%run_scoped3A, %arg1, %mul3A_8, %dma_wait3A_36] : memref<2x16x160x125xi32, #tpu.memory_space<hbm>> -> memref<1x1x80x125xi32, #tpu.memory_space<hbm>>
      %dma_wait3A_38 = tpu.memref_squeeze %dma_wait3A_37 : memref<1x1x80x125xi32, #tpu.memory_space<hbm>> -> memref<80x125xi32, #tpu.memory_space<hbm>>
      tpu.wait_dma2 semaphore(%run_scoped3A_28 : memref<!tpu.dma_semaphore, #tpu.memory_space<semaphore_mem>>) src(%dma_wait3A_38 : memref<80x125xi32, #tpu.memory_space<hbm>>) dst(%arg6 : memref<80x125xi32, #tpu.memory_space<vmem>>)
      tpu.yield
    }) : () -> ()
    %barrier3A = arith.constant 0 : index
    tpu.barrier barrier_id(%barrier3A)
    %scan3A = arith.constant 0 : i32
    %scan3A_9 = arith.constant 0 : i32
    %scan3A_10 = arith.constant 80 : i32
    %scan3A_11 = arith.addi %scan3A_9, %scan3A_10 : i32
    %scan3A_12 = arith.constant 1 : i32
    %scan3A_13 = scf.for %scan3A_28 = %scan3A_9 to %scan3A_11 step %scan3A_12 iter_args(%scan3A_29 = %scan3A) -> (i32)  : i32 {
      "tpu.region"() ({
        %run_scoped3A_31 = tpu.sem_alloc : memref<!tpu.dma_semaphore, #tpu.memory_space<semaphore_mem>>
        %dma_start3A = arith.constant 0 : i32
        %dma_start3A_32 = tpu.memref_slice %arg6[%scan3A_28, %dma_start3A] : memref<80x125xi32, #tpu.memory_space<vmem>> -> memref<1x125xi32, #tpu.memory_space<vmem>>
        %dma_start3A_33 = tpu.memref_squeeze %dma_start3A_32 : memref<1x125xi32, #tpu.memory_space<vmem>> -> memref<125xi32, #tpu.memory_space<vmem>>
        %dma_start3A_34 = arith.constant 0 : i32
        %dma_start3A_35 = arith.constant 0 : i32
        %dma_start3A_36 = tpu.memref_slice %arg8[%dma_start3A_34, %dma_start3A_35] : memref<10000x16xf32, #tpu.memory_space<vmem_shared>> -> memref<10000x16xf32, #tpu.memory_space<vmem_shared>>
        tpu.enqueue_indirect_dma source(%arg7 : memref<125x16xf32, #tpu.memory_space<vmem>>) target(%dma_start3A_36 : memref<10000x16xf32, #tpu.memory_space<vmem_shared>>) offsets(%dma_start3A_33 : memref<125xi32, #tpu.memory_space<vmem>>) semaphore(%run_scoped3A_31 : memref<!tpu.dma_semaphore, #tpu.memory_space<semaphore_mem>>) {add = true}
        %dma_wait3A = arith.constant 0 : i32
        %dma_wait3A_37 = tpu.memref_slice %arg6[%scan3A_28, %dma_wait3A] : memref<80x125xi32, #tpu.memory_space<vmem>> -> memref<1x125xi32, #tpu.memory_space<vmem>>
        %dma_wait3A_38 = tpu.memref_squeeze %dma_wait3A_37 : memref<1x125xi32, #tpu.memory_space<vmem>> -> memref<125xi32, #tpu.memory_space<vmem>>
        %dma_wait3A_39 = arith.constant 0 : i32
        %dma_wait3A_40 = arith.constant 0 : i32
        %dma_wait3A_41 = tpu.memref_slice %arg8[%dma_wait3A_39, %dma_wait3A_40] : memref<10000x16xf32, #tpu.memory_space<vmem_shared>> -> memref<10000x16xf32, #tpu.memory_space<vmem_shared>>
        tpu.wait_indirect_dma semaphore(%run_scoped3A_31 : memref<!tpu.dma_semaphore, #tpu.memory_space<semaphore_mem>>) src(%arg7 : memref<125x16xf32, #tpu.memory_space<vmem>>) dst(%dma_wait3A_41 : memref<10000x16xf32, #tpu.memory_space<vmem_shared>>)
        tpu.yield
      }) : () -> ()
      %scan3A_30 = arith.constant 0 : i32
      scf.yield %scan3A_30 : i32
    }
    %scan3A_14 = arith.constant 80 : i32
    %barrier3A_15 = arith.constant 0 : index
    tpu.barrier barrier_id(%barrier3A_15)
    %mul3A_16 = arith.constant 632 : i32
    %mul3A_17 = arith.muli %arg1, %mul3A_16 : i32
    %lt3A_18 = arith.constant 15 : i32
    %lt3A_19 = arith.cmpi slt, %arg1, %lt3A_18 : i32
    %convert_element_type3A_20 = arith.extui %lt3A_19 : i1 to i32
    %cond3A_21 = arith.constant 0 : i32
    %cond3A_22 = arith.cmpi ne, %convert_element_type3A_20, %cond3A_21 : i32
    scf.if %cond3A_22 {
      "tpu.region"() ({
        %run_scoped3A_28 = tpu.sem_alloc : memref<!tpu.dma_semaphore, #tpu.memory_space<semaphore_mem>>
        %dma_start3A = arith.constant 0 : i32
        %dma_start3A_29 = tpu.memref_slice %arg5[%arg0, %mul3A_17, %dma_start3A] : memref<2x10000x16xf32, #tpu.memory_space<hbm>> -> memref<1x632x16xf32, #tpu.memory_space<hbm>>
        %dma_start3A_30 = tpu.memref_squeeze %dma_start3A_29 : memref<1x632x16xf32, #tpu.memory_space<hbm>> -> memref<632x16xf32, #tpu.memory_space<hbm>>
        %dma_start3A_31 = arith.constant 0 : i32
        %dma_start3A_32 = tpu.memref_slice %arg8[%mul3A_17, %dma_start3A_31] : memref<10000x16xf32, #tpu.memory_space<vmem_shared>> -> memref<632x16xf32, #tpu.memory_space<vmem_shared>>
        tpu.enqueue_dma source(%dma_start3A_32 : memref<632x16xf32, #tpu.memory_space<vmem_shared>>) target(%dma_start3A_30 : memref<632x16xf32, #tpu.memory_space<hbm>>) target_semaphore(%run_scoped3A_28 : memref<!tpu.dma_semaphore, #tpu.memory_space<semaphore_mem>>)
        %dma_wait3A = arith.constant 0 : i32
        %dma_wait3A_33 = tpu.memref_slice %arg5[%arg0, %mul3A_17, %dma_wait3A] : memref<2x10000x16xf32, #tpu.memory_space<hbm>> -> memref<1x632x16xf32, #tpu.memory_space<hbm>>
        %dma_wait3A_34 = tpu.memref_squeeze %dma_wait3A_33 : memref<1x632x16xf32, #tpu.memory_space<hbm>> -> memref<632x16xf32, #tpu.memory_space<hbm>>
        %dma_wait3A_35 = arith.constant 0 : i32
        %dma_wait3A_36 = tpu.memref_slice %arg8[%mul3A_17, %dma_wait3A_35] : memref<10000x16xf32, #tpu.memory_space<vmem_shared>> -> memref<632x16xf32, #tpu.memory_space<vmem_shared>>
        tpu.wait_dma2 semaphore(%run_scoped3A_28 : memref<!tpu.dma_semaphore, #tpu.memory_space<semaphore_mem>>) src(%dma_wait3A_36 : memref<632x16xf32, #tpu.memory_space<vmem_shared>>) dst(%dma_wait3A_34 : memref<632x16xf32, #tpu.memory_space<hbm>>)
        tpu.yield
      }) : () -> ()
    } else {
    }
    %eq3A_23 = arith.constant 15 : i32
    %eq3A_24 = arith.cmpi eq, %arg1, %eq3A_23 : i32
    %convert_element_type3A_25 = arith.extui %eq3A_24 : i1 to i32
    %cond3A_26 = arith.constant 0 : i32
    %cond3A_27 = arith.cmpi ne, %convert_element_type3A_25, %cond3A_26 : i32
    scf.if %cond3A_27 {
      "tpu.region"() ({
        %run_scoped3A_28 = tpu.sem_alloc : memref<!tpu.dma_semaphore, #tpu.memory_space<semaphore_mem>>
        %dma_start3A = arith.constant 0 : i32
        %dma_start3A_29 = tpu.memref_slice %arg5[%arg0, %mul3A_17, %dma_start3A] : memref<2x10000x16xf32, #tpu.memory_space<hbm>> -> memref<1x520x16xf32, #tpu.memory_space<hbm>>
        %dma_start3A_30 = tpu.memref_squeeze %dma_start3A_29 : memref<1x520x16xf32, #tpu.memory_space<hbm>> -> memref<520x16xf32, #tpu.memory_space<hbm>>
        %dma_start3A_31 = arith.constant 0 : i32
        %dma_start3A_32 = tpu.memref_slice %arg8[%mul3A_17, %dma_start3A_31] : memref<10000x16xf32, #tpu.memory_space<vmem_shared>> -> memref<520x16xf32, #tpu.memory_space<vmem_shared>>
        tpu.enqueue_dma source(%dma_start3A_32 : memref<520x16xf32, #tpu.memory_space<vmem_shared>>) target(%dma_start3A_30 : memref<520x16xf32, #tpu.memory_space<hbm>>) target_semaphore(%run_scoped3A_28 : memref<!tpu.dma_semaphore, #tpu.memory_space<semaphore_mem>>)
        %dma_wait3A = arith.constant 0 : i32
        %dma_wait3A_33 = tpu.memref_slice %arg5[%arg0, %mul3A_17, %dma_wait3A] : memref<2x10000x16xf32, #tpu.memory_space<hbm>> -> memref<1x520x16xf32, #tpu.memory_space<hbm>>
        %dma_wait3A_34 = tpu.memref_squeeze %dma_wait3A_33 : memref<1x520x16xf32, #tpu.memory_space<hbm>> -> memref<520x16xf32, #tpu.memory_space<hbm>>
        %dma_wait3A_35 = arith.constant 0 : i32
        %dma_wait3A_36 = tpu.memref_slice %arg8[%mul3A_17, %dma_wait3A_35] : memref<10000x16xf32, #tpu.memory_space<vmem_shared>> -> memref<520x16xf32, #tpu.memory_space<vmem_shared>>
        tpu.wait_dma2 semaphore(%run_scoped3A_28 : memref<!tpu.dma_semaphore, #tpu.memory_space<semaphore_mem>>) src(%dma_wait3A_36 : memref<520x16xf32, #tpu.memory_space<vmem_shared>>) dst(%dma_wait3A_34 : memref<520x16xf32, #tpu.memory_space<hbm>>)
        tpu.yield
      }) : () -> ()
    } else {
    }
    return
  }
}

module attributes {stable_mosaic.version = 14 : i64} {
  func.func @_b1_body(%arg0: i32, %arg1: memref<2000x128xf32, #tpu.memory_space<vmem>>, %arg2: memref<128x128xf32, #tpu.memory_space<vmem>>, %arg3: memref<2x2000x16xf32, #tpu.memory_space<vmem>>, %arg4: memref<2000x64xf32, #tpu.memory_space<vmem>>, %arg5: memref<2000x64xf32, #tpu.memory_space<vmem>>) attributes {dimension_semantics = [#tpu.dimension_semantics<arbitrary>], iteration_bounds = array<i64: 5>, scalar_prefetch = 0 : i64, scratch_operands = 0 : i64, tpu.core_type = #tpu.core_type<tc>, window_params = [{transform_indices = @transform_0, window_bounds = array<i64: 2000, 128>}, {pipeline_mode = #tpu.pipeline_mode<synchronous>, transform_indices = @transform_1, window_bounds = array<i64: 128, 128>}, {transform_indices = @transform_2, window_bounds = array<i64: 2, 2000, 16>}, {transform_indices = @transform_3, window_bounds = array<i64: 2000, 64>}, {transform_indices = @transform_4, window_bounds = array<i64: 2000, 64>}]} {
    %get3A = arith.constant 0 : index
    %get3A_0 = arith.constant 0 : index
    %get3A_1 = vector.load %arg1[%get3A, %get3A_0] : memref<2000x128xf32, #tpu.memory_space<vmem>>, vector<2000x128xf32>
    %get3A_2 = arith.constant 0 : index
    %get3A_3 = arith.constant 0 : index
    %get3A_4 = vector.load %arg2[%get3A_2, %get3A_3] : memref<128x128xf32, #tpu.memory_space<vmem>>, vector<128x128xf32>
    %dot_general3A = arith.constant dense<0.000000e+00> : vector<2000x128xf32>
    %dot_general3A_5 = tpu.matmul %get3A_1, %get3A_4, %dot_general3A {dimension_numbers = #tpu.dot_dimension_numbers<[1], [0], [0], [1], [0, 0, 1, 1], [], []>, precision = #tpu.contract_precision<fp32>, transpose_lhs_hint = false} : vector<2000x128xf32>, vector<128x128xf32>, vector<2000x128xf32> -> vector<2000x128xf32>
    %get3A_6 = arith.constant 0 : index
    %get3A_7 = arith.constant 0 : index
    %get3A_8 = arith.constant 0 : index
    %get3A_9 = vector.load %arg3[%get3A_6, %get3A_7, %get3A_8] : memref<2x2000x16xf32, #tpu.memory_space<vmem>>, vector<1x2000x1xf32>
    %get3A_10 = vector.shape_cast %get3A_9 : vector<1x2000x1xf32> to vector<2000x1xf32>
    %get3A_11 = arith.constant 1 : index
    %get3A_12 = arith.constant 0 : index
    %get3A_13 = arith.constant 0 : index
    %get3A_14 = vector.load %arg3[%get3A_11, %get3A_12, %get3A_13] : memref<2x2000x16xf32, #tpu.memory_space<vmem>>, vector<1x2000x1xf32>
    %get3A_15 = vector.shape_cast %get3A_14 : vector<1x2000x1xf32> to vector<2000x1xf32>
    %add3A = arith.addf %get3A_10, %get3A_15 : vector<2000x1xf32>
    %add3A_16 = arith.constant 1.000000e+00 : f32
    %add3A_17 = vector.broadcast %add3A_16 : f32 to vector<2000x1xf32>
    %add3A_18 = arith.addf %add3A, %add3A_17 : vector<2000x1xf32>
    %rsqrt3A = math.rsqrt %add3A_18 : vector<2000x1xf32>
    %mul3A = vector.broadcast %rsqrt3A : vector<2000x1xf32> to vector<2000x128xf32>
    %mul3A_19 = arith.mulf %dot_general3A_5, %mul3A : vector<2000x128xf32>
    %slice3A = vector.extract_strided_slice %mul3A_19 {offsets = [0, 0], sizes = [2000, 64], strides = [1, 1]} : vector<2000x128xf32> to vector<2000x64xf32>
    %swap3A = arith.constant 0 : index
    %swap3A_20 = arith.constant 0 : index
    %swap3A_21 = vector.load %arg4[%swap3A, %swap3A_20] : memref<2000x64xf32, #tpu.memory_space<vmem>>, vector<2000x64xf32>
    tpu.vector_store %arg4[%swap3A, %swap3A_20], %slice3A {strides = array<i32>} : memref<2000x64xf32, #tpu.memory_space<vmem>>, vector<2000x64xf32>,
    %slice3A_22 = vector.extract_strided_slice %mul3A_19 {offsets = [0, 64], sizes = [2000, 64], strides = [1, 1]} : vector<2000x128xf32> to vector<2000x64xf32>
    %swap3A_23 = arith.constant 0 : index
    %swap3A_24 = arith.constant 0 : index
    %swap3A_25 = vector.load %arg5[%swap3A_23, %swap3A_24] : memref<2000x64xf32, #tpu.memory_space<vmem>>, vector<2000x64xf32>
    tpu.vector_store %arg5[%swap3A_23, %swap3A_24], %slice3A_22 {strides = array<i32>} : memref<2000x64xf32, #tpu.memory_space<vmem>>, vector<2000x64xf32>,
    return
  }
  func.func @transform_0(%arg0: i32) -> (i32, i32) {
    %c0_i32 = arith.constant 0 : i32
    %c0_i32_0 = arith.constant 0 : i32
    return %arg0, %c0_i32 : i32, i32
  }
  func.func @transform_1(%arg0: i32) -> (i32, i32) {
    %c0_i32 = arith.constant 0 : i32
    %c0_i32_0 = arith.constant 0 : i32
    %c0_i32_1 = arith.constant 0 : i32
    return %c0_i32, %c0_i32_0 : i32, i32
  }
  func.func @transform_2(%arg0: i32) -> (i32, i32, i32) {
    %c0_i32 = arith.constant 0 : i32
    %c0_i32_0 = arith.constant 0 : i32
    %c0_i32_1 = arith.constant 0 : i32
    return %c0_i32, %arg0, %c0_i32_0 : i32, i32, i32
  }
  func.func @transform_3(%arg0: i32) -> (i32, i32) {
    %c0_i32 = arith.constant 0 : i32
    %c0_i32_0 = arith.constant 0 : i32
    return %arg0, %c0_i32 : i32, i32
  }
  func.func @transform_4(%arg0: i32) -> (i32, i32) {
    %c0_i32 = arith.constant 0 : i32
    %c0_i32_0 = arith.constant 0 : i32
    return %arg0, %c0_i32 : i32, i32
  }
}

module attributes {stable_mosaic.version = 14 : i64} {
  func.func @_b2_body(%arg0: i32, %arg1: memref<2000x64xf32, #tpu.memory_space<vmem>>, %arg2: memref<2000x64xf32, #tpu.memory_space<vmem>>, %arg3: memref<2x2000x16xf32, #tpu.memory_space<vmem>>, %arg4: memref<128x128xf32, #tpu.memory_space<vmem>>, %arg5: memref<1x128xf32, #tpu.memory_space<vmem>>, %arg6: memref<2000x64xf32, #tpu.memory_space<vmem>>, %arg7: memref<2000x64xf32, #tpu.memory_space<vmem>>) attributes {dimension_semantics = [#tpu.dimension_semantics<arbitrary>], iteration_bounds = array<i64: 5>, scalar_prefetch = 0 : i64, scratch_operands = 0 : i64, tpu.core_type = #tpu.core_type<tc>, window_params = [{transform_indices = @transform_0, window_bounds = array<i64: 2000, 64>}, {transform_indices = @transform_1, window_bounds = array<i64: 2000, 64>}, {transform_indices = @transform_2, window_bounds = array<i64: 2, 2000, 16>}, {pipeline_mode = #tpu.pipeline_mode<synchronous>, transform_indices = @transform_3, window_bounds = array<i64: 128, 128>}, {pipeline_mode = #tpu.pipeline_mode<synchronous>, transform_indices = @transform_4, window_bounds = array<i64: 1, 128>}, {transform_indices = @transform_5, window_bounds = array<i64: 2000, 64>}, {transform_indices = @transform_6, window_bounds = array<i64: 2000, 64>}]} {
    %get3A = arith.constant 0 : index
    %get3A_0 = arith.constant 0 : index
    %get3A_1 = arith.constant 0 : index
    %get3A_2 = vector.load %arg3[%get3A, %get3A_0, %get3A_1] : memref<2x2000x16xf32, #tpu.memory_space<vmem>>, vector<1x2000x1xf32>
    %get3A_3 = vector.shape_cast %get3A_2 : vector<1x2000x1xf32> to vector<2000x1xf32>
    %get3A_4 = arith.constant 1 : index
    %get3A_5 = arith.constant 0 : index
    %get3A_6 = arith.constant 0 : index
    %get3A_7 = vector.load %arg3[%get3A_4, %get3A_5, %get3A_6] : memref<2x2000x16xf32, #tpu.memory_space<vmem>>, vector<1x2000x1xf32>
    %get3A_8 = vector.shape_cast %get3A_7 : vector<1x2000x1xf32> to vector<2000x1xf32>
    %add3A = arith.addf %get3A_3, %get3A_8 : vector<2000x1xf32>
    %add3A_9 = arith.constant 1.000000e+00 : f32
    %add3A_10 = vector.broadcast %add3A_9 : f32 to vector<2000x1xf32>
    %add3A_11 = arith.addf %add3A, %add3A_10 : vector<2000x1xf32>
    %rsqrt3A = math.rsqrt %add3A_11 : vector<2000x1xf32>
    %get3A_12 = arith.constant 0 : index
    %get3A_13 = arith.constant 0 : index
    %get3A_14 = vector.load %arg1[%get3A_12, %get3A_13] : memref<2000x64xf32, #tpu.memory_space<vmem>>, vector<2000x64xf32>
    %get3A_15 = arith.constant 0 : index
    %get3A_16 = arith.constant 0 : index
    %get3A_17 = vector.load %arg2[%get3A_15, %get3A_16] : memref<2000x64xf32, #tpu.memory_space<vmem>>, vector<2000x64xf32>
    %concatenate3A = tpu.concatenate %get3A_14, %get3A_17 in 1 : vector<2000x64xf32>, vector<2000x64xf32> -> vector<2000x128xf32>
    %mul3A = vector.broadcast %rsqrt3A : vector<2000x1xf32> to vector<2000x128xf32>
    %mul3A_18 = arith.mulf %concatenate3A, %mul3A : vector<2000x128xf32>
    %get3A_19 = arith.constant 0 : index
    %get3A_20 = arith.constant 0 : index
    %get3A_21 = vector.load %arg5[%get3A_19, %get3A_20] : memref<1x128xf32, #tpu.memory_space<vmem>>, vector<1x128xf32>
    %add3A_22 = vector.broadcast %get3A_21 : vector<1x128xf32> to vector<2000x128xf32>
    %add3A_23 = arith.addf %mul3A_18, %add3A_22 : vector<2000x128xf32>
    %max3A = arith.constant 0.000000e+00 : f32
    %max3A_24 = vector.broadcast %max3A : f32 to vector<2000x128xf32>
    %max3A_25 = arith.maximumf %add3A_23, %max3A_24 : vector<2000x128xf32>
    %get3A_26 = arith.constant 0 : index
    %get3A_27 = arith.constant 0 : index
    %get3A_28 = vector.load %arg4[%get3A_26, %get3A_27] : memref<128x128xf32, #tpu.memory_space<vmem>>, vector<128x128xf32>
    %dot_general3A = arith.constant dense<0.000000e+00> : vector<2000x128xf32>
    %dot_general3A_29 = tpu.matmul %max3A_25, %get3A_28, %dot_general3A {dimension_numbers = #tpu.dot_dimension_numbers<[1], [0], [0], [1], [0, 0, 1, 1], [], []>, precision = #tpu.contract_precision<fp32>, transpose_lhs_hint = false} : vector<2000x128xf32>, vector<128x128xf32>, vector<2000x128xf32> -> vector<2000x128xf32>
    %mul3A_30 = vector.broadcast %rsqrt3A : vector<2000x1xf32> to vector<2000x128xf32>
    %mul3A_31 = arith.mulf %dot_general3A_29, %mul3A_30 : vector<2000x128xf32>
    %slice3A = vector.extract_strided_slice %mul3A_31 {offsets = [0, 0], sizes = [2000, 64], strides = [1, 1]} : vector<2000x128xf32> to vector<2000x64xf32>
    %swap3A = arith.constant 0 : index
    %swap3A_32 = arith.constant 0 : index
    %swap3A_33 = vector.load %arg6[%swap3A, %swap3A_32] : memref<2000x64xf32, #tpu.memory_space<vmem>>, vector<2000x64xf32>
    tpu.vector_store %arg6[%swap3A, %swap3A_32], %slice3A {strides = array<i32>} : memref<2000x64xf32, #tpu.memory_space<vmem>>, vector<2000x64xf32>,
    %slice3A_34 = vector.extract_strided_slice %mul3A_31 {offsets = [0, 64], sizes = [2000, 64], strides = [1, 1]} : vector<2000x128xf32> to vector<2000x64xf32>
    %swap3A_35 = arith.constant 0 : index
    %swap3A_36 = arith.constant 0 : index
    %swap3A_37 = vector.load %arg7[%swap3A_35, %swap3A_36] : memref<2000x64xf32, #tpu.memory_space<vmem>>, vector<2000x64xf32>
    tpu.vector_store %arg7[%swap3A_35, %swap3A_36], %slice3A_34 {strides = array<i32>} : memref<2000x64xf32, #tpu.memory_space<vmem>>, vector<2000x64xf32>,
    return
  }
  func.func @transform_0(%arg0: i32) -> (i32, i32) {
    %c0_i32 = arith.constant 0 : i32
    %c0_i32_0 = arith.constant 0 : i32
    return %arg0, %c0_i32 : i32, i32
  }
  func.func @transform_1(%arg0: i32) -> (i32, i32) {
    %c0_i32 = arith.constant 0 : i32
    %c0_i32_0 = arith.constant 0 : i32
    return %arg0, %c0_i32 : i32, i32
  }
  func.func @transform_2(%arg0: i32) -> (i32, i32, i32) {
    %c0_i32 = arith.constant 0 : i32
    %c0_i32_0 = arith.constant 0 : i32
    %c0_i32_1 = arith.constant 0 : i32
    return %c0_i32, %arg0, %c0_i32_0 : i32, i32, i32
  }
  func.func @transform_3(%arg0: i32) -> (i32, i32) {
    %c0_i32 = arith.constant 0 : i32
    %c0_i32_0 = arith.constant 0 : i32
    %c0_i32_1 = arith.constant 0 : i32
    return %c0_i32, %c0_i32_0 : i32, i32
  }
  func.func @transform_4(%arg0: i32) -> (i32, i32) {
    %c0_i32 = arith.constant 0 : i32
    %c0_i32_0 = arith.constant 0 : i32
    %c0_i32_1 = arith.constant 0 : i32
    return %c0_i32, %c0_i32_0 : i32, i32
  }
  func.func @transform_5(%arg0: i32) -> (i32, i32) {
    %c0_i32 = arith.constant 0 : i32
    %c0_i32_0 = arith.constant 0 : i32
    return %arg0, %c0_i32 : i32, i32
  }
  func.func @transform_6(%arg0: i32) -> (i32, i32) {
    %c0_i32 = arith.constant 0 : i32
    %c0_i32_0 = arith.constant 0 : i32
    return %arg0, %c0_i32 : i32, i32
  }
}

module attributes {stable_mosaic.version = 14 : i64} {
  func.func @_b3_body(%arg0: i32, %arg1: memref<2000x64xf32, #tpu.memory_space<vmem>>, %arg2: memref<2000x64xf32, #tpu.memory_space<vmem>>, %arg3: memref<2x2000x16xf32, #tpu.memory_space<vmem>>, %arg4: memref<128x128xf32, #tpu.memory_space<vmem>>, %arg5: memref<1x128xf32, #tpu.memory_space<vmem>>, %arg6: memref<1x128xf32, #tpu.memory_space<vmem>>, %arg7: memref<2000x40xf32, #tpu.memory_space<vmem>>) attributes {dimension_semantics = [#tpu.dimension_semantics<arbitrary>], iteration_bounds = array<i64: 5>, scalar_prefetch = 0 : i64, scratch_operands = 0 : i64, tpu.core_type = #tpu.core_type<tc>, window_params = [{transform_indices = @transform_0, window_bounds = array<i64: 2000, 64>}, {transform_indices = @transform_1, window_bounds = array<i64: 2000, 64>}, {transform_indices = @transform_2, window_bounds = array<i64: 2, 2000, 16>}, {pipeline_mode = #tpu.pipeline_mode<synchronous>, transform_indices = @transform_3, window_bounds = array<i64: 128, 128>}, {pipeline_mode = #tpu.pipeline_mode<synchronous>, transform_indices = @transform_4, window_bounds = array<i64: 1, 128>}, {pipeline_mode = #tpu.pipeline_mode<synchronous>, transform_indices = @transform_5, window_bounds = array<i64: 1, 128>}, {transform_indices = @transform_6, window_bounds = array<i64: 2000, 40>}]} {
    %get3A = arith.constant 0 : index
    %get3A_0 = arith.constant 0 : index
    %get3A_1 = arith.constant 0 : index
    %get3A_2 = vector.load %arg3[%get3A, %get3A_0, %get3A_1] : memref<2x2000x16xf32, #tpu.memory_space<vmem>>, vector<1x2000x1xf32>
    %get3A_3 = vector.shape_cast %get3A_2 : vector<1x2000x1xf32> to vector<2000x1xf32>
    %get3A_4 = arith.constant 1 : index
    %get3A_5 = arith.constant 0 : index
    %get3A_6 = arith.constant 0 : index
    %get3A_7 = vector.load %arg3[%get3A_4, %get3A_5, %get3A_6] : memref<2x2000x16xf32, #tpu.memory_space<vmem>>, vector<1x2000x1xf32>
    %get3A_8 = vector.shape_cast %get3A_7 : vector<1x2000x1xf32> to vector<2000x1xf32>
    %add3A = arith.addf %get3A_3, %get3A_8 : vector<2000x1xf32>
    %add3A_9 = arith.constant 1.000000e+00 : f32
    %add3A_10 = vector.broadcast %add3A_9 : f32 to vector<2000x1xf32>
    %add3A_11 = arith.addf %add3A, %add3A_10 : vector<2000x1xf32>
    %rsqrt3A = math.rsqrt %add3A_11 : vector<2000x1xf32>
    %get3A_12 = arith.constant 0 : index
    %get3A_13 = arith.constant 0 : index
    %get3A_14 = vector.load %arg1[%get3A_12, %get3A_13] : memref<2000x64xf32, #tpu.memory_space<vmem>>, vector<2000x64xf32>
    %get3A_15 = arith.constant 0 : index
    %get3A_16 = arith.constant 0 : index
    %get3A_17 = vector.load %arg2[%get3A_15, %get3A_16] : memref<2000x64xf32, #tpu.memory_space<vmem>>, vector<2000x64xf32>
    %concatenate3A = tpu.concatenate %get3A_14, %get3A_17 in 1 : vector<2000x64xf32>, vector<2000x64xf32> -> vector<2000x128xf32>
    %mul3A = vector.broadcast %rsqrt3A : vector<2000x1xf32> to vector<2000x128xf32>
    %mul3A_18 = arith.mulf %concatenate3A, %mul3A : vector<2000x128xf32>
    %get3A_19 = arith.constant 0 : index
    %get3A_20 = arith.constant 0 : index
    %get3A_21 = vector.load %arg5[%get3A_19, %get3A_20] : memref<1x128xf32, #tpu.memory_space<vmem>>, vector<1x128xf32>
    %add3A_22 = vector.broadcast %get3A_21 : vector<1x128xf32> to vector<2000x128xf32>
    %add3A_23 = arith.addf %mul3A_18, %add3A_22 : vector<2000x128xf32>
    %get3A_24 = arith.constant 0 : index
    %get3A_25 = arith.constant 0 : index
    %get3A_26 = vector.load %arg4[%get3A_24, %get3A_25] : memref<128x128xf32, #tpu.memory_space<vmem>>, vector<128x128xf32>
    %dot_general3A = arith.constant dense<0.000000e+00> : vector<2000x128xf32>
    %dot_general3A_27 = tpu.matmul %add3A_23, %get3A_26, %dot_general3A {dimension_numbers = #tpu.dot_dimension_numbers<[1], [0], [0], [1], [0, 0, 1, 1], [], []>, precision = #tpu.contract_precision<fp32>, transpose_lhs_hint = false} : vector<2000x128xf32>, vector<128x128xf32>, vector<2000x128xf32> -> vector<2000x128xf32>
    %get3A_28 = arith.constant 0 : index
    %get3A_29 = arith.constant 0 : index
    %get3A_30 = vector.load %arg6[%get3A_28, %get3A_29] : memref<1x128xf32, #tpu.memory_space<vmem>>, vector<1x128xf32>
    %add3A_31 = vector.broadcast %get3A_30 : vector<1x128xf32> to vector<2000x128xf32>
    %add3A_32 = arith.addf %dot_general3A_27, %add3A_31 : vector<2000x128xf32>
    %reduce_max3A = arith.constant dense<0xFF800000> : vector<2000xf32>
    %reduce_max3A_33 = vector.multi_reduction <maximumf>, %add3A_32, %reduce_max3A [1] : vector<2000x128xf32> to vector<2000xf32>
    %broadcast_in_dim3A = vector.shape_cast %reduce_max3A_33 : vector<2000xf32> to vector<2000x1xf32>
    %sub3A = vector.broadcast %broadcast_in_dim3A : vector<2000x1xf32> to vector<2000x128xf32>
    %sub3A_34 = arith.subf %add3A_32, %sub3A : vector<2000x128xf32>
    %exp3A = math.exp %sub3A_34 : vector<2000x128xf32>
    %reduce_sum3A = arith.constant dense<0.000000e+00> : vector<2000xf32>
    %reduce_sum3A_35 = vector.multi_reduction <add>, %exp3A, %reduce_sum3A [1] : vector<2000x128xf32> to vector<2000xf32>
    %broadcast_in_dim3A_36 = vector.shape_cast %reduce_sum3A_35 : vector<2000xf32> to vector<2000x1xf32>
    %log3A = math.log %broadcast_in_dim3A_36 : vector<2000x1xf32>
    %sub3A_37 = vector.broadcast %log3A : vector<2000x1xf32> to vector<2000x128xf32>
    %sub3A_38 = arith.subf %sub3A_34, %sub3A_37 : vector<2000x128xf32>
    %slice3A = vector.extract_strided_slice %sub3A_38 {offsets = [0, 0], sizes = [2000, 40], strides = [1, 1]} : vector<2000x128xf32> to vector<2000x40xf32>
    %swap3A = arith.constant 0 : index
    %swap3A_39 = arith.constant 0 : index
    %swap3A_40 = vector.load %arg7[%swap3A, %swap3A_39] : memref<2000x40xf32, #tpu.memory_space<vmem>>, vector<2000x40xf32>
    tpu.vector_store %arg7[%swap3A, %swap3A_39], %slice3A {strides = array<i32>} : memref<2000x40xf32, #tpu.memory_space<vmem>>, vector<2000x40xf32>,
    return
  }
  func.func @transform_0(%arg0: i32) -> (i32, i32) {
    %c0_i32 = arith.constant 0 : i32
    %c0_i32_0 = arith.constant 0 : i32
    return %arg0, %c0_i32 : i32, i32
  }
  func.func @transform_1(%arg0: i32) -> (i32, i32) {
    %c0_i32 = arith.constant 0 : i32
    %c0_i32_0 = arith.constant 0 : i32
    return %arg0, %c0_i32 : i32, i32
  }
  func.func @transform_2(%arg0: i32) -> (i32, i32, i32) {
    %c0_i32 = arith.constant 0 : i32
    %c0_i32_0 = arith.constant 0 : i32
    %c0_i32_1 = arith.constant 0 : i32
    return %c0_i32, %arg0, %c0_i32_0 : i32, i32, i32
  }
  func.func @transform_3(%arg0: i32) -> (i32, i32) {
    %c0_i32 = arith.constant 0 : i32
    %c0_i32_0 = arith.constant 0 : i32
    %c0_i32_1 = arith.constant 0 : i32
    return %c0_i32, %c0_i32_0 : i32, i32
  }
  func.func @transform_4(%arg0: i32) -> (i32, i32) {
    %c0_i32 = arith.constant 0 : i32
    %c0_i32_0 = arith.constant 0 : i32
    %c0_i32_1 = arith.constant 0 : i32
    return %c0_i32, %c0_i32_0 : i32, i32
  }
  func.func @transform_5(%arg0: i32) -> (i32, i32) {
    %c0_i32 = arith.constant 0 : i32
    %c0_i32_0 = arith.constant 0 : i32
    %c0_i32_1 = arith.constant 0 : i32
    return %c0_i32, %c0_i32_0 : i32, i32
  }
  func.func @transform_6(%arg0: i32) -> (i32, i32) {
    %c0_i32 = arith.constant 0 : i32
    %c0_i32_0 = arith.constant 0 : i32
    return %arg0, %c0_i32 : i32, i32
  }
}

</mosaic_0001>

<sc_bundles>
// kernel: kernel.11.cloned.1.call-start
scs
__scs_entry_jumppad:
0x0: {  	(pc) =	sbr.rel $0x88, $3  }
0x1: {  	(tag) =	ssettag $0x0;
	lr =	simm.s32 $0x1  }
0x2: {  	[smem:$0x3F99] =	sst lr;
	_ =	strace $0xD0000000  }
0x3: {  	_ = 	snop  }
0x4: {  	_ = 	snop  }
0x5: {  	_ = 	snop  }
0x6: {  	_ = 	snop  }
0x7: {  	_ = 	snop  }
__scs_overlays_trampoline_lowered:
0x8: {  	[smem:$0x3FA8] =	sst s0  }
0x9: {  	[smem:$0x3FA9] =	sst s1  }
0xa: {  	[smem:$0x3FAA] =	sst s2  }
0xb: {  	[smem:$0x3FAB] =	sst s3  }
0xc: {  	[smem:$0x3FAC] =	sst s4  }
0xd: {  	[smem:$0x3FAD] =	sst s5  }
0xe: {  	[smem:$0x3FAE] =	sst s6  }
0xf: {  	[smem:$0x3FAF] =	sst s7  }
0x10: {  	[smem:$0x3FB0] =	sst s8  }
0x11: {  	[smem:$0x3FB1] =	sst s9;
	s0 =	simm.s32 @!p0 $0x0  }
0x12: {  	s1 =	sld [smem:$0x3F97];
	s0 =	simm.s32 @p0 $0x1  }
0x13: {  	[smem:$0x3FB2] =	sst s0;
	s0 =	simm.s32 @!p1 $0x0  }
0x14: {  	s2 =	sld [smem:$0x3F96];
	s0 =	simm.s32 @p1 $0x1  }
0x15: {  	[smem:$0x3FB3] =	sst s0;
	s0 =	simm.s32 @!p2 $0x0  }
0x16: {  	s3 =	sld [smem:$0x3FDB];
	s0 =	simm.s32 @p2 $0x1  }
0x17: {  	s4 =	simm.s32 $0x1BF5;
	[smem:$0x3FB5] =	sst s0  }
0x18: {  	s0 =	sld [smem:$0x3F98];
	_ =	swait.ge [sflag:s4], $0x0  }
0x19: {  	s7 =	sld [smem:$0x3F99]  }
0x1a: {  	s8 =	sadd.s32 $0xFFFFE003, lr  }
0x1b: {  	s9 =	sadd.s32 $0xFFFFFEF7, lr;
	s5 =	simm.s32 $0xFFFFFFFF;
	p2 =	slt.u32 s8, $0xFFFFF086  }
0x1c: {  	p1 =	slt.u32 s9, $0xF7A;
	s5 =	simm.s32 @!p2 $0x0  }
0x1d: {  	s5 =	simm.s32 @p1 $0x1;
	p0 =	seq.s32 s7, s2  }
0x1e: {  	s7 =	smul.u32 @!p0 $0xF7A, s2;
	p2 =	seq.s32 @!p0 s5, $0x0  }
0x1f: {  	s9 =	smul.u32 $0xF7A, s1;
	s8 =	simm.s32 @!p0 $0x1BF5;
	p2 =	por !p2, p0  }
0x20: {  	[sflag:s8] =	ssyncset.s32 @!p0 $0xFFFFF086;
	s6 =	sadd.s32 @!p0 s3, s7;
	s7 =	simm.s32 @!p0 $0x108  }
0x21: {  	s3 =	sadd.s32 s3, s9;
	s6 =	sadd.s32 @!p0 $0x88, s6;
	s7 =	simm.s32 @p2 $0x1082  }
0x22: {  	[simem:s7], [sflag:s8] =	dma.local @!p0 [hbm:s6], $0xF7A  }
0x23: {  	s9 =	sor.u32 $0xD0000000, s2;
	s6 =	simm.s32 $0x108;
	_ =	swait.ge @!p0 [sflag:s8], $0x0  }
0x24: {  	s3 =	sadd.s32 $0x88, s3;
	s6 =	simm.s32 @!p1 $0x1082;
	[sflag:s4] =	ssyncset.s32 $0xFFFFF086  }
0x25: {  	[simem:s6], [sflag:s4] =	dma.local [hbm:s3], $0xF7A  }
0x26: {  	[smem:$0x3F99] =	sst s1;
	(tag) =	ssettag s2;
	_ =	strace s9  }
0x27: {  	s1 =	sld [smem:$0x3FA9]  }
0x28: {  	s2 =	sld [smem:$0x3FAA]  }
0x29: {  	s4 =	sld [smem:$0x3FAC]  }
0x2a: {  	p0 =	seq.s32 s5, $0x0;
	s5 =	sld [smem:$0x3FAD]  }
0x2b: {  	s6 =	sld [smem:$0x3FAE]  }
0x2c: {  	s7 =	sld [smem:$0x3FAF]  }
0x2d: {  	s3 =	simm.s32 $0x108;
	s8 =	sld [smem:$0x3FB0]  }
0x2e: {  	s3 =	simm.s32 @!p0 $0x1082;
	s9 =	sld [smem:$0x3FB1]  }
0x2f: {  	lr =	sadd.s32 s0, s3;
	s0 =	sld [smem:$0x3FA8]  }
0x30: {  	s3 =	sld [smem:$0x3FAB]  }
0x31: {  	[smem:$0x3FB4] =	sst s10  }
0x32: {  	s10 =	sld [smem:$0x3FB2];
	_ =	sdelay $0x3  }
0x33: {  	p0 =	seq.s32 s10, $0x1;
	s10 =	sld [smem:$0x3FB4];
	_ =	sdelay $0x3  }
0x34: {  	[smem:$0x3FB4] =	sst s10  }
0x35: {  	s10 =	sld [smem:$0x3FB3];
	_ =	sdelay $0x3  }
0x36: {  	p1 =	seq.s32 s10, $0x1;
	s10 =	sld [smem:$0x3FB4];
	_ =	sdelay $0x3  }
0x37: {  	[smem:$0x3FB4] =	sst s10  }
0x38: {  	s10 =	sld [smem:$0x3FB5]  }
0x39: {  	_ = 	snop;
	(pc) =	sbr.ind lr, $3  }
0x3a: {  	_ = 	snop  }
0x3b: {  	_ = 	snop  }
0x3c: {  	p2 =	seq.s32 s10, $0x1;
	s10 =	sld [smem:$0x3FB4]  }
0x3d: {  	_ =	shalt  }
0x3e: {  	_ =	shalt  }
0x3f: {  	_ =	shalt  }
0x40: {  	_ =	shalt  }
0x41: {  	_ =	shalt  }
0x42: {  	_ =	shalt  }
0x43: {  	_ =	shalt  }
0x44: {  	_ =	shalt  }
0x45: {  	_ =	shalt  }
0x46: {  	_ =	shalt  }
0x47: {  	_ =	shalt  }
0x48: {  	_ =	shalt  }
0x49: {  	_ =	shalt  }
0x4a: {  	_ =	shalt  }
0x4b: {  	_ =	shalt  }
0x4c: {  	_ =	shalt  }
0x4d: {  	_ =	shalt  }
0x4e: {  	_ =	shalt  }
0x4f: {  	_ =	shalt  }
0x50: {  	_ =	shalt  }
0x51: {  	_ =	shalt  }
0x52: {  	_ =	shalt  }
0x53: {  	_ =	shalt  }
0x54: {  	_ =	shalt  }
0x55: {  	_ =	shalt  }
0x56: {  	_ =	shalt  }
0x57: {  	_ =	shalt  }
0x58: {  	_ =	shalt  }
0x59: {  	_ =	shalt  }
0x5a: {  	_ =	shalt  }
0x5b: {  	_ =	shalt  }
0x5c: {  	_ =	shalt  }
0x5d: {  	_ =	shalt  }
0x5e: {  	_ =	shalt  }
0x5f: {  	_ =	shalt  }
0x60: {  	_ =	shalt  }
0x61: {  	_ =	shalt  }
0x62: {  	_ =	shalt  }
0x63: {  	_ =	shalt  }
0x64: {  	_ =	shalt  }
0x65: {  	_ =	shalt  }
0x66: {  	_ =	shalt  }
0x67: {  	_ =	shalt  }
0x68: {  	_ =	shalt  }
0x69: {  	_ =	shalt  }
0x6a: {  	_ =	shalt  }
0x6b: {  	_ =	shalt  }
0x6c: {  	_ =	shalt  }
0x6d: {  	_ =	shalt  }
0x6e: {  	_ =	shalt  }
0x6f: {  	_ =	shalt  }
0x70: {  	_ =	shalt  }
0x71: {  	_ =	shalt  }
0x72: {  	_ =	shalt  }
0x73: {  	_ =	shalt  }
0x74: {  	_ =	shalt  }
0x75: {  	_ =	shalt  }
0x76: {  	_ =	shalt  }
0x77: {  	_ =	shalt  }
0x78: {  	_ =	shalt  }
0x79: {  	_ =	shalt  }
0x7a: {  	_ =	shalt  }
0x7b: {  	_ =	shalt  }
0x7c: {  	_ =	shalt  }
0x7d: {  	_ =	shalt  }
0x7e: {  	_ =	shalt  }
0x7f: {  	_ =	shalt  }
0x80: {  	_ =	shalt  }
0x81: {  	_ =	shalt  }
0x82: {  	_ =	shalt  }
0x83: {  	_ =	shalt  }
0x84: {  	_ =	shalt  }
0x85: {  	_ =	shalt  }
0x86: {  	_ =	shalt  }
0x87: {  	_ =	shalt  }
.Lfunc_end0:
.L_simem_size_0:
called_computation.1_lowered:
.L_overlay_start_0:
0x88: {  	s2 =	sld [smem:$0x3FD9]  }
0x89: {  	s3 =	sld [smem:$0x3FFE];
	_ =	sdelay $0x1  }
0x8a: {  	s1 =	srdreg.scid  }
0x8b: {  	s0 =	sand.u32 $0x1, s1  }
0x8c: {  	s16 =	sshll.u32 s0, $0xA;
	s2 =	sadd.s32 s3, s2  }
0x8d: {  	s2 =	sadd.s32 s2, s16  }
0x8e: {  	[smem:$0x3FC0] =	sst s2  }
0x8f: {  	_ = 	snop  }
0x90: {  	(tm) =	ssettm $0x1  }
0x91: {  	s17 =	sld [smem:$0x3FFB];
	_ =	sdelay $0x3  }
0x92: {  	_ =	strace s17  }
0x93: {  	s2 =	sld [smem:$0x3FFC];
	_ =	sdelay $0x3  }
0x94: {  	_ =	strace s2  }
0x95: {  	s2 =	sld [smem:$0x3FFD];
	_ =	sdelay $0x3  }
0x96: {  	_ =	strace s2  }
0x97: {  	_ =	strace $0x8FFFFFFF  }
0x98: {  	s18 =	sld [smem:$0x3FDB];
	_ =	sdelay $0x1  }
0x99: {  	s19 =	simm.s32 $_scs_section_size  }
0x9a: {  	s4 =	simm.s32 $_size__tile_overlayer_lowered;
	s5 =	simm.s32 $_tile_overlayer_lowered  }
0x9b: {  	s22 =	simm.s32 $0x1BFF;
	s21 =	sshll.u32 s5, $0x1;
	s2 =	sadd.s32 s19, s18  }
0x9c: {  	s6 =	simm.s32 $0x0;
	s20 =	sshll.u32 s4, $0x1;
	s4 =	sadd.s32 s21, s2  }
0x9d: {  	[timem:s6], [sflag:s22] =	dma.local [hbm:s4], s20  }
0x9e: {  	_ =	swait.ge [sflag:s22], s20  }
0x9f: {  	s3 =	ssub.s32 $0x0, s20;
	[sflag:s22] =	ssyncset.done $0x0  }
0xa0: {  	[sflag:s22] =	ssyncadd.s32 s3;
	_ =	sdelay $0x1  }
0xa1: {  	s23 =	simm.s32 $0x1B8B  }
0xa2: {  	_ =	swait.ge [sflag:s23], $0x1  }
0xa3: {  	[sflag:s23] =	ssyncset.done $0x0  }
0xa4: {  	s25 =	simm.s32 $0x1B8E;
	s24 =	sld [smem:$0x3FFE];
	[sflag:s23] =	ssyncadd.s32 $0xFFFFFFFF  }
0xa5: {  	s26 =	simm.s32 $execute0_lowered;
	[smem:$0x3FD2] =	sst s25  }
0xa6: {  	s4 =	sshll.u32 s26, $0x1;
	_ =	strace $0x80000049;
	[dreg:$0x1] =	wrdreg $0xFFFFFFFF  }
0xa7: {  	s28 =	simm.s32 $_size_execute0_lowered;
	s2 =	sadd.s32 s2, s4;
	[dreg:$0x0] =	wrdreg $0x0  }
0xa8: {  	s4 =	sshll.u32 s28, $0x1;
	[dreg:$0x2] =	wrdreg s2  }
0xa9: {  	[dreg:$0x3] =	wrdreg s4  }
0xaa: {  	[dreg:$0x4] =	wrdreg $0xC0  }
0xab: {  	_ =	task [dreg:s6], $0x5FFFF  }
0xac: {  	[dreg:$0x1] =	wrdreg $0xFFFFFFFF  }
0xad: {  	[dreg:$0x0] =	wrdreg $0x60  }
0xae: {  	[dreg:$0x2] =	wrdreg s24  }
0xaf: {  	[dreg:$0x3] =	wrdreg $0x13C400  }
0xb0: {  	[dreg:$0x4] =	wrdreg $0x9  }
0xb1: {  	_ =	task.clear_ibuf [dreg:s6], $0x5FFFF;
	_ =	strace $0x90000049  }
0xb2: {  	s29 =	simm.s32 $0x9;
	_ =	strace $0x8000004B  }
0xb3: {  	_ =	swait.ge [sflag:s29], $0x1  }
0xb4: {  	[sflag:s29] =	ssyncadd.s32 $0xFFFFFFFF  }
0xb5: {  	_ =	strace $0x9000004B  }
0xb6: {  	_ =	sfence  }
0xb7: {  	s30 =	sld [smem:$0x0];
	_ =	sdelay $0x2  }
0xb8: {  	s31 =	sshll.u32 s1, $0xD;
	s1 =	sshrl.u32 s1, $0x2  }
0xb9: {  	s3 =	sand.u32 $0x4000, s31;
	s1 =	sadd.s32 s1, s30  }
0xba: {  	s0 =	sor.u32 s3, s0;
	s1 =	sshll.u32 s1, $0x11  }
0xbb: {  	s0 =	sor.u32 s1, s0  }
0xbc: {  	s0 =	sadd.s32 $0x8F2B, s0  }
0xbd: {  	[sflag:s0] =	ssyncadd.remote.s32 $0x1  }
0xbe: {  	_ =	sfence.sel $0xFFFF  }
0xbf: {  	[dreg:$0x0] =	wrdreg $0xFFFFFFFF;
	(pc) =	sbr.abs _section_cstart, $3  }
0xc0: {  	[dreg:$0x1] =	wrdreg $0xFFFFFFFF  }
0xc1: {  	_ =	task.clear_ibuf [dreg:s6], $0x2FFFF;
	_ =	strace $0x9FFFFFFF  }
0xc2: {  	(tm) =	ssettm $0x7FFFFFFF  }
0xc3: {  	_ =	shalt  }
tec
execute0_lowered:
.L_overlay_start_1:
0x0: {  	(tag) =	ssettag $0x1  }
0x1: {  	s0 =	rddreg [dreg:$0x0]  }
0x2: {  	s2 =	rddreg [dreg:$0x1];
	s1 =	simm.s32 $0x0;
	s12 =	stileid.u32  }
0x3: {  	s3 =	srdreg.scid;
	s17 =	simm.s32 $0xB;
	s18 =	simm.s32 $0x5000  }
0x4: {  	s29 =	simm.s32 $0xDE80;
	s30 =	simm.s32 $0x2;
	s14 =	simm.s32 $0x6  }
0x5: {  	s31 =	simm.s32 $0x7;
	s13 =	simm.s32 $0xA;
	s19 =	smul.u32 $0x5000, s12  }
0x6: {  	s15 =	simm.s32 $0x0;
	[smem:$0x7FF] =	sst s1;
	s8 =	smul.u32 $0x9E00, s12  }
0x7: {  	s3 =	sand.u32 $0x1, s3;
	s4 =	sadd.s32 $0x78800, s0;
	s5 =	sadd.s32 $0x64E00, s0  }
0x8: {  	s22 =	sadd.s32 $0x8B040, s0;
	s24 =	sadd.s32 $0xB2440, s0;
	s26 =	sadd.s32 $0x77640, s0  }
0x9: {  	p1 =	seq.s32 s12, $0xF;
	_ =	strace $0x8000004A;
	[dreg:$0x5] =	wrdreg s22  }
0xa: {  	s6 =	ssub.s32 $0x2, s3;
	p0 =	seq.s32 s3, $0x1;
	[dreg:$0x7] =	wrdreg s24  }
0xb: {  	s3 =	sadd.s32 $0x94200, s2;
	[dreg:$0x9] =	wrdreg s26;
	s22 =	simm.s32 $0x7D  }
0xc: {  	s26 =	simm.s32 $0x1;
	s24 =	simm.s32 $0x5;
	s1 =	sshrl.u32 s19, $0x3  }
0xd: {  	s9 =	sshrl.u32 s8, $0x3;
	s7 =	sshrl.u32 s6, $0x1;
	s19 =	sshrl.u32 @p1 s3, $0x3  }
0xe: {  	s1 =	sadd.s32 s1, s0;
	s10 =	sadd.s32 s9, s0;
	s11 =	ssub.s32 s6, s7  }
0xf: {  	s21 =	sadd.s32 s4, s9;
	s25 =	sadd.s32 s5, s9;
	s0 =	sadd.s32 $0x9EA40, s0  }
0x10: {  	s9 =	simm.s32 $0x8;
	s20 =	sadd.s32 $0x2C00, s1;
	[dreg:$0x4] =	wrdreg s21  }
0x11: {  	s7 =	sadd.s32 $0xCC00, s1;
	s1 =	sadd.s32 s8, s2;
	[dreg:$0x8] =	wrdreg s25  }
0x12: {  	s23 =	sadd.s32 $0x9FC00, s10;
	s28 =	sadd.s32 $0x8C200, s10;
	[dreg:$0xb] =	wrdreg s0  }
.Ltmp0:
0x13: {  	s16 =	smax.u32 s11, $0x1;
	s0 =	sshll.u32 @!p1 s12, $0x6;
	(pc) =	sbr.rel .LBB2_1-.Ltmp0, $4  }
0x14: {  	s25 =	simm.s32 $0xBF40;
	s8 =	simm.s32 $0x3;
	[dreg:$0x3] =	wrdreg s20  }
0x15: {  	s11 =	simm.s32 $0x11D00;
	s12 =	simm.s32 $0x4;
	[dreg:$0x6] =	wrdreg s23  }
0x16: {  	s10 =	simm.s32 $0x9;
	[dreg:$0xa] =	wrdreg s28;
	s20 =	sor.u32 @!p1 $0x1C0B, s0  }
0x17: {  	s21 =	sshrl.u32 @!p1 s1, $0x3;
	s23 =	simm.s32 $0xA000;
	s1 =	simm.s32 $0xFDC0  }
.LBB2_9:
0x18: {  	_ =	swait.ge [sflag:s24], $0x1F40  }
0x19: {  	[sflag:s24] =	ssyncset.done $0x0  }
0x1a: {  	[sflag:s24] =	ssyncadd.s32 $0xFFFFE0C0  }
0x1b: {  	[spmem:s2] =	stream.indirect.scatter.add.f32 [tilespmem:s11], [sflag:$0xA], $0x40, s3, s22, $0xb8;
	[tilespmem:$0x1D880] =	vst v63  }
0x1c: {  	_ =	swait.ge [sflag:s14], $0x1F40  }
0x1d: {  	[sflag:s14] =	ssyncset.done $0x0  }
0x1e: {  	[sflag:s14] =	ssyncadd.s32 $0xFFFFE0C0  }
0x1f: {  	_ =	swait.ge [sflag:s31], $0x1F40  }
0x20: {  	[sflag:s31] =	ssyncset.done $0x0  }
0x21: {  	[sflag:s31] =	ssyncadd.s32 $0xFFFFE0C0  }
0x22: {  	_ =	swait.ge [sflag:s9], $0x1F40  }
0x23: {  	[sflag:s9] =	ssyncset.done $0x0  }
0x24: {  	[sflag:s9] =	ssyncadd.s32 $0xFFFFE0C0  }
0x25: {  	_ =	swait.ge [sflag:s10], $0x1F40  }
0x26: {  	[sflag:s10] =	ssyncset.done $0x0  }
0x27: {  	[sflag:s10] =	ssyncadd.s32 $0xFFFFE0C0  }
0x28: {  	_ =	swait.ge [sflag:s13], $0x1F40  }
0x29: {  	[sflag:s13] =	ssyncset.done $0x0  }
0x2a: {  	[sflag:s13] =	ssyncadd.s32 $0xFFFFE0C0  }
0x2b: {  	[bflag:$0x0] =	sbarrier.arrive $0xFFFF  }
0x2c: {  	s0 =	simm.s32 @p1 $0x1FCB;
	s3 =	rddreg [dreg:$0xb]  }
0x2d: {  	[hbm:s3], [sflag:s0] =	dma.local @p1 [spmem:s19], $0x1040  }
0x2e: {  	s0 =	simm.s32 @p1 $0xB  }
0x2f: {  	_ =	swait.ge @p1 [sflag:s0], $0x1040  }
0x30: {  	[sflag:s0] =	ssyncset.done @p1 $0x0  }
0x31: {  	[sflag:s0] =	ssyncadd.s32 @p1 $0xFFFFEFC0;
	s0 =	rddreg [dreg:$0xa]  }
0x32: {  	[hbm:s0], [sflag:s20] =	dma.local @!p1 [spmem:s21], $0x13C0  }
0x33: {  	s0 =	simm.s32 @!p1 $0xB  }
0x34: {  	_ =	swait.ge @!p1 [sflag:s0], $0x13C0  }
0x35: {  	[sflag:s0] =	ssyncset.done @!p1 $0x0  }
0x36: {  	[sflag:s0] =	ssyncadd.s32 @!p1 $0xFFFFEC40  }
.LBB2_10:
0x37: {  	s15 =	sadd.s32 $0x1, s15  }
0x38: {  	p2 =	sne.s32 s15, s16  }
.Ltmp1:
0x39: {  	_ = 	snop;
	(pc) =	sbr.rel @!p2 .LBB2_11-.Ltmp1, $1  }
0x3a: {  	_ =	sdelay $0x3  }
.LBB2_1:
0x3b: {  	s0 =	simm.s32 $0x0;
	s3 =	rddreg [dreg:$0x3]  }
0x3c: {  	[tilespmem:s0], [sflag:$0xB] =	stream.linear.gather [hbm4b:s3+s0], $0x5000, $0x38;
	[tilespmem:$0x1D880] =	vst v63  }
0x3d: {  	_ =	swait.ge [sflag:s17], $0x5000  }
0x3e: {  	[sflag:s17] =	ssyncset.done $0x0  }
.Ltmp2:
0x3f: {  	[sflag:s17] =	ssyncadd.s32 $0xFFFFB000;
	(pc) =	sbr.rel @!p0 .LBB2_2-.Ltmp2, $4  }
0x40: {  	[tilespmem:s18], [sflag:$0xB] =	stream.linear.gather [hbm4b:s7+s0], $0x5000, $0x38;
	[tilespmem:$0x1D880] =	vst v63  }
0x41: {  	_ =	swait.ge [sflag:s17], $0x5000  }
0x42: {  	[sflag:s17] =	ssyncset.done $0x0  }
0x43: {  	[sflag:s17] =	ssyncadd.s32 $0xFFFFB000  }
0x44: {  	s0 =	simm.s32 @p1 $0x1FCB;
	s3 =	rddreg [dreg:$0x9]  }
0x45: {  	[spmem:s19], [sflag:s0] =	dma.local @p1 [hbm:s3], $0x1040  }
0x46: {  	s0 =	simm.s32 @p1 $0xB  }
0x47: {  	_ =	swait.ge @p1 [sflag:s0], $0x1040  }
0x48: {  	[sflag:s0] =	ssyncset.done @p1 $0x0  }
0x49: {  	[sflag:s0] =	ssyncadd.s32 @p1 $0xFFFFEFC0;
	s0 =	rddreg [dreg:$0x8]  }
0x4a: {  	[spmem:s21], [sflag:s20] =	dma.local @!p1 [hbm:s0], $0x13C0  }
0x4b: {  	s0 =	simm.s32 @!p1 $0xB  }
0x4c: {  	_ =	swait.ge @!p1 [sflag:s0], $0x13C0  }
0x4d: {  	[sflag:s0] =	ssyncset.done @!p1 $0x0  }
0x4e: {  	[sflag:s0] =	ssyncadd.s32 @!p1 $0xFFFFEC40  }
0x4f: {  	s28 =	simm.s32 $0x0;
	[bflag:$0x0] =	sbarrier.arrive $0xFFFF  }
0x50: {  	[tilespmem:s23], [sflag:$0x1] =	stream.indirect.gather [hbm4b:s5+s22], $0x40, s28, s22, $0xb8;
	[tilespmem:$0x1D880] =	vst v63  }
0x51: {  	s3 =	simm.s32 $0x80  }
0x52: {  	[tilespmem:s25], [sflag:$0x2] =	stream.indirect.gather [hbm4b:s5+s22], $0x40, s3, s22, $0xb8;
	[tilespmem:$0x1D880] =	vst v63  }
0x53: {  	_ =	swait.ge [sflag:s26], $0x1F40  }
0x54: {  	[sflag:s26] =	ssyncset.done $0x0  }
0x55: {  	[sflag:s26] =	ssyncadd.s32 $0xFFFFE0C0  }
0x56: {  	[spmem:s2] =	stream.indirect.scatter.add.f32 [tilespmem:s23], [sflag:$0x6], $0x40, s18, s22, $0xb8;
	[tilespmem:$0x1D880] =	vst v63  }
0x57: {  	s6 =	simm.s32 $0x100  }
0x58: {  	[tilespmem:s29], [sflag:$0x3] =	stream.indirect.gather [hbm4b:s5+s22], $0x40, s6, s22, $0xb8;
	[tilespmem:$0x1D880] =	vst v63  }
0x59: {  	_ =	swait.ge [sflag:s30], $0x1F40  }
0x5a: {  	[sflag:s30] =	ssyncset.done $0x0  }
0x5b: {  	s3 =	simm.s32 $0x5080;
	[sflag:s30] =	ssyncadd.s32 $0xFFFFE0C0  }
0x5c: {  	[spmem:s2] =	stream.indirect.scatter.add.f32 [tilespmem:s25], [sflag:$0x7], $0x40, s3, s22, $0xb8;
	[tilespmem:$0x1D880] =	vst v63  }
0x5d: {  	s6 =	simm.s32 $0x180  }
0x5e: {  	[tilespmem:s1], [sflag:$0x4] =	stream.indirect.gather [hbm4b:s5+s22], $0x40, s6, s22, $0xb8;
	[tilespmem:$0x1D880] =	vst v63  }
0x5f: {  	_ =	swait.ge [sflag:s8], $0x1F40  }
0x60: {  	[sflag:s8] =	ssyncset.done $0x0  }
0x61: {  	s3 =	simm.s32 $0x5100;
	[sflag:s8] =	ssyncadd.s32 $0xFFFFE0C0  }
0x62: {  	[spmem:s2] =	stream.indirect.scatter.add.f32 [tilespmem:s29], [sflag:$0x8], $0x40, s3, s22, $0xb8;
	[tilespmem:$0x1D880] =	vst v63  }
0x63: {  	s6 =	simm.s32 $0x200  }
0x64: {  	[tilespmem:s11], [sflag:$0x5] =	stream.indirect.gather [hbm4b:s5+s22], $0x40, s6, s22, $0xb8;
	[tilespmem:$0x1D880] =	vst v63  }
0x65: {  	_ =	swait.ge [sflag:s12], $0x1F40  }
0x66: {  	[sflag:s12] =	ssyncset.done $0x0  }
0x67: {  	s3 =	simm.s32 $0x5180;
	[sflag:s12] =	ssyncadd.s32 $0xFFFFE0C0  }
0x68: {  	[spmem:s2] =	stream.indirect.scatter.add.f32 [tilespmem:s1], [sflag:$0x9], $0x40, s3, s22, $0xb8;
	[tilespmem:$0x1D880] =	vst v63  }
0x69: {  	_ =	swait.ge [sflag:s14], $0x1F40  }
0x6a: {  	[sflag:s14] =	ssyncset.done $0x0  }
0x6b: {  	s6 =	simm.s32 $0x280;
	[sflag:s14] =	ssyncadd.s32 $0xFFFFE0C0  }
0x6c: {  	[tilespmem:s23], [sflag:$0x1] =	stream.indirect.gather [hbm4b:s5+s22], $0x40, s6, s22, $0xb8;
	[tilespmem:$0x1D880] =	vst v63  }
0x6d: {  	_ =	swait.ge [sflag:s24], $0x1F40  }
0x6e: {  	[sflag:s24] =	ssyncset.done $0x0  }
0x6f: {  	s3 =	simm.s32 $0x5200;
	[sflag:s24] =	ssyncadd.s32 $0xFFFFE0C0  }
0x70: {  	[spmem:s2] =	stream.indirect.scatter.add.f32 [tilespmem:s11], [sflag:$0xA], $0x40, s3, s22, $0xb8;
	[tilespmem:$0x1D880] =	vst v63  }
0x71: {  	_ =	swait.ge [sflag:s31], $0x1F40  }
0x72: {  	[sflag:s31] =	ssyncset.done $0x0  }
0x73: {  	s6 =	simm.s32 $0x300;
	[sflag:s31] =	ssyncadd.s32 $0xFFFFE0C0  }
0x74: {  	[tilespmem:s25], [sflag:$0x2] =	stream.indirect.gather [hbm4b:s5+s22], $0x40, s6, s22, $0xb8;
	[tilespmem:$0x1D880] =	vst v63  }
.LBB2_7:
0x75: {  	_ =	swait.ge [sflag:s26], $0x1F40  }
0x76: {  	s0 =	sshra.s32 s28, $0x2;
	[sflag:s26] =	ssyncset.done $0x0  }
0x77: {  	s3 =	sadd.s32 $0x5280, s0;
	[sflag:s26] =	ssyncadd.s32 $0xFFFFE0C0  }
0x78: {  	[spmem:s2] =	stream.indirect.scatter.add.f32 [tilespmem:s23], [sflag:$0x6], $0x40, s3, s22, $0xb8;
	[tilespmem:$0x1D880] =	vst v63  }
0x79: {  	_ =	swait.ge [sflag:s9], $0x1F40  }
0x7a: {  	[sflag:s9] =	ssyncset.done $0x0  }
0x7b: {  	s6 =	sadd.s32 $0x380, s0;
	[sflag:s9] =	ssyncadd.s32 $0xFFFFE0C0  }
0x7c: {  	[tilespmem:s29], [sflag:$0x3] =	stream.indirect.gather [hbm4b:s5+s22], $0x40, s6, s22, $0xb8;
	[tilespmem:$0x1D880] =	vst v63  }
0x7d: {  	_ =	swait.ge [sflag:s30], $0x1F40  }
0x7e: {  	[sflag:s30] =	ssyncset.done $0x0  }
0x7f: {  	s6 =	sadd.s32 $0x5300, s0;
	[sflag:s30] =	ssyncadd.s32 $0xFFFFE0C0  }
0x80: {  	[spmem:s2] =	stream.indirect.scatter.add.f32 [tilespmem:s25], [sflag:$0x7], $0x40, s6, s22, $0xb8;
	[tilespmem:$0x1D880] =	vst v63  }
0x81: {  	_ =	swait.ge [sflag:s10], $0x1F40  }
0x82: {  	[sflag:s10] =	ssyncset.done $0x0  }
0x83: {  	s6 =	sadd.s32 $0x400, s0;
	[sflag:s10] =	ssyncadd.s32 $0xFFFFE0C0  }
0x84: {  	[tilespmem:s1], [sflag:$0x4] =	stream.indirect.gather [hbm4b:s5+s22], $0x40, s6, s22, $0xb8;
	[tilespmem:$0x1D880] =	vst v63  }
0x85: {  	_ =	swait.ge [sflag:s8], $0x1F40  }
0x86: {  	[sflag:s8] =	ssyncset.done $0x0  }
0x87: {  	s6 =	sadd.s32 $0x5380, s0;
	[sflag:s8] =	ssyncadd.s32 $0xFFFFE0C0  }
0x88: {  	[spmem:s2] =	stream.indirect.scatter.add.f32 [tilespmem:s29], [sflag:$0x8], $0x40, s6, s22, $0xb8;
	[tilespmem:$0x1D880] =	vst v63  }
0x89: {  	_ =	swait.ge [sflag:s13], $0x1F40  }
0x8a: {  	[sflag:s13] =	ssyncset.done $0x0  }
0x8b: {  	p2 =	seq.s32 s28, $0x12C00;
	s6 =	sadd.s32 $0x480, s0;
	[sflag:s13] =	ssyncadd.s32 $0xFFFFE0C0  }
0x8c: {  	[tilespmem:s11], [sflag:$0x5] =	stream.indirect.gather [hbm4b:s5+s22], $0x40, s6, s22, $0xb8;
	[tilespmem:$0x1D880] =	vst v63  }
.Ltmp3:
0x8d: {  	_ = 	snop;
	(pc) =	sbr.rel @p2 .LBB2_9-.Ltmp3, $4  }
0x8e: {  	_ =	swait.ge [sflag:s12], $0x1F40  }
0x8f: {  	[sflag:s12] =	ssyncset.done $0x0  }
0x90: {  	s3 =	sadd.s32 $0x5480, s0;
	s6 =	sadd.s32 $0x5400, s0;
	[sflag:s12] =	ssyncadd.s32 $0xFFFFE0C0  }
0x91: {  	[spmem:s2] =	stream.indirect.scatter.add.f32 [tilespmem:s1], [sflag:$0x9], $0x40, s6, s22, $0xb8;
	[tilespmem:$0x1D880] =	vst v63  }
0x92: {  	_ =	swait.ge [sflag:s14], $0x1F40  }
0x93: {  	[sflag:s14] =	ssyncset.done $0x0  }
0x94: {  	s6 =	sadd.s32 $0x500, s0;
	[sflag:s14] =	ssyncadd.s32 $0xFFFFE0C0  }
0x95: {  	[tilespmem:s23], [sflag:$0x1] =	stream.indirect.gather [hbm4b:s5+s22], $0x40, s6, s22, $0xb8;
	[tilespmem:$0x1D880] =	vst v63  }
0x96: {  	_ =	swait.ge [sflag:s24], $0x1F40  }
0x97: {  	[sflag:s24] =	ssyncset.done $0x0  }
0x98: {  	[sflag:s24] =	ssyncadd.s32 $0xFFFFE0C0  }
0x99: {  	[spmem:s2] =	stream.indirect.scatter.add.f32 [tilespmem:s11], [sflag:$0xA], $0x40, s3, s22, $0xb8;
	[tilespmem:$0x1D880] =	vst v63  }
.Ltmp4:
0x9a: {  	_ = 	snop;
	(pc) =	sbr.rel .LBB2_7-.Ltmp4, $4  }
0x9b: {  	_ =	swait.ge [sflag:s31], $0x1F40  }
0x9c: {  	[sflag:s31] =	ssyncset.done $0x0  }
0x9d: {  	s28 =	sadd.s32 $0xA00, s28;
	s6 =	sadd.s32 $0x580, s0;
	[sflag:s31] =	ssyncadd.s32 $0xFFFFE0C0  }
0x9e: {  	[tilespmem:s25], [sflag:$0x2] =	stream.indirect.gather [hbm4b:s5+s22], $0x40, s6, s22, $0xb8;
	[tilespmem:$0x1D880] =	vst v63  }
.LBB2_2:
0x9f: {  	s0 =	simm.s32 @p1 $0x1FCB;
	s3 =	rddreg [dreg:$0x5]  }
0xa0: {  	[spmem:s19], [sflag:s0] =	dma.local @p1 [hbm:s3], $0x1040  }
0xa1: {  	s0 =	simm.s32 @p1 $0xB  }
0xa2: {  	_ =	swait.ge @p1 [sflag:s0], $0x1040  }
0xa3: {  	[sflag:s0] =	ssyncset.done @p1 $0x0  }
0xa4: {  	[sflag:s0] =	ssyncadd.s32 @p1 $0xFFFFEFC0;
	s0 =	rddreg [dreg:$0x4]  }
0xa5: {  	[spmem:s21], [sflag:s20] =	dma.local @!p1 [hbm:s0], $0x13C0  }
0xa6: {  	s0 =	simm.s32 @!p1 $0xB  }
0xa7: {  	_ =	swait.ge @!p1 [sflag:s0], $0x13C0  }
0xa8: {  	[sflag:s0] =	ssyncset.done @!p1 $0x0  }
0xa9: {  	[sflag:s0] =	ssyncadd.s32 @!p1 $0xFFFFEC40  }
0xaa: {  	s28 =	simm.s32 $0x0;
	[bflag:$0x0] =	sbarrier.arrive $0xFFFF  }
0xab: {  	[tilespmem:s23], [sflag:$0x1] =	stream.indirect.gather [hbm4b:s4+s22], $0x40, s28, s22, $0xb8;
	[tilespmem:$0x1D880] =	vst v63  }
0xac: {  	s3 =	simm.s32 $0x80  }
0xad: {  	[tilespmem:s25], [sflag:$0x2] =	stream.indirect.gather [hbm4b:s4+s22], $0x40, s3, s22, $0xb8;
	[tilespmem:$0x1D880] =	vst v63  }
0xae: {  	_ =	swait.ge [sflag:s26], $0x1F40  }
0xaf: {  	[sflag:s26] =	ssyncset.done $0x0  }
0xb0: {  	[sflag:s26] =	ssyncadd.s32 $0xFFFFE0C0  }
0xb1: {  	[spmem:s2] =	stream.indirect.scatter.add.f32 [tilespmem:s23], [sflag:$0x6], $0x40, s18, s22, $0xb8;
	[tilespmem:$0x1D880] =	vst v63  }
0xb2: {  	s6 =	simm.s32 $0x100  }
0xb3: {  	[tilespmem:s29], [sflag:$0x3] =	stream.indirect.gather [hbm4b:s4+s22], $0x40, s6, s22, $0xb8;
	[tilespmem:$0x1D880] =	vst v63  }
0xb4: {  	_ =	swait.ge [sflag:s30], $0x1F40  }
0xb5: {  	[sflag:s30] =	ssyncset.done $0x0  }
0xb6: {  	s3 =	simm.s32 $0x5080;
	[sflag:s30] =	ssyncadd.s32 $0xFFFFE0C0  }
0xb7: {  	[spmem:s2] =	stream.indirect.scatter.add.f32 [tilespmem:s25], [sflag:$0x7], $0x40, s3, s22, $0xb8;
	[tilespmem:$0x1D880] =	vst v63  }
0xb8: {  	s6 =	simm.s32 $0x180  }
0xb9: {  	[tilespmem:s1], [sflag:$0x4] =	stream.indirect.gather [hbm4b:s4+s22], $0x40, s6, s22, $0xb8;
	[tilespmem:$0x1D880] =	vst v63  }
0xba: {  	_ =	swait.ge [sflag:s8], $0x1F40  }
0xbb: {  	[sflag:s8] =	ssyncset.done $0x0  }
0xbc: {  	s3 =	simm.s32 $0x5100;
	[sflag:s8] =	ssyncadd.s32 $0xFFFFE0C0  }
0xbd: {  	[spmem:s2] =	stream.indirect.scatter.add.f32 [tilespmem:s29], [sflag:$0x8], $0x40, s3, s22, $0xb8;
	[tilespmem:$0x1D880] =	vst v63  }
0xbe: {  	s6 =	simm.s32 $0x200  }
0xbf: {  	[tilespmem:s11], [sflag:$0x5] =	stream.indirect.gather [hbm4b:s4+s22], $0x40, s6, s22, $0xb8;
	[tilespmem:$0x1D880] =	vst v63  }
0xc0: {  	_ =	swait.ge [sflag:s12], $0x1F40  }
0xc1: {  	[sflag:s12] =	ssyncset.done $0x0  }
0xc2: {  	s3 =	simm.s32 $0x5180;
	[sflag:s12] =	ssyncadd.s32 $0xFFFFE0C0  }
0xc3: {  	[spmem:s2] =	stream.indirect.scatter.add.f32 [tilespmem:s1], [sflag:$0x9], $0x40, s3, s22, $0xb8;
	[tilespmem:$0x1D880] =	vst v63  }
0xc4: {  	_ =	swait.ge [sflag:s14], $0x1F40  }
0xc5: {  	[sflag:s14] =	ssyncset.done $0x0  }
0xc6: {  	s6 =	simm.s32 $0x280;
	[sflag:s14] =	ssyncadd.s32 $0xFFFFE0C0  }
0xc7: {  	[tilespmem:s23], [sflag:$0x1] =	stream.indirect.gather [hbm4b:s4+s22], $0x40, s6, s22, $0xb8;
	[tilespmem:$0x1D880] =	vst v63  }
0xc8: {  	_ =	swait.ge [sflag:s24], $0x1F40  }
0xc9: {  	[sflag:s24] =	ssyncset.done $0x0  }
0xca: {  	s3 =	simm.s32 $0x5200;
	[sflag:s24] =	ssyncadd.s32 $0xFFFFE0C0  }
0xcb: {  	[spmem:s2] =	stream.indirect.scatter.add.f32 [tilespmem:s11], [sflag:$0xA], $0x40, s3, s22, $0xb8;
	[tilespmem:$0x1D880] =	vst v63  }
0xcc: {  	_ =	swait.ge [sflag:s31], $0x1F40  }
0xcd: {  	[sflag:s31] =	ssyncset.done $0x0  }
0xce: {  	s6 =	simm.s32 $0x300;
	[sflag:s31] =	ssyncadd.s32 $0xFFFFE0C0  }
0xcf: {  	[tilespmem:s25], [sflag:$0x2] =	stream.indirect.gather [hbm4b:s4+s22], $0x40, s6, s22, $0xb8;
	[tilespmem:$0x1D880] =	vst v63  }
.LBB2_3:
0xd0: {  	_ =	swait.ge [sflag:s26], $0x1F40  }
0xd1: {  	s0 =	sshra.s32 s28, $0x2;
	[sflag:s26] =	ssyncset.done $0x0  }
0xd2: {  	s3 =	sadd.s32 $0x5280, s0;
	[sflag:s26] =	ssyncadd.s32 $0xFFFFE0C0  }
0xd3: {  	[spmem:s2] =	stream.indirect.scatter.add.f32 [tilespmem:s23], [sflag:$0x6], $0x40, s3, s22, $0xb8;
	[tilespmem:$0x1D880] =	vst v63  }
0xd4: {  	_ =	swait.ge [sflag:s9], $0x1F40  }
0xd5: {  	[sflag:s9] =	ssyncset.done $0x0  }
0xd6: {  	s6 =	sadd.s32 $0x380, s0;
	[sflag:s9] =	ssyncadd.s32 $0xFFFFE0C0  }
0xd7: {  	[tilespmem:s29], [sflag:$0x3] =	stream.indirect.gather [hbm4b:s4+s22], $0x40, s6, s22, $0xb8;
	[tilespmem:$0x1D880] =	vst v63  }
0xd8: {  	_ =	swait.ge [sflag:s30], $0x1F40  }
0xd9: {  	[sflag:s30] =	ssyncset.done $0x0  }
0xda: {  	s6 =	sadd.s32 $0x5300, s0;
	[sflag:s30] =	ssyncadd.s32 $0xFFFFE0C0  }
0xdb: {  	[spmem:s2] =	stream.indirect.scatter.add.f32 [tilespmem:s25], [sflag:$0x7], $0x40, s6, s22, $0xb8;
	[tilespmem:$0x1D880] =	vst v63  }
0xdc: {  	_ =	swait.ge [sflag:s10], $0x1F40  }
0xdd: {  	[sflag:s10] =	ssyncset.done $0x0  }
0xde: {  	s6 =	sadd.s32 $0x400, s0;
	[sflag:s10] =	ssyncadd.s32 $0xFFFFE0C0  }
0xdf: {  	[tilespmem:s1], [sflag:$0x4] =	stream.indirect.gather [hbm4b:s4+s22], $0x40, s6, s22, $0xb8;
	[tilespmem:$0x1D880] =	vst v63  }
0xe0: {  	_ =	swait.ge [sflag:s8], $0x1F40  }
0xe1: {  	[sflag:s8] =	ssyncset.done $0x0  }
0xe2: {  	s6 =	sadd.s32 $0x5380, s0;
	[sflag:s8] =	ssyncadd.s32 $0xFFFFE0C0  }
0xe3: {  	[spmem:s2] =	stream.indirect.scatter.add.f32 [tilespmem:s29], [sflag:$0x8], $0x40, s6, s22, $0xb8;
	[tilespmem:$0x1D880] =	vst v63  }
0xe4: {  	_ =	swait.ge [sflag:s13], $0x1F40  }
0xe5: {  	[sflag:s13] =	ssyncset.done $0x0  }
0xe6: {  	p2 =	seq.s32 s28, $0x12C00;
	s6 =	sadd.s32 $0x480, s0;
	[sflag:s13] =	ssyncadd.s32 $0xFFFFE0C0  }
0xe7: {  	[tilespmem:s11], [sflag:$0x5] =	stream.indirect.gather [hbm4b:s4+s22], $0x40, s6, s22, $0xb8;
	[tilespmem:$0x1D880] =	vst v63  }
.Ltmp5:
0xe8: {  	_ = 	snop;
	(pc) =	sbr.rel @p2 .LBB2_5-.Ltmp5, $4  }
0xe9: {  	_ =	swait.ge [sflag:s12], $0x1F40  }
0xea: {  	[sflag:s12] =	ssyncset.done $0x0  }
0xeb: {  	s3 =	sadd.s32 $0x5480, s0;
	s6 =	sadd.s32 $0x5400, s0;
	[sflag:s12] =	ssyncadd.s32 $0xFFFFE0C0  }
0xec: {  	[spmem:s2] =	stream.indirect.scatter.add.f32 [tilespmem:s1], [sflag:$0x9], $0x40, s6, s22, $0xb8;
	[tilespmem:$0x1D880] =	vst v63  }
0xed: {  	_ =	swait.ge [sflag:s14], $0x1F40  }
0xee: {  	[sflag:s14] =	ssyncset.done $0x0  }
0xef: {  	s6 =	sadd.s32 $0x500, s0;
	[sflag:s14] =	ssyncadd.s32 $0xFFFFE0C0  }
0xf0: {  	[tilespmem:s23], [sflag:$0x1] =	stream.indirect.gather [hbm4b:s4+s22], $0x40, s6, s22, $0xb8;
	[tilespmem:$0x1D880] =	vst v63  }
0xf1: {  	_ =	swait.ge [sflag:s24], $0x1F40  }
0xf2: {  	[sflag:s24] =	ssyncset.done $0x0  }
0xf3: {  	[sflag:s24] =	ssyncadd.s32 $0xFFFFE0C0  }
0xf4: {  	[spmem:s2] =	stream.indirect.scatter.add.f32 [tilespmem:s11], [sflag:$0xA], $0x40, s3, s22, $0xb8;
	[tilespmem:$0x1D880] =	vst v63  }
.Ltmp6:
0xf5: {  	_ = 	snop;
	(pc) =	sbr.rel .LBB2_3-.Ltmp6, $4  }
0xf6: {  	_ =	swait.ge [sflag:s31], $0x1F40  }
0xf7: {  	[sflag:s31] =	ssyncset.done $0x0  }
0xf8: {  	s28 =	sadd.s32 $0xA00, s28;
	s6 =	sadd.s32 $0x580, s0;
	[sflag:s31] =	ssyncadd.s32 $0xFFFFE0C0  }
0xf9: {  	[tilespmem:s25], [sflag:$0x2] =	stream.indirect.gather [hbm4b:s4+s22], $0x40, s6, s22, $0xb8;
	[tilespmem:$0x1D880] =	vst v63  }
.LBB2_5:
0xfa: {  	_ =	swait.ge [sflag:s24], $0x1F40  }
0xfb: {  	[sflag:s24] =	ssyncset.done $0x0  }
0xfc: {  	[sflag:s24] =	ssyncadd.s32 $0xFFFFE0C0  }
0xfd: {  	[spmem:s2] =	stream.indirect.scatter.add.f32 [tilespmem:s11], [sflag:$0xA], $0x40, s3, s22, $0xb8;
	[tilespmem:$0x1D880] =	vst v63  }
0xfe: {  	_ =	swait.ge [sflag:s14], $0x1F40  }
0xff: {  	[sflag:s14] =	ssyncset.done $0x0  }
0x100: {  	[sflag:s14] =	ssyncadd.s32 $0xFFFFE0C0  }
0x101: {  	_ =	swait.ge [sflag:s31], $0x1F40  }
0x102: {  	[sflag:s31] =	ssyncset.done $0x0  }
0x103: {  	[sflag:s31] =	ssyncadd.s32 $0xFFFFE0C0  }
0x104: {  	_ =	swait.ge [sflag:s9], $0x1F40  }
0x105: {  	[sflag:s9] =	ssyncset.done $0x0  }
0x106: {  	[sflag:s9] =	ssyncadd.s32 $0xFFFFE0C0  }
0x107: {  	_ =	swait.ge [sflag:s10], $0x1F40  }
0x108: {  	[sflag:s10] =	ssyncset.done $0x0  }
0x109: {  	[sflag:s10] =	ssyncadd.s32 $0xFFFFE0C0  }
0x10a: {  	_ =	swait.ge [sflag:s13], $0x1F40  }
0x10b: {  	[sflag:s13] =	ssyncset.done $0x0  }
0x10c: {  	[sflag:s13] =	ssyncadd.s32 $0xFFFFE0C0  }
0x10d: {  	[bflag:$0x0] =	sbarrier.arrive $0xFFFF  }
0x10e: {  	s0 =	simm.s32 @p1 $0x1FCB;
	s3 =	rddreg [dreg:$0x7]  }
0x10f: {  	[hbm:s3], [sflag:s0] =	dma.local @p1 [spmem:s19], $0x1040  }
0x110: {  	s0 =	simm.s32 @p1 $0xB  }
0x111: {  	_ =	swait.ge @p1 [sflag:s0], $0x1040  }
0x112: {  	[sflag:s0] =	ssyncset.done @p1 $0x0  }
0x113: {  	[sflag:s0] =	ssyncadd.s32 @p1 $0xFFFFEFC0;
	s0 =	rddreg [dreg:$0x6]  }
0x114: {  	[hbm:s0], [sflag:s20] =	dma.local @!p1 [spmem:s21], $0x13C0  }
.Ltmp7:
0x115: {  	_ = 	snop;
	(pc) =	sbr.rel .LBB2_10-.Ltmp7, $4  }
0x116: {  	s0 =	simm.s32 @!p1 $0xB  }
0x117: {  	_ =	swait.ge @!p1 [sflag:s0], $0x13C0  }
0x118: {  	[sflag:s0] =	ssyncset.done @!p1 $0x0  }
0x119: {  	[sflag:s0] =	ssyncadd.s32 @!p1 $0xFFFFEC40  }
.LBB2_11:
0x11a: {  	_ =	sfence.sel $0x180000  }
0x11b: {  	[bflag:$0x0] =	sbarrier.arrive $0xFFFF  }
0x11c: {  	_ =	strace $0x9000004A  }
0x11d: {  	s0 =	stileid.u32;
	[bflag:$0x2] =	sbarrier.arrive $0xFFFF  }
0x11e: {  	p0 =	sne.s32 s0, $0x0;
	s0 =	rddreg [dreg:$0x2]  }
0x11f: {  	s0 =	sadd.s32 @!p0 $0x100000, s0  }
0x120: {  	[sflag:s0] =	ssyncadd.tile.s32 @!p0 $0x1;
	_ =	shalt  }
.Lfunc_end2:
_tile_overlayer_lowered:
.L_overlay_start_2:
0x121: {  	(tag) =	ssettag $0x2  }
0x122: {  	s0 =	rddreg [dreg:$0x0];
	s2 =	stileid.u32  }
0x123: {  	s1 =	rddreg [dreg:$0x1];
	p0 =	sne.s32 s2, $0x0  }
0x124: {  	s3 =	rddreg [dreg:$0x2];
	[bflag:$0x3] =	sbarrier.arrive $0xFFFF;
	s2 =	simm.s32 @!p0 $0x1C0B  }
0x125: {  	[timem:s3], [sflag:s2] =	dma.local @!p0 [hbm:s0], s1  }
0x126: {  	s0 =	simm.s32 @!p0 $0xB  }
0x127: {  	_ =	swait.ge @!p0 [sflag:s0], s1  }
0x128: {  	s1 =	ssub.s32 @!p0 $0x0, s1;
	[sflag:s0] =	ssyncset.done @!p0 $0x0  }
0x129: {  	[sflag:s0] =	ssyncadd.s32 @!p0 s1  }
0x12a: {  	[bflag:$0x3] =	sbarrier.arrive $0xFFFF  }
0x12b: {  	_ =	shalt  }

// kernel: kernel.14.cloned.1.call-start
scs
__scs_entry_jumppad:
0x0: {  	(pc) =	sbr.rel $0x88, $3  }
0x1: {  	(tag) =	ssettag $0x0;
	lr =	simm.s32 $0x1  }
0x2: {  	[smem:$0x3F99] =	sst lr;
	_ =	strace $0xD0000000  }
0x3: {  	_ = 	snop  }
0x4: {  	_ = 	snop  }
0x5: {  	_ = 	snop  }
0x6: {  	_ = 	snop  }
0x7: {  	_ = 	snop  }
__scs_overlays_trampoline_lowered:
0x8: {  	[smem:$0x3FA8] =	sst s0  }
0x9: {  	[smem:$0x3FA9] =	sst s1  }
0xa: {  	[smem:$0x3FAA] =	sst s2  }
0xb: {  	[smem:$0x3FAB] =	sst s3  }
0xc: {  	[smem:$0x3FAC] =	sst s4  }
0xd: {  	[smem:$0x3FAD] =	sst s5  }
0xe: {  	[smem:$0x3FAE] =	sst s6  }
0xf: {  	[smem:$0x3FAF] =	sst s7  }
0x10: {  	[smem:$0x3FB0] =	sst s8  }
0x11: {  	[smem:$0x3FB1] =	sst s9;
	s0 =	simm.s32 @!p0 $0x0  }
0x12: {  	s1 =	sld [smem:$0x3F97];
	s0 =	simm.s32 @p0 $0x1  }
0x13: {  	[smem:$0x3FB2] =	sst s0;
	s0 =	simm.s32 @!p1 $0x0  }
0x14: {  	s2 =	sld [smem:$0x3F96];
	s0 =	simm.s32 @p1 $0x1  }
0x15: {  	[smem:$0x3FB3] =	sst s0;
	s0 =	simm.s32 @!p2 $0x0  }
0x16: {  	s3 =	sld [smem:$0x3FDB];
	s0 =	simm.s32 @p2 $0x1  }
0x17: {  	s4 =	simm.s32 $0x1BF5;
	[smem:$0x3FB5] =	sst s0  }
0x18: {  	s0 =	sld [smem:$0x3F98];
	_ =	swait.ge [sflag:s4], $0x0  }
0x19: {  	s7 =	sld [smem:$0x3F99]  }
0x1a: {  	s8 =	sadd.s32 $0xFFFFE003, lr  }
0x1b: {  	s9 =	sadd.s32 $0xFFFFFEF7, lr;
	s5 =	simm.s32 $0xFFFFFFFF;
	p2 =	slt.u32 s8, $0xFFFFF086  }
0x1c: {  	p1 =	slt.u32 s9, $0xF7A;
	s5 =	simm.s32 @!p2 $0x0  }
0x1d: {  	s5 =	simm.s32 @p1 $0x1;
	p0 =	seq.s32 s7, s2  }
0x1e: {  	s7 =	smul.u32 @!p0 $0xF7A, s2;
	p2 =	seq.s32 @!p0 s5, $0x0  }
0x1f: {  	s9 =	smul.u32 $0xF7A, s1;
	s8 =	simm.s32 @!p0 $0x1BF5;
	p2 =	por !p2, p0  }
0x20: {  	[sflag:s8] =	ssyncset.s32 @!p0 $0xFFFFF086;
	s6 =	sadd.s32 @!p0 s3, s7;
	s7 =	simm.s32 @!p0 $0x108  }
0x21: {  	s3 =	sadd.s32 s3, s9;
	s6 =	sadd.s32 @!p0 $0x88, s6;
	s7 =	simm.s32 @p2 $0x1082  }
0x22: {  	[simem:s7], [sflag:s8] =	dma.local @!p0 [hbm:s6], $0xF7A  }
0x23: {  	s9 =	sor.u32 $0xD0000000, s2;
	s6 =	simm.s32 $0x108;
	_ =	swait.ge @!p0 [sflag:s8], $0x0  }
0x24: {  	s3 =	sadd.s32 $0x88, s3;
	s6 =	simm.s32 @!p1 $0x1082;
	[sflag:s4] =	ssyncset.s32 $0xFFFFF086  }
0x25: {  	[simem:s6], [sflag:s4] =	dma.local [hbm:s3], $0xF7A  }
0x26: {  	[smem:$0x3F99] =	sst s1;
	(tag) =	ssettag s2;
	_ =	strace s9  }
0x27: {  	s1 =	sld [smem:$0x3FA9]  }
0x28: {  	s2 =	sld [smem:$0x3FAA]  }
0x29: {  	s4 =	sld [smem:$0x3FAC]  }
0x2a: {  	p0 =	seq.s32 s5, $0x0;
	s5 =	sld [smem:$0x3FAD]  }
0x2b: {  	s6 =	sld [smem:$0x3FAE]  }
0x2c: {  	s7 =	sld [smem:$0x3FAF]  }
0x2d: {  	s3 =	simm.s32 $0x108;
	s8 =	sld [smem:$0x3FB0]  }
0x2e: {  	s3 =	simm.s32 @!p0 $0x1082;
	s9 =	sld [smem:$0x3FB1]  }
0x2f: {  	lr =	sadd.s32 s0, s3;
	s0 =	sld [smem:$0x3FA8]  }
0x30: {  	s3 =	sld [smem:$0x3FAB]  }
0x31: {  	[smem:$0x3FB4] =	sst s10  }
0x32: {  	s10 =	sld [smem:$0x3FB2];
	_ =	sdelay $0x3  }
0x33: {  	p0 =	seq.s32 s10, $0x1;
	s10 =	sld [smem:$0x3FB4];
	_ =	sdelay $0x3  }
0x34: {  	[smem:$0x3FB4] =	sst s10  }
0x35: {  	s10 =	sld [smem:$0x3FB3];
	_ =	sdelay $0x3  }
0x36: {  	p1 =	seq.s32 s10, $0x1;
	s10 =	sld [smem:$0x3FB4];
	_ =	sdelay $0x3  }
0x37: {  	[smem:$0x3FB4] =	sst s10  }
0x38: {  	s10 =	sld [smem:$0x3FB5]  }
0x39: {  	_ = 	snop;
	(pc) =	sbr.ind lr, $3  }
0x3a: {  	_ = 	snop  }
0x3b: {  	_ = 	snop  }
0x3c: {  	p2 =	seq.s32 s10, $0x1;
	s10 =	sld [smem:$0x3FB4]  }
0x3d: {  	_ =	shalt  }
0x3e: {  	_ =	shalt  }
0x3f: {  	_ =	shalt  }
0x40: {  	_ =	shalt  }
0x41: {  	_ =	shalt  }
0x42: {  	_ =	shalt  }
0x43: {  	_ =	shalt  }
0x44: {  	_ =	shalt  }
0x45: {  	_ =	shalt  }
0x46: {  	_ =	shalt  }
0x47: {  	_ =	shalt  }
0x48: {  	_ =	shalt  }
0x49: {  	_ =	shalt  }
0x4a: {  	_ =	shalt  }
0x4b: {  	_ =	shalt  }
0x4c: {  	_ =	shalt  }
0x4d: {  	_ =	shalt  }
0x4e: {  	_ =	shalt  }
0x4f: {  	_ =	shalt  }
0x50: {  	_ =	shalt  }
0x51: {  	_ =	shalt  }
0x52: {  	_ =	shalt  }
0x53: {  	_ =	shalt  }
0x54: {  	_ =	shalt  }
0x55: {  	_ =	shalt  }
0x56: {  	_ =	shalt  }
0x57: {  	_ =	shalt  }
0x58: {  	_ =	shalt  }
0x59: {  	_ =	shalt  }
0x5a: {  	_ =	shalt  }
0x5b: {  	_ =	shalt  }
0x5c: {  	_ =	shalt  }
0x5d: {  	_ =	shalt  }
0x5e: {  	_ =	shalt  }
0x5f: {  	_ =	shalt  }
0x60: {  	_ =	shalt  }
0x61: {  	_ =	shalt  }
0x62: {  	_ =	shalt  }
0x63: {  	_ =	shalt  }
0x64: {  	_ =	shalt  }
0x65: {  	_ =	shalt  }
0x66: {  	_ =	shalt  }
0x67: {  	_ =	shalt  }
0x68: {  	_ =	shalt  }
0x69: {  	_ =	shalt  }
0x6a: {  	_ =	shalt  }
0x6b: {  	_ =	shalt  }
0x6c: {  	_ =	shalt  }
0x6d: {  	_ =	shalt  }
0x6e: {  	_ =	shalt  }
0x6f: {  	_ =	shalt  }
0x70: {  	_ =	shalt  }
0x71: {  	_ =	shalt  }
0x72: {  	_ =	shalt  }
0x73: {  	_ =	shalt  }
0x74: {  	_ =	shalt  }
0x75: {  	_ =	shalt  }
0x76: {  	_ =	shalt  }
0x77: {  	_ =	shalt  }
0x78: {  	_ =	shalt  }
0x79: {  	_ =	shalt  }
0x7a: {  	_ =	shalt  }
0x7b: {  	_ =	shalt  }
0x7c: {  	_ =	shalt  }
0x7d: {  	_ =	shalt  }
0x7e: {  	_ =	shalt  }
0x7f: {  	_ =	shalt  }
0x80: {  	_ =	shalt  }
0x81: {  	_ =	shalt  }
0x82: {  	_ =	shalt  }
0x83: {  	_ =	shalt  }
0x84: {  	_ =	shalt  }
0x85: {  	_ =	shalt  }
0x86: {  	_ =	shalt  }
0x87: {  	_ =	shalt  }
.Lfunc_end0:
.L_simem_size_0:
called_computation.2_lowered:
.L_overlay_start_0:
0x88: {  	s2 =	sld [smem:$0x3FD9]  }
0x89: {  	s3 =	sld [smem:$0x3FFE];
	_ =	sdelay $0x1  }
0x8a: {  	s1 =	srdreg.scid  }
0x8b: {  	s0 =	sand.u32 $0x1, s1  }
0x8c: {  	s16 =	sshll.u32 s0, $0xA;
	s2 =	sadd.s32 s3, s2  }
0x8d: {  	s2 =	sadd.s32 s2, s16  }
0x8e: {  	[smem:$0x3FC0] =	sst s2  }
0x8f: {  	_ = 	snop  }
0x90: {  	(tm) =	ssettm $0x1  }
0x91: {  	s17 =	sld [smem:$0x3FFB];
	_ =	sdelay $0x3  }
0x92: {  	_ =	strace s17  }
0x93: {  	s2 =	sld [smem:$0x3FFC];
	_ =	sdelay $0x3  }
0x94: {  	_ =	strace s2  }
0x95: {  	s2 =	sld [smem:$0x3FFD];
	_ =	sdelay $0x3  }
0x96: {  	_ =	strace s2  }
0x97: {  	_ =	strace $0x8FFFFFFF  }
0x98: {  	s18 =	sld [smem:$0x3FDB];
	_ =	sdelay $0x1  }
0x99: {  	s19 =	simm.s32 $_scs_section_size  }
0x9a: {  	s4 =	simm.s32 $_size__tile_overlayer_lowered;
	s5 =	simm.s32 $_tile_overlayer_lowered  }
0x9b: {  	s22 =	simm.s32 $0x1BFF;
	s21 =	sshll.u32 s5, $0x1;
	s2 =	sadd.s32 s19, s18  }
0x9c: {  	s6 =	simm.s32 $0x0;
	s20 =	sshll.u32 s4, $0x1;
	s4 =	sadd.s32 s21, s2  }
0x9d: {  	[timem:s6], [sflag:s22] =	dma.local [hbm:s4], s20  }
0x9e: {  	_ =	swait.ge [sflag:s22], s20  }
0x9f: {  	s3 =	ssub.s32 $0x0, s20;
	[sflag:s22] =	ssyncset.done $0x0  }
0xa0: {  	[sflag:s22] =	ssyncadd.s32 s3;
	_ =	sdelay $0x1  }
0xa1: {  	s23 =	simm.s32 $0x1B8B  }
0xa2: {  	_ =	swait.ge [sflag:s23], $0x1  }
0xa3: {  	[sflag:s23] =	ssyncset.done $0x0  }
0xa4: {  	s25 =	simm.s32 $0x1B8E;
	s24 =	sld [smem:$0x3FFE];
	[sflag:s23] =	ssyncadd.s32 $0xFFFFFFFF  }
0xa5: {  	s26 =	simm.s32 $execute0_lowered;
	[smem:$0x3FD2] =	sst s25  }
0xa6: {  	s4 =	sshll.u32 s26, $0x1;
	_ =	strace $0x8000004C;
	[dreg:$0x1] =	wrdreg $0xFFFFFFFF  }
0xa7: {  	s28 =	simm.s32 $_size_execute0_lowered;
	s2 =	sadd.s32 s2, s4;
	[dreg:$0x0] =	wrdreg $0x0  }
0xa8: {  	s4 =	sshll.u32 s28, $0x1;
	[dreg:$0x2] =	wrdreg s2  }
0xa9: {  	[dreg:$0x3] =	wrdreg s4  }
0xaa: {  	[dreg:$0x4] =	wrdreg $0xC0  }
0xab: {  	_ =	task [dreg:s6], $0x5FFFF  }
0xac: {  	[dreg:$0x1] =	wrdreg $0xFFFFFFFF  }
0xad: {  	[dreg:$0x0] =	wrdreg $0x60  }
0xae: {  	[dreg:$0x2] =	wrdreg s24  }
0xaf: {  	[dreg:$0x3] =	wrdreg $0x13C400  }
0xb0: {  	[dreg:$0x4] =	wrdreg $0x9  }
0xb1: {  	_ =	task.clear_ibuf [dreg:s6], $0x5FFFF;
	_ =	strace $0x9000004C  }
0xb2: {  	s29 =	simm.s32 $0x9;
	_ =	strace $0x8000004E  }
0xb3: {  	_ =	swait.ge [sflag:s29], $0x1  }
0xb4: {  	[sflag:s29] =	ssyncadd.s32 $0xFFFFFFFF  }
0xb5: {  	_ =	strace $0x9000004E  }
0xb6: {  	_ =	sfence  }
0xb7: {  	s30 =	sld [smem:$0x0];
	_ =	sdelay $0x2  }
0xb8: {  	s31 =	sshll.u32 s1, $0xD;
	s1 =	sshrl.u32 s1, $0x2  }
0xb9: {  	s3 =	sand.u32 $0x4000, s31;
	s1 =	sadd.s32 s1, s30  }
0xba: {  	s0 =	sor.u32 s3, s0;
	s1 =	sshll.u32 s1, $0x11  }
0xbb: {  	s0 =	sor.u32 s1, s0  }
0xbc: {  	s0 =	sadd.s32 $0x8F2B, s0  }
0xbd: {  	[sflag:s0] =	ssyncadd.remote.s32 $0x1  }
0xbe: {  	_ =	sfence.sel $0xFFFF  }
0xbf: {  	[dreg:$0x0] =	wrdreg $0xFFFFFFFF;
	(pc) =	sbr.abs _section_cstart, $3  }
0xc0: {  	[dreg:$0x1] =	wrdreg $0xFFFFFFFF  }
0xc1: {  	_ =	task.clear_ibuf [dreg:s6], $0x2FFFF;
	_ =	strace $0x9FFFFFFF  }
0xc2: {  	(tm) =	ssettm $0x7FFFFFFF  }
0xc3: {  	_ =	shalt  }
tec
execute0_lowered:
.L_overlay_start_1:
0x0: {  	(tag) =	ssettag $0x1  }
0x1: {  	s0 =	rddreg [dreg:$0x0]  }
0x2: {  	s2 =	rddreg [dreg:$0x1];
	s1 =	simm.s32 $0x0;
	s12 =	stileid.u32  }
0x3: {  	s3 =	srdreg.scid;
	s17 =	simm.s32 $0xB;
	s18 =	simm.s32 $0x5000  }
0x4: {  	s29 =	simm.s32 $0xDE80;
	s30 =	simm.s32 $0x2;
	s14 =	simm.s32 $0x6  }
0x5: {  	s31 =	simm.s32 $0x7;
	s13 =	simm.s32 $0xA;
	s19 =	smul.u32 $0x5000, s12  }
0x6: {  	s15 =	simm.s32 $0x0;
	[smem:$0x7FF] =	sst s1;
	s8 =	smul.u32 $0x9E00, s12  }
0x7: {  	s3 =	sand.u32 $0x1, s3;
	s4 =	sadd.s32 $0x78800, s0;
	s5 =	sadd.s32 $0x64E00, s0  }
0x8: {  	s22 =	sadd.s32 $0x8B040, s0;
	s24 =	sadd.s32 $0xB2440, s0;
	s26 =	sadd.s32 $0x77640, s0  }
0x9: {  	p1 =	seq.s32 s12, $0xF;
	_ =	strace $0x8000004D;
	[dreg:$0x5] =	wrdreg s22  }
0xa: {  	s6 =	ssub.s32 $0x2, s3;
	p0 =	seq.s32 s3, $0x1;
	[dreg:$0x7] =	wrdreg s24  }
0xb: {  	s3 =	sadd.s32 $0x94200, s2;
	[dreg:$0x9] =	wrdreg s26;
	s22 =	simm.s32 $0x7D  }
0xc: {  	s26 =	simm.s32 $0x1;
	s24 =	simm.s32 $0x5;
	s1 =	sshrl.u32 s19, $0x3  }
0xd: {  	s9 =	sshrl.u32 s8, $0x3;
	s7 =	sshrl.u32 s6, $0x1;
	s19 =	sshrl.u32 @p1 s3, $0x3  }
0xe: {  	s1 =	sadd.s32 s1, s0;
	s10 =	sadd.s32 s9, s0;
	s11 =	ssub.s32 s6, s7  }
0xf: {  	s21 =	sadd.s32 s4, s9;
	s25 =	sadd.s32 s5, s9;
	s0 =	sadd.s32 $0x9EA40, s0  }
0x10: {  	s9 =	simm.s32 $0x8;
	s20 =	sadd.s32 $0x2C00, s1;
	[dreg:$0x4] =	wrdreg s21  }
0x11: {  	s7 =	sadd.s32 $0xCC00, s1;
	s1 =	sadd.s32 s8, s2;
	[dreg:$0x8] =	wrdreg s25  }
0x12: {  	s23 =	sadd.s32 $0x9FC00, s10;
	s28 =	sadd.s32 $0x8C200, s10;
	[dreg:$0xb] =	wrdreg s0  }
.Ltmp0:
0x13: {  	s16 =	smax.u32 s11, $0x1;
	s0 =	sshll.u32 @!p1 s12, $0x6;
	(pc) =	sbr.rel .LBB2_1-.Ltmp0, $4  }
0x14: {  	s25 =	simm.s32 $0xBF40;
	s8 =	simm.s32 $0x3;
	[dreg:$0x3] =	wrdreg s20  }
0x15: {  	s11 =	simm.s32 $0x11D00;
	s12 =	simm.s32 $0x4;
	[dreg:$0x6] =	wrdreg s23  }
0x16: {  	s10 =	simm.s32 $0x9;
	[dreg:$0xa] =	wrdreg s28;
	s20 =	sor.u32 @!p1 $0x1C0B, s0  }
0x17: {  	s21 =	sshrl.u32 @!p1 s1, $0x3;
	s23 =	simm.s32 $0xA000;
	s1 =	simm.s32 $0xFDC0  }
.LBB2_9:
0x18: {  	_ =	swait.ge [sflag:s24], $0x1F40  }
0x19: {  	[sflag:s24] =	ssyncset.done $0x0  }
0x1a: {  	[sflag:s24] =	ssyncadd.s32 $0xFFFFE0C0  }
0x1b: {  	[spmem:s2] =	stream.indirect.scatter.add.f32 [tilespmem:s11], [sflag:$0xA], $0x40, s3, s22, $0xb8;
	[tilespmem:$0x1D880] =	vst v63  }
0x1c: {  	_ =	swait.ge [sflag:s14], $0x1F40  }
0x1d: {  	[sflag:s14] =	ssyncset.done $0x0  }
0x1e: {  	[sflag:s14] =	ssyncadd.s32 $0xFFFFE0C0  }
0x1f: {  	_ =	swait.ge [sflag:s31], $0x1F40  }
0x20: {  	[sflag:s31] =	ssyncset.done $0x0  }
0x21: {  	[sflag:s31] =	ssyncadd.s32 $0xFFFFE0C0  }
0x22: {  	_ =	swait.ge [sflag:s9], $0x1F40  }
0x23: {  	[sflag:s9] =	ssyncset.done $0x0  }
0x24: {  	[sflag:s9] =	ssyncadd.s32 $0xFFFFE0C0  }
0x25: {  	_ =	swait.ge [sflag:s10], $0x1F40  }
0x26: {  	[sflag:s10] =	ssyncset.done $0x0  }
0x27: {  	[sflag:s10] =	ssyncadd.s32 $0xFFFFE0C0  }
0x28: {  	_ =	swait.ge [sflag:s13], $0x1F40  }
0x29: {  	[sflag:s13] =	ssyncset.done $0x0  }
0x2a: {  	[sflag:s13] =	ssyncadd.s32 $0xFFFFE0C0  }
0x2b: {  	[bflag:$0x0] =	sbarrier.arrive $0xFFFF  }
0x2c: {  	s0 =	simm.s32 @p1 $0x1FCB;
	s3 =	rddreg [dreg:$0xb]  }
0x2d: {  	[hbm:s3], [sflag:s0] =	dma.local @p1 [spmem:s19], $0x1040  }
0x2e: {  	s0 =	simm.s32 @p1 $0xB  }
0x2f: {  	_ =	swait.ge @p1 [sflag:s0], $0x1040  }
0x30: {  	[sflag:s0] =	ssyncset.done @p1 $0x0  }
0x31: {  	[sflag:s0] =	ssyncadd.s32 @p1 $0xFFFFEFC0;
	s0 =	rddreg [dreg:$0xa]  }
0x32: {  	[hbm:s0], [sflag:s20] =	dma.local @!p1 [spmem:s21], $0x13C0  }
0x33: {  	s0 =	simm.s32 @!p1 $0xB  }
0x34: {  	_ =	swait.ge @!p1 [sflag:s0], $0x13C0  }
0x35: {  	[sflag:s0] =	ssyncset.done @!p1 $0x0  }
0x36: {  	[sflag:s0] =	ssyncadd.s32 @!p1 $0xFFFFEC40  }
.LBB2_10:
0x37: {  	s15 =	sadd.s32 $0x1, s15  }
0x38: {  	p2 =	sne.s32 s15, s16  }
.Ltmp1:
0x39: {  	_ = 	snop;
	(pc) =	sbr.rel @!p2 .LBB2_11-.Ltmp1, $1  }
0x3a: {  	_ =	sdelay $0x3  }
.LBB2_1:
0x3b: {  	s0 =	simm.s32 $0x0;
	s3 =	rddreg [dreg:$0x3]  }
0x3c: {  	[tilespmem:s0], [sflag:$0xB] =	stream.linear.gather [hbm4b:s3+s0], $0x5000, $0x38;
	[tilespmem:$0x1D880] =	vst v63  }
0x3d: {  	_ =	swait.ge [sflag:s17], $0x5000  }
0x3e: {  	[sflag:s17] =	ssyncset.done $0x0  }
.Ltmp2:
0x3f: {  	[sflag:s17] =	ssyncadd.s32 $0xFFFFB000;
	(pc) =	sbr.rel @!p0 .LBB2_2-.Ltmp2, $4  }
0x40: {  	[tilespmem:s18], [sflag:$0xB] =	stream.linear.gather [hbm4b:s7+s0], $0x5000, $0x38;
	[tilespmem:$0x1D880] =	vst v63  }
0x41: {  	_ =	swait.ge [sflag:s17], $0x5000  }
0x42: {  	[sflag:s17] =	ssyncset.done $0x0  }
0x43: {  	[sflag:s17] =	ssyncadd.s32 $0xFFFFB000  }
0x44: {  	s0 =	simm.s32 @p1 $0x1FCB;
	s3 =	rddreg [dreg:$0x9]  }
0x45: {  	[spmem:s19], [sflag:s0] =	dma.local @p1 [hbm:s3], $0x1040  }
0x46: {  	s0 =	simm.s32 @p1 $0xB  }
0x47: {  	_ =	swait.ge @p1 [sflag:s0], $0x1040  }
0x48: {  	[sflag:s0] =	ssyncset.done @p1 $0x0  }
0x49: {  	[sflag:s0] =	ssyncadd.s32 @p1 $0xFFFFEFC0;
	s0 =	rddreg [dreg:$0x8]  }
0x4a: {  	[spmem:s21], [sflag:s20] =	dma.local @!p1 [hbm:s0], $0x13C0  }
0x4b: {  	s0 =	simm.s32 @!p1 $0xB  }
0x4c: {  	_ =	swait.ge @!p1 [sflag:s0], $0x13C0  }
0x4d: {  	[sflag:s0] =	ssyncset.done @!p1 $0x0  }
0x4e: {  	[sflag:s0] =	ssyncadd.s32 @!p1 $0xFFFFEC40  }
0x4f: {  	s28 =	simm.s32 $0x0;
	[bflag:$0x0] =	sbarrier.arrive $0xFFFF  }
0x50: {  	[tilespmem:s23], [sflag:$0x1] =	stream.indirect.gather [hbm4b:s5+s22], $0x40, s28, s22, $0xb8;
	[tilespmem:$0x1D880] =	vst v63  }
0x51: {  	s3 =	simm.s32 $0x80  }
0x52: {  	[tilespmem:s25], [sflag:$0x2] =	stream.indirect.gather [hbm4b:s5+s22], $0x40, s3, s22, $0xb8;
	[tilespmem:$0x1D880] =	vst v63  }
0x53: {  	_ =	swait.ge [sflag:s26], $0x1F40  }
0x54: {  	[sflag:s26] =	ssyncset.done $0x0  }
0x55: {  	[sflag:s26] =	ssyncadd.s32 $0xFFFFE0C0  }
0x56: {  	[spmem:s2] =	stream.indirect.scatter.add.f32 [tilespmem:s23], [sflag:$0x6], $0x40, s18, s22, $0xb8;
	[tilespmem:$0x1D880] =	vst v63  }
0x57: {  	s6 =	simm.s32 $0x100  }
0x58: {  	[tilespmem:s29], [sflag:$0x3] =	stream.indirect.gather [hbm4b:s5+s22], $0x40, s6, s22, $0xb8;
	[tilespmem:$0x1D880] =	vst v63  }
0x59: {  	_ =	swait.ge [sflag:s30], $0x1F40  }
0x5a: {  	[sflag:s30] =	ssyncset.done $0x0  }
0x5b: {  	s3 =	simm.s32 $0x5080;
	[sflag:s30] =	ssyncadd.s32 $0xFFFFE0C0  }
0x5c: {  	[spmem:s2] =	stream.indirect.scatter.add.f32 [tilespmem:s25], [sflag:$0x7], $0x40, s3, s22, $0xb8;
	[tilespmem:$0x1D880] =	vst v63  }
0x5d: {  	s6 =	simm.s32 $0x180  }
0x5e: {  	[tilespmem:s1], [sflag:$0x4] =	stream.indirect.gather [hbm4b:s5+s22], $0x40, s6, s22, $0xb8;
	[tilespmem:$0x1D880] =	vst v63  }
0x5f: {  	_ =	swait.ge [sflag:s8], $0x1F40  }
0x60: {  	[sflag:s8] =	ssyncset.done $0x0  }
0x61: {  	s3 =	simm.s32 $0x5100;
	[sflag:s8] =	ssyncadd.s32 $0xFFFFE0C0  }
0x62: {  	[spmem:s2] =	stream.indirect.scatter.add.f32 [tilespmem:s29], [sflag:$0x8], $0x40, s3, s22, $0xb8;
	[tilespmem:$0x1D880] =	vst v63  }
0x63: {  	s6 =	simm.s32 $0x200  }
0x64: {  	[tilespmem:s11], [sflag:$0x5] =	stream.indirect.gather [hbm4b:s5+s22], $0x40, s6, s22, $0xb8;
	[tilespmem:$0x1D880] =	vst v63  }
0x65: {  	_ =	swait.ge [sflag:s12], $0x1F40  }
0x66: {  	[sflag:s12] =	ssyncset.done $0x0  }
0x67: {  	s3 =	simm.s32 $0x5180;
	[sflag:s12] =	ssyncadd.s32 $0xFFFFE0C0  }
0x68: {  	[spmem:s2] =	stream.indirect.scatter.add.f32 [tilespmem:s1], [sflag:$0x9], $0x40, s3, s22, $0xb8;
	[tilespmem:$0x1D880] =	vst v63  }
0x69: {  	_ =	swait.ge [sflag:s14], $0x1F40  }
0x6a: {  	[sflag:s14] =	ssyncset.done $0x0  }
0x6b: {  	s6 =	simm.s32 $0x280;
	[sflag:s14] =	ssyncadd.s32 $0xFFFFE0C0  }
0x6c: {  	[tilespmem:s23], [sflag:$0x1] =	stream.indirect.gather [hbm4b:s5+s22], $0x40, s6, s22, $0xb8;
	[tilespmem:$0x1D880] =	vst v63  }
0x6d: {  	_ =	swait.ge [sflag:s24], $0x1F40  }
0x6e: {  	[sflag:s24] =	ssyncset.done $0x0  }
0x6f: {  	s3 =	simm.s32 $0x5200;
	[sflag:s24] =	ssyncadd.s32 $0xFFFFE0C0  }
0x70: {  	[spmem:s2] =	stream.indirect.scatter.add.f32 [tilespmem:s11], [sflag:$0xA], $0x40, s3, s22, $0xb8;
	[tilespmem:$0x1D880] =	vst v63  }
0x71: {  	_ =	swait.ge [sflag:s31], $0x1F40  }
0x72: {  	[sflag:s31] =	ssyncset.done $0x0  }
0x73: {  	s6 =	simm.s32 $0x300;
	[sflag:s31] =	ssyncadd.s32 $0xFFFFE0C0  }
0x74: {  	[tilespmem:s25], [sflag:$0x2] =	stream.indirect.gather [hbm4b:s5+s22], $0x40, s6, s22, $0xb8;
	[tilespmem:$0x1D880] =	vst v63  }
.LBB2_7:
0x75: {  	_ =	swait.ge [sflag:s26], $0x1F40  }
0x76: {  	s0 =	sshra.s32 s28, $0x2;
	[sflag:s26] =	ssyncset.done $0x0  }
0x77: {  	s3 =	sadd.s32 $0x5280, s0;
	[sflag:s26] =	ssyncadd.s32 $0xFFFFE0C0  }
0x78: {  	[spmem:s2] =	stream.indirect.scatter.add.f32 [tilespmem:s23], [sflag:$0x6], $0x40, s3, s22, $0xb8;
	[tilespmem:$0x1D880] =	vst v63  }
0x79: {  	_ =	swait.ge [sflag:s9], $0x1F40  }
0x7a: {  	[sflag:s9] =	ssyncset.done $0x0  }
0x7b: {  	s6 =	sadd.s32 $0x380, s0;
	[sflag:s9] =	ssyncadd.s32 $0xFFFFE0C0  }
0x7c: {  	[tilespmem:s29], [sflag:$0x3] =	stream.indirect.gather [hbm4b:s5+s22], $0x40, s6, s22, $0xb8;
	[tilespmem:$0x1D880] =	vst v63  }
0x7d: {  	_ =	swait.ge [sflag:s30], $0x1F40  }
0x7e: {  	[sflag:s30] =	ssyncset.done $0x0  }
0x7f: {  	s6 =	sadd.s32 $0x5300, s0;
	[sflag:s30] =	ssyncadd.s32 $0xFFFFE0C0  }
0x80: {  	[spmem:s2] =	stream.indirect.scatter.add.f32 [tilespmem:s25], [sflag:$0x7], $0x40, s6, s22, $0xb8;
	[tilespmem:$0x1D880] =	vst v63  }
0x81: {  	_ =	swait.ge [sflag:s10], $0x1F40  }
0x82: {  	[sflag:s10] =	ssyncset.done $0x0  }
0x83: {  	s6 =	sadd.s32 $0x400, s0;
	[sflag:s10] =	ssyncadd.s32 $0xFFFFE0C0  }
0x84: {  	[tilespmem:s1], [sflag:$0x4] =	stream.indirect.gather [hbm4b:s5+s22], $0x40, s6, s22, $0xb8;
	[tilespmem:$0x1D880] =	vst v63  }
0x85: {  	_ =	swait.ge [sflag:s8], $0x1F40  }
0x86: {  	[sflag:s8] =	ssyncset.done $0x0  }
0x87: {  	s6 =	sadd.s32 $0x5380, s0;
	[sflag:s8] =	ssyncadd.s32 $0xFFFFE0C0  }
0x88: {  	[spmem:s2] =	stream.indirect.scatter.add.f32 [tilespmem:s29], [sflag:$0x8], $0x40, s6, s22, $0xb8;
	[tilespmem:$0x1D880] =	vst v63  }
0x89: {  	_ =	swait.ge [sflag:s13], $0x1F40  }
0x8a: {  	[sflag:s13] =	ssyncset.done $0x0  }
0x8b: {  	p2 =	seq.s32 s28, $0x12C00;
	s6 =	sadd.s32 $0x480, s0;
	[sflag:s13] =	ssyncadd.s32 $0xFFFFE0C0  }
0x8c: {  	[tilespmem:s11], [sflag:$0x5] =	stream.indirect.gather [hbm4b:s5+s22], $0x40, s6, s22, $0xb8;
	[tilespmem:$0x1D880] =	vst v63  }
.Ltmp3:
0x8d: {  	_ = 	snop;
	(pc) =	sbr.rel @p2 .LBB2_9-.Ltmp3, $4  }
0x8e: {  	_ =	swait.ge [sflag:s12], $0x1F40  }
0x8f: {  	[sflag:s12] =	ssyncset.done $0x0  }
0x90: {  	s3 =	sadd.s32 $0x5480, s0;
	s6 =	sadd.s32 $0x5400, s0;
	[sflag:s12] =	ssyncadd.s32 $0xFFFFE0C0  }
0x91: {  	[spmem:s2] =	stream.indirect.scatter.add.f32 [tilespmem:s1], [sflag:$0x9], $0x40, s6, s22, $0xb8;
	[tilespmem:$0x1D880] =	vst v63  }
0x92: {  	_ =	swait.ge [sflag:s14], $0x1F40  }
0x93: {  	[sflag:s14] =	ssyncset.done $0x0  }
0x94: {  	s6 =	sadd.s32 $0x500, s0;
	[sflag:s14] =	ssyncadd.s32 $0xFFFFE0C0  }
0x95: {  	[tilespmem:s23], [sflag:$0x1] =	stream.indirect.gather [hbm4b:s5+s22], $0x40, s6, s22, $0xb8;
	[tilespmem:$0x1D880] =	vst v63  }
0x96: {  	_ =	swait.ge [sflag:s24], $0x1F40  }
0x97: {  	[sflag:s24] =	ssyncset.done $0x0  }
0x98: {  	[sflag:s24] =	ssyncadd.s32 $0xFFFFE0C0  }
0x99: {  	[spmem:s2] =	stream.indirect.scatter.add.f32 [tilespmem:s11], [sflag:$0xA], $0x40, s3, s22, $0xb8;
	[tilespmem:$0x1D880] =	vst v63  }
.Ltmp4:
0x9a: {  	_ = 	snop;
	(pc) =	sbr.rel .LBB2_7-.Ltmp4, $4  }
0x9b: {  	_ =	swait.ge [sflag:s31], $0x1F40  }
0x9c: {  	[sflag:s31] =	ssyncset.done $0x0  }
0x9d: {  	s28 =	sadd.s32 $0xA00, s28;
	s6 =	sadd.s32 $0x580, s0;
	[sflag:s31] =	ssyncadd.s32 $0xFFFFE0C0  }
0x9e: {  	[tilespmem:s25], [sflag:$0x2] =	stream.indirect.gather [hbm4b:s5+s22], $0x40, s6, s22, $0xb8;
	[tilespmem:$0x1D880] =	vst v63  }
.LBB2_2:
0x9f: {  	s0 =	simm.s32 @p1 $0x1FCB;
	s3 =	rddreg [dreg:$0x5]  }
0xa0: {  	[spmem:s19], [sflag:s0] =	dma.local @p1 [hbm:s3], $0x1040  }
0xa1: {  	s0 =	simm.s32 @p1 $0xB  }
0xa2: {  	_ =	swait.ge @p1 [sflag:s0], $0x1040  }
0xa3: {  	[sflag:s0] =	ssyncset.done @p1 $0x0  }
0xa4: {  	[sflag:s0] =	ssyncadd.s32 @p1 $0xFFFFEFC0;
	s0 =	rddreg [dreg:$0x4]  }
0xa5: {  	[spmem:s21], [sflag:s20] =	dma.local @!p1 [hbm:s0], $0x13C0  }
0xa6: {  	s0 =	simm.s32 @!p1 $0xB  }
0xa7: {  	_ =	swait.ge @!p1 [sflag:s0], $0x13C0  }
0xa8: {  	[sflag:s0] =	ssyncset.done @!p1 $0x0  }
0xa9: {  	[sflag:s0] =	ssyncadd.s32 @!p1 $0xFFFFEC40  }
0xaa: {  	s28 =	simm.s32 $0x0;
	[bflag:$0x0] =	sbarrier.arrive $0xFFFF  }
0xab: {  	[tilespmem:s23], [sflag:$0x1] =	stream.indirect.gather [hbm4b:s4+s22], $0x40, s28, s22, $0xb8;
	[tilespmem:$0x1D880] =	vst v63  }
0xac: {  	s3 =	simm.s32 $0x80  }
0xad: {  	[tilespmem:s25], [sflag:$0x2] =	stream.indirect.gather [hbm4b:s4+s22], $0x40, s3, s22, $0xb8;
	[tilespmem:$0x1D880] =	vst v63  }
0xae: {  	_ =	swait.ge [sflag:s26], $0x1F40  }
0xaf: {  	[sflag:s26] =	ssyncset.done $0x0  }
0xb0: {  	[sflag:s26] =	ssyncadd.s32 $0xFFFFE0C0  }
0xb1: {  	[spmem:s2] =	stream.indirect.scatter.add.f32 [tilespmem:s23], [sflag:$0x6], $0x40, s18, s22, $0xb8;
	[tilespmem:$0x1D880] =	vst v63  }
0xb2: {  	s6 =	simm.s32 $0x100  }
0xb3: {  	[tilespmem:s29], [sflag:$0x3] =	stream.indirect.gather [hbm4b:s4+s22], $0x40, s6, s22, $0xb8;
	[tilespmem:$0x1D880] =	vst v63  }
0xb4: {  	_ =	swait.ge [sflag:s30], $0x1F40  }
0xb5: {  	[sflag:s30] =	ssyncset.done $0x0  }
0xb6: {  	s3 =	simm.s32 $0x5080;
	[sflag:s30] =	ssyncadd.s32 $0xFFFFE0C0  }
0xb7: {  	[spmem:s2] =	stream.indirect.scatter.add.f32 [tilespmem:s25], [sflag:$0x7], $0x40, s3, s22, $0xb8;
	[tilespmem:$0x1D880] =	vst v63  }
0xb8: {  	s6 =	simm.s32 $0x180  }
0xb9: {  	[tilespmem:s1], [sflag:$0x4] =	stream.indirect.gather [hbm4b:s4+s22], $0x40, s6, s22, $0xb8;
	[tilespmem:$0x1D880] =	vst v63  }
0xba: {  	_ =	swait.ge [sflag:s8], $0x1F40  }
0xbb: {  	[sflag:s8] =	ssyncset.done $0x0  }
0xbc: {  	s3 =	simm.s32 $0x5100;
	[sflag:s8] =	ssyncadd.s32 $0xFFFFE0C0  }
0xbd: {  	[spmem:s2] =	stream.indirect.scatter.add.f32 [tilespmem:s29], [sflag:$0x8], $0x40, s3, s22, $0xb8;
	[tilespmem:$0x1D880] =	vst v63  }
0xbe: {  	s6 =	simm.s32 $0x200  }
0xbf: {  	[tilespmem:s11], [sflag:$0x5] =	stream.indirect.gather [hbm4b:s4+s22], $0x40, s6, s22, $0xb8;
	[tilespmem:$0x1D880] =	vst v63  }
0xc0: {  	_ =	swait.ge [sflag:s12], $0x1F40  }
0xc1: {  	[sflag:s12] =	ssyncset.done $0x0  }
0xc2: {  	s3 =	simm.s32 $0x5180;
	[sflag:s12] =	ssyncadd.s32 $0xFFFFE0C0  }
0xc3: {  	[spmem:s2] =	stream.indirect.scatter.add.f32 [tilespmem:s1], [sflag:$0x9], $0x40, s3, s22, $0xb8;
	[tilespmem:$0x1D880] =	vst v63  }
0xc4: {  	_ =	swait.ge [sflag:s14], $0x1F40  }
0xc5: {  	[sflag:s14] =	ssyncset.done $0x0  }
0xc6: {  	s6 =	simm.s32 $0x280;
	[sflag:s14] =	ssyncadd.s32 $0xFFFFE0C0  }
0xc7: {  	[tilespmem:s23], [sflag:$0x1] =	stream.indirect.gather [hbm4b:s4+s22], $0x40, s6, s22, $0xb8;
	[tilespmem:$0x1D880] =	vst v63  }
0xc8: {  	_ =	swait.ge [sflag:s24], $0x1F40  }
0xc9: {  	[sflag:s24] =	ssyncset.done $0x0  }
0xca: {  	s3 =	simm.s32 $0x5200;
	[sflag:s24] =	ssyncadd.s32 $0xFFFFE0C0  }
0xcb: {  	[spmem:s2] =	stream.indirect.scatter.add.f32 [tilespmem:s11], [sflag:$0xA], $0x40, s3, s22, $0xb8;
	[tilespmem:$0x1D880] =	vst v63  }
0xcc: {  	_ =	swait.ge [sflag:s31], $0x1F40  }
0xcd: {  	[sflag:s31] =	ssyncset.done $0x0  }
0xce: {  	s6 =	simm.s32 $0x300;
	[sflag:s31] =	ssyncadd.s32 $0xFFFFE0C0  }
0xcf: {  	[tilespmem:s25], [sflag:$0x2] =	stream.indirect.gather [hbm4b:s4+s22], $0x40, s6, s22, $0xb8;
	[tilespmem:$0x1D880] =	vst v63  }
.LBB2_3:
0xd0: {  	_ =	swait.ge [sflag:s26], $0x1F40  }
0xd1: {  	s0 =	sshra.s32 s28, $0x2;
	[sflag:s26] =	ssyncset.done $0x0  }
0xd2: {  	s3 =	sadd.s32 $0x5280, s0;
	[sflag:s26] =	ssyncadd.s32 $0xFFFFE0C0  }
0xd3: {  	[spmem:s2] =	stream.indirect.scatter.add.f32 [tilespmem:s23], [sflag:$0x6], $0x40, s3, s22, $0xb8;
	[tilespmem:$0x1D880] =	vst v63  }
0xd4: {  	_ =	swait.ge [sflag:s9], $0x1F40  }
0xd5: {  	[sflag:s9] =	ssyncset.done $0x0  }
0xd6: {  	s6 =	sadd.s32 $0x380, s0;
	[sflag:s9] =	ssyncadd.s32 $0xFFFFE0C0  }
0xd7: {  	[tilespmem:s29], [sflag:$0x3] =	stream.indirect.gather [hbm4b:s4+s22], $0x40, s6, s22, $0xb8;
	[tilespmem:$0x1D880] =	vst v63  }
0xd8: {  	_ =	swait.ge [sflag:s30], $0x1F40  }
0xd9: {  	[sflag:s30] =	ssyncset.done $0x0  }
0xda: {  	s6 =	sadd.s32 $0x5300, s0;
	[sflag:s30] =	ssyncadd.s32 $0xFFFFE0C0  }
0xdb: {  	[spmem:s2] =	stream.indirect.scatter.add.f32 [tilespmem:s25], [sflag:$0x7], $0x40, s6, s22, $0xb8;
	[tilespmem:$0x1D880] =	vst v63  }
0xdc: {  	_ =	swait.ge [sflag:s10], $0x1F40  }
0xdd: {  	[sflag:s10] =	ssyncset.done $0x0  }
0xde: {  	s6 =	sadd.s32 $0x400, s0;
	[sflag:s10] =	ssyncadd.s32 $0xFFFFE0C0  }
0xdf: {  	[tilespmem:s1], [sflag:$0x4] =	stream.indirect.gather [hbm4b:s4+s22], $0x40, s6, s22, $0xb8;
	[tilespmem:$0x1D880] =	vst v63  }
0xe0: {  	_ =	swait.ge [sflag:s8], $0x1F40  }
0xe1: {  	[sflag:s8] =	ssyncset.done $0x0  }
0xe2: {  	s6 =	sadd.s32 $0x5380, s0;
	[sflag:s8] =	ssyncadd.s32 $0xFFFFE0C0  }
0xe3: {  	[spmem:s2] =	stream.indirect.scatter.add.f32 [tilespmem:s29], [sflag:$0x8], $0x40, s6, s22, $0xb8;
	[tilespmem:$0x1D880] =	vst v63  }
0xe4: {  	_ =	swait.ge [sflag:s13], $0x1F40  }
0xe5: {  	[sflag:s13] =	ssyncset.done $0x0  }
0xe6: {  	p2 =	seq.s32 s28, $0x12C00;
	s6 =	sadd.s32 $0x480, s0;
	[sflag:s13] =	ssyncadd.s32 $0xFFFFE0C0  }
0xe7: {  	[tilespmem:s11], [sflag:$0x5] =	stream.indirect.gather [hbm4b:s4+s22], $0x40, s6, s22, $0xb8;
	[tilespmem:$0x1D880] =	vst v63  }
.Ltmp5:
0xe8: {  	_ = 	snop;
	(pc) =	sbr.rel @p2 .LBB2_5-.Ltmp5, $4  }
0xe9: {  	_ =	swait.ge [sflag:s12], $0x1F40  }
0xea: {  	[sflag:s12] =	ssyncset.done $0x0  }
0xeb: {  	s3 =	sadd.s32 $0x5480, s0;
	s6 =	sadd.s32 $0x5400, s0;
	[sflag:s12] =	ssyncadd.s32 $0xFFFFE0C0  }
0xec: {  	[spmem:s2] =	stream.indirect.scatter.add.f32 [tilespmem:s1], [sflag:$0x9], $0x40, s6, s22, $0xb8;
	[tilespmem:$0x1D880] =	vst v63  }
0xed: {  	_ =	swait.ge [sflag:s14], $0x1F40  }
0xee: {  	[sflag:s14] =	ssyncset.done $0x0  }
0xef: {  	s6 =	sadd.s32 $0x500, s0;
	[sflag:s14] =	ssyncadd.s32 $0xFFFFE0C0  }
0xf0: {  	[tilespmem:s23], [sflag:$0x1] =	stream.indirect.gather [hbm4b:s4+s22], $0x40, s6, s22, $0xb8;
	[tilespmem:$0x1D880] =	vst v63  }
0xf1: {  	_ =	swait.ge [sflag:s24], $0x1F40  }
0xf2: {  	[sflag:s24] =	ssyncset.done $0x0  }
0xf3: {  	[sflag:s24] =	ssyncadd.s32 $0xFFFFE0C0  }
0xf4: {  	[spmem:s2] =	stream.indirect.scatter.add.f32 [tilespmem:s11], [sflag:$0xA], $0x40, s3, s22, $0xb8;
	[tilespmem:$0x1D880] =	vst v63  }
.Ltmp6:
0xf5: {  	_ = 	snop;
	(pc) =	sbr.rel .LBB2_3-.Ltmp6, $4  }
0xf6: {  	_ =	swait.ge [sflag:s31], $0x1F40  }
0xf7: {  	[sflag:s31] =	ssyncset.done $0x0  }
0xf8: {  	s28 =	sadd.s32 $0xA00, s28;
	s6 =	sadd.s32 $0x580, s0;
	[sflag:s31] =	ssyncadd.s32 $0xFFFFE0C0  }
0xf9: {  	[tilespmem:s25], [sflag:$0x2] =	stream.indirect.gather [hbm4b:s4+s22], $0x40, s6, s22, $0xb8;
	[tilespmem:$0x1D880] =	vst v63  }
.LBB2_5:
0xfa: {  	_ =	swait.ge [sflag:s24], $0x1F40  }
0xfb: {  	[sflag:s24] =	ssyncset.done $0x0  }
0xfc: {  	[sflag:s24] =	ssyncadd.s32 $0xFFFFE0C0  }
0xfd: {  	[spmem:s2] =	stream.indirect.scatter.add.f32 [tilespmem:s11], [sflag:$0xA], $0x40, s3, s22, $0xb8;
	[tilespmem:$0x1D880] =	vst v63  }
0xfe: {  	_ =	swait.ge [sflag:s14], $0x1F40  }
0xff: {  	[sflag:s14] =	ssyncset.done $0x0  }
0x100: {  	[sflag:s14] =	ssyncadd.s32 $0xFFFFE0C0  }
0x101: {  	_ =	swait.ge [sflag:s31], $0x1F40  }
0x102: {  	[sflag:s31] =	ssyncset.done $0x0  }
0x103: {  	[sflag:s31] =	ssyncadd.s32 $0xFFFFE0C0  }
0x104: {  	_ =	swait.ge [sflag:s9], $0x1F40  }
0x105: {  	[sflag:s9] =	ssyncset.done $0x0  }
0x106: {  	[sflag:s9] =	ssyncadd.s32 $0xFFFFE0C0  }
0x107: {  	_ =	swait.ge [sflag:s10], $0x1F40  }
0x108: {  	[sflag:s10] =	ssyncset.done $0x0  }
0x109: {  	[sflag:s10] =	ssyncadd.s32 $0xFFFFE0C0  }
0x10a: {  	_ =	swait.ge [sflag:s13], $0x1F40  }
0x10b: {  	[sflag:s13] =	ssyncset.done $0x0  }
0x10c: {  	[sflag:s13] =	ssyncadd.s32 $0xFFFFE0C0  }
0x10d: {  	[bflag:$0x0] =	sbarrier.arrive $0xFFFF  }
0x10e: {  	s0 =	simm.s32 @p1 $0x1FCB;
	s3 =	rddreg [dreg:$0x7]  }
0x10f: {  	[hbm:s3], [sflag:s0] =	dma.local @p1 [spmem:s19], $0x1040  }
0x110: {  	s0 =	simm.s32 @p1 $0xB  }
0x111: {  	_ =	swait.ge @p1 [sflag:s0], $0x1040  }
0x112: {  	[sflag:s0] =	ssyncset.done @p1 $0x0  }
0x113: {  	[sflag:s0] =	ssyncadd.s32 @p1 $0xFFFFEFC0;
	s0 =	rddreg [dreg:$0x6]  }
0x114: {  	[hbm:s0], [sflag:s20] =	dma.local @!p1 [spmem:s21], $0x13C0  }
.Ltmp7:
0x115: {  	_ = 	snop;
	(pc) =	sbr.rel .LBB2_10-.Ltmp7, $4  }
0x116: {  	s0 =	simm.s32 @!p1 $0xB  }
0x117: {  	_ =	swait.ge @!p1 [sflag:s0], $0x13C0  }
0x118: {  	[sflag:s0] =	ssyncset.done @!p1 $0x0  }
0x119: {  	[sflag:s0] =	ssyncadd.s32 @!p1 $0xFFFFEC40  }
.LBB2_11:
0x11a: {  	_ =	sfence.sel $0x180000  }
0x11b: {  	[bflag:$0x0] =	sbarrier.arrive $0xFFFF  }
0x11c: {  	_ =	strace $0x9000004D  }
0x11d: {  	s0 =	stileid.u32;
	[bflag:$0x2] =	sbarrier.arrive $0xFFFF  }
0x11e: {  	p0 =	sne.s32 s0, $0x0;
	s0 =	rddreg [dreg:$0x2]  }
0x11f: {  	s0 =	sadd.s32 @!p0 $0x100000, s0  }
0x120: {  	[sflag:s0] =	ssyncadd.tile.s32 @!p0 $0x1;
	_ =	shalt  }
.Lfunc_end2:
_tile_overlayer_lowered:
.L_overlay_start_2:
0x121: {  	(tag) =	ssettag $0x2  }
0x122: {  	s0 =	rddreg [dreg:$0x0];
	s2 =	stileid.u32  }
0x123: {  	s1 =	rddreg [dreg:$0x1];
	p0 =	sne.s32 s2, $0x0  }
0x124: {  	s3 =	rddreg [dreg:$0x2];
	[bflag:$0x3] =	sbarrier.arrive $0xFFFF;
	s2 =	simm.s32 @!p0 $0x1C0B  }
0x125: {  	[timem:s3], [sflag:s2] =	dma.local @!p0 [hbm:s0], s1  }
0x126: {  	s0 =	simm.s32 @!p0 $0xB  }
0x127: {  	_ =	swait.ge @!p0 [sflag:s0], s1  }
0x128: {  	s1 =	ssub.s32 @!p0 $0x0, s1;
	[sflag:s0] =	ssyncset.done @!p0 $0x0  }
0x129: {  	[sflag:s0] =	ssyncadd.s32 @!p0 s1  }
0x12a: {  	[bflag:$0x3] =	sbarrier.arrive $0xFFFF  }
0x12b: {  	_ =	shalt  }

// kernel: kernel.8.cloned.1.call-start
scs
__scs_entry_jumppad:
0x0: {  	(pc) =	sbr.rel $0x88, $3  }
0x1: {  	(tag) =	ssettag $0x0;
	lr =	simm.s32 $0x1  }
0x2: {  	[smem:$0x3F99] =	sst lr;
	_ =	strace $0xD0000000  }
0x3: {  	_ = 	snop  }
0x4: {  	_ = 	snop  }
0x5: {  	_ = 	snop  }
0x6: {  	_ = 	snop  }
0x7: {  	_ = 	snop  }
__scs_overlays_trampoline_lowered:
0x8: {  	[smem:$0x3FA8] =	sst s0  }
0x9: {  	[smem:$0x3FA9] =	sst s1  }
0xa: {  	[smem:$0x3FAA] =	sst s2  }
0xb: {  	[smem:$0x3FAB] =	sst s3  }
0xc: {  	[smem:$0x3FAC] =	sst s4  }
0xd: {  	[smem:$0x3FAD] =	sst s5  }
0xe: {  	[smem:$0x3FAE] =	sst s6  }
0xf: {  	[smem:$0x3FAF] =	sst s7  }
0x10: {  	[smem:$0x3FB0] =	sst s8  }
0x11: {  	[smem:$0x3FB1] =	sst s9;
	s0 =	simm.s32 @!p0 $0x0  }
0x12: {  	s1 =	sld [smem:$0x3F97];
	s0 =	simm.s32 @p0 $0x1  }
0x13: {  	[smem:$0x3FB2] =	sst s0;
	s0 =	simm.s32 @!p1 $0x0  }
0x14: {  	s2 =	sld [smem:$0x3F96];
	s0 =	simm.s32 @p1 $0x1  }
0x15: {  	[smem:$0x3FB3] =	sst s0;
	s0 =	simm.s32 @!p2 $0x0  }
0x16: {  	s3 =	sld [smem:$0x3FDB];
	s0 =	simm.s32 @p2 $0x1  }
0x17: {  	s4 =	simm.s32 $0x1BF5;
	[smem:$0x3FB5] =	sst s0  }
0x18: {  	s0 =	sld [smem:$0x3F98];
	_ =	swait.ge [sflag:s4], $0x0  }
0x19: {  	s7 =	sld [smem:$0x3F99]  }
0x1a: {  	s8 =	sadd.s32 $0xFFFFE003, lr  }
0x1b: {  	s9 =	sadd.s32 $0xFFFFFEF7, lr;
	s5 =	simm.s32 $0xFFFFFFFF;
	p2 =	slt.u32 s8, $0xFFFFF086  }
0x1c: {  	p1 =	slt.u32 s9, $0xF7A;
	s5 =	simm.s32 @!p2 $0x0  }
0x1d: {  	s5 =	simm.s32 @p1 $0x1;
	p0 =	seq.s32 s7, s2  }
0x1e: {  	s7 =	smul.u32 @!p0 $0xF7A, s2;
	p2 =	seq.s32 @!p0 s5, $0x0  }
0x1f: {  	s9 =	smul.u32 $0xF7A, s1;
	s8 =	simm.s32 @!p0 $0x1BF5;
	p2 =	por !p2, p0  }
0x20: {  	[sflag:s8] =	ssyncset.s32 @!p0 $0xFFFFF086;
	s6 =	sadd.s32 @!p0 s3, s7;
	s7 =	simm.s32 @!p0 $0x108  }
0x21: {  	s3 =	sadd.s32 s3, s9;
	s6 =	sadd.s32 @!p0 $0x88, s6;
	s7 =	simm.s32 @p2 $0x1082  }
0x22: {  	[simem:s7], [sflag:s8] =	dma.local @!p0 [hbm:s6], $0xF7A  }
0x23: {  	s9 =	sor.u32 $0xD0000000, s2;
	s6 =	simm.s32 $0x108;
	_ =	swait.ge @!p0 [sflag:s8], $0x0  }
0x24: {  	s3 =	sadd.s32 $0x88, s3;
	s6 =	simm.s32 @!p1 $0x1082;
	[sflag:s4] =	ssyncset.s32 $0xFFFFF086  }
0x25: {  	[simem:s6], [sflag:s4] =	dma.local [hbm:s3], $0xF7A  }
0x26: {  	[smem:$0x3F99] =	sst s1;
	(tag) =	ssettag s2;
	_ =	strace s9  }
0x27: {  	s1 =	sld [smem:$0x3FA9]  }
0x28: {  	s2 =	sld [smem:$0x3FAA]  }
0x29: {  	s4 =	sld [smem:$0x3FAC]  }
0x2a: {  	p0 =	seq.s32 s5, $0x0;
	s5 =	sld [smem:$0x3FAD]  }
0x2b: {  	s6 =	sld [smem:$0x3FAE]  }
0x2c: {  	s7 =	sld [smem:$0x3FAF]  }
0x2d: {  	s3 =	simm.s32 $0x108;
	s8 =	sld [smem:$0x3FB0]  }
0x2e: {  	s3 =	simm.s32 @!p0 $0x1082;
	s9 =	sld [smem:$0x3FB1]  }
0x2f: {  	lr =	sadd.s32 s0, s3;
	s0 =	sld [smem:$0x3FA8]  }
0x30: {  	s3 =	sld [smem:$0x3FAB]  }
0x31: {  	[smem:$0x3FB4] =	sst s10  }
0x32: {  	s10 =	sld [smem:$0x3FB2];
	_ =	sdelay $0x3  }
0x33: {  	p0 =	seq.s32 s10, $0x1;
	s10 =	sld [smem:$0x3FB4];
	_ =	sdelay $0x3  }
0x34: {  	[smem:$0x3FB4] =	sst s10  }
0x35: {  	s10 =	sld [smem:$0x3FB3];
	_ =	sdelay $0x3  }
0x36: {  	p1 =	seq.s32 s10, $0x1;
	s10 =	sld [smem:$0x3FB4];
	_ =	sdelay $0x3  }
0x37: {  	[smem:$0x3FB4] =	sst s10  }
0x38: {  	s10 =	sld [smem:$0x3FB5]  }
0x39: {  	_ = 	snop;
	(pc) =	sbr.ind lr, $3  }
0x3a: {  	_ = 	snop  }
0x3b: {  	_ = 	snop  }
0x3c: {  	p2 =	seq.s32 s10, $0x1;
	s10 =	sld [smem:$0x3FB4]  }
0x3d: {  	_ =	shalt  }
0x3e: {  	_ =	shalt  }
0x3f: {  	_ =	shalt  }
0x40: {  	_ =	shalt  }
0x41: {  	_ =	shalt  }
0x42: {  	_ =	shalt  }
0x43: {  	_ =	shalt  }
0x44: {  	_ =	shalt  }
0x45: {  	_ =	shalt  }
0x46: {  	_ =	shalt  }
0x47: {  	_ =	shalt  }
0x48: {  	_ =	shalt  }
0x49: {  	_ =	shalt  }
0x4a: {  	_ =	shalt  }
0x4b: {  	_ =	shalt  }
0x4c: {  	_ =	shalt  }
0x4d: {  	_ =	shalt  }
0x4e: {  	_ =	shalt  }
0x4f: {  	_ =	shalt  }
0x50: {  	_ =	shalt  }
0x51: {  	_ =	shalt  }
0x52: {  	_ =	shalt  }
0x53: {  	_ =	shalt  }
0x54: {  	_ =	shalt  }
0x55: {  	_ =	shalt  }
0x56: {  	_ =	shalt  }
0x57: {  	_ =	shalt  }
0x58: {  	_ =	shalt  }
0x59: {  	_ =	shalt  }
0x5a: {  	_ =	shalt  }
0x5b: {  	_ =	shalt  }
0x5c: {  	_ =	shalt  }
0x5d: {  	_ =	shalt  }
0x5e: {  	_ =	shalt  }
0x5f: {  	_ =	shalt  }
0x60: {  	_ =	shalt  }
0x61: {  	_ =	shalt  }
0x62: {  	_ =	shalt  }
0x63: {  	_ =	shalt  }
0x64: {  	_ =	shalt  }
0x65: {  	_ =	shalt  }
0x66: {  	_ =	shalt  }
0x67: {  	_ =	shalt  }
0x68: {  	_ =	shalt  }
0x69: {  	_ =	shalt  }
0x6a: {  	_ =	shalt  }
0x6b: {  	_ =	shalt  }
0x6c: {  	_ =	shalt  }
0x6d: {  	_ =	shalt  }
0x6e: {  	_ =	shalt  }
0x6f: {  	_ =	shalt  }
0x70: {  	_ =	shalt  }
0x71: {  	_ =	shalt  }
0x72: {  	_ =	shalt  }
0x73: {  	_ =	shalt  }
0x74: {  	_ =	shalt  }
0x75: {  	_ =	shalt  }
0x76: {  	_ =	shalt  }
0x77: {  	_ =	shalt  }
0x78: {  	_ =	shalt  }
0x79: {  	_ =	shalt  }
0x7a: {  	_ =	shalt  }
0x7b: {  	_ =	shalt  }
0x7c: {  	_ =	shalt  }
0x7d: {  	_ =	shalt  }
0x7e: {  	_ =	shalt  }
0x7f: {  	_ =	shalt  }
0x80: {  	_ =	shalt  }
0x81: {  	_ =	shalt  }
0x82: {  	_ =	shalt  }
0x83: {  	_ =	shalt  }
0x84: {  	_ =	shalt  }
0x85: {  	_ =	shalt  }
0x86: {  	_ =	shalt  }
0x87: {  	_ =	shalt  }
.Lfunc_end0:
.L_simem_size_0:
called_computation_lowered:
.L_overlay_start_0:
0x88: {  	s2 =	sld [smem:$0x3FD9]  }
0x89: {  	s3 =	sld [smem:$0x3FFE];
	_ =	sdelay $0x1  }
0x8a: {  	s1 =	srdreg.scid  }
0x8b: {  	s0 =	sand.u32 $0x1, s1  }
0x8c: {  	s17 =	sshll.u32 s0, $0xA;
	s2 =	sadd.s32 s3, s2  }
0x8d: {  	s2 =	sadd.s32 s2, s17  }
0x8e: {  	[smem:$0x3FC0] =	sst s2  }
0x8f: {  	_ = 	snop  }
0x90: {  	s2 =	sld [smem:$0x3FD0];
	(tm) =	ssettm $0x1  }
0x91: {  	s18 =	sld [smem:$0x3FFB];
	_ =	sdelay $0x3  }
0x92: {  	_ =	strace s18  }
0x93: {  	s3 =	sld [smem:$0x3FFC];
	_ =	sdelay $0x3  }
0x94: {  	_ =	strace s3  }
0x95: {  	s3 =	sld [smem:$0x3FFD];
	_ =	sdelay $0x3  }
0x96: {  	_ =	strace s3  }
0x97: {  	_ =	strace $0x8FFFFFFF  }
0x98: {  	s19 =	sld [smem:$0x3FDB];
	_ =	sdelay $0x1  }
0x99: {  	s4 =	simm.s32 $_scs_section_size  }
0x9a: {  	s5 =	simm.s32 $_size__tile_overlayer_lowered;
	s6 =	simm.s32 $_tile_overlayer_lowered  }
0x9b: {  	s22 =	simm.s32 $0x1BFF;
	s21 =	sshll.u32 s6, $0x1;
	s3 =	sadd.s32 s4, s19  }
0x9c: {  	s7 =	simm.s32 $0x0;
	s20 =	sshll.u32 s5, $0x1;
	s5 =	sadd.s32 s21, s3  }
0x9d: {  	[timem:s7], [sflag:s22] =	dma.local [hbm:s5], s20  }
0x9e: {  	_ =	swait.ge [sflag:s22], s20  }
0x9f: {  	s4 =	ssub.s32 $0x0, s20;
	[sflag:s22] =	ssyncset.done $0x0  }
0xa0: {  	[sflag:s22] =	ssyncadd.s32 s4;
	_ =	sdelay $0x1  }
0xa1: {  	s23 =	simm.s32 $0x1B8B  }
0xa2: {  	_ =	swait.ge [sflag:s23], $0x1  }
0xa3: {  	[sflag:s23] =	ssyncset.done $0x0  }
0xa4: {  	s25 =	simm.s32 $0x1B8E;
	s24 =	sld [smem:$0x3FFE];
	[sflag:s23] =	ssyncadd.s32 $0xFFFFFFFF  }
0xa5: {  	s26 =	simm.s32 $execute0_lowered;
	[smem:$0x3FD2] =	sst s25  }
0xa6: {  	s5 =	sshll.u32 s26, $0x1;
	_ =	strace $0x80000046;
	[dreg:$0x1] =	wrdreg $0xFFFFFFFF  }
0xa7: {  	s28 =	simm.s32 $_size_execute0_lowered;
	s3 =	sadd.s32 s3, s5;
	[dreg:$0x0] =	wrdreg $0x0  }
0xa8: {  	s5 =	sshll.u32 s28, $0x1;
	[dreg:$0x2] =	wrdreg s3  }
0xa9: {  	[dreg:$0x3] =	wrdreg s5  }
0xaa: {  	[dreg:$0x4] =	wrdreg $0xC0  }
0xab: {  	_ =	task [dreg:s7], $0x5FFFF  }
0xac: {  	[dreg:$0x1] =	wrdreg $0xFFFFFFFF  }
0xad: {  	[dreg:$0x0] =	wrdreg $0x60  }
0xae: {  	[dreg:$0x2] =	wrdreg s24  }
0xaf: {  	[dreg:$0x3] =	wrdreg s2  }
0xb0: {  	[dreg:$0x4] =	wrdreg $0x2FD00  }
0xb1: {  	[dreg:$0x5] =	wrdreg $0x9  }
0xb2: {  	_ =	task.clear_ibuf [dreg:s7], $0x6FFFF;
	_ =	strace $0x90000046  }
0xb3: {  	s29 =	simm.s32 $0x9;
	_ =	strace $0x80000048  }
0xb4: {  	_ =	swait.ge [sflag:s29], $0x1  }
0xb5: {  	[sflag:s29] =	ssyncadd.s32 $0xFFFFFFFF  }
0xb6: {  	_ =	strace $0x90000048  }
0xb7: {  	_ =	sfence  }
0xb8: {  	s30 =	sld [smem:$0x0];
	_ =	sdelay $0x2  }
0xb9: {  	s31 =	sshll.u32 s1, $0xD;
	s1 =	sshrl.u32 s1, $0x2  }
0xba: {  	s3 =	sand.u32 $0x4000, s31;
	s1 =	sadd.s32 s1, s30  }
0xbb: {  	s0 =	sor.u32 s3, s0;
	s1 =	sshll.u32 s1, $0x11  }
0xbc: {  	s0 =	sor.u32 s1, s0  }
0xbd: {  	s0 =	sadd.s32 $0x8F2B, s0  }
0xbe: {  	[sflag:s0] =	ssyncadd.remote.s32 $0x1  }
0xbf: {  	_ =	sfence.sel $0xFFFF  }
0xc0: {  	[dreg:$0x0] =	wrdreg $0xFFFFFFFF;
	(pc) =	sbr.abs _section_cstart, $3  }
0xc1: {  	[dreg:$0x1] =	wrdreg $0xFFFFFFFF  }
0xc2: {  	_ =	task.clear_ibuf [dreg:s7], $0x2FFFF;
	_ =	strace $0x9FFFFFFF  }
0xc3: {  	(tm) =	ssettm $0x7FFFFFFF  }
tec
execute0_lowered:
.L_overlay_start_1:
0x0: {  	(tag) =	ssettag $0x1  }
0x1: {  	s6 =	rddreg [dreg:$0x0]  }
0x2: {  	s1 =	srdreg.scid;
	s8 =	rddreg [dreg:$0x1]  }
0x3: {  	s0 =	stileid.u32;
	s2 =	rddreg [dreg:$0x2];
	s3 =	simm.s32 $0x0  }
0x4: {  	s15 =	simm.s32 $0x1;
	s16 =	simm.s32 $0x7D;
	s17 =	simm.s32 $0x0  }
0x5: {  	s5 =	sand.u32 $0x1, s1;
	s4 =	smul.u32 $0x5000, s0;
	s1 =	rddreg [dreg:$0x3]  }
0x6: {  	[smem:$0x7FF] =	sst s3;
	s28 =	smul.u32 $0x2780, s0;
	s14 =	sadd.s32 $0x25080, s2  }
0x7: {  	p0 =	seq.s32 s0, $0xF;
	s7 =	smul.u32 $0x2800, s5;
	_ =	strace $0x80000047  }
0x8: {  	s10 =	ssub.s32 $0x2, s5;
	s29 =	smul.u32 $0x27100, s5;
	s9 =	sshrl.u32 s28, $0x3  }
0x9: {  	s12 =	sshrl.u32 s10, $0x1;
	s13 =	sadd.s32 s28, s2;
	s4 =	sadd.s32 s7, s4  }
0xa: {  	s9 =	sadd.s32 s9, s6;
	s10 =	ssub.s32 s10, s12;
	s30 =	sadd.s32 s28, s29  }
0xb: {  	s12 =	sshrl.u32 s29, $0x3;
	s13 =	sshrl.u32 @!p0 s13, $0x3;
	s4 =	sadd.s32 $0x50000, s4  }
0xc: {  	s5 =	sadd.s32 $0x16C00, s9;
	s9 =	sshrl.u32 s30, $0x3;
	s31 =	sadd.s32 s8, s12  }
0xd: {  	s10 =	smax.u32 s10, $0x1;
	s12 =	sshll.u32 @!p0 s0, $0x6;
	s4 =	sshrl.u32 s4, $0x3  }
0xe: {  	s8 =	sadd.s32 s8, s9;
	s9 =	sadd.s32 $0x4A10, s31;
	s12 =	sor.u32 @!p0 $0x1C01, s12  }
0xf: {  	s11 =	sadd.s32 s4, s6;
	s4 =	sadd.s32 $0x1BC00, s6;
	s6 =	sadd.s32 $0x1B610, s6  }
0x10: {  	s7 =	sadd.s32 $0x2C00, s11;
	s11 =	sshrl.u32 @p0 s14, $0x3;
	s14 =	simm.s32 $0x2800  }
.LBB2_1:
0x11: {  	s18 =	simm.s32 @p0 $0x1FC1  }
0x12: {  	[spmem:s11], [sflag:s18] =	dma.local @p0 [hbm:s6], $0x410  }
0x13: {  	s18 =	simm.s32 @p0 $0x1  }
0x14: {  	_ =	swait.ge @p0 [sflag:s18], $0x410  }
0x15: {  	[sflag:s18] =	ssyncset.done @p0 $0x0  }
0x16: {  	[sflag:s18] =	ssyncadd.s32 @p0 $0xFFFFFBF0;
	s18 =	simm.s32 @!p0 $0x1  }
0x17: {  	[spmem:s13], [sflag:s12] =	dma.local @!p0 [hbm:s5], $0x4F0  }
0x18: {  	_ =	swait.ge @!p0 [sflag:s18], $0x4F0  }
0x19: {  	[sflag:s18] =	ssyncset.done @!p0 $0x0  }
0x1a: {  	[sflag:s18] =	ssyncadd.s32 @!p0 $0xFFFFFB10  }
0x1b: {  	[tilespmem:s14], [sflag:$0x1] =	stream.linear.gather [hbm4b:s4+s3], $0x7D0, $0x38;
	[tilespmem:$0x56E0] =	vst v63  }
0x1c: {  	_ =	swait.ge [sflag:s15], $0x7D0  }
0x1d: {  	[sflag:s15] =	ssyncset.done $0x0  }
0x1e: {  	[sflag:s15] =	ssyncadd.s32 $0xFFFFF830  }
0x1f: {  	[tilespmem:s3], [sflag:$0x1] =	stream.linear.gather [hbm4b:s7+s3], $0x2800, $0x38;
	[tilespmem:$0x56E0] =	vst v63  }
0x20: {  	_ =	swait.ge [sflag:s15], $0x2800  }
0x21: {  	[sflag:s15] =	ssyncset.done $0x0  }
0x22: {  	[sflag:s15] =	ssyncadd.s32 $0xFFFFD800  }
0x23: {  	s31 =	simm.s32 $0x0;
	[bflag:$0x0] =	sbarrier.arrive $0xFFFF  }
0x24: {  	[spmem:s2] =	stream.indirect.scatter.add.f32 [tilespmem:s14], [sflag:$0x1], $0x10, s31, s16, $0xb8;
	[tilespmem:$0x56E0] =	vst v63  }
0x25: {  	_ =	swait.ge [sflag:s15], $0x7D0  }
0x26: {  	s18 =	simm.s32 $0x200;
	[sflag:s15] =	ssyncset.done $0x0  }
.LBB2_2:
0x27: {  	s19 =	sshra.s32 s18, $0x2;
	[sflag:s15] =	ssyncadd.s32 $0xFFFFF830;
	p1 =	sne.s32 s18, $0x9E00  }
0x28: {  	[spmem:s2] =	stream.indirect.scatter.add.f32 [tilespmem:s14], [sflag:$0x1], $0x10, s19, s16, $0xb8;
	[tilespmem:$0x56E0] =	vst v63  }
.Ltmp0:
0x29: {  	_ = 	snop;
	(pc) =	sbr.rel @p1 .LBB2_2-.Ltmp0, $4  }
0x2a: {  	_ = 	snop  }
0x2b: {  	s18 =	sadd.s32 $0x200, s18  }
0x2c: {  	_ =	swait.ge [sflag:s15], $0x7D0  }
0x2d: {  	[sflag:s15] =	ssyncset.done $0x0  }
0x2e: {  	[sflag:s15] =	ssyncadd.s32 $0xFFFFF830  }
0x2f: {  	s18 =	simm.s32 @p0 $0x1FC1;
	[bflag:$0x0] =	sbarrier.arrive $0xFFFF  }
0x30: {  	[hbm:s9], [sflag:s18] =	dma.local @p0 [spmem:s11], $0x410  }
0x31: {  	s18 =	simm.s32 @p0 $0x1  }
0x32: {  	s17 =	sadd.s32 $0x1, s17;
	_ =	swait.ge @p0 [sflag:s18], $0x410  }
0x33: {  	p1 =	sne.s32 s17, s10;
	[sflag:s18] =	ssyncset.done @p0 $0x0  }
.Ltmp1:
0x34: {  	[sflag:s18] =	ssyncadd.s32 @p0 $0xFFFFFBF0;
	s18 =	simm.s32 @!p0 $0x1;
	(pc) =	sbr.rel @p1 .LBB2_1-.Ltmp1, $4  }
0x35: {  	[hbm:s8], [sflag:s12] =	dma.local @!p0 [spmem:s13], $0x4F0  }
0x36: {  	_ =	swait.ge @!p0 [sflag:s18], $0x4F0  }
0x37: {  	[sflag:s18] =	ssyncset.done @!p0 $0x0  }
0x38: {  	[sflag:s18] =	ssyncadd.s32 @!p0 $0xFFFFFB10  }
0x39: {  	_ =	sfence.sel $0x180000  }
0x3a: {  	[bflag:$0x0] =	sbarrier.arrive $0xFFFF  }
0x3b: {  	p0 =	sne.s32 s0, $0x0;
	_ =	strace $0x90000047  }
0x3c: {  	s0 =	sadd.s32 @!p0 $0x100000, s1;
	[bflag:$0x2] =	sbarrier.arrive $0xFFFF  }
0x3d: {  	[sflag:s0] =	ssyncadd.tile.s32 @!p0 $0x1;
	_ =	shalt  }
.Lfunc_end2:
_tile_overlayer_lowered:
.L_overlay_start_2:
0x3e: {  	(tag) =	ssettag $0x2  }
0x3f: {  	s0 =	rddreg [dreg:$0x0];
	s2 =	stileid.u32  }
0x40: {  	s1 =	rddreg [dreg:$0x1];
	p0 =	sne.s32 s2, $0x0  }
0x41: {  	s3 =	rddreg [dreg:$0x2];
	[bflag:$0x3] =	sbarrier.arrive $0xFFFF;
	s2 =	simm.s32 @!p0 $0x1C01  }
0x42: {  	[timem:s3], [sflag:s2] =	dma.local @!p0 [hbm:s0], s1  }
0x43: {  	s0 =	simm.s32 @!p0 $0x1  }
0x44: {  	_ =	swait.ge @!p0 [sflag:s0], s1  }
0x45: {  	s1 =	ssub.s32 @!p0 $0x0, s1;
	[sflag:s0] =	ssyncset.done @!p0 $0x0  }
0x46: {  	[sflag:s0] =	ssyncadd.s32 @!p0 s1  }
0x47: {  	[bflag:$0x3] =	sbarrier.arrive $0xFFFF  }
0x48: {  	_ =	shalt  }

</sc_bundles>
